<compile_context>
chip_gen: v7x
topology: tpu7x:2x2x1
jax: 0.10.2.dev20260603
libtpu: 0.0.44.dev20260713+nightly
codegen_flags: <defaults>
</compile_context>

<pallas_src>
import functools

import jax
import jax.numpy as jnp
from jax import lax
from jax.experimental import pallas as pl
from jax.experimental.pallas import tpu as pltpu
from jax.experimental.pallas import tpu_sc as plsc

N = 10000
EDGES = 320000
F_IN = 128
H = 256
G = 64
C_OUT = 10

BLK = 1000
NBLK = N // BLK

NC = 2
NS = 16
SPLIT = 5120
ACC_R = 5248
AROWS = ACC_R // NS
PAD_ROW = 5120
CH = 32
CAP = 10240
EB = EDGES // (NC * NS)
NVREG = EB // 16



def _bin_body(srce, dste, comb, counts,
              sv, dv, lo_b, hi_b, cvec):
    c = lax.axis_index("c")
    s = lax.axis_index("s")
    w = c * NS + s
    pltpu.sync_copy(srce.at[w], sv)
    pltpu.sync_copy(dste.at[w], dv)

    def _flat(e):
        return ((e >> 5) << 6) + (e & 31)

    def vloop(i, carry):
        lo, hi = carry
        iot = lax.iota(jnp.int32, 16)
        svv = sv[pl.ds(i * 16, 16)]
        dvv = dv[pl.ds(i * 16, 16)]
        m_lo = dvv < SPLIT
        m_hi = jnp.logical_not(m_lo)
        dn = lax.GatherDimensionNumbers(
            offset_dims=(), collapsed_slice_dims=(0,), start_index_map=(0,))
        x = jnp.where(m_lo, 1, 0)
        for k in (1, 2, 4, 8):
            g = lax.gather(x, jnp.maximum(iot - k, 0)[:, None], dn,
                           slice_sizes=(1,),
                           mode=lax.GatherScatterMode.PROMISE_IN_BOUNDS)
            x = x + jnp.where(iot >= k, g, 0)
        incl_lo = x
        excl_lo = incl_lo - jnp.where(m_lo, 1, 0)
        f_lo = _flat(jnp.full((16,), lo, jnp.int32) + excl_lo)
        f_hi = _flat(jnp.full((16,), hi, jnp.int32) + iot - excl_lo)
        plsc.store_scatter(lo_b, [f_lo], svv, mask=m_lo)
        plsc.store_scatter(lo_b, [f_lo + 32], dvv, mask=m_lo)
        plsc.store_scatter(hi_b, [f_hi], svv, mask=m_hi)
        plsc.store_scatter(hi_b, [f_hi + 32], dvv - SPLIT, mask=m_hi)
        nlo = lax.squeeze(lax.slice(incl_lo, (15,), (16,)), (0,))
        return (lo + nlo, hi + (16 - nlo))

    lo, hi = lax.fori_loop(0, NVREG, vloop, (0, 0))

    iota = lax.iota(jnp.int32, 16)
    pad_s = jnp.zeros((16,), jnp.int32)
    pad_d = jnp.full((16,), PAD_ROW, jnp.int32)
    for k in range(5):
        e_lo = _flat(jnp.full((16,), lo + k * 16, jnp.int32) + iota)
        e_hi = _flat(jnp.full((16,), hi + k * 16, jnp.int32) + iota)
        plsc.store_scatter(lo_b, [e_lo], pad_s, mask=e_lo == e_lo)
        plsc.store_scatter(lo_b, [e_lo + 32], pad_d, mask=e_lo == e_lo)
        plsc.store_scatter(hi_b, [e_hi], pad_s, mask=e_hi == e_hi)
        plsc.store_scatter(hi_b, [e_hi + 32], pad_d, mask=e_hi == e_hi)

    np_lo = (lo + 63) // 64
    np_hi = (hi + 63) // 64
    cvec[...] = (jnp.where(iota == 0, jnp.full((16,), np_lo, jnp.int32), 0)
                 + jnp.where(iota == 1, jnp.full((16,), np_hi, jnp.int32), 0))
    pltpu.sync_copy(cvec, counts.at[w])
    pltpu.sync_copy(lo_b, comb.at[0, w])
    pltpu.sync_copy(hi_b, comb.at[1, w])


@functools.cache
def _make_bin_call():
    return pl.kernel(
        _bin_body,
        out_type=[
            jax.ShapeDtypeStruct((NC, NC * NS, 2 * CAP), jnp.int32),
            jax.ShapeDtypeStruct((NC * NS, 16), jnp.int32),
        ],
        mesh=plsc.VectorSubcoreMesh(
            core_axis_name="c", subcore_axis_name="s",
            num_cores=NC, num_subcores=NS),
        compiler_params=pltpu.CompilerParams(needs_layout_passes=False),
        scratch_types=[
            pltpu.VMEM((EB,), jnp.int32),
            pltpu.VMEM((EB,), jnp.int32),
            pltpu.VMEM((2 * CAP,), jnp.int32),
            pltpu.VMEM((2 * CAP,), jnp.int32),
            pltpu.VMEM((16,), jnp.int32),
        ],
    )



def _agg_body(hfull, comb, counts, zeros_hbm, out,
              ibuf0, ibuf1, rows0, rows1, rows2, rows3, cnt_v, acc,
              sem0, sem1, sem2, sem3, ssem0, ssem1, ssem2, ssem3):
    c = lax.axis_index("c")
    s = lax.axis_index("s")
    pltpu.sync_copy(zeros_hbm, acc.at[pl.ds(s * AROWS, AROWS)])
    pltpu.sync_copy(counts, cnt_v)
    plsc.subcore_barrier()

    for o in range(2):
        w = 2 * s + o
        crow = cnt_v[pl.ds(w * 16, 16)]
        n0 = lax.squeeze(lax.slice(crow, (0,), (1,)), (0,))
        n1 = lax.squeeze(lax.slice(crow, (1,), (2,)), (0,))
        npair = jnp.where(c == 0, n0, n1)
        clist = comb.at[c, w]
        ibufs = (ibuf0, ibuf1)
        rpairs = ((rows0, rows1), (rows2, rows3))
        gsems = ((sem0, sem1), (sem2, sem3))
        ssems = ((ssem0, ssem1), (ssem2, ssem3))

        def quad(q, carry):
            for par in range(2):
                p = 2 * q + par
                ib = ibufs[par]
                r0, r1 = rpairs[par]
                g0, g1 = gsems[par]
                t0, t1 = ssems[par]

                @pl.when(p < npair)
                def _():
                    @pl.when(p > 1)
                    def _():
                        pltpu.make_async_copy(r0, acc.at[ib.at[1]],
                                              t0).wait()
                        pltpu.make_async_copy(r1, acc.at[ib.at[3]],
                                              t1).wait()

                    pltpu.sync_copy(clist.at[p], ib)
                    pltpu.async_copy(hfull.at[ib.at[0]], r0, g0)
                    pltpu.async_copy(hfull.at[ib.at[2]], r1, g1)

            for par in range(2):
                p = 2 * q + par
                ib = ibufs[par]
                r0, r1 = rpairs[par]
                g0, g1 = gsems[par]
                t0, t1 = ssems[par]

                @pl.when(p < npair)
                def _():
                    pltpu.make_async_copy(hfull.at[ib.at[0]], r0, g0).wait()
                    pltpu.async_copy(r0, acc.at[ib.at[1]], t0, add=True)
                    pltpu.make_async_copy(hfull.at[ib.at[2]], r1, g1).wait()
                    pltpu.async_copy(r1, acc.at[ib.at[3]], t1, add=True)
            return carry

        lax.fori_loop(0, (npair + 1) // 2, quad, 0)

        @pl.when(npair > 0)
        def _():
            pltpu.make_async_copy(rows0, acc.at[ibuf0.at[1]], ssem0).wait()
            pltpu.make_async_copy(rows1, acc.at[ibuf0.at[3]], ssem1).wait()

        @pl.when(npair > 1)
        def _():
            pltpu.make_async_copy(rows2, acc.at[ibuf1.at[1]], ssem2).wait()
            pltpu.make_async_copy(rows3, acc.at[ibuf1.at[3]], ssem3).wait()

    plsc.subcore_barrier()
    pltpu.sync_copy(acc.at[pl.ds(s * AROWS, AROWS)],
                    out.at[pl.ds(c * ACC_R + s * AROWS, AROWS)])


@functools.cache
def _make_agg_call():
    return pl.kernel(
        _agg_body,
        out_type=jax.ShapeDtypeStruct((NC * ACC_R, 2, 128), jnp.float32),
        mesh=plsc.VectorSubcoreMesh(
            core_axis_name="c", subcore_axis_name="s",
            num_cores=NC, num_subcores=NS),
        scratch_types=[
            pltpu.VMEM((4, CH), jnp.int32),
            pltpu.VMEM((4, CH), jnp.int32),
            pltpu.VMEM((CH, 2, 128), jnp.float32),
            pltpu.VMEM((CH, 2, 128), jnp.float32),
            pltpu.VMEM((CH, 2, 128), jnp.float32),
            pltpu.VMEM((CH, 2, 128), jnp.float32),
            pltpu.VMEM((NC * NS * 16,), jnp.int32),
            pltpu.VMEM_SHARED((ACC_R, 2, 128), jnp.float32),
            pltpu.SemaphoreType.DMA,
            pltpu.SemaphoreType.DMA,
            pltpu.SemaphoreType.DMA,
            pltpu.SemaphoreType.DMA,
            pltpu.SemaphoreType.DMA,
            pltpu.SemaphoreType.DMA,
            pltpu.SemaphoreType.DMA,
            pltpu.SemaphoreType.DMA,
        ],
    )



def _embed_body(x_ref, w_ref, b_ref, h_ref):
    h = jnp.dot(x_ref[...], w_ref[...], preferred_element_type=jnp.float32)
    h = h + b_ref[...]
    h_ref[...] = jnp.where(h > 0, h, 0.01 * h)


def _embed(x, w, b):
    return pl.pallas_call(
        _embed_body,
        grid=(NBLK,),
        in_specs=[
            pl.BlockSpec((BLK, F_IN), lambda i: (i, 0)),
            pl.BlockSpec((F_IN, H), lambda i: (0, 0)),
            pl.BlockSpec((1, H), lambda i: (0, 0)),
        ],
        out_specs=pl.BlockSpec((BLK, H), lambda i: (i, 0)),
        out_shape=jax.ShapeDtypeStruct((N, H), jnp.float32),
    )(x, w, b.reshape(1, H))



def _convlin_body(a_ref, h_ref, wrel, wroot, b, c_ref, ssum, ssq, accs, accq):
    i = pl.program_id(0)
    out = (jnp.dot(a_ref[...], wrel[...], preferred_element_type=jnp.float32)
           + jnp.dot(h_ref[...], wroot[...], preferred_element_type=jnp.float32)
           + b[...])
    c_ref[...] = out

    @pl.when(i == 0)
    def _():
        accs[...] = jnp.zeros_like(accs)
        accq[...] = jnp.zeros_like(accq)

    accs[...] += jnp.sum(out, axis=0, keepdims=True)
    accq[...] += jnp.sum(out * out, axis=0, keepdims=True)

    @pl.when(i == NBLK - 1)
    def _():
        ssum[...] = accs[...]
        ssq[...] = accq[...]


def _convlin(a, h, wrel, wroot, b):
    return pl.pallas_call(
        _convlin_body,
        grid=(NBLK,),
        in_specs=[
            pl.BlockSpec((BLK, H), lambda i: (i, 0)),
            pl.BlockSpec((BLK, H), lambda i: (i, 0)),
            pl.BlockSpec((H, H), lambda i: (0, 0)),
            pl.BlockSpec((H, H), lambda i: (0, 0)),
            pl.BlockSpec((1, H), lambda i: (0, 0)),
        ],
        out_specs=[
            pl.BlockSpec((BLK, H), lambda i: (i, 0)),
            pl.BlockSpec((1, H), lambda i: (0, 0)),
            pl.BlockSpec((1, H), lambda i: (0, 0)),
        ],
        out_shape=[
            jax.ShapeDtypeStruct((N, H), jnp.float32),
            jax.ShapeDtypeStruct((1, H), jnp.float32),
            jax.ShapeDtypeStruct((1, H), jnp.float32),
        ],
        scratch_shapes=[
            pltpu.VMEM((1, H), jnp.float32),
            pltpu.VMEM((1, H), jnp.float32),
        ],
    )(a, h, wrel, wroot, b.reshape(1, H))



def _bnapply_body(c_ref, ssum, ssq, gm, bt, id_ref, o_ref):
    mean = ssum[...] * (1.0 / N)
    var = ssq[...] * (1.0 / N) - mean * mean
    scale = gm[...] * lax.rsqrt(var + 1e-5)
    y = (c_ref[...] - mean) * scale + bt[...]
    y = jnp.where(y > 0, y, 0.01 * y)
    o_ref[...] = y + id_ref[...]


def _bnapply(cc, ssum, ssq, gm, bt, iden):
    return pl.pallas_call(
        _bnapply_body,
        grid=(NBLK,),
        in_specs=[
            pl.BlockSpec((BLK, H), lambda i: (i, 0)),
            pl.BlockSpec((1, H), lambda i: (0, 0)),
            pl.BlockSpec((1, H), lambda i: (0, 0)),
            pl.BlockSpec((1, H), lambda i: (0, 0)),
            pl.BlockSpec((1, H), lambda i: (0, 0)),
            pl.BlockSpec((BLK, H), lambda i: (i, 0)),
        ],
        out_specs=pl.BlockSpec((BLK, H), lambda i: (i, 0)),
        out_shape=jax.ShapeDtypeStruct((N, H), jnp.float32),
    )(cc, ssum, ssq, gm.reshape(1, H), bt.reshape(1, H), iden)



def _pool_body(h_ref, bt3, wf1, bf1, wf2, bf2, wf3, bf3, out, accp, accc):
    i = pl.program_id(0)

    @pl.when(i == 0)
    def _():
        accp[...] = jnp.zeros_like(accp)
        accc[...] = jnp.zeros_like(accc)

    bvals = bt3[0, 0, :]
    oh = (bvals[:, None] == lax.broadcasted_iota(jnp.int32, (BLK, G), 1)
          ).astype(jnp.float32)
    accp[...] += lax.dot_general(oh, h_ref[...], (((0,), (0,)), ((), ())),
                                 preferred_element_type=jnp.float32)
    accc[...] += jnp.sum(oh, axis=0).reshape(G, 1)

    @pl.when(i == NBLK - 1)
    def _():
        pooled = accp[...] / jnp.maximum(accc[...], 1.0)
        f1 = jnp.dot(pooled, wf1[...], preferred_element_type=jnp.float32) + bf1[...]
        f1 = jnp.where(f1 > 0, f1, 0.01 * f1)
        f2 = jnp.dot(f1, wf2[...], preferred_element_type=jnp.float32) + bf2[...]
        f2 = jnp.where(f2 > 0, f2, 0.01 * f2)
        out[...] = jnp.dot(f2, wf3[...], preferred_element_type=jnp.float32) + bf3[...]


def _pool_mlp(h, batch, wf1, bf1, wf2, bf2, wf3, bf3):
    bt3 = batch.astype(jnp.int32).reshape(NBLK, 1, BLK)
    return pl.pallas_call(
        _pool_body,
        grid=(NBLK,),
        in_specs=[
            pl.BlockSpec((BLK, H), lambda i: (i, 0)),
            pl.BlockSpec((1, 1, BLK), lambda i: (i, 0, 0)),
            pl.BlockSpec((H, H), lambda i: (0, 0)),
            pl.BlockSpec((1, H), lambda i: (0, 0)),
            pl.BlockSpec((H, H // 2), lambda i: (0, 0)),
            pl.BlockSpec((1, H // 2), lambda i: (0, 0)),
            pl.BlockSpec((H // 2, C_OUT), lambda i: (0, 0)),
            pl.BlockSpec((1, C_OUT), lambda i: (0, 0)),
        ],
        out_specs=pl.BlockSpec((G, C_OUT), lambda i: (0, 0)),
        out_shape=jax.ShapeDtypeStruct((G, C_OUT), jnp.float32),
        scratch_shapes=[
            pltpu.VMEM((G, H), jnp.float32),
            pltpu.VMEM((G, 1), jnp.float32),
        ],
    )(h, bt3, wf1, bf1.reshape(1, H), wf2, bf2.reshape(1, H // 2),
      wf3, bf3.reshape(1, C_OUT))



def kernel(x, edge_index, batch, W_embed, b_embed, W1_rel, b1_rel, W1_root,
           W2_rel, b2_rel, W2_root, bn1_g, bn1_b, bn2_g, bn2_b,
           Wf1, bf1, Wf2, bf2, Wf3, bf3):
    srce = edge_index[0].astype(jnp.int32).reshape(NC * NS, EB)
    dste = edge_index[1].astype(jnp.int32).reshape(NC * NS, EB)
    zeros_in = jnp.zeros((AROWS, 2, 128), jnp.float32)

    comb, counts = _make_bin_call()(srce, dste)
    comb4 = comb.reshape(NC, NC * NS, CAP // 64, 4, CH)
    counts_flat = counts.reshape(-1)
    agg = _make_agg_call()

    def conv_agg(hf):
        o = agg(hf.reshape(N, 2, 128), comb4, counts_flat, zeros_in)
        o = o.reshape(NC * ACC_R, H)
        return jnp.concatenate([o[:SPLIT], o[ACC_R:ACC_R + N - SPLIT]], axis=0)

    hf = _embed(x, W_embed, b_embed)
    a = conv_agg(hf)
    cc, s1, q1 = _convlin(a, hf, W1_rel, W1_root, b1_rel)
    g1 = _bnapply(cc, s1, q1, bn1_g, bn1_b, hf)
    a = conv_agg(g1)
    cc, s2, q2 = _convlin(a, g1, W2_rel, W2_root, b2_rel)
    g2 = _bnapply(cc, s2, q2, bn2_g, bn2_b, hf)
    return _pool_mlp(g2, batch, Wf1, bf1, Wf2, bf2, Wf3, bf3)

# --- scband reference (transcript-rebuilt; emitter-appended) ---
"""Pipeline reference for scband-gcnv2-23862838296798 (READ-ONLY COPY).

The authoritative reference and input builder live on the scoring server;
editing this copy changes nothing except your own understanding.
"""

import jax, jax.numpy as jnp
import numpy as np

N = 10000
E = 320000
F_IN = 128
H = 256
C = 10
G = 64


def _leaky(v):
    return jnp.where(v > 0, v, 0.01 * v)


def _bn(v, gamma, beta):
    m = jnp.mean(v, axis=0)
    var = jnp.var(v, axis=0)
    return gamma * (v - m) / jnp.sqrt(var + 1e-5) + beta


def _graph_conv(x, src, dst, W_rel, b_rel, W_root):
    # PyG GraphConv: out_i = W_root x_i + W_rel * sum_{j in N(i)} x_j + b
    agg = jax.ops.segment_sum(x[src], dst, num_segments=N)
    return agg @ W_rel + b_rel + x @ W_root


def setup_inputs(seed: int = 0):
    key = jax.random.key(seed)
    ks = jax.random.split(key, 24)
    s = 0.05
    inp = {}
    inp["x"] = jax.random.normal(ks[0], (N, F_IN), dtype=jnp.float32)
    inp["edge_index"] = jax.random.randint(ks[1], (2, E), 0, N)
    inp["batch"] = jnp.sort(jax.random.randint(ks[2], (N,), 0, G))
    inp["W_embed"] = jax.random.normal(ks[3], (F_IN, H), dtype=jnp.float32) * s
    inp["b_embed"] = jnp.zeros((H,), dtype=jnp.float32)
    inp["W1_rel"] = jax.random.normal(ks[4], (H, H), dtype=jnp.float32) * s
    inp["b1_rel"] = jnp.zeros((H,), dtype=jnp.float32)
    inp["W1_root"] = jax.random.normal(ks[5], (H, H), dtype=jnp.float32) * s
    inp["W2_rel"] = jax.random.normal(ks[6], (H, H), dtype=jnp.float32) * s
    inp["b2_rel"] = jnp.zeros((H,), dtype=jnp.float32)
    inp["W2_root"] = jax.random.normal(ks[7], (H, H), dtype=jnp.float32) * s
    inp["bn1_g"] = jnp.ones((H,), dtype=jnp.float32)
    inp["bn1_b"] = jnp.zeros((H,), dtype=jnp.float32)
    inp["bn2_g"] = jnp.ones((H,), dtype=jnp.float32)
    inp["bn2_b"] = jnp.zeros((H,), dtype=jnp.float32)
    inp["Wf1"] = jax.random.normal(ks[8], (H, H), dtype=jnp.float32) * s
    inp["bf1"] = jnp.zeros((H,), dtype=jnp.float32)
    inp["Wf2"] = jax.random.normal(ks[9], (H, H // 2), dtype=jnp.float32) * s
    inp["bf2"] = jnp.zeros((H // 2,), dtype=jnp.float32)
    inp["Wf3"] = jax.random.normal(ks[10], (H // 2, C), dtype=jnp.float32) * s
    inp["bf3"] = jnp.zeros((C,), dtype=jnp.float32)
    return inp


def reference(x, edge_index, batch, W_embed, b_embed, W1_rel, b1_rel, W1_root,
              W2_rel, b2_rel, W2_root, bn1_g, bn1_b, bn2_g, bn2_b,
              Wf1, bf1, Wf2, bf2, Wf3, bf3):
    src = edge_index[0]
    dst = edge_index[1]
    h = _leaky(x @ W_embed + b_embed)
    identity = h
    h = _leaky(_bn(_graph_conv(h, src, dst, W1_rel, b1_rel, W1_root), bn1_g, bn1_b))
    h = h + identity
    h = _leaky(_bn(_graph_conv(h, src, dst, W2_rel, b2_rel, W2_root), bn2_g, bn2_b))
    h = h + identity
    sums = jax.ops.segment_sum(h, batch, num_segments=G)
    cnt = jax.ops.segment_sum(jnp.ones((N,), dtype=jnp.float32), batch, num_segments=G)
    pooled = sums / jnp.maximum(cnt, 1.0)[:, None]
    h = _leaky(pooled @ Wf1 + bf1)
    h = _leaky(h @ Wf2 + bf2)
    return h @ Wf3 + bf3

if __name__ == "__main__":
    import jax
    _d = setup_inputs()
    print(jax.jit(kernel)(*tuple(_d.values())))

</pallas_src>

<mosaic_0001>
#map = affine_map<(d0, d1) -> (0, 0, 0)>
#map1 = affine_map<(d0, d1) -> (0, 0, 0, 0, 0)>
#map2 = affine_map<(d0, d1) -> (0)>
module attributes {stable_mosaic.version = 14 : i64} {
  func.func @_agg_body(%arg0: i32, %arg1: i32, %arg2: memref<10000x2x128xf32, #tpu.memory_space<hbm>>, %arg3: memref<2x32x160x4x32xi32, #tpu.memory_space<hbm>>, %arg4: memref<512xi32, #tpu.memory_space<hbm>>, %arg5: memref<328x2x128xf32, #tpu.memory_space<hbm>>, %arg6: memref<10496x2x128xf32, #tpu.memory_space<hbm>>, %arg7: memref<4x32xi32, #tpu.memory_space<vmem>>, %arg8: memref<4x32xi32, #tpu.memory_space<vmem>>, %arg9: memref<32x2x128xf32, #tpu.memory_space<vmem>>, %arg10: memref<32x2x128xf32, #tpu.memory_space<vmem>>, %arg11: memref<32x2x128xf32, #tpu.memory_space<vmem>>, %arg12: memref<32x2x128xf32, #tpu.memory_space<vmem>>, %arg13: memref<512xi32, #tpu.memory_space<vmem>>, %arg14: memref<5248x2x128xf32, #tpu.memory_space<vmem_shared>>, %arg15: memref<!tpu.dma_semaphore, #tpu.memory_space<semaphore_mem>>, %arg16: memref<!tpu.dma_semaphore, #tpu.memory_space<semaphore_mem>>, %arg17: memref<!tpu.dma_semaphore, #tpu.memory_space<semaphore_mem>>, %arg18: memref<!tpu.dma_semaphore, #tpu.memory_space<semaphore_mem>>, %arg19: memref<!tpu.dma_semaphore, #tpu.memory_space<semaphore_mem>>, %arg20: memref<!tpu.dma_semaphore, #tpu.memory_space<semaphore_mem>>, %arg21: memref<!tpu.dma_semaphore, #tpu.memory_space<semaphore_mem>>, %arg22: memref<!tpu.dma_semaphore, #tpu.memory_space<semaphore_mem>>) attributes {dimension_semantics = [#tpu.dimension_semantics<core_parallel>, #tpu.dimension_semantics<subcore_parallel>], iteration_bounds = array<i64: 2, 16>, scalar_prefetch = 0 : i64, scratch_operands = 16 : i64, tpu.core_type = #tpu.core_type<sc_vector_subcore>, window_params = [{transform_indices = #map}, {transform_indices = #map1}, {transform_indices = #map2}, {transform_indices = #map}, {transform_indices = #map}]} {
    %mul3A = arith.constant 328 : i32
    %mul3A_0 = arith.muli %arg1, %mul3A : i32
    "tpu.region"() ({
      %run_scoped3A = tpu.sem_alloc : memref<!tpu.dma_semaphore, #tpu.memory_space<semaphore_mem>>
      %dma_start3A = arith.constant 0 : i32
      %dma_start3A_116 = arith.constant 0 : i32
      %dma_start3A_117 = tpu.memref_slice %arg14[%mul3A_0, %dma_start3A, %dma_start3A_116] : memref<5248x2x128xf32, #tpu.memory_space<vmem_shared>> -> memref<328x2x128xf32, #tpu.memory_space<vmem_shared>>
      tpu.enqueue_dma source(%arg5 : memref<328x2x128xf32, #tpu.memory_space<hbm>>) target(%dma_start3A_117 : memref<328x2x128xf32, #tpu.memory_space<vmem_shared>>) target_semaphore(%run_scoped3A : memref<!tpu.dma_semaphore, #tpu.memory_space<semaphore_mem>>)
      %dma_wait3A = arith.constant 0 : i32
      %dma_wait3A_118 = arith.constant 0 : i32
      %dma_wait3A_119 = tpu.memref_slice %arg14[%mul3A_0, %dma_wait3A, %dma_wait3A_118] : memref<5248x2x128xf32, #tpu.memory_space<vmem_shared>> -> memref<328x2x128xf32, #tpu.memory_space<vmem_shared>>
      tpu.wait_dma2 semaphore(%run_scoped3A : memref<!tpu.dma_semaphore, #tpu.memory_space<semaphore_mem>>) src(%arg5 : memref<328x2x128xf32, #tpu.memory_space<hbm>>) dst(%dma_wait3A_119 : memref<328x2x128xf32, #tpu.memory_space<vmem_shared>>)
      tpu.yield
    }) : () -> ()
    "tpu.region"() ({
      %run_scoped3A = tpu.sem_alloc : memref<!tpu.dma_semaphore, #tpu.memory_space<semaphore_mem>>
      tpu.enqueue_dma source(%arg4 : memref<512xi32, #tpu.memory_space<hbm>>) target(%arg13 : memref<512xi32, #tpu.memory_space<vmem>>) target_semaphore(%run_scoped3A : memref<!tpu.dma_semaphore, #tpu.memory_space<semaphore_mem>>)
      tpu.wait_dma2 semaphore(%run_scoped3A : memref<!tpu.dma_semaphore, #tpu.memory_space<semaphore_mem>>) src(%arg4 : memref<512xi32, #tpu.memory_space<hbm>>) dst(%arg13 : memref<512xi32, #tpu.memory_space<vmem>>)
      tpu.yield
    }) : () -> ()
    %barrier3A = arith.constant 0 : index
    tpu.barrier barrier_id(%barrier3A)
    %mul3A_1 = arith.constant 2 : i32
    %mul3A_2 = arith.muli %mul3A_1, %arg1 : i32
    %add3A = arith.constant 0 : i32
    %add3A_3 = arith.addi %mul3A_2, %add3A : i32
    %mul3A_4 = arith.constant 16 : i32
    %mul3A_5 = arith.muli %add3A_3, %mul3A_4 : i32
    %get3A = arith.index_cast %mul3A_5 : i32 to index
    %get3A_6 = tpu.vector_load %arg13[%get3A] {strides = array<i32>} : memref<512xi32, #tpu.memory_space<vmem>>, vector<16xi32>,
    %get3A_7 = vector.shape_cast %get3A_6 : vector<16xi32> to vector<16xi32>
    %slice3A = vector.extract_strided_slice %get3A_7 {offsets = [0], sizes = [1], strides = [1]} : vector<16xi32> to vector<1xi32>
    %squeeze3A = vector.extract %slice3A[0] : i32 from vector<1xi32>
    %slice3A_8 = vector.extract_strided_slice %get3A_7 {offsets = [1], sizes = [1], strides = [1]} : vector<16xi32> to vector<1xi32>
    %squeeze3A_9 = vector.extract %slice3A_8[0] : i32 from vector<1xi32>
    %eq3A = arith.constant 0 : i32
    %eq3A_10 = arith.cmpi eq, %arg0, %eq3A : i32
    %select_n3A = arith.select %eq3A_10, %squeeze3A, %squeeze3A_9 : i32
    %add3A_11 = arith.constant 1 : i32
    %add3A_12 = arith.addi %select_n3A, %add3A_11 : i32
    %jit3A = arith.constant 2 : i32
    %div3A = arith.divsi %add3A_12, %jit3A : i32
    %sign3A = arith.constant 0 : i32
    %sign3A_13 = arith.cmpi sgt, %add3A_12, %sign3A : i32
    %sign3A_14 = arith.extui %sign3A_13 : i1 to i32
    %sign3A_15 = arith.constant 0 : i32
    %sign3A_16 = arith.cmpi slt, %add3A_12, %sign3A_15 : i32
    %sign3A_17 = arith.extui %sign3A_16 : i1 to i32
    %sign3A_18 = arith.subi %sign3A_14, %sign3A_17 : i32
    %sign3A_19 = arith.constant 0 : i32
    %sign3A_20 = arith.cmpi sgt, %jit3A, %sign3A_19 : i32
    %sign3A_21 = arith.extui %sign3A_20 : i1 to i32
    %sign3A_22 = arith.constant 0 : i32
    %sign3A_23 = arith.cmpi slt, %jit3A, %sign3A_22 : i32
    %sign3A_24 = arith.extui %sign3A_23 : i1 to i32
    %sign3A_25 = arith.subi %sign3A_21, %sign3A_24 : i32
    %ne3A = arith.cmpi ne, %sign3A_18, %sign3A_25 : i32
    %rem3A = arith.remsi %add3A_12, %jit3A : i32
    %ne3A_26 = arith.constant 0 : i32
    %ne3A_27 = arith.cmpi ne, %rem3A, %ne3A_26 : i32
    %and3A = arith.andi %ne3A, %ne3A_27 : i1
    %sub3A = arith.constant 1 : i32
    %sub3A_28 = arith.subi %div3A, %sub3A : i32
    %select_n3A_29 = arith.select %and3A, %sub3A_28, %div3A : i32
    %while3A = arith.constant 0 : i32
    %while3A_30 = arith.constant 0 : i32
    %while3A_31 = arith.subi %select_n3A_29, %while3A_30 : i32
    %while3A_32 = arith.addi %while3A_30, %while3A_31 : i32
    %while3A_33 = arith.constant 1 : i32
    %while3A_34 = arith.divsi %while3A_31, %while3A_33 : i32
    %while3A_35 = arith.muli %while3A_34, %while3A_33 : i32
    %while3A_36 = arith.addi %while3A_30, %while3A_35 : i32
    %while3A_37 = arith.constant 1 : i32
    scf.for %while3A_116 = %while3A_30 to %while3A_36 step %while3A_37  : i32 {
      %mul3A_117 = arith.constant 2 : i32
      %mul3A_118 = arith.muli %mul3A_117, %while3A_116 : i32
      %add3A_119 = arith.constant 0 : i32
      %add3A_120 = arith.addi %mul3A_118, %add3A_119 : i32
      %lt3A = arith.cmpi slt, %add3A_120, %select_n3A : i32
      %convert_element_type3A_121 = arith.extui %lt3A : i1 to i32
      %cond3A_122 = arith.constant 0 : i32
      %cond3A_123 = arith.cmpi ne, %convert_element_type3A_121, %cond3A_122 : i32
      scf.if %cond3A_123 {
        %gt3A_148 = arith.constant 1 : i32
        %gt3A_149 = arith.cmpi sgt, %add3A_120, %gt3A_148 : i32
        %convert_element_type3A_150 = arith.extui %gt3A_149 : i1 to i32
        %cond3A_151 = arith.constant 0 : i32
        %cond3A_152 = arith.cmpi ne, %convert_element_type3A_150, %cond3A_151 : i32
        scf.if %cond3A_152 {
          %dma_wait3A = arith.constant 1 : i32
          %dma_wait3A_168 = arith.constant 0 : i32
          %dma_wait3A_169 = tpu.memref_slice %arg7[%dma_wait3A, %dma_wait3A_168] : memref<4x32xi32, #tpu.memory_space<vmem>> -> memref<1x32xi32, #tpu.memory_space<vmem>>
          %dma_wait3A_170 = tpu.memref_squeeze %dma_wait3A_169 : memref<1x32xi32, #tpu.memory_space<vmem>> -> memref<32xi32, #tpu.memory_space<vmem>>
          %dma_wait3A_171 = arith.constant 0 : i32
          %dma_wait3A_172 = arith.constant 0 : i32
          %dma_wait3A_173 = arith.constant 0 : i32
          %dma_wait3A_174 = tpu.memref_slice %arg14[%dma_wait3A_171, %dma_wait3A_172, %dma_wait3A_173] : memref<5248x2x128xf32, #tpu.memory_space<vmem_shared>> -> memref<5248x2x128xf32, #tpu.memory_space<vmem_shared>>
          tpu.wait_indirect_dma semaphore(%arg19 : memref<!tpu.dma_semaphore, #tpu.memory_space<semaphore_mem>>) src(%arg9 : memref<32x2x128xf32, #tpu.memory_space<vmem>>) dst(%dma_wait3A_174 : memref<5248x2x128xf32, #tpu.memory_space<vmem_shared>>)
          %dma_wait3A_175 = arith.constant 3 : i32
          %dma_wait3A_176 = arith.constant 0 : i32
          %dma_wait3A_177 = tpu.memref_slice %arg7[%dma_wait3A_175, %dma_wait3A_176] : memref<4x32xi32, #tpu.memory_space<vmem>> -> memref<1x32xi32, #tpu.memory_space<vmem>>
          %dma_wait3A_178 = tpu.memref_squeeze %dma_wait3A_177 : memref<1x32xi32, #tpu.memory_space<vmem>> -> memref<32xi32, #tpu.memory_space<vmem>>
          %dma_wait3A_179 = arith.constant 0 : i32
          %dma_wait3A_180 = arith.constant 0 : i32
          %dma_wait3A_181 = arith.constant 0 : i32
          %dma_wait3A_182 = tpu.memref_slice %arg14[%dma_wait3A_179, %dma_wait3A_180, %dma_wait3A_181] : memref<5248x2x128xf32, #tpu.memory_space<vmem_shared>> -> memref<5248x2x128xf32, #tpu.memory_space<vmem_shared>>
          tpu.wait_indirect_dma semaphore(%arg20 : memref<!tpu.dma_semaphore, #tpu.memory_space<semaphore_mem>>) src(%arg10 : memref<32x2x128xf32, #tpu.memory_space<vmem>>) dst(%dma_wait3A_182 : memref<5248x2x128xf32, #tpu.memory_space<vmem_shared>>)
        } else {
        }
        "tpu.region"() ({
          %run_scoped3A = tpu.sem_alloc : memref<!tpu.dma_semaphore, #tpu.memory_space<semaphore_mem>>
          %dma_start3A_168 = arith.constant 0 : i32
          %dma_start3A_169 = arith.constant 0 : i32
          %dma_start3A_170 = arith.constant 0 : i32
          %dma_start3A_171 = tpu.memref_slice %arg3[%arg0, %add3A_3, %dma_start3A_168, %dma_start3A_169, %dma_start3A_170] : memref<2x32x160x4x32xi32, #tpu.memory_space<hbm>> -> memref<1x1x160x4x32xi32, #tpu.memory_space<hbm>>
          %dma_start3A_172 = tpu.memref_squeeze %dma_start3A_171 : memref<1x1x160x4x32xi32, #tpu.memory_space<hbm>> -> memref<160x4x32xi32, #tpu.memory_space<hbm>>
          %dma_start3A_173 = arith.constant 0 : i32
          %dma_start3A_174 = arith.constant 0 : i32
          %dma_start3A_175 = tpu.memref_slice %dma_start3A_172[%add3A_120, %dma_start3A_173, %dma_start3A_174] : memref<160x4x32xi32, #tpu.memory_space<hbm>> -> memref<1x4x32xi32, #tpu.memory_space<hbm>>
          %dma_start3A_176 = tpu.memref_squeeze %dma_start3A_175 : memref<1x4x32xi32, #tpu.memory_space<hbm>> -> memref<4x32xi32, #tpu.memory_space<hbm>>
          %dma_start3A_177 = arith.constant 0 : i32
          %dma_start3A_178 = arith.constant 0 : i32
          %dma_start3A_179 = arith.constant 0 : i32
          %dma_start3A_180 = tpu.memref_slice %arg3[%arg0, %add3A_3, %dma_start3A_177, %dma_start3A_178, %dma_start3A_179] : memref<2x32x160x4x32xi32, #tpu.memory_space<hbm>> -> memref<1x1x160x4x32xi32, #tpu.memory_space<hbm>>
          %dma_start3A_181 = tpu.memref_squeeze %dma_start3A_180 : memref<1x1x160x4x32xi32, #tpu.memory_space<hbm>> -> memref<160x4x32xi32, #tpu.memory_space<hbm>>
          %dma_start3A_182 = arith.constant 0 : i32
          %dma_start3A_183 = arith.constant 0 : i32
          %dma_start3A_184 = tpu.memref_slice %dma_start3A_181[%add3A_120, %dma_start3A_182, %dma_start3A_183] : memref<160x4x32xi32, #tpu.memory_space<hbm>> -> memref<1x4x32xi32, #tpu.memory_space<hbm>>
          %dma_start3A_185 = tpu.memref_squeeze %dma_start3A_184 : memref<1x4x32xi32, #tpu.memory_space<hbm>> -> memref<4x32xi32, #tpu.memory_space<hbm>>
          tpu.enqueue_dma source(%dma_start3A_185 : memref<4x32xi32, #tpu.memory_space<hbm>>) target(%arg7 : memref<4x32xi32, #tpu.memory_space<vmem>>) target_semaphore(%run_scoped3A : memref<!tpu.dma_semaphore, #tpu.memory_space<semaphore_mem>>)
          %dma_wait3A = arith.constant 0 : i32
          %dma_wait3A_186 = arith.constant 0 : i32
          %dma_wait3A_187 = arith.constant 0 : i32
          %dma_wait3A_188 = tpu.memref_slice %arg3[%arg0, %add3A_3, %dma_wait3A, %dma_wait3A_186, %dma_wait3A_187] : memref<2x32x160x4x32xi32, #tpu.memory_space<hbm>> -> memref<1x1x160x4x32xi32, #tpu.memory_space<hbm>>
          %dma_wait3A_189 = tpu.memref_squeeze %dma_wait3A_188 : memref<1x1x160x4x32xi32, #tpu.memory_space<hbm>> -> memref<160x4x32xi32, #tpu.memory_space<hbm>>
          %dma_wait3A_190 = arith.constant 0 : i32
          %dma_wait3A_191 = arith.constant 0 : i32
          %dma_wait3A_192 = tpu.memref_slice %dma_wait3A_189[%add3A_120, %dma_wait3A_190, %dma_wait3A_191] : memref<160x4x32xi32, #tpu.memory_space<hbm>> -> memref<1x4x32xi32, #tpu.memory_space<hbm>>
          %dma_wait3A_193 = tpu.memref_squeeze %dma_wait3A_192 : memref<1x4x32xi32, #tpu.memory_space<hbm>> -> memref<4x32xi32, #tpu.memory_space<hbm>>
          %dma_wait3A_194 = arith.constant 0 : i32
          %dma_wait3A_195 = arith.constant 0 : i32
          %dma_wait3A_196 = arith.constant 0 : i32
          %dma_wait3A_197 = tpu.memref_slice %arg3[%arg0, %add3A_3, %dma_wait3A_194, %dma_wait3A_195, %dma_wait3A_196] : memref<2x32x160x4x32xi32, #tpu.memory_space<hbm>> -> memref<1x1x160x4x32xi32, #tpu.memory_space<hbm>>
          %dma_wait3A_198 = tpu.memref_squeeze %dma_wait3A_197 : memref<1x1x160x4x32xi32, #tpu.memory_space<hbm>> -> memref<160x4x32xi32, #tpu.memory_space<hbm>>
          %dma_wait3A_199 = arith.constant 0 : i32
          %dma_wait3A_200 = arith.constant 0 : i32
          %dma_wait3A_201 = tpu.memref_slice %dma_wait3A_198[%add3A_120, %dma_wait3A_199, %dma_wait3A_200] : memref<160x4x32xi32, #tpu.memory_space<hbm>> -> memref<1x4x32xi32, #tpu.memory_space<hbm>>
          %dma_wait3A_202 = tpu.memref_squeeze %dma_wait3A_201 : memref<1x4x32xi32, #tpu.memory_space<hbm>> -> memref<4x32xi32, #tpu.memory_space<hbm>>
          tpu.wait_dma2 semaphore(%run_scoped3A : memref<!tpu.dma_semaphore, #tpu.memory_space<semaphore_mem>>) src(%dma_wait3A_202 : memref<4x32xi32, #tpu.memory_space<hbm>>) dst(%arg7 : memref<4x32xi32, #tpu.memory_space<vmem>>)
          tpu.yield
        }) : () -> ()
        %dma_start3A = arith.constant 0 : i32
        %dma_start3A_153 = arith.constant 0 : i32
        %dma_start3A_154 = tpu.memref_slice %arg7[%dma_start3A, %dma_start3A_153] : memref<4x32xi32, #tpu.memory_space<vmem>> -> memref<1x32xi32, #tpu.memory_space<vmem>>
        %dma_start3A_155 = tpu.memref_squeeze %dma_start3A_154 : memref<1x32xi32, #tpu.memory_space<vmem>> -> memref<32xi32, #tpu.memory_space<vmem>>
        %dma_start3A_156 = arith.constant 0 : i32
        %dma_start3A_157 = arith.constant 0 : i32
        %dma_start3A_158 = arith.constant 0 : i32
        %dma_start3A_159 = tpu.memref_slice %arg2[%dma_start3A_156, %dma_start3A_157, %dma_start3A_158] : memref<10000x2x128xf32, #tpu.memory_space<hbm>> -> memref<10000x2x128xf32, #tpu.memory_space<hbm>>
        tpu.enqueue_indirect_dma source(%dma_start3A_159 : memref<10000x2x128xf32, #tpu.memory_space<hbm>>) target(%arg9 : memref<32x2x128xf32, #tpu.memory_space<vmem>>) offsets(%dma_start3A_155 : memref<32xi32, #tpu.memory_space<vmem>>) semaphore(%arg15 : memref<!tpu.dma_semaphore, #tpu.memory_space<semaphore_mem>>)
        %dma_start3A_160 = arith.constant 2 : i32
        %dma_start3A_161 = arith.constant 0 : i32
        %dma_start3A_162 = tpu.memref_slice %arg7[%dma_start3A_160, %dma_start3A_161] : memref<4x32xi32, #tpu.memory_space<vmem>> -> memref<1x32xi32, #tpu.memory_space<vmem>>
        %dma_start3A_163 = tpu.memref_squeeze %dma_start3A_162 : memref<1x32xi32, #tpu.memory_space<vmem>> -> memref<32xi32, #tpu.memory_space<vmem>>
        %dma_start3A_164 = arith.constant 0 : i32
        %dma_start3A_165 = arith.constant 0 : i32
        %dma_start3A_166 = arith.constant 0 : i32
        %dma_start3A_167 = tpu.memref_slice %arg2[%dma_start3A_164, %dma_start3A_165, %dma_start3A_166] : memref<10000x2x128xf32, #tpu.memory_space<hbm>> -> memref<10000x2x128xf32, #tpu.memory_space<hbm>>
        tpu.enqueue_indirect_dma source(%dma_start3A_167 : memref<10000x2x128xf32, #tpu.memory_space<hbm>>) target(%arg10 : memref<32x2x128xf32, #tpu.memory_space<vmem>>) offsets(%dma_start3A_163 : memref<32xi32, #tpu.memory_space<vmem>>) semaphore(%arg16 : memref<!tpu.dma_semaphore, #tpu.memory_space<semaphore_mem>>)
      } else {
      }
      %mul3A_124 = arith.constant 2 : i32
      %mul3A_125 = arith.muli %mul3A_124, %while3A_116 : i32
      %add3A_126 = arith.constant 1 : i32
      %add3A_127 = arith.addi %mul3A_125, %add3A_126 : i32
      %lt3A_128 = arith.cmpi slt, %add3A_127, %select_n3A : i32
      %convert_element_type3A_129 = arith.extui %lt3A_128 : i1 to i32
      %cond3A_130 = arith.constant 0 : i32
      %cond3A_131 = arith.cmpi ne, %convert_element_type3A_129, %cond3A_130 : i32
      scf.if %cond3A_131 {
        %gt3A_148 = arith.constant 1 : i32
        %gt3A_149 = arith.cmpi sgt, %add3A_127, %gt3A_148 : i32
        %convert_element_type3A_150 = arith.extui %gt3A_149 : i1 to i32
        %cond3A_151 = arith.constant 0 : i32
        %cond3A_152 = arith.cmpi ne, %convert_element_type3A_150, %cond3A_151 : i32
        scf.if %cond3A_152 {
          %dma_wait3A = arith.constant 1 : i32
          %dma_wait3A_168 = arith.constant 0 : i32
          %dma_wait3A_169 = tpu.memref_slice %arg8[%dma_wait3A, %dma_wait3A_168] : memref<4x32xi32, #tpu.memory_space<vmem>> -> memref<1x32xi32, #tpu.memory_space<vmem>>
          %dma_wait3A_170 = tpu.memref_squeeze %dma_wait3A_169 : memref<1x32xi32, #tpu.memory_space<vmem>> -> memref<32xi32, #tpu.memory_space<vmem>>
          %dma_wait3A_171 = arith.constant 0 : i32
          %dma_wait3A_172 = arith.constant 0 : i32
          %dma_wait3A_173 = arith.constant 0 : i32
          %dma_wait3A_174 = tpu.memref_slice %arg14[%dma_wait3A_171, %dma_wait3A_172, %dma_wait3A_173] : memref<5248x2x128xf32, #tpu.memory_space<vmem_shared>> -> memref<5248x2x128xf32, #tpu.memory_space<vmem_shared>>
          tpu.wait_indirect_dma semaphore(%arg21 : memref<!tpu.dma_semaphore, #tpu.memory_space<semaphore_mem>>) src(%arg11 : memref<32x2x128xf32, #tpu.memory_space<vmem>>) dst(%dma_wait3A_174 : memref<5248x2x128xf32, #tpu.memory_space<vmem_shared>>)
          %dma_wait3A_175 = arith.constant 3 : i32
          %dma_wait3A_176 = arith.constant 0 : i32
          %dma_wait3A_177 = tpu.memref_slice %arg8[%dma_wait3A_175, %dma_wait3A_176] : memref<4x32xi32, #tpu.memory_space<vmem>> -> memref<1x32xi32, #tpu.memory_space<vmem>>
          %dma_wait3A_178 = tpu.memref_squeeze %dma_wait3A_177 : memref<1x32xi32, #tpu.memory_space<vmem>> -> memref<32xi32, #tpu.memory_space<vmem>>
          %dma_wait3A_179 = arith.constant 0 : i32
          %dma_wait3A_180 = arith.constant 0 : i32
          %dma_wait3A_181 = arith.constant 0 : i32
          %dma_wait3A_182 = tpu.memref_slice %arg14[%dma_wait3A_179, %dma_wait3A_180, %dma_wait3A_181] : memref<5248x2x128xf32, #tpu.memory_space<vmem_shared>> -> memref<5248x2x128xf32, #tpu.memory_space<vmem_shared>>
          tpu.wait_indirect_dma semaphore(%arg22 : memref<!tpu.dma_semaphore, #tpu.memory_space<semaphore_mem>>) src(%arg12 : memref<32x2x128xf32, #tpu.memory_space<vmem>>) dst(%dma_wait3A_182 : memref<5248x2x128xf32, #tpu.memory_space<vmem_shared>>)
        } else {
        }
        "tpu.region"() ({
          %run_scoped3A = tpu.sem_alloc : memref<!tpu.dma_semaphore, #tpu.memory_space<semaphore_mem>>
          %dma_start3A_168 = arith.constant 0 : i32
          %dma_start3A_169 = arith.constant 0 : i32
          %dma_start3A_170 = arith.constant 0 : i32
          %dma_start3A_171 = tpu.memref_slice %arg3[%arg0, %add3A_3, %dma_start3A_168, %dma_start3A_169, %dma_start3A_170] : memref<2x32x160x4x32xi32, #tpu.memory_space<hbm>> -> memref<1x1x160x4x32xi32, #tpu.memory_space<hbm>>
          %dma_start3A_172 = tpu.memref_squeeze %dma_start3A_171 : memref<1x1x160x4x32xi32, #tpu.memory_space<hbm>> -> memref<160x4x32xi32, #tpu.memory_space<hbm>>
          %dma_start3A_173 = arith.constant 0 : i32
          %dma_start3A_174 = arith.constant 0 : i32
          %dma_start3A_175 = tpu.memref_slice %dma_start3A_172[%add3A_127, %dma_start3A_173, %dma_start3A_174] : memref<160x4x32xi32, #tpu.memory_space<hbm>> -> memref<1x4x32xi32, #tpu.memory_space<hbm>>
          %dma_start3A_176 = tpu.memref_squeeze %dma_start3A_175 : memref<1x4x32xi32, #tpu.memory_space<hbm>> -> memref<4x32xi32, #tpu.memory_space<hbm>>
          %dma_start3A_177 = arith.constant 0 : i32
          %dma_start3A_178 = arith.constant 0 : i32
          %dma_start3A_179 = arith.constant 0 : i32
          %dma_start3A_180 = tpu.memref_slice %arg3[%arg0, %add3A_3, %dma_start3A_177, %dma_start3A_178, %dma_start3A_179] : memref<2x32x160x4x32xi32, #tpu.memory_space<hbm>> -> memref<1x1x160x4x32xi32, #tpu.memory_space<hbm>>
          %dma_start3A_181 = tpu.memref_squeeze %dma_start3A_180 : memref<1x1x160x4x32xi32, #tpu.memory_space<hbm>> -> memref<160x4x32xi32, #tpu.memory_space<hbm>>
          %dma_start3A_182 = arith.constant 0 : i32
          %dma_start3A_183 = arith.constant 0 : i32
          %dma_start3A_184 = tpu.memref_slice %dma_start3A_181[%add3A_127, %dma_start3A_182, %dma_start3A_183] : memref<160x4x32xi32, #tpu.memory_space<hbm>> -> memref<1x4x32xi32, #tpu.memory_space<hbm>>
          %dma_start3A_185 = tpu.memref_squeeze %dma_start3A_184 : memref<1x4x32xi32, #tpu.memory_space<hbm>> -> memref<4x32xi32, #tpu.memory_space<hbm>>
          tpu.enqueue_dma source(%dma_start3A_185 : memref<4x32xi32, #tpu.memory_space<hbm>>) target(%arg8 : memref<4x32xi32, #tpu.memory_space<vmem>>) target_semaphore(%run_scoped3A : memref<!tpu.dma_semaphore, #tpu.memory_space<semaphore_mem>>)
          %dma_wait3A = arith.constant 0 : i32
          %dma_wait3A_186 = arith.constant 0 : i32
          %dma_wait3A_187 = arith.constant 0 : i32
          %dma_wait3A_188 = tpu.memref_slice %arg3[%arg0, %add3A_3, %dma_wait3A, %dma_wait3A_186, %dma_wait3A_187] : memref<2x32x160x4x32xi32, #tpu.memory_space<hbm>> -> memref<1x1x160x4x32xi32, #tpu.memory_space<hbm>>
          %dma_wait3A_189 = tpu.memref_squeeze %dma_wait3A_188 : memref<1x1x160x4x32xi32, #tpu.memory_space<hbm>> -> memref<160x4x32xi32, #tpu.memory_space<hbm>>
          %dma_wait3A_190 = arith.constant 0 : i32
          %dma_wait3A_191 = arith.constant 0 : i32
          %dma_wait3A_192 = tpu.memref_slice %dma_wait3A_189[%add3A_127, %dma_wait3A_190, %dma_wait3A_191] : memref<160x4x32xi32, #tpu.memory_space<hbm>> -> memref<1x4x32xi32, #tpu.memory_space<hbm>>
          %dma_wait3A_193 = tpu.memref_squeeze %dma_wait3A_192 : memref<1x4x32xi32, #tpu.memory_space<hbm>> -> memref<4x32xi32, #tpu.memory_space<hbm>>
          %dma_wait3A_194 = arith.constant 0 : i32
          %dma_wait3A_195 = arith.constant 0 : i32
          %dma_wait3A_196 = arith.constant 0 : i32
          %dma_wait3A_197 = tpu.memref_slice %arg3[%arg0, %add3A_3, %dma_wait3A_194, %dma_wait3A_195, %dma_wait3A_196] : memref<2x32x160x4x32xi32, #tpu.memory_space<hbm>> -> memref<1x1x160x4x32xi32, #tpu.memory_space<hbm>>
          %dma_wait3A_198 = tpu.memref_squeeze %dma_wait3A_197 : memref<1x1x160x4x32xi32, #tpu.memory_space<hbm>> -> memref<160x4x32xi32, #tpu.memory_space<hbm>>
          %dma_wait3A_199 = arith.constant 0 : i32
          %dma_wait3A_200 = arith.constant 0 : i32
          %dma_wait3A_201 = tpu.memref_slice %dma_wait3A_198[%add3A_127, %dma_wait3A_199, %dma_wait3A_200] : memref<160x4x32xi32, #tpu.memory_space<hbm>> -> memref<1x4x32xi32, #tpu.memory_space<hbm>>
          %dma_wait3A_202 = tpu.memref_squeeze %dma_wait3A_201 : memref<1x4x32xi32, #tpu.memory_space<hbm>> -> memref<4x32xi32, #tpu.memory_space<hbm>>
          tpu.wait_dma2 semaphore(%run_scoped3A : memref<!tpu.dma_semaphore, #tpu.memory_space<semaphore_mem>>) src(%dma_wait3A_202 : memref<4x32xi32, #tpu.memory_space<hbm>>) dst(%arg8 : memref<4x32xi32, #tpu.memory_space<vmem>>)
          tpu.yield
        }) : () -> ()
        %dma_start3A = arith.constant 0 : i32
        %dma_start3A_153 = arith.constant 0 : i32
        %dma_start3A_154 = tpu.memref_slice %arg8[%dma_start3A, %dma_start3A_153] : memref<4x32xi32, #tpu.memory_space<vmem>> -> memref<1x32xi32, #tpu.memory_space<vmem>>
        %dma_start3A_155 = tpu.memref_squeeze %dma_start3A_154 : memref<1x32xi32, #tpu.memory_space<vmem>> -> memref<32xi32, #tpu.memory_space<vmem>>
        %dma_start3A_156 = arith.constant 0 : i32
        %dma_start3A_157 = arith.constant 0 : i32
        %dma_start3A_158 = arith.constant 0 : i32
        %dma_start3A_159 = tpu.memref_slice %arg2[%dma_start3A_156, %dma_start3A_157, %dma_start3A_158] : memref<10000x2x128xf32, #tpu.memory_space<hbm>> -> memref<10000x2x128xf32, #tpu.memory_space<hbm>>
        tpu.enqueue_indirect_dma source(%dma_start3A_159 : memref<10000x2x128xf32, #tpu.memory_space<hbm>>) target(%arg11 : memref<32x2x128xf32, #tpu.memory_space<vmem>>) offsets(%dma_start3A_155 : memref<32xi32, #tpu.memory_space<vmem>>) semaphore(%arg17 : memref<!tpu.dma_semaphore, #tpu.memory_space<semaphore_mem>>)
        %dma_start3A_160 = arith.constant 2 : i32
        %dma_start3A_161 = arith.constant 0 : i32
        %dma_start3A_162 = tpu.memref_slice %arg8[%dma_start3A_160, %dma_start3A_161] : memref<4x32xi32, #tpu.memory_space<vmem>> -> memref<1x32xi32, #tpu.memory_space<vmem>>
        %dma_start3A_163 = tpu.memref_squeeze %dma_start3A_162 : memref<1x32xi32, #tpu.memory_space<vmem>> -> memref<32xi32, #tpu.memory_space<vmem>>
        %dma_start3A_164 = arith.constant 0 : i32
        %dma_start3A_165 = arith.constant 0 : i32
        %dma_start3A_166 = arith.constant 0 : i32
        %dma_start3A_167 = tpu.memref_slice %arg2[%dma_start3A_164, %dma_start3A_165, %dma_start3A_166] : memref<10000x2x128xf32, #tpu.memory_space<hbm>> -> memref<10000x2x128xf32, #tpu.memory_space<hbm>>
        tpu.enqueue_indirect_dma source(%dma_start3A_167 : memref<10000x2x128xf32, #tpu.memory_space<hbm>>) target(%arg12 : memref<32x2x128xf32, #tpu.memory_space<vmem>>) offsets(%dma_start3A_163 : memref<32xi32, #tpu.memory_space<vmem>>) semaphore(%arg18 : memref<!tpu.dma_semaphore, #tpu.memory_space<semaphore_mem>>)
      } else {
      }
      %mul3A_132 = arith.constant 2 : i32
      %mul3A_133 = arith.muli %mul3A_132, %while3A_116 : i32
      %add3A_134 = arith.constant 0 : i32
      %add3A_135 = arith.addi %mul3A_133, %add3A_134 : i32
      %lt3A_136 = arith.cmpi slt, %add3A_135, %select_n3A : i32
      %convert_element_type3A_137 = arith.extui %lt3A_136 : i1 to i32
      %cond3A_138 = arith.constant 0 : i32
      %cond3A_139 = arith.cmpi ne, %convert_element_type3A_137, %cond3A_138 : i32
      scf.if %cond3A_139 {
        %dma_wait3A = arith.constant 0 : i32
        %dma_wait3A_148 = arith.constant 0 : i32
        %dma_wait3A_149 = tpu.memref_slice %arg7[%dma_wait3A, %dma_wait3A_148] : memref<4x32xi32, #tpu.memory_space<vmem>> -> memref<1x32xi32, #tpu.memory_space<vmem>>
        %dma_wait3A_150 = tpu.memref_squeeze %dma_wait3A_149 : memref<1x32xi32, #tpu.memory_space<vmem>> -> memref<32xi32, #tpu.memory_space<vmem>>
        %dma_wait3A_151 = arith.constant 0 : i32
        %dma_wait3A_152 = arith.constant 0 : i32
        %dma_wait3A_153 = arith.constant 0 : i32
        %dma_wait3A_154 = tpu.memref_slice %arg2[%dma_wait3A_151, %dma_wait3A_152, %dma_wait3A_153] : memref<10000x2x128xf32, #tpu.memory_space<hbm>> -> memref<10000x2x128xf32, #tpu.memory_space<hbm>>
        tpu.wait_indirect_dma semaphore(%arg15 : memref<!tpu.dma_semaphore, #tpu.memory_space<semaphore_mem>>) src(%dma_wait3A_154 : memref<10000x2x128xf32, #tpu.memory_space<hbm>>) dst(%arg9 : memref<32x2x128xf32, #tpu.memory_space<vmem>>)
        %dma_start3A = arith.constant 1 : i32
        %dma_start3A_155 = arith.constant 0 : i32
        %dma_start3A_156 = tpu.memref_slice %arg7[%dma_start3A, %dma_start3A_155] : memref<4x32xi32, #tpu.memory_space<vmem>> -> memref<1x32xi32, #tpu.memory_space<vmem>>
        %dma_start3A_157 = tpu.memref_squeeze %dma_start3A_156 : memref<1x32xi32, #tpu.memory_space<vmem>> -> memref<32xi32, #tpu.memory_space<vmem>>
        %dma_start3A_158 = arith.constant 0 : i32
        %dma_start3A_159 = arith.constant 0 : i32
        %dma_start3A_160 = arith.constant 0 : i32
        %dma_start3A_161 = tpu.memref_slice %arg14[%dma_start3A_158, %dma_start3A_159, %dma_start3A_160] : memref<5248x2x128xf32, #tpu.memory_space<vmem_shared>> -> memref<5248x2x128xf32, #tpu.memory_space<vmem_shared>>
        tpu.enqueue_indirect_dma source(%arg9 : memref<32x2x128xf32, #tpu.memory_space<vmem>>) target(%dma_start3A_161 : memref<5248x2x128xf32, #tpu.memory_space<vmem_shared>>) offsets(%dma_start3A_157 : memref<32xi32, #tpu.memory_space<vmem>>) semaphore(%arg19 : memref<!tpu.dma_semaphore, #tpu.memory_space<semaphore_mem>>) {add = true}
        %dma_wait3A_162 = arith.constant 2 : i32
        %dma_wait3A_163 = arith.constant 0 : i32
        %dma_wait3A_164 = tpu.memref_slice %arg7[%dma_wait3A_162, %dma_wait3A_163] : memref<4x32xi32, #tpu.memory_space<vmem>> -> memref<1x32xi32, #tpu.memory_space<vmem>>
        %dma_wait3A_165 = tpu.memref_squeeze %dma_wait3A_164 : memref<1x32xi32, #tpu.memory_space<vmem>> -> memref<32xi32, #tpu.memory_space<vmem>>
        %dma_wait3A_166 = arith.constant 0 : i32
        %dma_wait3A_167 = arith.constant 0 : i32
        %dma_wait3A_168 = arith.constant 0 : i32
        %dma_wait3A_169 = tpu.memref_slice %arg2[%dma_wait3A_166, %dma_wait3A_167, %dma_wait3A_168] : memref<10000x2x128xf32, #tpu.memory_space<hbm>> -> memref<10000x2x128xf32, #tpu.memory_space<hbm>>
        tpu.wait_indirect_dma semaphore(%arg16 : memref<!tpu.dma_semaphore, #tpu.memory_space<semaphore_mem>>) src(%dma_wait3A_169 : memref<10000x2x128xf32, #tpu.memory_space<hbm>>) dst(%arg10 : memref<32x2x128xf32, #tpu.memory_space<vmem>>)
        %dma_start3A_170 = arith.constant 3 : i32
        %dma_start3A_171 = arith.constant 0 : i32
        %dma_start3A_172 = tpu.memref_slice %arg7[%dma_start3A_170, %dma_start3A_171] : memref<4x32xi32, #tpu.memory_space<vmem>> -> memref<1x32xi32, #tpu.memory_space<vmem>>
        %dma_start3A_173 = tpu.memref_squeeze %dma_start3A_172 : memref<1x32xi32, #tpu.memory_space<vmem>> -> memref<32xi32, #tpu.memory_space<vmem>>
        %dma_start3A_174 = arith.constant 0 : i32
        %dma_start3A_175 = arith.constant 0 : i32
        %dma_start3A_176 = arith.constant 0 : i32
        %dma_start3A_177 = tpu.memref_slice %arg14[%dma_start3A_174, %dma_start3A_175, %dma_start3A_176] : memref<5248x2x128xf32, #tpu.memory_space<vmem_shared>> -> memref<5248x2x128xf32, #tpu.memory_space<vmem_shared>>
        tpu.enqueue_indirect_dma source(%arg10 : memref<32x2x128xf32, #tpu.memory_space<vmem>>) target(%dma_start3A_177 : memref<5248x2x128xf32, #tpu.memory_space<vmem_shared>>) offsets(%dma_start3A_173 : memref<32xi32, #tpu.memory_space<vmem>>) semaphore(%arg20 : memref<!tpu.dma_semaphore, #tpu.memory_space<semaphore_mem>>) {add = true}
      } else {
      }
      %mul3A_140 = arith.constant 2 : i32
      %mul3A_141 = arith.muli %mul3A_140, %while3A_116 : i32
      %add3A_142 = arith.constant 1 : i32
      %add3A_143 = arith.addi %mul3A_141, %add3A_142 : i32
      %lt3A_144 = arith.cmpi slt, %add3A_143, %select_n3A : i32
      %convert_element_type3A_145 = arith.extui %lt3A_144 : i1 to i32
      %cond3A_146 = arith.constant 0 : i32
      %cond3A_147 = arith.cmpi ne, %convert_element_type3A_145, %cond3A_146 : i32
      scf.if %cond3A_147 {
        %dma_wait3A = arith.constant 0 : i32
        %dma_wait3A_148 = arith.constant 0 : i32
        %dma_wait3A_149 = tpu.memref_slice %arg8[%dma_wait3A, %dma_wait3A_148] : memref<4x32xi32, #tpu.memory_space<vmem>> -> memref<1x32xi32, #tpu.memory_space<vmem>>
        %dma_wait3A_150 = tpu.memref_squeeze %dma_wait3A_149 : memref<1x32xi32, #tpu.memory_space<vmem>> -> memref<32xi32, #tpu.memory_space<vmem>>
        %dma_wait3A_151 = arith.constant 0 : i32
        %dma_wait3A_152 = arith.constant 0 : i32
        %dma_wait3A_153 = arith.constant 0 : i32
        %dma_wait3A_154 = tpu.memref_slice %arg2[%dma_wait3A_151, %dma_wait3A_152, %dma_wait3A_153] : memref<10000x2x128xf32, #tpu.memory_space<hbm>> -> memref<10000x2x128xf32, #tpu.memory_space<hbm>>
        tpu.wait_indirect_dma semaphore(%arg17 : memref<!tpu.dma_semaphore, #tpu.memory_space<semaphore_mem>>) src(%dma_wait3A_154 : memref<10000x2x128xf32, #tpu.memory_space<hbm>>) dst(%arg11 : memref<32x2x128xf32, #tpu.memory_space<vmem>>)
        %dma_start3A = arith.constant 1 : i32
        %dma_start3A_155 = arith.constant 0 : i32
        %dma_start3A_156 = tpu.memref_slice %arg8[%dma_start3A, %dma_start3A_155] : memref<4x32xi32, #tpu.memory_space<vmem>> -> memref<1x32xi32, #tpu.memory_space<vmem>>
        %dma_start3A_157 = tpu.memref_squeeze %dma_start3A_156 : memref<1x32xi32, #tpu.memory_space<vmem>> -> memref<32xi32, #tpu.memory_space<vmem>>
        %dma_start3A_158 = arith.constant 0 : i32
        %dma_start3A_159 = arith.constant 0 : i32
        %dma_start3A_160 = arith.constant 0 : i32
        %dma_start3A_161 = tpu.memref_slice %arg14[%dma_start3A_158, %dma_start3A_159, %dma_start3A_160] : memref<5248x2x128xf32, #tpu.memory_space<vmem_shared>> -> memref<5248x2x128xf32, #tpu.memory_space<vmem_shared>>
        tpu.enqueue_indirect_dma source(%arg11 : memref<32x2x128xf32, #tpu.memory_space<vmem>>) target(%dma_start3A_161 : memref<5248x2x128xf32, #tpu.memory_space<vmem_shared>>) offsets(%dma_start3A_157 : memref<32xi32, #tpu.memory_space<vmem>>) semaphore(%arg21 : memref<!tpu.dma_semaphore, #tpu.memory_space<semaphore_mem>>) {add = true}
        %dma_wait3A_162 = arith.constant 2 : i32
        %dma_wait3A_163 = arith.constant 0 : i32
        %dma_wait3A_164 = tpu.memref_slice %arg8[%dma_wait3A_162, %dma_wait3A_163] : memref<4x32xi32, #tpu.memory_space<vmem>> -> memref<1x32xi32, #tpu.memory_space<vmem>>
        %dma_wait3A_165 = tpu.memref_squeeze %dma_wait3A_164 : memref<1x32xi32, #tpu.memory_space<vmem>> -> memref<32xi32, #tpu.memory_space<vmem>>
        %dma_wait3A_166 = arith.constant 0 : i32
        %dma_wait3A_167 = arith.constant 0 : i32
        %dma_wait3A_168 = arith.constant 0 : i32
        %dma_wait3A_169 = tpu.memref_slice %arg2[%dma_wait3A_166, %dma_wait3A_167, %dma_wait3A_168] : memref<10000x2x128xf32, #tpu.memory_space<hbm>> -> memref<10000x2x128xf32, #tpu.memory_space<hbm>>
        tpu.wait_indirect_dma semaphore(%arg18 : memref<!tpu.dma_semaphore, #tpu.memory_space<semaphore_mem>>) src(%dma_wait3A_169 : memref<10000x2x128xf32, #tpu.memory_space<hbm>>) dst(%arg12 : memref<32x2x128xf32, #tpu.memory_space<vmem>>)
        %dma_start3A_170 = arith.constant 3 : i32
        %dma_start3A_171 = arith.constant 0 : i32
        %dma_start3A_172 = tpu.memref_slice %arg8[%dma_start3A_170, %dma_start3A_171] : memref<4x32xi32, #tpu.memory_space<vmem>> -> memref<1x32xi32, #tpu.memory_space<vmem>>
        %dma_start3A_173 = tpu.memref_squeeze %dma_start3A_172 : memref<1x32xi32, #tpu.memory_space<vmem>> -> memref<32xi32, #tpu.memory_space<vmem>>
        %dma_start3A_174 = arith.constant 0 : i32
        %dma_start3A_175 = arith.constant 0 : i32
        %dma_start3A_176 = arith.constant 0 : i32
        %dma_start3A_177 = tpu.memref_slice %arg14[%dma_start3A_174, %dma_start3A_175, %dma_start3A_176] : memref<5248x2x128xf32, #tpu.memory_space<vmem_shared>> -> memref<5248x2x128xf32, #tpu.memory_space<vmem_shared>>
        tpu.enqueue_indirect_dma source(%arg12 : memref<32x2x128xf32, #tpu.memory_space<vmem>>) target(%dma_start3A_177 : memref<5248x2x128xf32, #tpu.memory_space<vmem_shared>>) offsets(%dma_start3A_173 : memref<32xi32, #tpu.memory_space<vmem>>) semaphore(%arg22 : memref<!tpu.dma_semaphore, #tpu.memory_space<semaphore_mem>>) {add = true}
      } else {
      }
    }
    %while3A_38 = arith.constant 1 : i32
    scf.for %while3A_116 = %while3A_36 to %while3A_32 step %while3A_38  : i32 {
      %mul3A_117 = arith.constant 2 : i32
      %mul3A_118 = arith.muli %mul3A_117, %while3A_116 : i32
      %add3A_119 = arith.constant 0 : i32
      %add3A_120 = arith.addi %mul3A_118, %add3A_119 : i32
      %lt3A = arith.cmpi slt, %add3A_120, %select_n3A : i32
      %convert_element_type3A_121 = arith.extui %lt3A : i1 to i32
      %cond3A_122 = arith.constant 0 : i32
      %cond3A_123 = arith.cmpi ne, %convert_element_type3A_121, %cond3A_122 : i32
      scf.if %cond3A_123 {
        %gt3A_148 = arith.constant 1 : i32
        %gt3A_149 = arith.cmpi sgt, %add3A_120, %gt3A_148 : i32
        %convert_element_type3A_150 = arith.extui %gt3A_149 : i1 to i32
        %cond3A_151 = arith.constant 0 : i32
        %cond3A_152 = arith.cmpi ne, %convert_element_type3A_150, %cond3A_151 : i32
        scf.if %cond3A_152 {
          %dma_wait3A = arith.constant 1 : i32
          %dma_wait3A_168 = arith.constant 0 : i32
          %dma_wait3A_169 = tpu.memref_slice %arg7[%dma_wait3A, %dma_wait3A_168] : memref<4x32xi32, #tpu.memory_space<vmem>> -> memref<1x32xi32, #tpu.memory_space<vmem>>
          %dma_wait3A_170 = tpu.memref_squeeze %dma_wait3A_169 : memref<1x32xi32, #tpu.memory_space<vmem>> -> memref<32xi32, #tpu.memory_space<vmem>>
          %dma_wait3A_171 = arith.constant 0 : i32
          %dma_wait3A_172 = arith.constant 0 : i32
          %dma_wait3A_173 = arith.constant 0 : i32
          %dma_wait3A_174 = tpu.memref_slice %arg14[%dma_wait3A_171, %dma_wait3A_172, %dma_wait3A_173] : memref<5248x2x128xf32, #tpu.memory_space<vmem_shared>> -> memref<5248x2x128xf32, #tpu.memory_space<vmem_shared>>
          tpu.wait_indirect_dma semaphore(%arg19 : memref<!tpu.dma_semaphore, #tpu.memory_space<semaphore_mem>>) src(%arg9 : memref<32x2x128xf32, #tpu.memory_space<vmem>>) dst(%dma_wait3A_174 : memref<5248x2x128xf32, #tpu.memory_space<vmem_shared>>)
          %dma_wait3A_175 = arith.constant 3 : i32
          %dma_wait3A_176 = arith.constant 0 : i32
          %dma_wait3A_177 = tpu.memref_slice %arg7[%dma_wait3A_175, %dma_wait3A_176] : memref<4x32xi32, #tpu.memory_space<vmem>> -> memref<1x32xi32, #tpu.memory_space<vmem>>
          %dma_wait3A_178 = tpu.memref_squeeze %dma_wait3A_177 : memref<1x32xi32, #tpu.memory_space<vmem>> -> memref<32xi32, #tpu.memory_space<vmem>>
          %dma_wait3A_179 = arith.constant 0 : i32
          %dma_wait3A_180 = arith.constant 0 : i32
          %dma_wait3A_181 = arith.constant 0 : i32
          %dma_wait3A_182 = tpu.memref_slice %arg14[%dma_wait3A_179, %dma_wait3A_180, %dma_wait3A_181] : memref<5248x2x128xf32, #tpu.memory_space<vmem_shared>> -> memref<5248x2x128xf32, #tpu.memory_space<vmem_shared>>
          tpu.wait_indirect_dma semaphore(%arg20 : memref<!tpu.dma_semaphore, #tpu.memory_space<semaphore_mem>>) src(%arg10 : memref<32x2x128xf32, #tpu.memory_space<vmem>>) dst(%dma_wait3A_182 : memref<5248x2x128xf32, #tpu.memory_space<vmem_shared>>)
        } else {
        }
        "tpu.region"() ({
          %run_scoped3A = tpu.sem_alloc : memref<!tpu.dma_semaphore, #tpu.memory_space<semaphore_mem>>
          %dma_start3A_168 = arith.constant 0 : i32
          %dma_start3A_169 = arith.constant 0 : i32
          %dma_start3A_170 = arith.constant 0 : i32
          %dma_start3A_171 = tpu.memref_slice %arg3[%arg0, %add3A_3, %dma_start3A_168, %dma_start3A_169, %dma_start3A_170] : memref<2x32x160x4x32xi32, #tpu.memory_space<hbm>> -> memref<1x1x160x4x32xi32, #tpu.memory_space<hbm>>
          %dma_start3A_172 = tpu.memref_squeeze %dma_start3A_171 : memref<1x1x160x4x32xi32, #tpu.memory_space<hbm>> -> memref<160x4x32xi32, #tpu.memory_space<hbm>>
          %dma_start3A_173 = arith.constant 0 : i32
          %dma_start3A_174 = arith.constant 0 : i32
          %dma_start3A_175 = tpu.memref_slice %dma_start3A_172[%add3A_120, %dma_start3A_173, %dma_start3A_174] : memref<160x4x32xi32, #tpu.memory_space<hbm>> -> memref<1x4x32xi32, #tpu.memory_space<hbm>>
          %dma_start3A_176 = tpu.memref_squeeze %dma_start3A_175 : memref<1x4x32xi32, #tpu.memory_space<hbm>> -> memref<4x32xi32, #tpu.memory_space<hbm>>
          %dma_start3A_177 = arith.constant 0 : i32
          %dma_start3A_178 = arith.constant 0 : i32
          %dma_start3A_179 = arith.constant 0 : i32
          %dma_start3A_180 = tpu.memref_slice %arg3[%arg0, %add3A_3, %dma_start3A_177, %dma_start3A_178, %dma_start3A_179] : memref<2x32x160x4x32xi32, #tpu.memory_space<hbm>> -> memref<1x1x160x4x32xi32, #tpu.memory_space<hbm>>
          %dma_start3A_181 = tpu.memref_squeeze %dma_start3A_180 : memref<1x1x160x4x32xi32, #tpu.memory_space<hbm>> -> memref<160x4x32xi32, #tpu.memory_space<hbm>>
          %dma_start3A_182 = arith.constant 0 : i32
          %dma_start3A_183 = arith.constant 0 : i32
          %dma_start3A_184 = tpu.memref_slice %dma_start3A_181[%add3A_120, %dma_start3A_182, %dma_start3A_183] : memref<160x4x32xi32, #tpu.memory_space<hbm>> -> memref<1x4x32xi32, #tpu.memory_space<hbm>>
          %dma_start3A_185 = tpu.memref_squeeze %dma_start3A_184 : memref<1x4x32xi32, #tpu.memory_space<hbm>> -> memref<4x32xi32, #tpu.memory_space<hbm>>
          tpu.enqueue_dma source(%dma_start3A_185 : memref<4x32xi32, #tpu.memory_space<hbm>>) target(%arg7 : memref<4x32xi32, #tpu.memory_space<vmem>>) target_semaphore(%run_scoped3A : memref<!tpu.dma_semaphore, #tpu.memory_space<semaphore_mem>>)
          %dma_wait3A = arith.constant 0 : i32
          %dma_wait3A_186 = arith.constant 0 : i32
          %dma_wait3A_187 = arith.constant 0 : i32
          %dma_wait3A_188 = tpu.memref_slice %arg3[%arg0, %add3A_3, %dma_wait3A, %dma_wait3A_186, %dma_wait3A_187] : memref<2x32x160x4x32xi32, #tpu.memory_space<hbm>> -> memref<1x1x160x4x32xi32, #tpu.memory_space<hbm>>
          %dma_wait3A_189 = tpu.memref_squeeze %dma_wait3A_188 : memref<1x1x160x4x32xi32, #tpu.memory_space<hbm>> -> memref<160x4x32xi32, #tpu.memory_space<hbm>>
          %dma_wait3A_190 = arith.constant 0 : i32
          %dma_wait3A_191 = arith.constant 0 : i32
          %dma_wait3A_192 = tpu.memref_slice %dma_wait3A_189[%add3A_120, %dma_wait3A_190, %dma_wait3A_191] : memref<160x4x32xi32, #tpu.memory_space<hbm>> -> memref<1x4x32xi32, #tpu.memory_space<hbm>>
          %dma_wait3A_193 = tpu.memref_squeeze %dma_wait3A_192 : memref<1x4x32xi32, #tpu.memory_space<hbm>> -> memref<4x32xi32, #tpu.memory_space<hbm>>
          %dma_wait3A_194 = arith.constant 0 : i32
          %dma_wait3A_195 = arith.constant 0 : i32
          %dma_wait3A_196 = arith.constant 0 : i32
          %dma_wait3A_197 = tpu.memref_slice %arg3[%arg0, %add3A_3, %dma_wait3A_194, %dma_wait3A_195, %dma_wait3A_196] : memref<2x32x160x4x32xi32, #tpu.memory_space<hbm>> -> memref<1x1x160x4x32xi32, #tpu.memory_space<hbm>>
          %dma_wait3A_198 = tpu.memref_squeeze %dma_wait3A_197 : memref<1x1x160x4x32xi32, #tpu.memory_space<hbm>> -> memref<160x4x32xi32, #tpu.memory_space<hbm>>
          %dma_wait3A_199 = arith.constant 0 : i32
          %dma_wait3A_200 = arith.constant 0 : i32
          %dma_wait3A_201 = tpu.memref_slice %dma_wait3A_198[%add3A_120, %dma_wait3A_199, %dma_wait3A_200] : memref<160x4x32xi32, #tpu.memory_space<hbm>> -> memref<1x4x32xi32, #tpu.memory_space<hbm>>
          %dma_wait3A_202 = tpu.memref_squeeze %dma_wait3A_201 : memref<1x4x32xi32, #tpu.memory_space<hbm>> -> memref<4x32xi32, #tpu.memory_space<hbm>>
          tpu.wait_dma2 semaphore(%run_scoped3A : memref<!tpu.dma_semaphore, #tpu.memory_space<semaphore_mem>>) src(%dma_wait3A_202 : memref<4x32xi32, #tpu.memory_space<hbm>>) dst(%arg7 : memref<4x32xi32, #tpu.memory_space<vmem>>)
          tpu.yield
        }) : () -> ()
        %dma_start3A = arith.constant 0 : i32
        %dma_start3A_153 = arith.constant 0 : i32
        %dma_start3A_154 = tpu.memref_slice %arg7[%dma_start3A, %dma_start3A_153] : memref<4x32xi32, #tpu.memory_space<vmem>> -> memref<1x32xi32, #tpu.memory_space<vmem>>
        %dma_start3A_155 = tpu.memref_squeeze %dma_start3A_154 : memref<1x32xi32, #tpu.memory_space<vmem>> -> memref<32xi32, #tpu.memory_space<vmem>>
        %dma_start3A_156 = arith.constant 0 : i32
        %dma_start3A_157 = arith.constant 0 : i32
        %dma_start3A_158 = arith.constant 0 : i32
        %dma_start3A_159 = tpu.memref_slice %arg2[%dma_start3A_156, %dma_start3A_157, %dma_start3A_158] : memref<10000x2x128xf32, #tpu.memory_space<hbm>> -> memref<10000x2x128xf32, #tpu.memory_space<hbm>>
        tpu.enqueue_indirect_dma source(%dma_start3A_159 : memref<10000x2x128xf32, #tpu.memory_space<hbm>>) target(%arg9 : memref<32x2x128xf32, #tpu.memory_space<vmem>>) offsets(%dma_start3A_155 : memref<32xi32, #tpu.memory_space<vmem>>) semaphore(%arg15 : memref<!tpu.dma_semaphore, #tpu.memory_space<semaphore_mem>>)
        %dma_start3A_160 = arith.constant 2 : i32
        %dma_start3A_161 = arith.constant 0 : i32
        %dma_start3A_162 = tpu.memref_slice %arg7[%dma_start3A_160, %dma_start3A_161] : memref<4x32xi32, #tpu.memory_space<vmem>> -> memref<1x32xi32, #tpu.memory_space<vmem>>
        %dma_start3A_163 = tpu.memref_squeeze %dma_start3A_162 : memref<1x32xi32, #tpu.memory_space<vmem>> -> memref<32xi32, #tpu.memory_space<vmem>>
        %dma_start3A_164 = arith.constant 0 : i32
        %dma_start3A_165 = arith.constant 0 : i32
        %dma_start3A_166 = arith.constant 0 : i32
        %dma_start3A_167 = tpu.memref_slice %arg2[%dma_start3A_164, %dma_start3A_165, %dma_start3A_166] : memref<10000x2x128xf32, #tpu.memory_space<hbm>> -> memref<10000x2x128xf32, #tpu.memory_space<hbm>>
        tpu.enqueue_indirect_dma source(%dma_start3A_167 : memref<10000x2x128xf32, #tpu.memory_space<hbm>>) target(%arg10 : memref<32x2x128xf32, #tpu.memory_space<vmem>>) offsets(%dma_start3A_163 : memref<32xi32, #tpu.memory_space<vmem>>) semaphore(%arg16 : memref<!tpu.dma_semaphore, #tpu.memory_space<semaphore_mem>>)
      } else {
      }
      %mul3A_124 = arith.constant 2 : i32
      %mul3A_125 = arith.muli %mul3A_124, %while3A_116 : i32
      %add3A_126 = arith.constant 1 : i32
      %add3A_127 = arith.addi %mul3A_125, %add3A_126 : i32
      %lt3A_128 = arith.cmpi slt, %add3A_127, %select_n3A : i32
      %convert_element_type3A_129 = arith.extui %lt3A_128 : i1 to i32
      %cond3A_130 = arith.constant 0 : i32
      %cond3A_131 = arith.cmpi ne, %convert_element_type3A_129, %cond3A_130 : i32
      scf.if %cond3A_131 {
        %gt3A_148 = arith.constant 1 : i32
        %gt3A_149 = arith.cmpi sgt, %add3A_127, %gt3A_148 : i32
        %convert_element_type3A_150 = arith.extui %gt3A_149 : i1 to i32
        %cond3A_151 = arith.constant 0 : i32
        %cond3A_152 = arith.cmpi ne, %convert_element_type3A_150, %cond3A_151 : i32
        scf.if %cond3A_152 {
          %dma_wait3A = arith.constant 1 : i32
          %dma_wait3A_168 = arith.constant 0 : i32
          %dma_wait3A_169 = tpu.memref_slice %arg8[%dma_wait3A, %dma_wait3A_168] : memref<4x32xi32, #tpu.memory_space<vmem>> -> memref<1x32xi32, #tpu.memory_space<vmem>>
          %dma_wait3A_170 = tpu.memref_squeeze %dma_wait3A_169 : memref<1x32xi32, #tpu.memory_space<vmem>> -> memref<32xi32, #tpu.memory_space<vmem>>
          %dma_wait3A_171 = arith.constant 0 : i32
          %dma_wait3A_172 = arith.constant 0 : i32
          %dma_wait3A_173 = arith.constant 0 : i32
          %dma_wait3A_174 = tpu.memref_slice %arg14[%dma_wait3A_171, %dma_wait3A_172, %dma_wait3A_173] : memref<5248x2x128xf32, #tpu.memory_space<vmem_shared>> -> memref<5248x2x128xf32, #tpu.memory_space<vmem_shared>>
          tpu.wait_indirect_dma semaphore(%arg21 : memref<!tpu.dma_semaphore, #tpu.memory_space<semaphore_mem>>) src(%arg11 : memref<32x2x128xf32, #tpu.memory_space<vmem>>) dst(%dma_wait3A_174 : memref<5248x2x128xf32, #tpu.memory_space<vmem_shared>>)
          %dma_wait3A_175 = arith.constant 3 : i32
          %dma_wait3A_176 = arith.constant 0 : i32
          %dma_wait3A_177 = tpu.memref_slice %arg8[%dma_wait3A_175, %dma_wait3A_176] : memref<4x32xi32, #tpu.memory_space<vmem>> -> memref<1x32xi32, #tpu.memory_space<vmem>>
          %dma_wait3A_178 = tpu.memref_squeeze %dma_wait3A_177 : memref<1x32xi32, #tpu.memory_space<vmem>> -> memref<32xi32, #tpu.memory_space<vmem>>
          %dma_wait3A_179 = arith.constant 0 : i32
          %dma_wait3A_180 = arith.constant 0 : i32
          %dma_wait3A_181 = arith.constant 0 : i32
          %dma_wait3A_182 = tpu.memref_slice %arg14[%dma_wait3A_179, %dma_wait3A_180, %dma_wait3A_181] : memref<5248x2x128xf32, #tpu.memory_space<vmem_shared>> -> memref<5248x2x128xf32, #tpu.memory_space<vmem_shared>>
          tpu.wait_indirect_dma semaphore(%arg22 : memref<!tpu.dma_semaphore, #tpu.memory_space<semaphore_mem>>) src(%arg12 : memref<32x2x128xf32, #tpu.memory_space<vmem>>) dst(%dma_wait3A_182 : memref<5248x2x128xf32, #tpu.memory_space<vmem_shared>>)
        } else {
        }
        "tpu.region"() ({
          %run_scoped3A = tpu.sem_alloc : memref<!tpu.dma_semaphore, #tpu.memory_space<semaphore_mem>>
          %dma_start3A_168 = arith.constant 0 : i32
          %dma_start3A_169 = arith.constant 0 : i32
          %dma_start3A_170 = arith.constant 0 : i32
          %dma_start3A_171 = tpu.memref_slice %arg3[%arg0, %add3A_3, %dma_start3A_168, %dma_start3A_169, %dma_start3A_170] : memref<2x32x160x4x32xi32, #tpu.memory_space<hbm>> -> memref<1x1x160x4x32xi32, #tpu.memory_space<hbm>>
          %dma_start3A_172 = tpu.memref_squeeze %dma_start3A_171 : memref<1x1x160x4x32xi32, #tpu.memory_space<hbm>> -> memref<160x4x32xi32, #tpu.memory_space<hbm>>
          %dma_start3A_173 = arith.constant 0 : i32
          %dma_start3A_174 = arith.constant 0 : i32
          %dma_start3A_175 = tpu.memref_slice %dma_start3A_172[%add3A_127, %dma_start3A_173, %dma_start3A_174] : memref<160x4x32xi32, #tpu.memory_space<hbm>> -> memref<1x4x32xi32, #tpu.memory_space<hbm>>
          %dma_start3A_176 = tpu.memref_squeeze %dma_start3A_175 : memref<1x4x32xi32, #tpu.memory_space<hbm>> -> memref<4x32xi32, #tpu.memory_space<hbm>>
          %dma_start3A_177 = arith.constant 0 : i32
          %dma_start3A_178 = arith.constant 0 : i32
          %dma_start3A_179 = arith.constant 0 : i32
          %dma_start3A_180 = tpu.memref_slice %arg3[%arg0, %add3A_3, %dma_start3A_177, %dma_start3A_178, %dma_start3A_179] : memref<2x32x160x4x32xi32, #tpu.memory_space<hbm>> -> memref<1x1x160x4x32xi32, #tpu.memory_space<hbm>>
          %dma_start3A_181 = tpu.memref_squeeze %dma_start3A_180 : memref<1x1x160x4x32xi32, #tpu.memory_space<hbm>> -> memref<160x4x32xi32, #tpu.memory_space<hbm>>
          %dma_start3A_182 = arith.constant 0 : i32
          %dma_start3A_183 = arith.constant 0 : i32
          %dma_start3A_184 = tpu.memref_slice %dma_start3A_181[%add3A_127, %dma_start3A_182, %dma_start3A_183] : memref<160x4x32xi32, #tpu.memory_space<hbm>> -> memref<1x4x32xi32, #tpu.memory_space<hbm>>
          %dma_start3A_185 = tpu.memref_squeeze %dma_start3A_184 : memref<1x4x32xi32, #tpu.memory_space<hbm>> -> memref<4x32xi32, #tpu.memory_space<hbm>>
          tpu.enqueue_dma source(%dma_start3A_185 : memref<4x32xi32, #tpu.memory_space<hbm>>) target(%arg8 : memref<4x32xi32, #tpu.memory_space<vmem>>) target_semaphore(%run_scoped3A : memref<!tpu.dma_semaphore, #tpu.memory_space<semaphore_mem>>)
          %dma_wait3A = arith.constant 0 : i32
          %dma_wait3A_186 = arith.constant 0 : i32
          %dma_wait3A_187 = arith.constant 0 : i32
          %dma_wait3A_188 = tpu.memref_slice %arg3[%arg0, %add3A_3, %dma_wait3A, %dma_wait3A_186, %dma_wait3A_187] : memref<2x32x160x4x32xi32, #tpu.memory_space<hbm>> -> memref<1x1x160x4x32xi32, #tpu.memory_space<hbm>>
          %dma_wait3A_189 = tpu.memref_squeeze %dma_wait3A_188 : memref<1x1x160x4x32xi32, #tpu.memory_space<hbm>> -> memref<160x4x32xi32, #tpu.memory_space<hbm>>
          %dma_wait3A_190 = arith.constant 0 : i32
          %dma_wait3A_191 = arith.constant 0 : i32
          %dma_wait3A_192 = tpu.memref_slice %dma_wait3A_189[%add3A_127, %dma_wait3A_190, %dma_wait3A_191] : memref<160x4x32xi32, #tpu.memory_space<hbm>> -> memref<1x4x32xi32, #tpu.memory_space<hbm>>
          %dma_wait3A_193 = tpu.memref_squeeze %dma_wait3A_192 : memref<1x4x32xi32, #tpu.memory_space<hbm>> -> memref<4x32xi32, #tpu.memory_space<hbm>>
          %dma_wait3A_194 = arith.constant 0 : i32
          %dma_wait3A_195 = arith.constant 0 : i32
          %dma_wait3A_196 = arith.constant 0 : i32
          %dma_wait3A_197 = tpu.memref_slice %arg3[%arg0, %add3A_3, %dma_wait3A_194, %dma_wait3A_195, %dma_wait3A_196] : memref<2x32x160x4x32xi32, #tpu.memory_space<hbm>> -> memref<1x1x160x4x32xi32, #tpu.memory_space<hbm>>
          %dma_wait3A_198 = tpu.memref_squeeze %dma_wait3A_197 : memref<1x1x160x4x32xi32, #tpu.memory_space<hbm>> -> memref<160x4x32xi32, #tpu.memory_space<hbm>>
          %dma_wait3A_199 = arith.constant 0 : i32
          %dma_wait3A_200 = arith.constant 0 : i32
          %dma_wait3A_201 = tpu.memref_slice %dma_wait3A_198[%add3A_127, %dma_wait3A_199, %dma_wait3A_200] : memref<160x4x32xi32, #tpu.memory_space<hbm>> -> memref<1x4x32xi32, #tpu.memory_space<hbm>>
          %dma_wait3A_202 = tpu.memref_squeeze %dma_wait3A_201 : memref<1x4x32xi32, #tpu.memory_space<hbm>> -> memref<4x32xi32, #tpu.memory_space<hbm>>
          tpu.wait_dma2 semaphore(%run_scoped3A : memref<!tpu.dma_semaphore, #tpu.memory_space<semaphore_mem>>) src(%dma_wait3A_202 : memref<4x32xi32, #tpu.memory_space<hbm>>) dst(%arg8 : memref<4x32xi32, #tpu.memory_space<vmem>>)
          tpu.yield
        }) : () -> ()
        %dma_start3A = arith.constant 0 : i32
        %dma_start3A_153 = arith.constant 0 : i32
        %dma_start3A_154 = tpu.memref_slice %arg8[%dma_start3A, %dma_start3A_153] : memref<4x32xi32, #tpu.memory_space<vmem>> -> memref<1x32xi32, #tpu.memory_space<vmem>>
        %dma_start3A_155 = tpu.memref_squeeze %dma_start3A_154 : memref<1x32xi32, #tpu.memory_space<vmem>> -> memref<32xi32, #tpu.memory_space<vmem>>
        %dma_start3A_156 = arith.constant 0 : i32
        %dma_start3A_157 = arith.constant 0 : i32
        %dma_start3A_158 = arith.constant 0 : i32
        %dma_start3A_159 = tpu.memref_slice %arg2[%dma_start3A_156, %dma_start3A_157, %dma_start3A_158] : memref<10000x2x128xf32, #tpu.memory_space<hbm>> -> memref<10000x2x128xf32, #tpu.memory_space<hbm>>
        tpu.enqueue_indirect_dma source(%dma_start3A_159 : memref<10000x2x128xf32, #tpu.memory_space<hbm>>) target(%arg11 : memref<32x2x128xf32, #tpu.memory_space<vmem>>) offsets(%dma_start3A_155 : memref<32xi32, #tpu.memory_space<vmem>>) semaphore(%arg17 : memref<!tpu.dma_semaphore, #tpu.memory_space<semaphore_mem>>)
        %dma_start3A_160 = arith.constant 2 : i32
        %dma_start3A_161 = arith.constant 0 : i32
        %dma_start3A_162 = tpu.memref_slice %arg8[%dma_start3A_160, %dma_start3A_161] : memref<4x32xi32, #tpu.memory_space<vmem>> -> memref<1x32xi32, #tpu.memory_space<vmem>>
        %dma_start3A_163 = tpu.memref_squeeze %dma_start3A_162 : memref<1x32xi32, #tpu.memory_space<vmem>> -> memref<32xi32, #tpu.memory_space<vmem>>
        %dma_start3A_164 = arith.constant 0 : i32
        %dma_start3A_165 = arith.constant 0 : i32
        %dma_start3A_166 = arith.constant 0 : i32
        %dma_start3A_167 = tpu.memref_slice %arg2[%dma_start3A_164, %dma_start3A_165, %dma_start3A_166] : memref<10000x2x128xf32, #tpu.memory_space<hbm>> -> memref<10000x2x128xf32, #tpu.memory_space<hbm>>
        tpu.enqueue_indirect_dma source(%dma_start3A_167 : memref<10000x2x128xf32, #tpu.memory_space<hbm>>) target(%arg12 : memref<32x2x128xf32, #tpu.memory_space<vmem>>) offsets(%dma_start3A_163 : memref<32xi32, #tpu.memory_space<vmem>>) semaphore(%arg18 : memref<!tpu.dma_semaphore, #tpu.memory_space<semaphore_mem>>)
      } else {
      }
      %mul3A_132 = arith.constant 2 : i32
      %mul3A_133 = arith.muli %mul3A_132, %while3A_116 : i32
      %add3A_134 = arith.constant 0 : i32
      %add3A_135 = arith.addi %mul3A_133, %add3A_134 : i32
      %lt3A_136 = arith.cmpi slt, %add3A_135, %select_n3A : i32
      %convert_element_type3A_137 = arith.extui %lt3A_136 : i1 to i32
      %cond3A_138 = arith.constant 0 : i32
      %cond3A_139 = arith.cmpi ne, %convert_element_type3A_137, %cond3A_138 : i32
      scf.if %cond3A_139 {
        %dma_wait3A = arith.constant 0 : i32
        %dma_wait3A_148 = arith.constant 0 : i32
        %dma_wait3A_149 = tpu.memref_slice %arg7[%dma_wait3A, %dma_wait3A_148] : memref<4x32xi32, #tpu.memory_space<vmem>> -> memref<1x32xi32, #tpu.memory_space<vmem>>
        %dma_wait3A_150 = tpu.memref_squeeze %dma_wait3A_149 : memref<1x32xi32, #tpu.memory_space<vmem>> -> memref<32xi32, #tpu.memory_space<vmem>>
        %dma_wait3A_151 = arith.constant 0 : i32
        %dma_wait3A_152 = arith.constant 0 : i32
        %dma_wait3A_153 = arith.constant 0 : i32
        %dma_wait3A_154 = tpu.memref_slice %arg2[%dma_wait3A_151, %dma_wait3A_152, %dma_wait3A_153] : memref<10000x2x128xf32, #tpu.memory_space<hbm>> -> memref<10000x2x128xf32, #tpu.memory_space<hbm>>
        tpu.wait_indirect_dma semaphore(%arg15 : memref<!tpu.dma_semaphore, #tpu.memory_space<semaphore_mem>>) src(%dma_wait3A_154 : memref<10000x2x128xf32, #tpu.memory_space<hbm>>) dst(%arg9 : memref<32x2x128xf32, #tpu.memory_space<vmem>>)
        %dma_start3A = arith.constant 1 : i32
        %dma_start3A_155 = arith.constant 0 : i32
        %dma_start3A_156 = tpu.memref_slice %arg7[%dma_start3A, %dma_start3A_155] : memref<4x32xi32, #tpu.memory_space<vmem>> -> memref<1x32xi32, #tpu.memory_space<vmem>>
        %dma_start3A_157 = tpu.memref_squeeze %dma_start3A_156 : memref<1x32xi32, #tpu.memory_space<vmem>> -> memref<32xi32, #tpu.memory_space<vmem>>
        %dma_start3A_158 = arith.constant 0 : i32
        %dma_start3A_159 = arith.constant 0 : i32
        %dma_start3A_160 = arith.constant 0 : i32
        %dma_start3A_161 = tpu.memref_slice %arg14[%dma_start3A_158, %dma_start3A_159, %dma_start3A_160] : memref<5248x2x128xf32, #tpu.memory_space<vmem_shared>> -> memref<5248x2x128xf32, #tpu.memory_space<vmem_shared>>
        tpu.enqueue_indirect_dma source(%arg9 : memref<32x2x128xf32, #tpu.memory_space<vmem>>) target(%dma_start3A_161 : memref<5248x2x128xf32, #tpu.memory_space<vmem_shared>>) offsets(%dma_start3A_157 : memref<32xi32, #tpu.memory_space<vmem>>) semaphore(%arg19 : memref<!tpu.dma_semaphore, #tpu.memory_space<semaphore_mem>>) {add = true}
        %dma_wait3A_162 = arith.constant 2 : i32
        %dma_wait3A_163 = arith.constant 0 : i32
        %dma_wait3A_164 = tpu.memref_slice %arg7[%dma_wait3A_162, %dma_wait3A_163] : memref<4x32xi32, #tpu.memory_space<vmem>> -> memref<1x32xi32, #tpu.memory_space<vmem>>
        %dma_wait3A_165 = tpu.memref_squeeze %dma_wait3A_164 : memref<1x32xi32, #tpu.memory_space<vmem>> -> memref<32xi32, #tpu.memory_space<vmem>>
        %dma_wait3A_166 = arith.constant 0 : i32
        %dma_wait3A_167 = arith.constant 0 : i32
        %dma_wait3A_168 = arith.constant 0 : i32
        %dma_wait3A_169 = tpu.memref_slice %arg2[%dma_wait3A_166, %dma_wait3A_167, %dma_wait3A_168] : memref<10000x2x128xf32, #tpu.memory_space<hbm>> -> memref<10000x2x128xf32, #tpu.memory_space<hbm>>
        tpu.wait_indirect_dma semaphore(%arg16 : memref<!tpu.dma_semaphore, #tpu.memory_space<semaphore_mem>>) src(%dma_wait3A_169 : memref<10000x2x128xf32, #tpu.memory_space<hbm>>) dst(%arg10 : memref<32x2x128xf32, #tpu.memory_space<vmem>>)
        %dma_start3A_170 = arith.constant 3 : i32
        %dma_start3A_171 = arith.constant 0 : i32
        %dma_start3A_172 = tpu.memref_slice %arg7[%dma_start3A_170, %dma_start3A_171] : memref<4x32xi32, #tpu.memory_space<vmem>> -> memref<1x32xi32, #tpu.memory_space<vmem>>
        %dma_start3A_173 = tpu.memref_squeeze %dma_start3A_172 : memref<1x32xi32, #tpu.memory_space<vmem>> -> memref<32xi32, #tpu.memory_space<vmem>>
        %dma_start3A_174 = arith.constant 0 : i32
        %dma_start3A_175 = arith.constant 0 : i32
        %dma_start3A_176 = arith.constant 0 : i32
        %dma_start3A_177 = tpu.memref_slice %arg14[%dma_start3A_174, %dma_start3A_175, %dma_start3A_176] : memref<5248x2x128xf32, #tpu.memory_space<vmem_shared>> -> memref<5248x2x128xf32, #tpu.memory_space<vmem_shared>>
        tpu.enqueue_indirect_dma source(%arg10 : memref<32x2x128xf32, #tpu.memory_space<vmem>>) target(%dma_start3A_177 : memref<5248x2x128xf32, #tpu.memory_space<vmem_shared>>) offsets(%dma_start3A_173 : memref<32xi32, #tpu.memory_space<vmem>>) semaphore(%arg20 : memref<!tpu.dma_semaphore, #tpu.memory_space<semaphore_mem>>) {add = true}
      } else {
      }
      %mul3A_140 = arith.constant 2 : i32
      %mul3A_141 = arith.muli %mul3A_140, %while3A_116 : i32
      %add3A_142 = arith.constant 1 : i32
      %add3A_143 = arith.addi %mul3A_141, %add3A_142 : i32
      %lt3A_144 = arith.cmpi slt, %add3A_143, %select_n3A : i32
      %convert_element_type3A_145 = arith.extui %lt3A_144 : i1 to i32
      %cond3A_146 = arith.constant 0 : i32
      %cond3A_147 = arith.cmpi ne, %convert_element_type3A_145, %cond3A_146 : i32
      scf.if %cond3A_147 {
        %dma_wait3A = arith.constant 0 : i32
        %dma_wait3A_148 = arith.constant 0 : i32
        %dma_wait3A_149 = tpu.memref_slice %arg8[%dma_wait3A, %dma_wait3A_148] : memref<4x32xi32, #tpu.memory_space<vmem>> -> memref<1x32xi32, #tpu.memory_space<vmem>>
        %dma_wait3A_150 = tpu.memref_squeeze %dma_wait3A_149 : memref<1x32xi32, #tpu.memory_space<vmem>> -> memref<32xi32, #tpu.memory_space<vmem>>
        %dma_wait3A_151 = arith.constant 0 : i32
        %dma_wait3A_152 = arith.constant 0 : i32
        %dma_wait3A_153 = arith.constant 0 : i32
        %dma_wait3A_154 = tpu.memref_slice %arg2[%dma_wait3A_151, %dma_wait3A_152, %dma_wait3A_153] : memref<10000x2x128xf32, #tpu.memory_space<hbm>> -> memref<10000x2x128xf32, #tpu.memory_space<hbm>>
        tpu.wait_indirect_dma semaphore(%arg17 : memref<!tpu.dma_semaphore, #tpu.memory_space<semaphore_mem>>) src(%dma_wait3A_154 : memref<10000x2x128xf32, #tpu.memory_space<hbm>>) dst(%arg11 : memref<32x2x128xf32, #tpu.memory_space<vmem>>)
        %dma_start3A = arith.constant 1 : i32
        %dma_start3A_155 = arith.constant 0 : i32
        %dma_start3A_156 = tpu.memref_slice %arg8[%dma_start3A, %dma_start3A_155] : memref<4x32xi32, #tpu.memory_space<vmem>> -> memref<1x32xi32, #tpu.memory_space<vmem>>
        %dma_start3A_157 = tpu.memref_squeeze %dma_start3A_156 : memref<1x32xi32, #tpu.memory_space<vmem>> -> memref<32xi32, #tpu.memory_space<vmem>>
        %dma_start3A_158 = arith.constant 0 : i32
        %dma_start3A_159 = arith.constant 0 : i32
        %dma_start3A_160 = arith.constant 0 : i32
        %dma_start3A_161 = tpu.memref_slice %arg14[%dma_start3A_158, %dma_start3A_159, %dma_start3A_160] : memref<5248x2x128xf32, #tpu.memory_space<vmem_shared>> -> memref<5248x2x128xf32, #tpu.memory_space<vmem_shared>>
        tpu.enqueue_indirect_dma source(%arg11 : memref<32x2x128xf32, #tpu.memory_space<vmem>>) target(%dma_start3A_161 : memref<5248x2x128xf32, #tpu.memory_space<vmem_shared>>) offsets(%dma_start3A_157 : memref<32xi32, #tpu.memory_space<vmem>>) semaphore(%arg21 : memref<!tpu.dma_semaphore, #tpu.memory_space<semaphore_mem>>) {add = true}
        %dma_wait3A_162 = arith.constant 2 : i32
        %dma_wait3A_163 = arith.constant 0 : i32
        %dma_wait3A_164 = tpu.memref_slice %arg8[%dma_wait3A_162, %dma_wait3A_163] : memref<4x32xi32, #tpu.memory_space<vmem>> -> memref<1x32xi32, #tpu.memory_space<vmem>>
        %dma_wait3A_165 = tpu.memref_squeeze %dma_wait3A_164 : memref<1x32xi32, #tpu.memory_space<vmem>> -> memref<32xi32, #tpu.memory_space<vmem>>
        %dma_wait3A_166 = arith.constant 0 : i32
        %dma_wait3A_167 = arith.constant 0 : i32
        %dma_wait3A_168 = arith.constant 0 : i32
        %dma_wait3A_169 = tpu.memref_slice %arg2[%dma_wait3A_166, %dma_wait3A_167, %dma_wait3A_168] : memref<10000x2x128xf32, #tpu.memory_space<hbm>> -> memref<10000x2x128xf32, #tpu.memory_space<hbm>>
        tpu.wait_indirect_dma semaphore(%arg18 : memref<!tpu.dma_semaphore, #tpu.memory_space<semaphore_mem>>) src(%dma_wait3A_169 : memref<10000x2x128xf32, #tpu.memory_space<hbm>>) dst(%arg12 : memref<32x2x128xf32, #tpu.memory_space<vmem>>)
        %dma_start3A_170 = arith.constant 3 : i32
        %dma_start3A_171 = arith.constant 0 : i32
        %dma_start3A_172 = tpu.memref_slice %arg8[%dma_start3A_170, %dma_start3A_171] : memref<4x32xi32, #tpu.memory_space<vmem>> -> memref<1x32xi32, #tpu.memory_space<vmem>>
        %dma_start3A_173 = tpu.memref_squeeze %dma_start3A_172 : memref<1x32xi32, #tpu.memory_space<vmem>> -> memref<32xi32, #tpu.memory_space<vmem>>
        %dma_start3A_174 = arith.constant 0 : i32
        %dma_start3A_175 = arith.constant 0 : i32
        %dma_start3A_176 = arith.constant 0 : i32
        %dma_start3A_177 = tpu.memref_slice %arg14[%dma_start3A_174, %dma_start3A_175, %dma_start3A_176] : memref<5248x2x128xf32, #tpu.memory_space<vmem_shared>> -> memref<5248x2x128xf32, #tpu.memory_space<vmem_shared>>
        tpu.enqueue_indirect_dma source(%arg12 : memref<32x2x128xf32, #tpu.memory_space<vmem>>) target(%dma_start3A_177 : memref<5248x2x128xf32, #tpu.memory_space<vmem_shared>>) offsets(%dma_start3A_173 : memref<32xi32, #tpu.memory_space<vmem>>) semaphore(%arg22 : memref<!tpu.dma_semaphore, #tpu.memory_space<semaphore_mem>>) {add = true}
      } else {
      }
    }
    %gt3A = arith.constant 0 : i32
    %gt3A_39 = arith.cmpi sgt, %select_n3A, %gt3A : i32
    %convert_element_type3A = arith.extui %gt3A_39 : i1 to i32
    %cond3A = arith.constant 0 : i32
    %cond3A_40 = arith.cmpi ne, %convert_element_type3A, %cond3A : i32
    scf.if %cond3A_40 {
      %dma_wait3A = arith.constant 1 : i32
      %dma_wait3A_116 = arith.constant 0 : i32
      %dma_wait3A_117 = tpu.memref_slice %arg7[%dma_wait3A, %dma_wait3A_116] : memref<4x32xi32, #tpu.memory_space<vmem>> -> memref<1x32xi32, #tpu.memory_space<vmem>>
      %dma_wait3A_118 = tpu.memref_squeeze %dma_wait3A_117 : memref<1x32xi32, #tpu.memory_space<vmem>> -> memref<32xi32, #tpu.memory_space<vmem>>
      %dma_wait3A_119 = arith.constant 0 : i32
      %dma_wait3A_120 = arith.constant 0 : i32
      %dma_wait3A_121 = arith.constant 0 : i32
      %dma_wait3A_122 = tpu.memref_slice %arg14[%dma_wait3A_119, %dma_wait3A_120, %dma_wait3A_121] : memref<5248x2x128xf32, #tpu.memory_space<vmem_shared>> -> memref<5248x2x128xf32, #tpu.memory_space<vmem_shared>>
      tpu.wait_indirect_dma semaphore(%arg19 : memref<!tpu.dma_semaphore, #tpu.memory_space<semaphore_mem>>) src(%arg9 : memref<32x2x128xf32, #tpu.memory_space<vmem>>) dst(%dma_wait3A_122 : memref<5248x2x128xf32, #tpu.memory_space<vmem_shared>>)
      %dma_wait3A_123 = arith.constant 3 : i32
      %dma_wait3A_124 = arith.constant 0 : i32
      %dma_wait3A_125 = tpu.memref_slice %arg7[%dma_wait3A_123, %dma_wait3A_124] : memref<4x32xi32, #tpu.memory_space<vmem>> -> memref<1x32xi32, #tpu.memory_space<vmem>>
      %dma_wait3A_126 = tpu.memref_squeeze %dma_wait3A_125 : memref<1x32xi32, #tpu.memory_space<vmem>> -> memref<32xi32, #tpu.memory_space<vmem>>
      %dma_wait3A_127 = arith.constant 0 : i32
      %dma_wait3A_128 = arith.constant 0 : i32
      %dma_wait3A_129 = arith.constant 0 : i32
      %dma_wait3A_130 = tpu.memref_slice %arg14[%dma_wait3A_127, %dma_wait3A_128, %dma_wait3A_129] : memref<5248x2x128xf32, #tpu.memory_space<vmem_shared>> -> memref<5248x2x128xf32, #tpu.memory_space<vmem_shared>>
      tpu.wait_indirect_dma semaphore(%arg20 : memref<!tpu.dma_semaphore, #tpu.memory_space<semaphore_mem>>) src(%arg10 : memref<32x2x128xf32, #tpu.memory_space<vmem>>) dst(%dma_wait3A_130 : memref<5248x2x128xf32, #tpu.memory_space<vmem_shared>>)
    } else {
    }
    %gt3A_41 = arith.constant 1 : i32
    %gt3A_42 = arith.cmpi sgt, %select_n3A, %gt3A_41 : i32
    %convert_element_type3A_43 = arith.extui %gt3A_42 : i1 to i32
    %cond3A_44 = arith.constant 0 : i32
    %cond3A_45 = arith.cmpi ne, %convert_element_type3A_43, %cond3A_44 : i32
    scf.if %cond3A_45 {
      %dma_wait3A = arith.constant 1 : i32
      %dma_wait3A_116 = arith.constant 0 : i32
      %dma_wait3A_117 = tpu.memref_slice %arg8[%dma_wait3A, %dma_wait3A_116] : memref<4x32xi32, #tpu.memory_space<vmem>> -> memref<1x32xi32, #tpu.memory_space<vmem>>
      %dma_wait3A_118 = tpu.memref_squeeze %dma_wait3A_117 : memref<1x32xi32, #tpu.memory_space<vmem>> -> memref<32xi32, #tpu.memory_space<vmem>>
      %dma_wait3A_119 = arith.constant 0 : i32
      %dma_wait3A_120 = arith.constant 0 : i32
      %dma_wait3A_121 = arith.constant 0 : i32
      %dma_wait3A_122 = tpu.memref_slice %arg14[%dma_wait3A_119, %dma_wait3A_120, %dma_wait3A_121] : memref<5248x2x128xf32, #tpu.memory_space<vmem_shared>> -> memref<5248x2x128xf32, #tpu.memory_space<vmem_shared>>
      tpu.wait_indirect_dma semaphore(%arg21 : memref<!tpu.dma_semaphore, #tpu.memory_space<semaphore_mem>>) src(%arg11 : memref<32x2x128xf32, #tpu.memory_space<vmem>>) dst(%dma_wait3A_122 : memref<5248x2x128xf32, #tpu.memory_space<vmem_shared>>)
      %dma_wait3A_123 = arith.constant 3 : i32
      %dma_wait3A_124 = arith.constant 0 : i32
      %dma_wait3A_125 = tpu.memref_slice %arg8[%dma_wait3A_123, %dma_wait3A_124] : memref<4x32xi32, #tpu.memory_space<vmem>> -> memref<1x32xi32, #tpu.memory_space<vmem>>
      %dma_wait3A_126 = tpu.memref_squeeze %dma_wait3A_125 : memref<1x32xi32, #tpu.memory_space<vmem>> -> memref<32xi32, #tpu.memory_space<vmem>>
      %dma_wait3A_127 = arith.constant 0 : i32
      %dma_wait3A_128 = arith.constant 0 : i32
      %dma_wait3A_129 = arith.constant 0 : i32
      %dma_wait3A_130 = tpu.memref_slice %arg14[%dma_wait3A_127, %dma_wait3A_128, %dma_wait3A_129] : memref<5248x2x128xf32, #tpu.memory_space<vmem_shared>> -> memref<5248x2x128xf32, #tpu.memory_space<vmem_shared>>
      tpu.wait_indirect_dma semaphore(%arg22 : memref<!tpu.dma_semaphore, #tpu.memory_space<semaphore_mem>>) src(%arg12 : memref<32x2x128xf32, #tpu.memory_space<vmem>>) dst(%dma_wait3A_130 : memref<5248x2x128xf32, #tpu.memory_space<vmem_shared>>)
    } else {
    }
    %mul3A_46 = arith.constant 2 : i32
    %mul3A_47 = arith.muli %mul3A_46, %arg1 : i32
    %add3A_48 = arith.constant 1 : i32
    %add3A_49 = arith.addi %mul3A_47, %add3A_48 : i32
    %mul3A_50 = arith.constant 16 : i32
    %mul3A_51 = arith.muli %add3A_49, %mul3A_50 : i32
    %get3A_52 = arith.index_cast %mul3A_51 : i32 to index
    %get3A_53 = tpu.vector_load %arg13[%get3A_52] {strides = array<i32>} : memref<512xi32, #tpu.memory_space<vmem>>, vector<16xi32>,
    %get3A_54 = vector.shape_cast %get3A_53 : vector<16xi32> to vector<16xi32>
    %slice3A_55 = vector.extract_strided_slice %get3A_54 {offsets = [0], sizes = [1], strides = [1]} : vector<16xi32> to vector<1xi32>
    %squeeze3A_56 = vector.extract %slice3A_55[0] : i32 from vector<1xi32>
    %slice3A_57 = vector.extract_strided_slice %get3A_54 {offsets = [1], sizes = [1], strides = [1]} : vector<16xi32> to vector<1xi32>
    %squeeze3A_58 = vector.extract %slice3A_57[0] : i32 from vector<1xi32>
    %eq3A_59 = arith.constant 0 : i32
    %eq3A_60 = arith.cmpi eq, %arg0, %eq3A_59 : i32
    %select_n3A_61 = arith.select %eq3A_60, %squeeze3A_56, %squeeze3A_58 : i32
    %add3A_62 = arith.constant 1 : i32
    %add3A_63 = arith.addi %select_n3A_61, %add3A_62 : i32
    %jit3A_64 = arith.constant 2 : i32
    %div3A_65 = arith.divsi %add3A_63, %jit3A_64 : i32
    %sign3A_66 = arith.constant 0 : i32
    %sign3A_67 = arith.cmpi sgt, %add3A_63, %sign3A_66 : i32
    %sign3A_68 = arith.extui %sign3A_67 : i1 to i32
    %sign3A_69 = arith.constant 0 : i32
    %sign3A_70 = arith.cmpi slt, %add3A_63, %sign3A_69 : i32
    %sign3A_71 = arith.extui %sign3A_70 : i1 to i32
    %sign3A_72 = arith.subi %sign3A_68, %sign3A_71 : i32
    %sign3A_73 = arith.constant 0 : i32
    %sign3A_74 = arith.cmpi sgt, %jit3A_64, %sign3A_73 : i32
    %sign3A_75 = arith.extui %sign3A_74 : i1 to i32
    %sign3A_76 = arith.constant 0 : i32
    %sign3A_77 = arith.cmpi slt, %jit3A_64, %sign3A_76 : i32
    %sign3A_78 = arith.extui %sign3A_77 : i1 to i32
    %sign3A_79 = arith.subi %sign3A_75, %sign3A_78 : i32
    %ne3A_80 = arith.cmpi ne, %sign3A_72, %sign3A_79 : i32
    %rem3A_81 = arith.remsi %add3A_63, %jit3A_64 : i32
    %ne3A_82 = arith.constant 0 : i32
    %ne3A_83 = arith.cmpi ne, %rem3A_81, %ne3A_82 : i32
    %and3A_84 = arith.andi %ne3A_80, %ne3A_83 : i1
    %sub3A_85 = arith.constant 1 : i32
    %sub3A_86 = arith.subi %div3A_65, %sub3A_85 : i32
    %select_n3A_87 = arith.select %and3A_84, %sub3A_86, %div3A_65 : i32
    %while3A_88 = arith.constant 0 : i32
    %while3A_89 = arith.constant 0 : i32
    %while3A_90 = arith.subi %select_n3A_87, %while3A_89 : i32
    %while3A_91 = arith.addi %while3A_89, %while3A_90 : i32
    %while3A_92 = arith.constant 1 : i32
    %while3A_93 = arith.divsi %while3A_90, %while3A_92 : i32
    %while3A_94 = arith.muli %while3A_93, %while3A_92 : i32
    %while3A_95 = arith.addi %while3A_89, %while3A_94 : i32
    %while3A_96 = arith.constant 1 : i32
    scf.for %while3A_116 = %while3A_89 to %while3A_95 step %while3A_96  : i32 {
      %mul3A_117 = arith.constant 2 : i32
      %mul3A_118 = arith.muli %mul3A_117, %while3A_116 : i32
      %add3A_119 = arith.constant 0 : i32
      %add3A_120 = arith.addi %mul3A_118, %add3A_119 : i32
      %lt3A = arith.cmpi slt, %add3A_120, %select_n3A_61 : i32
      %convert_element_type3A_121 = arith.extui %lt3A : i1 to i32
      %cond3A_122 = arith.constant 0 : i32
      %cond3A_123 = arith.cmpi ne, %convert_element_type3A_121, %cond3A_122 : i32
      scf.if %cond3A_123 {
        %gt3A_148 = arith.constant 1 : i32
        %gt3A_149 = arith.cmpi sgt, %add3A_120, %gt3A_148 : i32
        %convert_element_type3A_150 = arith.extui %gt3A_149 : i1 to i32
        %cond3A_151 = arith.constant 0 : i32
        %cond3A_152 = arith.cmpi ne, %convert_element_type3A_150, %cond3A_151 : i32
        scf.if %cond3A_152 {
          %dma_wait3A = arith.constant 1 : i32
          %dma_wait3A_168 = arith.constant 0 : i32
          %dma_wait3A_169 = tpu.memref_slice %arg7[%dma_wait3A, %dma_wait3A_168] : memref<4x32xi32, #tpu.memory_space<vmem>> -> memref<1x32xi32, #tpu.memory_space<vmem>>
          %dma_wait3A_170 = tpu.memref_squeeze %dma_wait3A_169 : memref<1x32xi32, #tpu.memory_space<vmem>> -> memref<32xi32, #tpu.memory_space<vmem>>
          %dma_wait3A_171 = arith.constant 0 : i32
          %dma_wait3A_172 = arith.constant 0 : i32
          %dma_wait3A_173 = arith.constant 0 : i32
          %dma_wait3A_174 = tpu.memref_slice %arg14[%dma_wait3A_171, %dma_wait3A_172, %dma_wait3A_173] : memref<5248x2x128xf32, #tpu.memory_space<vmem_shared>> -> memref<5248x2x128xf32, #tpu.memory_space<vmem_shared>>
          tpu.wait_indirect_dma semaphore(%arg19 : memref<!tpu.dma_semaphore, #tpu.memory_space<semaphore_mem>>) src(%arg9 : memref<32x2x128xf32, #tpu.memory_space<vmem>>) dst(%dma_wait3A_174 : memref<5248x2x128xf32, #tpu.memory_space<vmem_shared>>)
          %dma_wait3A_175 = arith.constant 3 : i32
          %dma_wait3A_176 = arith.constant 0 : i32
          %dma_wait3A_177 = tpu.memref_slice %arg7[%dma_wait3A_175, %dma_wait3A_176] : memref<4x32xi32, #tpu.memory_space<vmem>> -> memref<1x32xi32, #tpu.memory_space<vmem>>
          %dma_wait3A_178 = tpu.memref_squeeze %dma_wait3A_177 : memref<1x32xi32, #tpu.memory_space<vmem>> -> memref<32xi32, #tpu.memory_space<vmem>>
          %dma_wait3A_179 = arith.constant 0 : i32
          %dma_wait3A_180 = arith.constant 0 : i32
          %dma_wait3A_181 = arith.constant 0 : i32
          %dma_wait3A_182 = tpu.memref_slice %arg14[%dma_wait3A_179, %dma_wait3A_180, %dma_wait3A_181] : memref<5248x2x128xf32, #tpu.memory_space<vmem_shared>> -> memref<5248x2x128xf32, #tpu.memory_space<vmem_shared>>
          tpu.wait_indirect_dma semaphore(%arg20 : memref<!tpu.dma_semaphore, #tpu.memory_space<semaphore_mem>>) src(%arg10 : memref<32x2x128xf32, #tpu.memory_space<vmem>>) dst(%dma_wait3A_182 : memref<5248x2x128xf32, #tpu.memory_space<vmem_shared>>)
        } else {
        }
        "tpu.region"() ({
          %run_scoped3A = tpu.sem_alloc : memref<!tpu.dma_semaphore, #tpu.memory_space<semaphore_mem>>
          %dma_start3A_168 = arith.constant 0 : i32
          %dma_start3A_169 = arith.constant 0 : i32
          %dma_start3A_170 = arith.constant 0 : i32
          %dma_start3A_171 = tpu.memref_slice %arg3[%arg0, %add3A_49, %dma_start3A_168, %dma_start3A_169, %dma_start3A_170] : memref<2x32x160x4x32xi32, #tpu.memory_space<hbm>> -> memref<1x1x160x4x32xi32, #tpu.memory_space<hbm>>
          %dma_start3A_172 = tpu.memref_squeeze %dma_start3A_171 : memref<1x1x160x4x32xi32, #tpu.memory_space<hbm>> -> memref<160x4x32xi32, #tpu.memory_space<hbm>>
          %dma_start3A_173 = arith.constant 0 : i32
          %dma_start3A_174 = arith.constant 0 : i32
          %dma_start3A_175 = tpu.memref_slice %dma_start3A_172[%add3A_120, %dma_start3A_173, %dma_start3A_174] : memref<160x4x32xi32, #tpu.memory_space<hbm>> -> memref<1x4x32xi32, #tpu.memory_space<hbm>>
          %dma_start3A_176 = tpu.memref_squeeze %dma_start3A_175 : memref<1x4x32xi32, #tpu.memory_space<hbm>> -> memref<4x32xi32, #tpu.memory_space<hbm>>
          %dma_start3A_177 = arith.constant 0 : i32
          %dma_start3A_178 = arith.constant 0 : i32
          %dma_start3A_179 = arith.constant 0 : i32
          %dma_start3A_180 = tpu.memref_slice %arg3[%arg0, %add3A_49, %dma_start3A_177, %dma_start3A_178, %dma_start3A_179] : memref<2x32x160x4x32xi32, #tpu.memory_space<hbm>> -> memref<1x1x160x4x32xi32, #tpu.memory_space<hbm>>
          %dma_start3A_181 = tpu.memref_squeeze %dma_start3A_180 : memref<1x1x160x4x32xi32, #tpu.memory_space<hbm>> -> memref<160x4x32xi32, #tpu.memory_space<hbm>>
          %dma_start3A_182 = arith.constant 0 : i32
          %dma_start3A_183 = arith.constant 0 : i32
          %dma_start3A_184 = tpu.memref_slice %dma_start3A_181[%add3A_120, %dma_start3A_182, %dma_start3A_183] : memref<160x4x32xi32, #tpu.memory_space<hbm>> -> memref<1x4x32xi32, #tpu.memory_space<hbm>>
          %dma_start3A_185 = tpu.memref_squeeze %dma_start3A_184 : memref<1x4x32xi32, #tpu.memory_space<hbm>> -> memref<4x32xi32, #tpu.memory_space<hbm>>
          tpu.enqueue_dma source(%dma_start3A_185 : memref<4x32xi32, #tpu.memory_space<hbm>>) target(%arg7 : memref<4x32xi32, #tpu.memory_space<vmem>>) target_semaphore(%run_scoped3A : memref<!tpu.dma_semaphore, #tpu.memory_space<semaphore_mem>>)
          %dma_wait3A = arith.constant 0 : i32
          %dma_wait3A_186 = arith.constant 0 : i32
          %dma_wait3A_187 = arith.constant 0 : i32
          %dma_wait3A_188 = tpu.memref_slice %arg3[%arg0, %add3A_49, %dma_wait3A, %dma_wait3A_186, %dma_wait3A_187] : memref<2x32x160x4x32xi32, #tpu.memory_space<hbm>> -> memref<1x1x160x4x32xi32, #tpu.memory_space<hbm>>
          %dma_wait3A_189 = tpu.memref_squeeze %dma_wait3A_188 : memref<1x1x160x4x32xi32, #tpu.memory_space<hbm>> -> memref<160x4x32xi32, #tpu.memory_space<hbm>>
          %dma_wait3A_190 = arith.constant 0 : i32
          %dma_wait3A_191 = arith.constant 0 : i32
          %dma_wait3A_192 = tpu.memref_slice %dma_wait3A_189[%add3A_120, %dma_wait3A_190, %dma_wait3A_191] : memref<160x4x32xi32, #tpu.memory_space<hbm>> -> memref<1x4x32xi32, #tpu.memory_space<hbm>>
          %dma_wait3A_193 = tpu.memref_squeeze %dma_wait3A_192 : memref<1x4x32xi32, #tpu.memory_space<hbm>> -> memref<4x32xi32, #tpu.memory_space<hbm>>
          %dma_wait3A_194 = arith.constant 0 : i32
          %dma_wait3A_195 = arith.constant 0 : i32
          %dma_wait3A_196 = arith.constant 0 : i32
          %dma_wait3A_197 = tpu.memref_slice %arg3[%arg0, %add3A_49, %dma_wait3A_194, %dma_wait3A_195, %dma_wait3A_196] : memref<2x32x160x4x32xi32, #tpu.memory_space<hbm>> -> memref<1x1x160x4x32xi32, #tpu.memory_space<hbm>>
          %dma_wait3A_198 = tpu.memref_squeeze %dma_wait3A_197 : memref<1x1x160x4x32xi32, #tpu.memory_space<hbm>> -> memref<160x4x32xi32, #tpu.memory_space<hbm>>
          %dma_wait3A_199 = arith.constant 0 : i32
          %dma_wait3A_200 = arith.constant 0 : i32
          %dma_wait3A_201 = tpu.memref_slice %dma_wait3A_198[%add3A_120, %dma_wait3A_199, %dma_wait3A_200] : memref<160x4x32xi32, #tpu.memory_space<hbm>> -> memref<1x4x32xi32, #tpu.memory_space<hbm>>
          %dma_wait3A_202 = tpu.memref_squeeze %dma_wait3A_201 : memref<1x4x32xi32, #tpu.memory_space<hbm>> -> memref<4x32xi32, #tpu.memory_space<hbm>>
          tpu.wait_dma2 semaphore(%run_scoped3A : memref<!tpu.dma_semaphore, #tpu.memory_space<semaphore_mem>>) src(%dma_wait3A_202 : memref<4x32xi32, #tpu.memory_space<hbm>>) dst(%arg7 : memref<4x32xi32, #tpu.memory_space<vmem>>)
          tpu.yield
        }) : () -> ()
        %dma_start3A = arith.constant 0 : i32
        %dma_start3A_153 = arith.constant 0 : i32
        %dma_start3A_154 = tpu.memref_slice %arg7[%dma_start3A, %dma_start3A_153] : memref<4x32xi32, #tpu.memory_space<vmem>> -> memref<1x32xi32, #tpu.memory_space<vmem>>
        %dma_start3A_155 = tpu.memref_squeeze %dma_start3A_154 : memref<1x32xi32, #tpu.memory_space<vmem>> -> memref<32xi32, #tpu.memory_space<vmem>>
        %dma_start3A_156 = arith.constant 0 : i32
        %dma_start3A_157 = arith.constant 0 : i32
        %dma_start3A_158 = arith.constant 0 : i32
        %dma_start3A_159 = tpu.memref_slice %arg2[%dma_start3A_156, %dma_start3A_157, %dma_start3A_158] : memref<10000x2x128xf32, #tpu.memory_space<hbm>> -> memref<10000x2x128xf32, #tpu.memory_space<hbm>>
        tpu.enqueue_indirect_dma source(%dma_start3A_159 : memref<10000x2x128xf32, #tpu.memory_space<hbm>>) target(%arg9 : memref<32x2x128xf32, #tpu.memory_space<vmem>>) offsets(%dma_start3A_155 : memref<32xi32, #tpu.memory_space<vmem>>) semaphore(%arg15 : memref<!tpu.dma_semaphore, #tpu.memory_space<semaphore_mem>>)
        %dma_start3A_160 = arith.constant 2 : i32
        %dma_start3A_161 = arith.constant 0 : i32
        %dma_start3A_162 = tpu.memref_slice %arg7[%dma_start3A_160, %dma_start3A_161] : memref<4x32xi32, #tpu.memory_space<vmem>> -> memref<1x32xi32, #tpu.memory_space<vmem>>
        %dma_start3A_163 = tpu.memref_squeeze %dma_start3A_162 : memref<1x32xi32, #tpu.memory_space<vmem>> -> memref<32xi32, #tpu.memory_space<vmem>>
        %dma_start3A_164 = arith.constant 0 : i32
        %dma_start3A_165 = arith.constant 0 : i32
        %dma_start3A_166 = arith.constant 0 : i32
        %dma_start3A_167 = tpu.memref_slice %arg2[%dma_start3A_164, %dma_start3A_165, %dma_start3A_166] : memref<10000x2x128xf32, #tpu.memory_space<hbm>> -> memref<10000x2x128xf32, #tpu.memory_space<hbm>>
        tpu.enqueue_indirect_dma source(%dma_start3A_167 : memref<10000x2x128xf32, #tpu.memory_space<hbm>>) target(%arg10 : memref<32x2x128xf32, #tpu.memory_space<vmem>>) offsets(%dma_start3A_163 : memref<32xi32, #tpu.memory_space<vmem>>) semaphore(%arg16 : memref<!tpu.dma_semaphore, #tpu.memory_space<semaphore_mem>>)
      } else {
      }
      %mul3A_124 = arith.constant 2 : i32
      %mul3A_125 = arith.muli %mul3A_124, %while3A_116 : i32
      %add3A_126 = arith.constant 1 : i32
      %add3A_127 = arith.addi %mul3A_125, %add3A_126 : i32
      %lt3A_128 = arith.cmpi slt, %add3A_127, %select_n3A_61 : i32
      %convert_element_type3A_129 = arith.extui %lt3A_128 : i1 to i32
      %cond3A_130 = arith.constant 0 : i32
      %cond3A_131 = arith.cmpi ne, %convert_element_type3A_129, %cond3A_130 : i32
      scf.if %cond3A_131 {
        %gt3A_148 = arith.constant 1 : i32
        %gt3A_149 = arith.cmpi sgt, %add3A_127, %gt3A_148 : i32
        %convert_element_type3A_150 = arith.extui %gt3A_149 : i1 to i32
        %cond3A_151 = arith.constant 0 : i32
        %cond3A_152 = arith.cmpi ne, %convert_element_type3A_150, %cond3A_151 : i32
        scf.if %cond3A_152 {
          %dma_wait3A = arith.constant 1 : i32
          %dma_wait3A_168 = arith.constant 0 : i32
          %dma_wait3A_169 = tpu.memref_slice %arg8[%dma_wait3A, %dma_wait3A_168] : memref<4x32xi32, #tpu.memory_space<vmem>> -> memref<1x32xi32, #tpu.memory_space<vmem>>
          %dma_wait3A_170 = tpu.memref_squeeze %dma_wait3A_169 : memref<1x32xi32, #tpu.memory_space<vmem>> -> memref<32xi32, #tpu.memory_space<vmem>>
          %dma_wait3A_171 = arith.constant 0 : i32
          %dma_wait3A_172 = arith.constant 0 : i32
          %dma_wait3A_173 = arith.constant 0 : i32
          %dma_wait3A_174 = tpu.memref_slice %arg14[%dma_wait3A_171, %dma_wait3A_172, %dma_wait3A_173] : memref<5248x2x128xf32, #tpu.memory_space<vmem_shared>> -> memref<5248x2x128xf32, #tpu.memory_space<vmem_shared>>
          tpu.wait_indirect_dma semaphore(%arg21 : memref<!tpu.dma_semaphore, #tpu.memory_space<semaphore_mem>>) src(%arg11 : memref<32x2x128xf32, #tpu.memory_space<vmem>>) dst(%dma_wait3A_174 : memref<5248x2x128xf32, #tpu.memory_space<vmem_shared>>)
          %dma_wait3A_175 = arith.constant 3 : i32
          %dma_wait3A_176 = arith.constant 0 : i32
          %dma_wait3A_177 = tpu.memref_slice %arg8[%dma_wait3A_175, %dma_wait3A_176] : memref<4x32xi32, #tpu.memory_space<vmem>> -> memref<1x32xi32, #tpu.memory_space<vmem>>
          %dma_wait3A_178 = tpu.memref_squeeze %dma_wait3A_177 : memref<1x32xi32, #tpu.memory_space<vmem>> -> memref<32xi32, #tpu.memory_space<vmem>>
          %dma_wait3A_179 = arith.constant 0 : i32
          %dma_wait3A_180 = arith.constant 0 : i32
          %dma_wait3A_181 = arith.constant 0 : i32
          %dma_wait3A_182 = tpu.memref_slice %arg14[%dma_wait3A_179, %dma_wait3A_180, %dma_wait3A_181] : memref<5248x2x128xf32, #tpu.memory_space<vmem_shared>> -> memref<5248x2x128xf32, #tpu.memory_space<vmem_shared>>
          tpu.wait_indirect_dma semaphore(%arg22 : memref<!tpu.dma_semaphore, #tpu.memory_space<semaphore_mem>>) src(%arg12 : memref<32x2x128xf32, #tpu.memory_space<vmem>>) dst(%dma_wait3A_182 : memref<5248x2x128xf32, #tpu.memory_space<vmem_shared>>)
        } else {
        }
        "tpu.region"() ({
          %run_scoped3A = tpu.sem_alloc : memref<!tpu.dma_semaphore, #tpu.memory_space<semaphore_mem>>
          %dma_start3A_168 = arith.constant 0 : i32
          %dma_start3A_169 = arith.constant 0 : i32
          %dma_start3A_170 = arith.constant 0 : i32
          %dma_start3A_171 = tpu.memref_slice %arg3[%arg0, %add3A_49, %dma_start3A_168, %dma_start3A_169, %dma_start3A_170] : memref<2x32x160x4x32xi32, #tpu.memory_space<hbm>> -> memref<1x1x160x4x32xi32, #tpu.memory_space<hbm>>
          %dma_start3A_172 = tpu.memref_squeeze %dma_start3A_171 : memref<1x1x160x4x32xi32, #tpu.memory_space<hbm>> -> memref<160x4x32xi32, #tpu.memory_space<hbm>>
          %dma_start3A_173 = arith.constant 0 : i32
          %dma_start3A_174 = arith.constant 0 : i32
          %dma_start3A_175 = tpu.memref_slice %dma_start3A_172[%add3A_127, %dma_start3A_173, %dma_start3A_174] : memref<160x4x32xi32, #tpu.memory_space<hbm>> -> memref<1x4x32xi32, #tpu.memory_space<hbm>>
          %dma_start3A_176 = tpu.memref_squeeze %dma_start3A_175 : memref<1x4x32xi32, #tpu.memory_space<hbm>> -> memref<4x32xi32, #tpu.memory_space<hbm>>
          %dma_start3A_177 = arith.constant 0 : i32
          %dma_start3A_178 = arith.constant 0 : i32
          %dma_start3A_179 = arith.constant 0 : i32
          %dma_start3A_180 = tpu.memref_slice %arg3[%arg0, %add3A_49, %dma_start3A_177, %dma_start3A_178, %dma_start3A_179] : memref<2x32x160x4x32xi32, #tpu.memory_space<hbm>> -> memref<1x1x160x4x32xi32, #tpu.memory_space<hbm>>
          %dma_start3A_181 = tpu.memref_squeeze %dma_start3A_180 : memref<1x1x160x4x32xi32, #tpu.memory_space<hbm>> -> memref<160x4x32xi32, #tpu.memory_space<hbm>>
          %dma_start3A_182 = arith.constant 0 : i32
          %dma_start3A_183 = arith.constant 0 : i32
          %dma_start3A_184 = tpu.memref_slice %dma_start3A_181[%add3A_127, %dma_start3A_182, %dma_start3A_183] : memref<160x4x32xi32, #tpu.memory_space<hbm>> -> memref<1x4x32xi32, #tpu.memory_space<hbm>>
          %dma_start3A_185 = tpu.memref_squeeze %dma_start3A_184 : memref<1x4x32xi32, #tpu.memory_space<hbm>> -> memref<4x32xi32, #tpu.memory_space<hbm>>
          tpu.enqueue_dma source(%dma_start3A_185 : memref<4x32xi32, #tpu.memory_space<hbm>>) target(%arg8 : memref<4x32xi32, #tpu.memory_space<vmem>>) target_semaphore(%run_scoped3A : memref<!tpu.dma_semaphore, #tpu.memory_space<semaphore_mem>>)
          %dma_wait3A = arith.constant 0 : i32
          %dma_wait3A_186 = arith.constant 0 : i32
          %dma_wait3A_187 = arith.constant 0 : i32
          %dma_wait3A_188 = tpu.memref_slice %arg3[%arg0, %add3A_49, %dma_wait3A, %dma_wait3A_186, %dma_wait3A_187] : memref<2x32x160x4x32xi32, #tpu.memory_space<hbm>> -> memref<1x1x160x4x32xi32, #tpu.memory_space<hbm>>
          %dma_wait3A_189 = tpu.memref_squeeze %dma_wait3A_188 : memref<1x1x160x4x32xi32, #tpu.memory_space<hbm>> -> memref<160x4x32xi32, #tpu.memory_space<hbm>>
          %dma_wait3A_190 = arith.constant 0 : i32
          %dma_wait3A_191 = arith.constant 0 : i32
          %dma_wait3A_192 = tpu.memref_slice %dma_wait3A_189[%add3A_127, %dma_wait3A_190, %dma_wait3A_191] : memref<160x4x32xi32, #tpu.memory_space<hbm>> -> memref<1x4x32xi32, #tpu.memory_space<hbm>>
          %dma_wait3A_193 = tpu.memref_squeeze %dma_wait3A_192 : memref<1x4x32xi32, #tpu.memory_space<hbm>> -> memref<4x32xi32, #tpu.memory_space<hbm>>
          %dma_wait3A_194 = arith.constant 0 : i32
          %dma_wait3A_195 = arith.constant 0 : i32
          %dma_wait3A_196 = arith.constant 0 : i32
          %dma_wait3A_197 = tpu.memref_slice %arg3[%arg0, %add3A_49, %dma_wait3A_194, %dma_wait3A_195, %dma_wait3A_196] : memref<2x32x160x4x32xi32, #tpu.memory_space<hbm>> -> memref<1x1x160x4x32xi32, #tpu.memory_space<hbm>>
          %dma_wait3A_198 = tpu.memref_squeeze %dma_wait3A_197 : memref<1x1x160x4x32xi32, #tpu.memory_space<hbm>> -> memref<160x4x32xi32, #tpu.memory_space<hbm>>
          %dma_wait3A_199 = arith.constant 0 : i32
          %dma_wait3A_200 = arith.constant 0 : i32
          %dma_wait3A_201 = tpu.memref_slice %dma_wait3A_198[%add3A_127, %dma_wait3A_199, %dma_wait3A_200] : memref<160x4x32xi32, #tpu.memory_space<hbm>> -> memref<1x4x32xi32, #tpu.memory_space<hbm>>
          %dma_wait3A_202 = tpu.memref_squeeze %dma_wait3A_201 : memref<1x4x32xi32, #tpu.memory_space<hbm>> -> memref<4x32xi32, #tpu.memory_space<hbm>>
          tpu.wait_dma2 semaphore(%run_scoped3A : memref<!tpu.dma_semaphore, #tpu.memory_space<semaphore_mem>>) src(%dma_wait3A_202 : memref<4x32xi32, #tpu.memory_space<hbm>>) dst(%arg8 : memref<4x32xi32, #tpu.memory_space<vmem>>)
          tpu.yield
        }) : () -> ()
        %dma_start3A = arith.constant 0 : i32
        %dma_start3A_153 = arith.constant 0 : i32
        %dma_start3A_154 = tpu.memref_slice %arg8[%dma_start3A, %dma_start3A_153] : memref<4x32xi32, #tpu.memory_space<vmem>> -> memref<1x32xi32, #tpu.memory_space<vmem>>
        %dma_start3A_155 = tpu.memref_squeeze %dma_start3A_154 : memref<1x32xi32, #tpu.memory_space<vmem>> -> memref<32xi32, #tpu.memory_space<vmem>>
        %dma_start3A_156 = arith.constant 0 : i32
        %dma_start3A_157 = arith.constant 0 : i32
        %dma_start3A_158 = arith.constant 0 : i32
        %dma_start3A_159 = tpu.memref_slice %arg2[%dma_start3A_156, %dma_start3A_157, %dma_start3A_158] : memref<10000x2x128xf32, #tpu.memory_space<hbm>> -> memref<10000x2x128xf32, #tpu.memory_space<hbm>>
        tpu.enqueue_indirect_dma source(%dma_start3A_159 : memref<10000x2x128xf32, #tpu.memory_space<hbm>>) target(%arg11 : memref<32x2x128xf32, #tpu.memory_space<vmem>>) offsets(%dma_start3A_155 : memref<32xi32, #tpu.memory_space<vmem>>) semaphore(%arg17 : memref<!tpu.dma_semaphore, #tpu.memory_space<semaphore_mem>>)
        %dma_start3A_160 = arith.constant 2 : i32
        %dma_start3A_161 = arith.constant 0 : i32
        %dma_start3A_162 = tpu.memref_slice %arg8[%dma_start3A_160, %dma_start3A_161] : memref<4x32xi32, #tpu.memory_space<vmem>> -> memref<1x32xi32, #tpu.memory_space<vmem>>
        %dma_start3A_163 = tpu.memref_squeeze %dma_start3A_162 : memref<1x32xi32, #tpu.memory_space<vmem>> -> memref<32xi32, #tpu.memory_space<vmem>>
        %dma_start3A_164 = arith.constant 0 : i32
        %dma_start3A_165 = arith.constant 0 : i32
        %dma_start3A_166 = arith.constant 0 : i32
        %dma_start3A_167 = tpu.memref_slice %arg2[%dma_start3A_164, %dma_start3A_165, %dma_start3A_166] : memref<10000x2x128xf32, #tpu.memory_space<hbm>> -> memref<10000x2x128xf32, #tpu.memory_space<hbm>>
        tpu.enqueue_indirect_dma source(%dma_start3A_167 : memref<10000x2x128xf32, #tpu.memory_space<hbm>>) target(%arg12 : memref<32x2x128xf32, #tpu.memory_space<vmem>>) offsets(%dma_start3A_163 : memref<32xi32, #tpu.memory_space<vmem>>) semaphore(%arg18 : memref<!tpu.dma_semaphore, #tpu.memory_space<semaphore_mem>>)
      } else {
      }
      %mul3A_132 = arith.constant 2 : i32
      %mul3A_133 = arith.muli %mul3A_132, %while3A_116 : i32
      %add3A_134 = arith.constant 0 : i32
      %add3A_135 = arith.addi %mul3A_133, %add3A_134 : i32
      %lt3A_136 = arith.cmpi slt, %add3A_135, %select_n3A_61 : i32
      %convert_element_type3A_137 = arith.extui %lt3A_136 : i1 to i32
      %cond3A_138 = arith.constant 0 : i32
      %cond3A_139 = arith.cmpi ne, %convert_element_type3A_137, %cond3A_138 : i32
      scf.if %cond3A_139 {
        %dma_wait3A = arith.constant 0 : i32
        %dma_wait3A_148 = arith.constant 0 : i32
        %dma_wait3A_149 = tpu.memref_slice %arg7[%dma_wait3A, %dma_wait3A_148] : memref<4x32xi32, #tpu.memory_space<vmem>> -> memref<1x32xi32, #tpu.memory_space<vmem>>
        %dma_wait3A_150 = tpu.memref_squeeze %dma_wait3A_149 : memref<1x32xi32, #tpu.memory_space<vmem>> -> memref<32xi32, #tpu.memory_space<vmem>>
        %dma_wait3A_151 = arith.constant 0 : i32
        %dma_wait3A_152 = arith.constant 0 : i32
        %dma_wait3A_153 = arith.constant 0 : i32
        %dma_wait3A_154 = tpu.memref_slice %arg2[%dma_wait3A_151, %dma_wait3A_152, %dma_wait3A_153] : memref<10000x2x128xf32, #tpu.memory_space<hbm>> -> memref<10000x2x128xf32, #tpu.memory_space<hbm>>
        tpu.wait_indirect_dma semaphore(%arg15 : memref<!tpu.dma_semaphore, #tpu.memory_space<semaphore_mem>>) src(%dma_wait3A_154 : memref<10000x2x128xf32, #tpu.memory_space<hbm>>) dst(%arg9 : memref<32x2x128xf32, #tpu.memory_space<vmem>>)
        %dma_start3A = arith.constant 1 : i32
        %dma_start3A_155 = arith.constant 0 : i32
        %dma_start3A_156 = tpu.memref_slice %arg7[%dma_start3A, %dma_start3A_155] : memref<4x32xi32, #tpu.memory_space<vmem>> -> memref<1x32xi32, #tpu.memory_space<vmem>>
        %dma_start3A_157 = tpu.memref_squeeze %dma_start3A_156 : memref<1x32xi32, #tpu.memory_space<vmem>> -> memref<32xi32, #tpu.memory_space<vmem>>
        %dma_start3A_158 = arith.constant 0 : i32
        %dma_start3A_159 = arith.constant 0 : i32
        %dma_start3A_160 = arith.constant 0 : i32
        %dma_start3A_161 = tpu.memref_slice %arg14[%dma_start3A_158, %dma_start3A_159, %dma_start3A_160] : memref<5248x2x128xf32, #tpu.memory_space<vmem_shared>> -> memref<5248x2x128xf32, #tpu.memory_space<vmem_shared>>
        tpu.enqueue_indirect_dma source(%arg9 : memref<32x2x128xf32, #tpu.memory_space<vmem>>) target(%dma_start3A_161 : memref<5248x2x128xf32, #tpu.memory_space<vmem_shared>>) offsets(%dma_start3A_157 : memref<32xi32, #tpu.memory_space<vmem>>) semaphore(%arg19 : memref<!tpu.dma_semaphore, #tpu.memory_space<semaphore_mem>>) {add = true}
        %dma_wait3A_162 = arith.constant 2 : i32
        %dma_wait3A_163 = arith.constant 0 : i32
        %dma_wait3A_164 = tpu.memref_slice %arg7[%dma_wait3A_162, %dma_wait3A_163] : memref<4x32xi32, #tpu.memory_space<vmem>> -> memref<1x32xi32, #tpu.memory_space<vmem>>
        %dma_wait3A_165 = tpu.memref_squeeze %dma_wait3A_164 : memref<1x32xi32, #tpu.memory_space<vmem>> -> memref<32xi32, #tpu.memory_space<vmem>>
        %dma_wait3A_166 = arith.constant 0 : i32
        %dma_wait3A_167 = arith.constant 0 : i32
        %dma_wait3A_168 = arith.constant 0 : i32
        %dma_wait3A_169 = tpu.memref_slice %arg2[%dma_wait3A_166, %dma_wait3A_167, %dma_wait3A_168] : memref<10000x2x128xf32, #tpu.memory_space<hbm>> -> memref<10000x2x128xf32, #tpu.memory_space<hbm>>
        tpu.wait_indirect_dma semaphore(%arg16 : memref<!tpu.dma_semaphore, #tpu.memory_space<semaphore_mem>>) src(%dma_wait3A_169 : memref<10000x2x128xf32, #tpu.memory_space<hbm>>) dst(%arg10 : memref<32x2x128xf32, #tpu.memory_space<vmem>>)
        %dma_start3A_170 = arith.constant 3 : i32
        %dma_start3A_171 = arith.constant 0 : i32
        %dma_start3A_172 = tpu.memref_slice %arg7[%dma_start3A_170, %dma_start3A_171] : memref<4x32xi32, #tpu.memory_space<vmem>> -> memref<1x32xi32, #tpu.memory_space<vmem>>
        %dma_start3A_173 = tpu.memref_squeeze %dma_start3A_172 : memref<1x32xi32, #tpu.memory_space<vmem>> -> memref<32xi32, #tpu.memory_space<vmem>>
        %dma_start3A_174 = arith.constant 0 : i32
        %dma_start3A_175 = arith.constant 0 : i32
        %dma_start3A_176 = arith.constant 0 : i32
        %dma_start3A_177 = tpu.memref_slice %arg14[%dma_start3A_174, %dma_start3A_175, %dma_start3A_176] : memref<5248x2x128xf32, #tpu.memory_space<vmem_shared>> -> memref<5248x2x128xf32, #tpu.memory_space<vmem_shared>>
        tpu.enqueue_indirect_dma source(%arg10 : memref<32x2x128xf32, #tpu.memory_space<vmem>>) target(%dma_start3A_177 : memref<5248x2x128xf32, #tpu.memory_space<vmem_shared>>) offsets(%dma_start3A_173 : memref<32xi32, #tpu.memory_space<vmem>>) semaphore(%arg20 : memref<!tpu.dma_semaphore, #tpu.memory_space<semaphore_mem>>) {add = true}
      } else {
      }
      %mul3A_140 = arith.constant 2 : i32
      %mul3A_141 = arith.muli %mul3A_140, %while3A_116 : i32
      %add3A_142 = arith.constant 1 : i32
      %add3A_143 = arith.addi %mul3A_141, %add3A_142 : i32
      %lt3A_144 = arith.cmpi slt, %add3A_143, %select_n3A_61 : i32
      %convert_element_type3A_145 = arith.extui %lt3A_144 : i1 to i32
      %cond3A_146 = arith.constant 0 : i32
      %cond3A_147 = arith.cmpi ne, %convert_element_type3A_145, %cond3A_146 : i32
      scf.if %cond3A_147 {
        %dma_wait3A = arith.constant 0 : i32
        %dma_wait3A_148 = arith.constant 0 : i32
        %dma_wait3A_149 = tpu.memref_slice %arg8[%dma_wait3A, %dma_wait3A_148] : memref<4x32xi32, #tpu.memory_space<vmem>> -> memref<1x32xi32, #tpu.memory_space<vmem>>
        %dma_wait3A_150 = tpu.memref_squeeze %dma_wait3A_149 : memref<1x32xi32, #tpu.memory_space<vmem>> -> memref<32xi32, #tpu.memory_space<vmem>>
        %dma_wait3A_151 = arith.constant 0 : i32
        %dma_wait3A_152 = arith.constant 0 : i32
        %dma_wait3A_153 = arith.constant 0 : i32
        %dma_wait3A_154 = tpu.memref_slice %arg2[%dma_wait3A_151, %dma_wait3A_152, %dma_wait3A_153] : memref<10000x2x128xf32, #tpu.memory_space<hbm>> -> memref<10000x2x128xf32, #tpu.memory_space<hbm>>
        tpu.wait_indirect_dma semaphore(%arg17 : memref<!tpu.dma_semaphore, #tpu.memory_space<semaphore_mem>>) src(%dma_wait3A_154 : memref<10000x2x128xf32, #tpu.memory_space<hbm>>) dst(%arg11 : memref<32x2x128xf32, #tpu.memory_space<vmem>>)
        %dma_start3A = arith.constant 1 : i32
        %dma_start3A_155 = arith.constant 0 : i32
        %dma_start3A_156 = tpu.memref_slice %arg8[%dma_start3A, %dma_start3A_155] : memref<4x32xi32, #tpu.memory_space<vmem>> -> memref<1x32xi32, #tpu.memory_space<vmem>>
        %dma_start3A_157 = tpu.memref_squeeze %dma_start3A_156 : memref<1x32xi32, #tpu.memory_space<vmem>> -> memref<32xi32, #tpu.memory_space<vmem>>
        %dma_start3A_158 = arith.constant 0 : i32
        %dma_start3A_159 = arith.constant 0 : i32
        %dma_start3A_160 = arith.constant 0 : i32
        %dma_start3A_161 = tpu.memref_slice %arg14[%dma_start3A_158, %dma_start3A_159, %dma_start3A_160] : memref<5248x2x128xf32, #tpu.memory_space<vmem_shared>> -> memref<5248x2x128xf32, #tpu.memory_space<vmem_shared>>
        tpu.enqueue_indirect_dma source(%arg11 : memref<32x2x128xf32, #tpu.memory_space<vmem>>) target(%dma_start3A_161 : memref<5248x2x128xf32, #tpu.memory_space<vmem_shared>>) offsets(%dma_start3A_157 : memref<32xi32, #tpu.memory_space<vmem>>) semaphore(%arg21 : memref<!tpu.dma_semaphore, #tpu.memory_space<semaphore_mem>>) {add = true}
        %dma_wait3A_162 = arith.constant 2 : i32
        %dma_wait3A_163 = arith.constant 0 : i32
        %dma_wait3A_164 = tpu.memref_slice %arg8[%dma_wait3A_162, %dma_wait3A_163] : memref<4x32xi32, #tpu.memory_space<vmem>> -> memref<1x32xi32, #tpu.memory_space<vmem>>
        %dma_wait3A_165 = tpu.memref_squeeze %dma_wait3A_164 : memref<1x32xi32, #tpu.memory_space<vmem>> -> memref<32xi32, #tpu.memory_space<vmem>>
        %dma_wait3A_166 = arith.constant 0 : i32
        %dma_wait3A_167 = arith.constant 0 : i32
        %dma_wait3A_168 = arith.constant 0 : i32
        %dma_wait3A_169 = tpu.memref_slice %arg2[%dma_wait3A_166, %dma_wait3A_167, %dma_wait3A_168] : memref<10000x2x128xf32, #tpu.memory_space<hbm>> -> memref<10000x2x128xf32, #tpu.memory_space<hbm>>
        tpu.wait_indirect_dma semaphore(%arg18 : memref<!tpu.dma_semaphore, #tpu.memory_space<semaphore_mem>>) src(%dma_wait3A_169 : memref<10000x2x128xf32, #tpu.memory_space<hbm>>) dst(%arg12 : memref<32x2x128xf32, #tpu.memory_space<vmem>>)
        %dma_start3A_170 = arith.constant 3 : i32
        %dma_start3A_171 = arith.constant 0 : i32
        %dma_start3A_172 = tpu.memref_slice %arg8[%dma_start3A_170, %dma_start3A_171] : memref<4x32xi32, #tpu.memory_space<vmem>> -> memref<1x32xi32, #tpu.memory_space<vmem>>
        %dma_start3A_173 = tpu.memref_squeeze %dma_start3A_172 : memref<1x32xi32, #tpu.memory_space<vmem>> -> memref<32xi32, #tpu.memory_space<vmem>>
        %dma_start3A_174 = arith.constant 0 : i32
        %dma_start3A_175 = arith.constant 0 : i32
        %dma_start3A_176 = arith.constant 0 : i32
        %dma_start3A_177 = tpu.memref_slice %arg14[%dma_start3A_174, %dma_start3A_175, %dma_start3A_176] : memref<5248x2x128xf32, #tpu.memory_space<vmem_shared>> -> memref<5248x2x128xf32, #tpu.memory_space<vmem_shared>>
        tpu.enqueue_indirect_dma source(%arg12 : memref<32x2x128xf32, #tpu.memory_space<vmem>>) target(%dma_start3A_177 : memref<5248x2x128xf32, #tpu.memory_space<vmem_shared>>) offsets(%dma_start3A_173 : memref<32xi32, #tpu.memory_space<vmem>>) semaphore(%arg22 : memref<!tpu.dma_semaphore, #tpu.memory_space<semaphore_mem>>) {add = true}
      } else {
      }
    }
    %while3A_97 = arith.constant 1 : i32
    scf.for %while3A_116 = %while3A_95 to %while3A_91 step %while3A_97  : i32 {
      %mul3A_117 = arith.constant 2 : i32
      %mul3A_118 = arith.muli %mul3A_117, %while3A_116 : i32
      %add3A_119 = arith.constant 0 : i32
      %add3A_120 = arith.addi %mul3A_118, %add3A_119 : i32
      %lt3A = arith.cmpi slt, %add3A_120, %select_n3A_61 : i32
      %convert_element_type3A_121 = arith.extui %lt3A : i1 to i32
      %cond3A_122 = arith.constant 0 : i32
      %cond3A_123 = arith.cmpi ne, %convert_element_type3A_121, %cond3A_122 : i32
      scf.if %cond3A_123 {
        %gt3A_148 = arith.constant 1 : i32
        %gt3A_149 = arith.cmpi sgt, %add3A_120, %gt3A_148 : i32
        %convert_element_type3A_150 = arith.extui %gt3A_149 : i1 to i32
        %cond3A_151 = arith.constant 0 : i32
        %cond3A_152 = arith.cmpi ne, %convert_element_type3A_150, %cond3A_151 : i32
        scf.if %cond3A_152 {
          %dma_wait3A = arith.constant 1 : i32
          %dma_wait3A_168 = arith.constant 0 : i32
          %dma_wait3A_169 = tpu.memref_slice %arg7[%dma_wait3A, %dma_wait3A_168] : memref<4x32xi32, #tpu.memory_space<vmem>> -> memref<1x32xi32, #tpu.memory_space<vmem>>
          %dma_wait3A_170 = tpu.memref_squeeze %dma_wait3A_169 : memref<1x32xi32, #tpu.memory_space<vmem>> -> memref<32xi32, #tpu.memory_space<vmem>>
          %dma_wait3A_171 = arith.constant 0 : i32
          %dma_wait3A_172 = arith.constant 0 : i32
          %dma_wait3A_173 = arith.constant 0 : i32
          %dma_wait3A_174 = tpu.memref_slice %arg14[%dma_wait3A_171, %dma_wait3A_172, %dma_wait3A_173] : memref<5248x2x128xf32, #tpu.memory_space<vmem_shared>> -> memref<5248x2x128xf32, #tpu.memory_space<vmem_shared>>
          tpu.wait_indirect_dma semaphore(%arg19 : memref<!tpu.dma_semaphore, #tpu.memory_space<semaphore_mem>>) src(%arg9 : memref<32x2x128xf32, #tpu.memory_space<vmem>>) dst(%dma_wait3A_174 : memref<5248x2x128xf32, #tpu.memory_space<vmem_shared>>)
          %dma_wait3A_175 = arith.constant 3 : i32
          %dma_wait3A_176 = arith.constant 0 : i32
          %dma_wait3A_177 = tpu.memref_slice %arg7[%dma_wait3A_175, %dma_wait3A_176] : memref<4x32xi32, #tpu.memory_space<vmem>> -> memref<1x32xi32, #tpu.memory_space<vmem>>
          %dma_wait3A_178 = tpu.memref_squeeze %dma_wait3A_177 : memref<1x32xi32, #tpu.memory_space<vmem>> -> memref<32xi32, #tpu.memory_space<vmem>>
          %dma_wait3A_179 = arith.constant 0 : i32
          %dma_wait3A_180 = arith.constant 0 : i32
          %dma_wait3A_181 = arith.constant 0 : i32
          %dma_wait3A_182 = tpu.memref_slice %arg14[%dma_wait3A_179, %dma_wait3A_180, %dma_wait3A_181] : memref<5248x2x128xf32, #tpu.memory_space<vmem_shared>> -> memref<5248x2x128xf32, #tpu.memory_space<vmem_shared>>
          tpu.wait_indirect_dma semaphore(%arg20 : memref<!tpu.dma_semaphore, #tpu.memory_space<semaphore_mem>>) src(%arg10 : memref<32x2x128xf32, #tpu.memory_space<vmem>>) dst(%dma_wait3A_182 : memref<5248x2x128xf32, #tpu.memory_space<vmem_shared>>)
        } else {
        }
        "tpu.region"() ({
          %run_scoped3A = tpu.sem_alloc : memref<!tpu.dma_semaphore, #tpu.memory_space<semaphore_mem>>
          %dma_start3A_168 = arith.constant 0 : i32
          %dma_start3A_169 = arith.constant 0 : i32
          %dma_start3A_170 = arith.constant 0 : i32
          %dma_start3A_171 = tpu.memref_slice %arg3[%arg0, %add3A_49, %dma_start3A_168, %dma_start3A_169, %dma_start3A_170] : memref<2x32x160x4x32xi32, #tpu.memory_space<hbm>> -> memref<1x1x160x4x32xi32, #tpu.memory_space<hbm>>
          %dma_start3A_172 = tpu.memref_squeeze %dma_start3A_171 : memref<1x1x160x4x32xi32, #tpu.memory_space<hbm>> -> memref<160x4x32xi32, #tpu.memory_space<hbm>>
          %dma_start3A_173 = arith.constant 0 : i32
          %dma_start3A_174 = arith.constant 0 : i32
          %dma_start3A_175 = tpu.memref_slice %dma_start3A_172[%add3A_120, %dma_start3A_173, %dma_start3A_174] : memref<160x4x32xi32, #tpu.memory_space<hbm>> -> memref<1x4x32xi32, #tpu.memory_space<hbm>>
          %dma_start3A_176 = tpu.memref_squeeze %dma_start3A_175 : memref<1x4x32xi32, #tpu.memory_space<hbm>> -> memref<4x32xi32, #tpu.memory_space<hbm>>
          %dma_start3A_177 = arith.constant 0 : i32
          %dma_start3A_178 = arith.constant 0 : i32
          %dma_start3A_179 = arith.constant 0 : i32
          %dma_start3A_180 = tpu.memref_slice %arg3[%arg0, %add3A_49, %dma_start3A_177, %dma_start3A_178, %dma_start3A_179] : memref<2x32x160x4x32xi32, #tpu.memory_space<hbm>> -> memref<1x1x160x4x32xi32, #tpu.memory_space<hbm>>
          %dma_start3A_181 = tpu.memref_squeeze %dma_start3A_180 : memref<1x1x160x4x32xi32, #tpu.memory_space<hbm>> -> memref<160x4x32xi32, #tpu.memory_space<hbm>>
          %dma_start3A_182 = arith.constant 0 : i32
          %dma_start3A_183 = arith.constant 0 : i32
          %dma_start3A_184 = tpu.memref_slice %dma_start3A_181[%add3A_120, %dma_start3A_182, %dma_start3A_183] : memref<160x4x32xi32, #tpu.memory_space<hbm>> -> memref<1x4x32xi32, #tpu.memory_space<hbm>>
          %dma_start3A_185 = tpu.memref_squeeze %dma_start3A_184 : memref<1x4x32xi32, #tpu.memory_space<hbm>> -> memref<4x32xi32, #tpu.memory_space<hbm>>
          tpu.enqueue_dma source(%dma_start3A_185 : memref<4x32xi32, #tpu.memory_space<hbm>>) target(%arg7 : memref<4x32xi32, #tpu.memory_space<vmem>>) target_semaphore(%run_scoped3A : memref<!tpu.dma_semaphore, #tpu.memory_space<semaphore_mem>>)
          %dma_wait3A = arith.constant 0 : i32
          %dma_wait3A_186 = arith.constant 0 : i32
          %dma_wait3A_187 = arith.constant 0 : i32
          %dma_wait3A_188 = tpu.memref_slice %arg3[%arg0, %add3A_49, %dma_wait3A, %dma_wait3A_186, %dma_wait3A_187] : memref<2x32x160x4x32xi32, #tpu.memory_space<hbm>> -> memref<1x1x160x4x32xi32, #tpu.memory_space<hbm>>
          %dma_wait3A_189 = tpu.memref_squeeze %dma_wait3A_188 : memref<1x1x160x4x32xi32, #tpu.memory_space<hbm>> -> memref<160x4x32xi32, #tpu.memory_space<hbm>>
          %dma_wait3A_190 = arith.constant 0 : i32
          %dma_wait3A_191 = arith.constant 0 : i32
          %dma_wait3A_192 = tpu.memref_slice %dma_wait3A_189[%add3A_120, %dma_wait3A_190, %dma_wait3A_191] : memref<160x4x32xi32, #tpu.memory_space<hbm>> -> memref<1x4x32xi32, #tpu.memory_space<hbm>>
          %dma_wait3A_193 = tpu.memref_squeeze %dma_wait3A_192 : memref<1x4x32xi32, #tpu.memory_space<hbm>> -> memref<4x32xi32, #tpu.memory_space<hbm>>
          %dma_wait3A_194 = arith.constant 0 : i32
          %dma_wait3A_195 = arith.constant 0 : i32
          %dma_wait3A_196 = arith.constant 0 : i32
          %dma_wait3A_197 = tpu.memref_slice %arg3[%arg0, %add3A_49, %dma_wait3A_194, %dma_wait3A_195, %dma_wait3A_196] : memref<2x32x160x4x32xi32, #tpu.memory_space<hbm>> -> memref<1x1x160x4x32xi32, #tpu.memory_space<hbm>>
          %dma_wait3A_198 = tpu.memref_squeeze %dma_wait3A_197 : memref<1x1x160x4x32xi32, #tpu.memory_space<hbm>> -> memref<160x4x32xi32, #tpu.memory_space<hbm>>
          %dma_wait3A_199 = arith.constant 0 : i32
          %dma_wait3A_200 = arith.constant 0 : i32
          %dma_wait3A_201 = tpu.memref_slice %dma_wait3A_198[%add3A_120, %dma_wait3A_199, %dma_wait3A_200] : memref<160x4x32xi32, #tpu.memory_space<hbm>> -> memref<1x4x32xi32, #tpu.memory_space<hbm>>
          %dma_wait3A_202 = tpu.memref_squeeze %dma_wait3A_201 : memref<1x4x32xi32, #tpu.memory_space<hbm>> -> memref<4x32xi32, #tpu.memory_space<hbm>>
          tpu.wait_dma2 semaphore(%run_scoped3A : memref<!tpu.dma_semaphore, #tpu.memory_space<semaphore_mem>>) src(%dma_wait3A_202 : memref<4x32xi32, #tpu.memory_space<hbm>>) dst(%arg7 : memref<4x32xi32, #tpu.memory_space<vmem>>)
          tpu.yield
        }) : () -> ()
        %dma_start3A = arith.constant 0 : i32
        %dma_start3A_153 = arith.constant 0 : i32
        %dma_start3A_154 = tpu.memref_slice %arg7[%dma_start3A, %dma_start3A_153] : memref<4x32xi32, #tpu.memory_space<vmem>> -> memref<1x32xi32, #tpu.memory_space<vmem>>
        %dma_start3A_155 = tpu.memref_squeeze %dma_start3A_154 : memref<1x32xi32, #tpu.memory_space<vmem>> -> memref<32xi32, #tpu.memory_space<vmem>>
        %dma_start3A_156 = arith.constant 0 : i32
        %dma_start3A_157 = arith.constant 0 : i32
        %dma_start3A_158 = arith.constant 0 : i32
        %dma_start3A_159 = tpu.memref_slice %arg2[%dma_start3A_156, %dma_start3A_157, %dma_start3A_158] : memref<10000x2x128xf32, #tpu.memory_space<hbm>> -> memref<10000x2x128xf32, #tpu.memory_space<hbm>>
        tpu.enqueue_indirect_dma source(%dma_start3A_159 : memref<10000x2x128xf32, #tpu.memory_space<hbm>>) target(%arg9 : memref<32x2x128xf32, #tpu.memory_space<vmem>>) offsets(%dma_start3A_155 : memref<32xi32, #tpu.memory_space<vmem>>) semaphore(%arg15 : memref<!tpu.dma_semaphore, #tpu.memory_space<semaphore_mem>>)
        %dma_start3A_160 = arith.constant 2 : i32
        %dma_start3A_161 = arith.constant 0 : i32
        %dma_start3A_162 = tpu.memref_slice %arg7[%dma_start3A_160, %dma_start3A_161] : memref<4x32xi32, #tpu.memory_space<vmem>> -> memref<1x32xi32, #tpu.memory_space<vmem>>
        %dma_start3A_163 = tpu.memref_squeeze %dma_start3A_162 : memref<1x32xi32, #tpu.memory_space<vmem>> -> memref<32xi32, #tpu.memory_space<vmem>>
        %dma_start3A_164 = arith.constant 0 : i32
        %dma_start3A_165 = arith.constant 0 : i32
        %dma_start3A_166 = arith.constant 0 : i32
        %dma_start3A_167 = tpu.memref_slice %arg2[%dma_start3A_164, %dma_start3A_165, %dma_start3A_166] : memref<10000x2x128xf32, #tpu.memory_space<hbm>> -> memref<10000x2x128xf32, #tpu.memory_space<hbm>>
        tpu.enqueue_indirect_dma source(%dma_start3A_167 : memref<10000x2x128xf32, #tpu.memory_space<hbm>>) target(%arg10 : memref<32x2x128xf32, #tpu.memory_space<vmem>>) offsets(%dma_start3A_163 : memref<32xi32, #tpu.memory_space<vmem>>) semaphore(%arg16 : memref<!tpu.dma_semaphore, #tpu.memory_space<semaphore_mem>>)
      } else {
      }
      %mul3A_124 = arith.constant 2 : i32
      %mul3A_125 = arith.muli %mul3A_124, %while3A_116 : i32
      %add3A_126 = arith.constant 1 : i32
      %add3A_127 = arith.addi %mul3A_125, %add3A_126 : i32
      %lt3A_128 = arith.cmpi slt, %add3A_127, %select_n3A_61 : i32
      %convert_element_type3A_129 = arith.extui %lt3A_128 : i1 to i32
      %cond3A_130 = arith.constant 0 : i32
      %cond3A_131 = arith.cmpi ne, %convert_element_type3A_129, %cond3A_130 : i32
      scf.if %cond3A_131 {
        %gt3A_148 = arith.constant 1 : i32
        %gt3A_149 = arith.cmpi sgt, %add3A_127, %gt3A_148 : i32
        %convert_element_type3A_150 = arith.extui %gt3A_149 : i1 to i32
        %cond3A_151 = arith.constant 0 : i32
        %cond3A_152 = arith.cmpi ne, %convert_element_type3A_150, %cond3A_151 : i32
        scf.if %cond3A_152 {
          %dma_wait3A = arith.constant 1 : i32
          %dma_wait3A_168 = arith.constant 0 : i32
          %dma_wait3A_169 = tpu.memref_slice %arg8[%dma_wait3A, %dma_wait3A_168] : memref<4x32xi32, #tpu.memory_space<vmem>> -> memref<1x32xi32, #tpu.memory_space<vmem>>
          %dma_wait3A_170 = tpu.memref_squeeze %dma_wait3A_169 : memref<1x32xi32, #tpu.memory_space<vmem>> -> memref<32xi32, #tpu.memory_space<vmem>>
          %dma_wait3A_171 = arith.constant 0 : i32
          %dma_wait3A_172 = arith.constant 0 : i32
          %dma_wait3A_173 = arith.constant 0 : i32
          %dma_wait3A_174 = tpu.memref_slice %arg14[%dma_wait3A_171, %dma_wait3A_172, %dma_wait3A_173] : memref<5248x2x128xf32, #tpu.memory_space<vmem_shared>> -> memref<5248x2x128xf32, #tpu.memory_space<vmem_shared>>
          tpu.wait_indirect_dma semaphore(%arg21 : memref<!tpu.dma_semaphore, #tpu.memory_space<semaphore_mem>>) src(%arg11 : memref<32x2x128xf32, #tpu.memory_space<vmem>>) dst(%dma_wait3A_174 : memref<5248x2x128xf32, #tpu.memory_space<vmem_shared>>)
          %dma_wait3A_175 = arith.constant 3 : i32
          %dma_wait3A_176 = arith.constant 0 : i32
          %dma_wait3A_177 = tpu.memref_slice %arg8[%dma_wait3A_175, %dma_wait3A_176] : memref<4x32xi32, #tpu.memory_space<vmem>> -> memref<1x32xi32, #tpu.memory_space<vmem>>
          %dma_wait3A_178 = tpu.memref_squeeze %dma_wait3A_177 : memref<1x32xi32, #tpu.memory_space<vmem>> -> memref<32xi32, #tpu.memory_space<vmem>>
          %dma_wait3A_179 = arith.constant 0 : i32
          %dma_wait3A_180 = arith.constant 0 : i32
          %dma_wait3A_181 = arith.constant 0 : i32
          %dma_wait3A_182 = tpu.memref_slice %arg14[%dma_wait3A_179, %dma_wait3A_180, %dma_wait3A_181] : memref<5248x2x128xf32, #tpu.memory_space<vmem_shared>> -> memref<5248x2x128xf32, #tpu.memory_space<vmem_shared>>
          tpu.wait_indirect_dma semaphore(%arg22 : memref<!tpu.dma_semaphore, #tpu.memory_space<semaphore_mem>>) src(%arg12 : memref<32x2x128xf32, #tpu.memory_space<vmem>>) dst(%dma_wait3A_182 : memref<5248x2x128xf32, #tpu.memory_space<vmem_shared>>)
        } else {
        }
        "tpu.region"() ({
          %run_scoped3A = tpu.sem_alloc : memref<!tpu.dma_semaphore, #tpu.memory_space<semaphore_mem>>
          %dma_start3A_168 = arith.constant 0 : i32
          %dma_start3A_169 = arith.constant 0 : i32
          %dma_start3A_170 = arith.constant 0 : i32
          %dma_start3A_171 = tpu.memref_slice %arg3[%arg0, %add3A_49, %dma_start3A_168, %dma_start3A_169, %dma_start3A_170] : memref<2x32x160x4x32xi32, #tpu.memory_space<hbm>> -> memref<1x1x160x4x32xi32, #tpu.memory_space<hbm>>
          %dma_start3A_172 = tpu.memref_squeeze %dma_start3A_171 : memref<1x1x160x4x32xi32, #tpu.memory_space<hbm>> -> memref<160x4x32xi32, #tpu.memory_space<hbm>>
          %dma_start3A_173 = arith.constant 0 : i32
          %dma_start3A_174 = arith.constant 0 : i32
          %dma_start3A_175 = tpu.memref_slice %dma_start3A_172[%add3A_127, %dma_start3A_173, %dma_start3A_174] : memref<160x4x32xi32, #tpu.memory_space<hbm>> -> memref<1x4x32xi32, #tpu.memory_space<hbm>>
          %dma_start3A_176 = tpu.memref_squeeze %dma_start3A_175 : memref<1x4x32xi32, #tpu.memory_space<hbm>> -> memref<4x32xi32, #tpu.memory_space<hbm>>
          %dma_start3A_177 = arith.constant 0 : i32
          %dma_start3A_178 = arith.constant 0 : i32
          %dma_start3A_179 = arith.constant 0 : i32
          %dma_start3A_180 = tpu.memref_slice %arg3[%arg0, %add3A_49, %dma_start3A_177, %dma_start3A_178, %dma_start3A_179] : memref<2x32x160x4x32xi32, #tpu.memory_space<hbm>> -> memref<1x1x160x4x32xi32, #tpu.memory_space<hbm>>
          %dma_start3A_181 = tpu.memref_squeeze %dma_start3A_180 : memref<1x1x160x4x32xi32, #tpu.memory_space<hbm>> -> memref<160x4x32xi32, #tpu.memory_space<hbm>>
          %dma_start3A_182 = arith.constant 0 : i32
          %dma_start3A_183 = arith.constant 0 : i32
          %dma_start3A_184 = tpu.memref_slice %dma_start3A_181[%add3A_127, %dma_start3A_182, %dma_start3A_183] : memref<160x4x32xi32, #tpu.memory_space<hbm>> -> memref<1x4x32xi32, #tpu.memory_space<hbm>>
          %dma_start3A_185 = tpu.memref_squeeze %dma_start3A_184 : memref<1x4x32xi32, #tpu.memory_space<hbm>> -> memref<4x32xi32, #tpu.memory_space<hbm>>
          tpu.enqueue_dma source(%dma_start3A_185 : memref<4x32xi32, #tpu.memory_space<hbm>>) target(%arg8 : memref<4x32xi32, #tpu.memory_space<vmem>>) target_semaphore(%run_scoped3A : memref<!tpu.dma_semaphore, #tpu.memory_space<semaphore_mem>>)
          %dma_wait3A = arith.constant 0 : i32
          %dma_wait3A_186 = arith.constant 0 : i32
          %dma_wait3A_187 = arith.constant 0 : i32
          %dma_wait3A_188 = tpu.memref_slice %arg3[%arg0, %add3A_49, %dma_wait3A, %dma_wait3A_186, %dma_wait3A_187] : memref<2x32x160x4x32xi32, #tpu.memory_space<hbm>> -> memref<1x1x160x4x32xi32, #tpu.memory_space<hbm>>
          %dma_wait3A_189 = tpu.memref_squeeze %dma_wait3A_188 : memref<1x1x160x4x32xi32, #tpu.memory_space<hbm>> -> memref<160x4x32xi32, #tpu.memory_space<hbm>>
          %dma_wait3A_190 = arith.constant 0 : i32
          %dma_wait3A_191 = arith.constant 0 : i32
          %dma_wait3A_192 = tpu.memref_slice %dma_wait3A_189[%add3A_127, %dma_wait3A_190, %dma_wait3A_191] : memref<160x4x32xi32, #tpu.memory_space<hbm>> -> memref<1x4x32xi32, #tpu.memory_space<hbm>>
          %dma_wait3A_193 = tpu.memref_squeeze %dma_wait3A_192 : memref<1x4x32xi32, #tpu.memory_space<hbm>> -> memref<4x32xi32, #tpu.memory_space<hbm>>
          %dma_wait3A_194 = arith.constant 0 : i32
          %dma_wait3A_195 = arith.constant 0 : i32
          %dma_wait3A_196 = arith.constant 0 : i32
          %dma_wait3A_197 = tpu.memref_slice %arg3[%arg0, %add3A_49, %dma_wait3A_194, %dma_wait3A_195, %dma_wait3A_196] : memref<2x32x160x4x32xi32, #tpu.memory_space<hbm>> -> memref<1x1x160x4x32xi32, #tpu.memory_space<hbm>>
          %dma_wait3A_198 = tpu.memref_squeeze %dma_wait3A_197 : memref<1x1x160x4x32xi32, #tpu.memory_space<hbm>> -> memref<160x4x32xi32, #tpu.memory_space<hbm>>
          %dma_wait3A_199 = arith.constant 0 : i32
          %dma_wait3A_200 = arith.constant 0 : i32
          %dma_wait3A_201 = tpu.memref_slice %dma_wait3A_198[%add3A_127, %dma_wait3A_199, %dma_wait3A_200] : memref<160x4x32xi32, #tpu.memory_space<hbm>> -> memref<1x4x32xi32, #tpu.memory_space<hbm>>
          %dma_wait3A_202 = tpu.memref_squeeze %dma_wait3A_201 : memref<1x4x32xi32, #tpu.memory_space<hbm>> -> memref<4x32xi32, #tpu.memory_space<hbm>>
          tpu.wait_dma2 semaphore(%run_scoped3A : memref<!tpu.dma_semaphore, #tpu.memory_space<semaphore_mem>>) src(%dma_wait3A_202 : memref<4x32xi32, #tpu.memory_space<hbm>>) dst(%arg8 : memref<4x32xi32, #tpu.memory_space<vmem>>)
          tpu.yield
        }) : () -> ()
        %dma_start3A = arith.constant 0 : i32
        %dma_start3A_153 = arith.constant 0 : i32
        %dma_start3A_154 = tpu.memref_slice %arg8[%dma_start3A, %dma_start3A_153] : memref<4x32xi32, #tpu.memory_space<vmem>> -> memref<1x32xi32, #tpu.memory_space<vmem>>
        %dma_start3A_155 = tpu.memref_squeeze %dma_start3A_154 : memref<1x32xi32, #tpu.memory_space<vmem>> -> memref<32xi32, #tpu.memory_space<vmem>>
        %dma_start3A_156 = arith.constant 0 : i32
        %dma_start3A_157 = arith.constant 0 : i32
        %dma_start3A_158 = arith.constant 0 : i32
        %dma_start3A_159 = tpu.memref_slice %arg2[%dma_start3A_156, %dma_start3A_157, %dma_start3A_158] : memref<10000x2x128xf32, #tpu.memory_space<hbm>> -> memref<10000x2x128xf32, #tpu.memory_space<hbm>>
        tpu.enqueue_indirect_dma source(%dma_start3A_159 : memref<10000x2x128xf32, #tpu.memory_space<hbm>>) target(%arg11 : memref<32x2x128xf32, #tpu.memory_space<vmem>>) offsets(%dma_start3A_155 : memref<32xi32, #tpu.memory_space<vmem>>) semaphore(%arg17 : memref<!tpu.dma_semaphore, #tpu.memory_space<semaphore_mem>>)
        %dma_start3A_160 = arith.constant 2 : i32
        %dma_start3A_161 = arith.constant 0 : i32
        %dma_start3A_162 = tpu.memref_slice %arg8[%dma_start3A_160, %dma_start3A_161] : memref<4x32xi32, #tpu.memory_space<vmem>> -> memref<1x32xi32, #tpu.memory_space<vmem>>
        %dma_start3A_163 = tpu.memref_squeeze %dma_start3A_162 : memref<1x32xi32, #tpu.memory_space<vmem>> -> memref<32xi32, #tpu.memory_space<vmem>>
        %dma_start3A_164 = arith.constant 0 : i32
        %dma_start3A_165 = arith.constant 0 : i32
        %dma_start3A_166 = arith.constant 0 : i32
        %dma_start3A_167 = tpu.memref_slice %arg2[%dma_start3A_164, %dma_start3A_165, %dma_start3A_166] : memref<10000x2x128xf32, #tpu.memory_space<hbm>> -> memref<10000x2x128xf32, #tpu.memory_space<hbm>>
        tpu.enqueue_indirect_dma source(%dma_start3A_167 : memref<10000x2x128xf32, #tpu.memory_space<hbm>>) target(%arg12 : memref<32x2x128xf32, #tpu.memory_space<vmem>>) offsets(%dma_start3A_163 : memref<32xi32, #tpu.memory_space<vmem>>) semaphore(%arg18 : memref<!tpu.dma_semaphore, #tpu.memory_space<semaphore_mem>>)
      } else {
      }
      %mul3A_132 = arith.constant 2 : i32
      %mul3A_133 = arith.muli %mul3A_132, %while3A_116 : i32
      %add3A_134 = arith.constant 0 : i32
      %add3A_135 = arith.addi %mul3A_133, %add3A_134 : i32
      %lt3A_136 = arith.cmpi slt, %add3A_135, %select_n3A_61 : i32
      %convert_element_type3A_137 = arith.extui %lt3A_136 : i1 to i32
      %cond3A_138 = arith.constant 0 : i32
      %cond3A_139 = arith.cmpi ne, %convert_element_type3A_137, %cond3A_138 : i32
      scf.if %cond3A_139 {
        %dma_wait3A = arith.constant 0 : i32
        %dma_wait3A_148 = arith.constant 0 : i32
        %dma_wait3A_149 = tpu.memref_slice %arg7[%dma_wait3A, %dma_wait3A_148] : memref<4x32xi32, #tpu.memory_space<vmem>> -> memref<1x32xi32, #tpu.memory_space<vmem>>
        %dma_wait3A_150 = tpu.memref_squeeze %dma_wait3A_149 : memref<1x32xi32, #tpu.memory_space<vmem>> -> memref<32xi32, #tpu.memory_space<vmem>>
        %dma_wait3A_151 = arith.constant 0 : i32
        %dma_wait3A_152 = arith.constant 0 : i32
        %dma_wait3A_153 = arith.constant 0 : i32
        %dma_wait3A_154 = tpu.memref_slice %arg2[%dma_wait3A_151, %dma_wait3A_152, %dma_wait3A_153] : memref<10000x2x128xf32, #tpu.memory_space<hbm>> -> memref<10000x2x128xf32, #tpu.memory_space<hbm>>
        tpu.wait_indirect_dma semaphore(%arg15 : memref<!tpu.dma_semaphore, #tpu.memory_space<semaphore_mem>>) src(%dma_wait3A_154 : memref<10000x2x128xf32, #tpu.memory_space<hbm>>) dst(%arg9 : memref<32x2x128xf32, #tpu.memory_space<vmem>>)
        %dma_start3A = arith.constant 1 : i32
        %dma_start3A_155 = arith.constant 0 : i32
        %dma_start3A_156 = tpu.memref_slice %arg7[%dma_start3A, %dma_start3A_155] : memref<4x32xi32, #tpu.memory_space<vmem>> -> memref<1x32xi32, #tpu.memory_space<vmem>>
        %dma_start3A_157 = tpu.memref_squeeze %dma_start3A_156 : memref<1x32xi32, #tpu.memory_space<vmem>> -> memref<32xi32, #tpu.memory_space<vmem>>
        %dma_start3A_158 = arith.constant 0 : i32
        %dma_start3A_159 = arith.constant 0 : i32
        %dma_start3A_160 = arith.constant 0 : i32
        %dma_start3A_161 = tpu.memref_slice %arg14[%dma_start3A_158, %dma_start3A_159, %dma_start3A_160] : memref<5248x2x128xf32, #tpu.memory_space<vmem_shared>> -> memref<5248x2x128xf32, #tpu.memory_space<vmem_shared>>
        tpu.enqueue_indirect_dma source(%arg9 : memref<32x2x128xf32, #tpu.memory_space<vmem>>) target(%dma_start3A_161 : memref<5248x2x128xf32, #tpu.memory_space<vmem_shared>>) offsets(%dma_start3A_157 : memref<32xi32, #tpu.memory_space<vmem>>) semaphore(%arg19 : memref<!tpu.dma_semaphore, #tpu.memory_space<semaphore_mem>>) {add = true}
        %dma_wait3A_162 = arith.constant 2 : i32
        %dma_wait3A_163 = arith.constant 0 : i32
        %dma_wait3A_164 = tpu.memref_slice %arg7[%dma_wait3A_162, %dma_wait3A_163] : memref<4x32xi32, #tpu.memory_space<vmem>> -> memref<1x32xi32, #tpu.memory_space<vmem>>
        %dma_wait3A_165 = tpu.memref_squeeze %dma_wait3A_164 : memref<1x32xi32, #tpu.memory_space<vmem>> -> memref<32xi32, #tpu.memory_space<vmem>>
        %dma_wait3A_166 = arith.constant 0 : i32
        %dma_wait3A_167 = arith.constant 0 : i32
        %dma_wait3A_168 = arith.constant 0 : i32
        %dma_wait3A_169 = tpu.memref_slice %arg2[%dma_wait3A_166, %dma_wait3A_167, %dma_wait3A_168] : memref<10000x2x128xf32, #tpu.memory_space<hbm>> -> memref<10000x2x128xf32, #tpu.memory_space<hbm>>
        tpu.wait_indirect_dma semaphore(%arg16 : memref<!tpu.dma_semaphore, #tpu.memory_space<semaphore_mem>>) src(%dma_wait3A_169 : memref<10000x2x128xf32, #tpu.memory_space<hbm>>) dst(%arg10 : memref<32x2x128xf32, #tpu.memory_space<vmem>>)
        %dma_start3A_170 = arith.constant 3 : i32
        %dma_start3A_171 = arith.constant 0 : i32
        %dma_start3A_172 = tpu.memref_slice %arg7[%dma_start3A_170, %dma_start3A_171] : memref<4x32xi32, #tpu.memory_space<vmem>> -> memref<1x32xi32, #tpu.memory_space<vmem>>
        %dma_start3A_173 = tpu.memref_squeeze %dma_start3A_172 : memref<1x32xi32, #tpu.memory_space<vmem>> -> memref<32xi32, #tpu.memory_space<vmem>>
        %dma_start3A_174 = arith.constant 0 : i32
        %dma_start3A_175 = arith.constant 0 : i32
        %dma_start3A_176 = arith.constant 0 : i32
        %dma_start3A_177 = tpu.memref_slice %arg14[%dma_start3A_174, %dma_start3A_175, %dma_start3A_176] : memref<5248x2x128xf32, #tpu.memory_space<vmem_shared>> -> memref<5248x2x128xf32, #tpu.memory_space<vmem_shared>>
        tpu.enqueue_indirect_dma source(%arg10 : memref<32x2x128xf32, #tpu.memory_space<vmem>>) target(%dma_start3A_177 : memref<5248x2x128xf32, #tpu.memory_space<vmem_shared>>) offsets(%dma_start3A_173 : memref<32xi32, #tpu.memory_space<vmem>>) semaphore(%arg20 : memref<!tpu.dma_semaphore, #tpu.memory_space<semaphore_mem>>) {add = true}
      } else {
      }
      %mul3A_140 = arith.constant 2 : i32
      %mul3A_141 = arith.muli %mul3A_140, %while3A_116 : i32
      %add3A_142 = arith.constant 1 : i32
      %add3A_143 = arith.addi %mul3A_141, %add3A_142 : i32
      %lt3A_144 = arith.cmpi slt, %add3A_143, %select_n3A_61 : i32
      %convert_element_type3A_145 = arith.extui %lt3A_144 : i1 to i32
      %cond3A_146 = arith.constant 0 : i32
      %cond3A_147 = arith.cmpi ne, %convert_element_type3A_145, %cond3A_146 : i32
      scf.if %cond3A_147 {
        %dma_wait3A = arith.constant 0 : i32
        %dma_wait3A_148 = arith.constant 0 : i32
        %dma_wait3A_149 = tpu.memref_slice %arg8[%dma_wait3A, %dma_wait3A_148] : memref<4x32xi32, #tpu.memory_space<vmem>> -> memref<1x32xi32, #tpu.memory_space<vmem>>
        %dma_wait3A_150 = tpu.memref_squeeze %dma_wait3A_149 : memref<1x32xi32, #tpu.memory_space<vmem>> -> memref<32xi32, #tpu.memory_space<vmem>>
        %dma_wait3A_151 = arith.constant 0 : i32
        %dma_wait3A_152 = arith.constant 0 : i32
        %dma_wait3A_153 = arith.constant 0 : i32
        %dma_wait3A_154 = tpu.memref_slice %arg2[%dma_wait3A_151, %dma_wait3A_152, %dma_wait3A_153] : memref<10000x2x128xf32, #tpu.memory_space<hbm>> -> memref<10000x2x128xf32, #tpu.memory_space<hbm>>
        tpu.wait_indirect_dma semaphore(%arg17 : memref<!tpu.dma_semaphore, #tpu.memory_space<semaphore_mem>>) src(%dma_wait3A_154 : memref<10000x2x128xf32, #tpu.memory_space<hbm>>) dst(%arg11 : memref<32x2x128xf32, #tpu.memory_space<vmem>>)
        %dma_start3A = arith.constant 1 : i32
        %dma_start3A_155 = arith.constant 0 : i32
        %dma_start3A_156 = tpu.memref_slice %arg8[%dma_start3A, %dma_start3A_155] : memref<4x32xi32, #tpu.memory_space<vmem>> -> memref<1x32xi32, #tpu.memory_space<vmem>>
        %dma_start3A_157 = tpu.memref_squeeze %dma_start3A_156 : memref<1x32xi32, #tpu.memory_space<vmem>> -> memref<32xi32, #tpu.memory_space<vmem>>
        %dma_start3A_158 = arith.constant 0 : i32
        %dma_start3A_159 = arith.constant 0 : i32
        %dma_start3A_160 = arith.constant 0 : i32
        %dma_start3A_161 = tpu.memref_slice %arg14[%dma_start3A_158, %dma_start3A_159, %dma_start3A_160] : memref<5248x2x128xf32, #tpu.memory_space<vmem_shared>> -> memref<5248x2x128xf32, #tpu.memory_space<vmem_shared>>
        tpu.enqueue_indirect_dma source(%arg11 : memref<32x2x128xf32, #tpu.memory_space<vmem>>) target(%dma_start3A_161 : memref<5248x2x128xf32, #tpu.memory_space<vmem_shared>>) offsets(%dma_start3A_157 : memref<32xi32, #tpu.memory_space<vmem>>) semaphore(%arg21 : memref<!tpu.dma_semaphore, #tpu.memory_space<semaphore_mem>>) {add = true}
        %dma_wait3A_162 = arith.constant 2 : i32
        %dma_wait3A_163 = arith.constant 0 : i32
        %dma_wait3A_164 = tpu.memref_slice %arg8[%dma_wait3A_162, %dma_wait3A_163] : memref<4x32xi32, #tpu.memory_space<vmem>> -> memref<1x32xi32, #tpu.memory_space<vmem>>
        %dma_wait3A_165 = tpu.memref_squeeze %dma_wait3A_164 : memref<1x32xi32, #tpu.memory_space<vmem>> -> memref<32xi32, #tpu.memory_space<vmem>>
        %dma_wait3A_166 = arith.constant 0 : i32
        %dma_wait3A_167 = arith.constant 0 : i32
        %dma_wait3A_168 = arith.constant 0 : i32
        %dma_wait3A_169 = tpu.memref_slice %arg2[%dma_wait3A_166, %dma_wait3A_167, %dma_wait3A_168] : memref<10000x2x128xf32, #tpu.memory_space<hbm>> -> memref<10000x2x128xf32, #tpu.memory_space<hbm>>
        tpu.wait_indirect_dma semaphore(%arg18 : memref<!tpu.dma_semaphore, #tpu.memory_space<semaphore_mem>>) src(%dma_wait3A_169 : memref<10000x2x128xf32, #tpu.memory_space<hbm>>) dst(%arg12 : memref<32x2x128xf32, #tpu.memory_space<vmem>>)
        %dma_start3A_170 = arith.constant 3 : i32
        %dma_start3A_171 = arith.constant 0 : i32
        %dma_start3A_172 = tpu.memref_slice %arg8[%dma_start3A_170, %dma_start3A_171] : memref<4x32xi32, #tpu.memory_space<vmem>> -> memref<1x32xi32, #tpu.memory_space<vmem>>
        %dma_start3A_173 = tpu.memref_squeeze %dma_start3A_172 : memref<1x32xi32, #tpu.memory_space<vmem>> -> memref<32xi32, #tpu.memory_space<vmem>>
        %dma_start3A_174 = arith.constant 0 : i32
        %dma_start3A_175 = arith.constant 0 : i32
        %dma_start3A_176 = arith.constant 0 : i32
        %dma_start3A_177 = tpu.memref_slice %arg14[%dma_start3A_174, %dma_start3A_175, %dma_start3A_176] : memref<5248x2x128xf32, #tpu.memory_space<vmem_shared>> -> memref<5248x2x128xf32, #tpu.memory_space<vmem_shared>>
        tpu.enqueue_indirect_dma source(%arg12 : memref<32x2x128xf32, #tpu.memory_space<vmem>>) target(%dma_start3A_177 : memref<5248x2x128xf32, #tpu.memory_space<vmem_shared>>) offsets(%dma_start3A_173 : memref<32xi32, #tpu.memory_space<vmem>>) semaphore(%arg22 : memref<!tpu.dma_semaphore, #tpu.memory_space<semaphore_mem>>) {add = true}
      } else {
      }
    }
    %gt3A_98 = arith.constant 0 : i32
    %gt3A_99 = arith.cmpi sgt, %select_n3A_61, %gt3A_98 : i32
    %convert_element_type3A_100 = arith.extui %gt3A_99 : i1 to i32
    %cond3A_101 = arith.constant 0 : i32
    %cond3A_102 = arith.cmpi ne, %convert_element_type3A_100, %cond3A_101 : i32
    scf.if %cond3A_102 {
      %dma_wait3A = arith.constant 1 : i32
      %dma_wait3A_116 = arith.constant 0 : i32
      %dma_wait3A_117 = tpu.memref_slice %arg7[%dma_wait3A, %dma_wait3A_116] : memref<4x32xi32, #tpu.memory_space<vmem>> -> memref<1x32xi32, #tpu.memory_space<vmem>>
      %dma_wait3A_118 = tpu.memref_squeeze %dma_wait3A_117 : memref<1x32xi32, #tpu.memory_space<vmem>> -> memref<32xi32, #tpu.memory_space<vmem>>
      %dma_wait3A_119 = arith.constant 0 : i32
      %dma_wait3A_120 = arith.constant 0 : i32
      %dma_wait3A_121 = arith.constant 0 : i32
      %dma_wait3A_122 = tpu.memref_slice %arg14[%dma_wait3A_119, %dma_wait3A_120, %dma_wait3A_121] : memref<5248x2x128xf32, #tpu.memory_space<vmem_shared>> -> memref<5248x2x128xf32, #tpu.memory_space<vmem_shared>>
      tpu.wait_indirect_dma semaphore(%arg19 : memref<!tpu.dma_semaphore, #tpu.memory_space<semaphore_mem>>) src(%arg9 : memref<32x2x128xf32, #tpu.memory_space<vmem>>) dst(%dma_wait3A_122 : memref<5248x2x128xf32, #tpu.memory_space<vmem_shared>>)
      %dma_wait3A_123 = arith.constant 3 : i32
      %dma_wait3A_124 = arith.constant 0 : i32
      %dma_wait3A_125 = tpu.memref_slice %arg7[%dma_wait3A_123, %dma_wait3A_124] : memref<4x32xi32, #tpu.memory_space<vmem>> -> memref<1x32xi32, #tpu.memory_space<vmem>>
      %dma_wait3A_126 = tpu.memref_squeeze %dma_wait3A_125 : memref<1x32xi32, #tpu.memory_space<vmem>> -> memref<32xi32, #tpu.memory_space<vmem>>
      %dma_wait3A_127 = arith.constant 0 : i32
      %dma_wait3A_128 = arith.constant 0 : i32
      %dma_wait3A_129 = arith.constant 0 : i32
      %dma_wait3A_130 = tpu.memref_slice %arg14[%dma_wait3A_127, %dma_wait3A_128, %dma_wait3A_129] : memref<5248x2x128xf32, #tpu.memory_space<vmem_shared>> -> memref<5248x2x128xf32, #tpu.memory_space<vmem_shared>>
      tpu.wait_indirect_dma semaphore(%arg20 : memref<!tpu.dma_semaphore, #tpu.memory_space<semaphore_mem>>) src(%arg10 : memref<32x2x128xf32, #tpu.memory_space<vmem>>) dst(%dma_wait3A_130 : memref<5248x2x128xf32, #tpu.memory_space<vmem_shared>>)
    } else {
    }
    %gt3A_103 = arith.constant 1 : i32
    %gt3A_104 = arith.cmpi sgt, %select_n3A_61, %gt3A_103 : i32
    %convert_element_type3A_105 = arith.extui %gt3A_104 : i1 to i32
    %cond3A_106 = arith.constant 0 : i32
    %cond3A_107 = arith.cmpi ne, %convert_element_type3A_105, %cond3A_106 : i32
    scf.if %cond3A_107 {
      %dma_wait3A = arith.constant 1 : i32
      %dma_wait3A_116 = arith.constant 0 : i32
      %dma_wait3A_117 = tpu.memref_slice %arg8[%dma_wait3A, %dma_wait3A_116] : memref<4x32xi32, #tpu.memory_space<vmem>> -> memref<1x32xi32, #tpu.memory_space<vmem>>
      %dma_wait3A_118 = tpu.memref_squeeze %dma_wait3A_117 : memref<1x32xi32, #tpu.memory_space<vmem>> -> memref<32xi32, #tpu.memory_space<vmem>>
      %dma_wait3A_119 = arith.constant 0 : i32
      %dma_wait3A_120 = arith.constant 0 : i32
      %dma_wait3A_121 = arith.constant 0 : i32
      %dma_wait3A_122 = tpu.memref_slice %arg14[%dma_wait3A_119, %dma_wait3A_120, %dma_wait3A_121] : memref<5248x2x128xf32, #tpu.memory_space<vmem_shared>> -> memref<5248x2x128xf32, #tpu.memory_space<vmem_shared>>
      tpu.wait_indirect_dma semaphore(%arg21 : memref<!tpu.dma_semaphore, #tpu.memory_space<semaphore_mem>>) src(%arg11 : memref<32x2x128xf32, #tpu.memory_space<vmem>>) dst(%dma_wait3A_122 : memref<5248x2x128xf32, #tpu.memory_space<vmem_shared>>)
      %dma_wait3A_123 = arith.constant 3 : i32
      %dma_wait3A_124 = arith.constant 0 : i32
      %dma_wait3A_125 = tpu.memref_slice %arg8[%dma_wait3A_123, %dma_wait3A_124] : memref<4x32xi32, #tpu.memory_space<vmem>> -> memref<1x32xi32, #tpu.memory_space<vmem>>
      %dma_wait3A_126 = tpu.memref_squeeze %dma_wait3A_125 : memref<1x32xi32, #tpu.memory_space<vmem>> -> memref<32xi32, #tpu.memory_space<vmem>>
      %dma_wait3A_127 = arith.constant 0 : i32
      %dma_wait3A_128 = arith.constant 0 : i32
      %dma_wait3A_129 = arith.constant 0 : i32
      %dma_wait3A_130 = tpu.memref_slice %arg14[%dma_wait3A_127, %dma_wait3A_128, %dma_wait3A_129] : memref<5248x2x128xf32, #tpu.memory_space<vmem_shared>> -> memref<5248x2x128xf32, #tpu.memory_space<vmem_shared>>
      tpu.wait_indirect_dma semaphore(%arg22 : memref<!tpu.dma_semaphore, #tpu.memory_space<semaphore_mem>>) src(%arg12 : memref<32x2x128xf32, #tpu.memory_space<vmem>>) dst(%dma_wait3A_130 : memref<5248x2x128xf32, #tpu.memory_space<vmem_shared>>)
    } else {
    }
    %barrier3A_108 = arith.constant 0 : index
    tpu.barrier barrier_id(%barrier3A_108)
    %mul3A_109 = arith.constant 328 : i32
    %mul3A_110 = arith.muli %arg1, %mul3A_109 : i32
    %mul3A_111 = arith.constant 5248 : i32
    %mul3A_112 = arith.muli %arg0, %mul3A_111 : i32
    %mul3A_113 = arith.constant 328 : i32
    %mul3A_114 = arith.muli %arg1, %mul3A_113 : i32
    %add3A_115 = arith.addi %mul3A_112, %mul3A_114 : i32
    "tpu.region"() ({
      %run_scoped3A = tpu.sem_alloc : memref<!tpu.dma_semaphore, #tpu.memory_space<semaphore_mem>>
      %dma_start3A = arith.constant 0 : i32
      %dma_start3A_116 = arith.constant 0 : i32
      %dma_start3A_117 = tpu.memref_slice %arg6[%add3A_115, %dma_start3A, %dma_start3A_116] : memref<10496x2x128xf32, #tpu.memory_space<hbm>> -> memref<328x2x128xf32, #tpu.memory_space<hbm>>
      %dma_start3A_118 = arith.constant 0 : i32
      %dma_start3A_119 = arith.constant 0 : i32
      %dma_start3A_120 = tpu.memref_slice %arg14[%mul3A_110, %dma_start3A_118, %dma_start3A_119] : memref<5248x2x128xf32, #tpu.memory_space<vmem_shared>> -> memref<328x2x128xf32, #tpu.memory_space<vmem_shared>>
      tpu.enqueue_dma source(%dma_start3A_120 : memref<328x2x128xf32, #tpu.memory_space<vmem_shared>>) target(%dma_start3A_117 : memref<328x2x128xf32, #tpu.memory_space<hbm>>) target_semaphore(%run_scoped3A : memref<!tpu.dma_semaphore, #tpu.memory_space<semaphore_mem>>)
      %dma_wait3A = arith.constant 0 : i32
      %dma_wait3A_121 = arith.constant 0 : i32
      %dma_wait3A_122 = tpu.memref_slice %arg6[%add3A_115, %dma_wait3A, %dma_wait3A_121] : memref<10496x2x128xf32, #tpu.memory_space<hbm>> -> memref<328x2x128xf32, #tpu.memory_space<hbm>>
      %dma_wait3A_123 = arith.constant 0 : i32
      %dma_wait3A_124 = arith.constant 0 : i32
      %dma_wait3A_125 = tpu.memref_slice %arg14[%mul3A_110, %dma_wait3A_123, %dma_wait3A_124] : memref<5248x2x128xf32, #tpu.memory_space<vmem_shared>> -> memref<328x2x128xf32, #tpu.memory_space<vmem_shared>>
      tpu.wait_dma2 semaphore(%run_scoped3A : memref<!tpu.dma_semaphore, #tpu.memory_space<semaphore_mem>>) src(%dma_wait3A_125 : memref<328x2x128xf32, #tpu.memory_space<vmem_shared>>) dst(%dma_wait3A_122 : memref<328x2x128xf32, #tpu.memory_space<hbm>>)
      tpu.yield
    }) : () -> ()
    return
  }
}

#map = affine_map<(d0, d1) -> (0, 0)>
#map1 = affine_map<(d0, d1) -> (0, 0, 0)>
module attributes {stable_mosaic.version = 14 : i64} {
  func.func @_bin_body(%arg0: i32, %arg1: i32, %arg2: memref<32x10000xi32, #tpu.memory_space<hbm>>, %arg3: memref<32x10000xi32, #tpu.memory_space<hbm>>, %arg4: memref<2x32x20480xi32, #tpu.memory_space<hbm>>, %arg5: memref<32x16xi32, #tpu.memory_space<hbm>>, %arg6: memref<10000xi32, #tpu.memory_space<vmem>>, %arg7: memref<10000xi32, #tpu.memory_space<vmem>>, %arg8: memref<20480xi32, #tpu.memory_space<vmem>>, %arg9: memref<20480xi32, #tpu.memory_space<vmem>>, %arg10: memref<16xi32, #tpu.memory_space<vmem>>) attributes {dimension_semantics = [#tpu.dimension_semantics<core_parallel>, #tpu.dimension_semantics<subcore_parallel>], iteration_bounds = array<i64: 2, 16>, scalar_prefetch = 0 : i64, scratch_operands = 5 : i64, tpu.core_type = #tpu.core_type<sc_vector_subcore>, window_params = [{transform_indices = #map}, {transform_indices = #map}, {transform_indices = #map1}, {transform_indices = #map}]} {
    %mul3A = arith.constant 16 : i32
    %mul3A_0 = arith.muli %arg0, %mul3A : i32
    %add3A = arith.addi %mul3A_0, %arg1 : i32
    "tpu.region"() ({
      %run_scoped3A_259 = tpu.sem_alloc : memref<!tpu.dma_semaphore, #tpu.memory_space<semaphore_mem>>
      %dma_start3A = arith.constant 0 : i32
      %dma_start3A_260 = tpu.memref_slice %arg2[%add3A, %dma_start3A] : memref<32x10000xi32, #tpu.memory_space<hbm>> -> memref<1x10000xi32, #tpu.memory_space<hbm>>
      %dma_start3A_261 = tpu.memref_squeeze %dma_start3A_260 : memref<1x10000xi32, #tpu.memory_space<hbm>> -> memref<10000xi32, #tpu.memory_space<hbm>>
      %dma_start3A_262 = arith.constant 0 : i32
      %dma_start3A_263 = tpu.memref_slice %arg2[%add3A, %dma_start3A_262] : memref<32x10000xi32, #tpu.memory_space<hbm>> -> memref<1x10000xi32, #tpu.memory_space<hbm>>
      %dma_start3A_264 = tpu.memref_squeeze %dma_start3A_263 : memref<1x10000xi32, #tpu.memory_space<hbm>> -> memref<10000xi32, #tpu.memory_space<hbm>>
      tpu.enqueue_dma source(%dma_start3A_264 : memref<10000xi32, #tpu.memory_space<hbm>>) target(%arg6 : memref<10000xi32, #tpu.memory_space<vmem>>) target_semaphore(%run_scoped3A_259 : memref<!tpu.dma_semaphore, #tpu.memory_space<semaphore_mem>>)
      %dma_wait3A = arith.constant 0 : i32
      %dma_wait3A_265 = tpu.memref_slice %arg2[%add3A, %dma_wait3A] : memref<32x10000xi32, #tpu.memory_space<hbm>> -> memref<1x10000xi32, #tpu.memory_space<hbm>>
      %dma_wait3A_266 = tpu.memref_squeeze %dma_wait3A_265 : memref<1x10000xi32, #tpu.memory_space<hbm>> -> memref<10000xi32, #tpu.memory_space<hbm>>
      %dma_wait3A_267 = arith.constant 0 : i32
      %dma_wait3A_268 = tpu.memref_slice %arg2[%add3A, %dma_wait3A_267] : memref<32x10000xi32, #tpu.memory_space<hbm>> -> memref<1x10000xi32, #tpu.memory_space<hbm>>
      %dma_wait3A_269 = tpu.memref_squeeze %dma_wait3A_268 : memref<1x10000xi32, #tpu.memory_space<hbm>> -> memref<10000xi32, #tpu.memory_space<hbm>>
      tpu.wait_dma2 semaphore(%run_scoped3A_259 : memref<!tpu.dma_semaphore, #tpu.memory_space<semaphore_mem>>) src(%dma_wait3A_269 : memref<10000xi32, #tpu.memory_space<hbm>>) dst(%arg6 : memref<10000xi32, #tpu.memory_space<vmem>>)
      tpu.yield
    }) : () -> ()
    "tpu.region"() ({
      %run_scoped3A_259 = tpu.sem_alloc : memref<!tpu.dma_semaphore, #tpu.memory_space<semaphore_mem>>
      %dma_start3A = arith.constant 0 : i32
      %dma_start3A_260 = tpu.memref_slice %arg3[%add3A, %dma_start3A] : memref<32x10000xi32, #tpu.memory_space<hbm>> -> memref<1x10000xi32, #tpu.memory_space<hbm>>
      %dma_start3A_261 = tpu.memref_squeeze %dma_start3A_260 : memref<1x10000xi32, #tpu.memory_space<hbm>> -> memref<10000xi32, #tpu.memory_space<hbm>>
      %dma_start3A_262 = arith.constant 0 : i32
      %dma_start3A_263 = tpu.memref_slice %arg3[%add3A, %dma_start3A_262] : memref<32x10000xi32, #tpu.memory_space<hbm>> -> memref<1x10000xi32, #tpu.memory_space<hbm>>
      %dma_start3A_264 = tpu.memref_squeeze %dma_start3A_263 : memref<1x10000xi32, #tpu.memory_space<hbm>> -> memref<10000xi32, #tpu.memory_space<hbm>>
      tpu.enqueue_dma source(%dma_start3A_264 : memref<10000xi32, #tpu.memory_space<hbm>>) target(%arg7 : memref<10000xi32, #tpu.memory_space<vmem>>) target_semaphore(%run_scoped3A_259 : memref<!tpu.dma_semaphore, #tpu.memory_space<semaphore_mem>>)
      %dma_wait3A = arith.constant 0 : i32
      %dma_wait3A_265 = tpu.memref_slice %arg3[%add3A, %dma_wait3A] : memref<32x10000xi32, #tpu.memory_space<hbm>> -> memref<1x10000xi32, #tpu.memory_space<hbm>>
      %dma_wait3A_266 = tpu.memref_squeeze %dma_wait3A_265 : memref<1x10000xi32, #tpu.memory_space<hbm>> -> memref<10000xi32, #tpu.memory_space<hbm>>
      %dma_wait3A_267 = arith.constant 0 : i32
      %dma_wait3A_268 = tpu.memref_slice %arg3[%add3A, %dma_wait3A_267] : memref<32x10000xi32, #tpu.memory_space<hbm>> -> memref<1x10000xi32, #tpu.memory_space<hbm>>
      %dma_wait3A_269 = tpu.memref_squeeze %dma_wait3A_268 : memref<1x10000xi32, #tpu.memory_space<hbm>> -> memref<10000xi32, #tpu.memory_space<hbm>>
      tpu.wait_dma2 semaphore(%run_scoped3A_259 : memref<!tpu.dma_semaphore, #tpu.memory_space<semaphore_mem>>) src(%dma_wait3A_269 : memref<10000xi32, #tpu.memory_space<hbm>>) dst(%arg7 : memref<10000xi32, #tpu.memory_space<vmem>>)
      tpu.yield
    }) : () -> ()
    %scan3A = arith.constant 0 : i32
    %scan3A_1 = arith.constant 0 : i32
    %scan3A_2 = arith.constant 0 : i32
    %scan3A_3 = arith.constant 625 : i32
    %scan3A_4 = arith.addi %scan3A_2, %scan3A_3 : i32
    %scan3A_5 = arith.constant 1 : i32
    %scan3A_6:2 = scf.for %scan3A_259 = %scan3A_2 to %scan3A_4 step %scan3A_5 iter_args(%scan3A_260 = %scan3A, %scan3A_261 = %scan3A_1) -> (i32, i32)  : i32 {
      %iota3A_262 = tpu.iota {dimensions = array<i32: 0>} : vector<16xi32>
      %mul3A_263 = arith.constant 16 : i32
      %mul3A_264 = arith.muli %scan3A_259, %mul3A_263 : i32
      %get3A = arith.index_cast %mul3A_264 : i32 to index
      %get3A_265 = tpu.vector_load %arg6[%get3A] {strides = array<i32>} : memref<10000xi32, #tpu.memory_space<vmem>>, vector<16xi32>,
      %mul3A_266 = arith.constant 16 : i32
      %mul3A_267 = arith.muli %scan3A_259, %mul3A_266 : i32
      %get3A_268 = arith.index_cast %mul3A_267 : i32 to index
      %get3A_269 = tpu.vector_load %arg7[%get3A_268] {strides = array<i32>} : memref<10000xi32, #tpu.memory_space<vmem>>, vector<16xi32>,
      %lt3A = arith.constant 5120 : i32
      %lt3A_270 = vector.broadcast %lt3A : i32 to vector<16xi32>
      %lt3A_271 = arith.cmpi slt, %get3A_269, %lt3A_270 : vector<16xi32>
      %not3A = arith.constant dense<true> : vector<16xi1>
      %not3A_272 = arith.xori %lt3A_271, %not3A : vector<16xi1>
      %jit3A_273 = arith.constant 1 : i32
      %jit3A_274 = arith.constant 0 : i32
      %broadcast_in_dim3A_275 = vector.broadcast %jit3A_273 : i32 to vector<16xi32>
      %broadcast_in_dim3A_276 = vector.broadcast %jit3A_274 : i32 to vector<16xi32>
      %select_n3A_277 = arith.select %lt3A_271, %broadcast_in_dim3A_275, %broadcast_in_dim3A_276 : vector<16xi1>, vector<16xi32>
      %sub3A_278 = arith.constant 1 : i32
      %sub3A_279 = vector.broadcast %sub3A_278 : i32 to vector<16xi32>
      %sub3A_280 = arith.subi %iota3A_262, %sub3A_279 : vector<16xi32>
      %max3A = arith.constant 0 : i32
      %max3A_281 = vector.broadcast %max3A : i32 to vector<16xi32>
      %max3A_282 = arith.maxsi %sub3A_280, %max3A_281 : vector<16xi32>
      %broadcast_in_dim3A_283 = vector.shape_cast %max3A_282 : vector<16xi32> to vector<16x1xi32>
      %gather3A = vector.shape_cast %broadcast_in_dim3A_283 : vector<16x1xi32> to vector<16xi32>
      %gather3A_284 = tpu.dynamic_gather %select_n3A_277[%gather3A] in [0] : vector<16xi32>, vector<16xi32> -> vector<16xi32>
      %ge3A = arith.constant 1 : i32
      %ge3A_285 = vector.broadcast %ge3A : i32 to vector<16xi32>
      %ge3A_286 = arith.cmpi sge, %iota3A_262, %ge3A_285 : vector<16xi32>
      %jit3A_287 = arith.constant 0 : i32
      %broadcast_in_dim3A_288 = vector.broadcast %jit3A_287 : i32 to vector<16xi32>
      %select_n3A_289 = arith.select %ge3A_286, %gather3A_284, %broadcast_in_dim3A_288 : vector<16xi1>, vector<16xi32>
      %add3A_290 = arith.addi %select_n3A_277, %select_n3A_289 : vector<16xi32>
      %sub3A_291 = arith.constant 2 : i32
      %sub3A_292 = vector.broadcast %sub3A_291 : i32 to vector<16xi32>
      %sub3A_293 = arith.subi %iota3A_262, %sub3A_292 : vector<16xi32>
      %max3A_294 = arith.constant 0 : i32
      %max3A_295 = vector.broadcast %max3A_294 : i32 to vector<16xi32>
      %max3A_296 = arith.maxsi %sub3A_293, %max3A_295 : vector<16xi32>
      %broadcast_in_dim3A_297 = vector.shape_cast %max3A_296 : vector<16xi32> to vector<16x1xi32>
      %gather3A_298 = vector.shape_cast %broadcast_in_dim3A_297 : vector<16x1xi32> to vector<16xi32>
      %gather3A_299 = tpu.dynamic_gather %add3A_290[%gather3A_298] in [0] : vector<16xi32>, vector<16xi32> -> vector<16xi32>
      %ge3A_300 = arith.constant 2 : i32
      %ge3A_301 = vector.broadcast %ge3A_300 : i32 to vector<16xi32>
      %ge3A_302 = arith.cmpi sge, %iota3A_262, %ge3A_301 : vector<16xi32>
      %jit3A_303 = arith.constant 0 : i32
      %broadcast_in_dim3A_304 = vector.broadcast %jit3A_303 : i32 to vector<16xi32>
      %select_n3A_305 = arith.select %ge3A_302, %gather3A_299, %broadcast_in_dim3A_304 : vector<16xi1>, vector<16xi32>
      %add3A_306 = arith.addi %add3A_290, %select_n3A_305 : vector<16xi32>
      %sub3A_307 = arith.constant 4 : i32
      %sub3A_308 = vector.broadcast %sub3A_307 : i32 to vector<16xi32>
      %sub3A_309 = arith.subi %iota3A_262, %sub3A_308 : vector<16xi32>
      %max3A_310 = arith.constant 0 : i32
      %max3A_311 = vector.broadcast %max3A_310 : i32 to vector<16xi32>
      %max3A_312 = arith.maxsi %sub3A_309, %max3A_311 : vector<16xi32>
      %broadcast_in_dim3A_313 = vector.shape_cast %max3A_312 : vector<16xi32> to vector<16x1xi32>
      %gather3A_314 = vector.shape_cast %broadcast_in_dim3A_313 : vector<16x1xi32> to vector<16xi32>
      %gather3A_315 = tpu.dynamic_gather %add3A_306[%gather3A_314] in [0] : vector<16xi32>, vector<16xi32> -> vector<16xi32>
      %ge3A_316 = arith.constant 4 : i32
      %ge3A_317 = vector.broadcast %ge3A_316 : i32 to vector<16xi32>
      %ge3A_318 = arith.cmpi sge, %iota3A_262, %ge3A_317 : vector<16xi32>
      %jit3A_319 = arith.constant 0 : i32
      %broadcast_in_dim3A_320 = vector.broadcast %jit3A_319 : i32 to vector<16xi32>
      %select_n3A_321 = arith.select %ge3A_318, %gather3A_315, %broadcast_in_dim3A_320 : vector<16xi1>, vector<16xi32>
      %add3A_322 = arith.addi %add3A_306, %select_n3A_321 : vector<16xi32>
      %sub3A_323 = arith.constant 8 : i32
      %sub3A_324 = vector.broadcast %sub3A_323 : i32 to vector<16xi32>
      %sub3A_325 = arith.subi %iota3A_262, %sub3A_324 : vector<16xi32>
      %max3A_326 = arith.constant 0 : i32
      %max3A_327 = vector.broadcast %max3A_326 : i32 to vector<16xi32>
      %max3A_328 = arith.maxsi %sub3A_325, %max3A_327 : vector<16xi32>
      %broadcast_in_dim3A_329 = vector.shape_cast %max3A_328 : vector<16xi32> to vector<16x1xi32>
      %gather3A_330 = vector.shape_cast %broadcast_in_dim3A_329 : vector<16x1xi32> to vector<16xi32>
      %gather3A_331 = tpu.dynamic_gather %add3A_322[%gather3A_330] in [0] : vector<16xi32>, vector<16xi32> -> vector<16xi32>
      %ge3A_332 = arith.constant 8 : i32
      %ge3A_333 = vector.broadcast %ge3A_332 : i32 to vector<16xi32>
      %ge3A_334 = arith.cmpi sge, %iota3A_262, %ge3A_333 : vector<16xi32>
      %jit3A_335 = arith.constant 0 : i32
      %broadcast_in_dim3A_336 = vector.broadcast %jit3A_335 : i32 to vector<16xi32>
      %select_n3A_337 = arith.select %ge3A_334, %gather3A_331, %broadcast_in_dim3A_336 : vector<16xi1>, vector<16xi32>
      %add3A_338 = arith.addi %add3A_322, %select_n3A_337 : vector<16xi32>
      %jit3A_339 = arith.constant 1 : i32
      %jit3A_340 = arith.constant 0 : i32
      %broadcast_in_dim3A_341 = vector.broadcast %jit3A_339 : i32 to vector<16xi32>
      %broadcast_in_dim3A_342 = vector.broadcast %jit3A_340 : i32 to vector<16xi32>
      %select_n3A_343 = arith.select %lt3A_271, %broadcast_in_dim3A_341, %broadcast_in_dim3A_342 : vector<16xi1>, vector<16xi32>
      %sub3A_344 = arith.subi %add3A_338, %select_n3A_343 : vector<16xi32>
      %broadcast_in_dim3A_345 = vector.broadcast %scan3A_260 : i32 to vector<16xi32>
      %add3A_346 = arith.addi %broadcast_in_dim3A_345, %sub3A_344 : vector<16xi32>
      %shift_right_arithmetic3A_347 = arith.constant 5 : i32
      %shift_right_arithmetic3A_348 = vector.broadcast %shift_right_arithmetic3A_347 : i32 to vector<16xi32>
      %shift_right_arithmetic3A_349 = arith.shrsi %add3A_346, %shift_right_arithmetic3A_348 : vector<16xi32>
      %shift_left3A_350 = arith.constant 6 : i32
      %shift_left3A_351 = vector.broadcast %shift_left3A_350 : i32 to vector<16xi32>
      %shift_left3A_352 = arith.shli %shift_right_arithmetic3A_349, %shift_left3A_351 : vector<16xi32>
      %and3A_353 = arith.constant 31 : i32
      %and3A_354 = vector.broadcast %and3A_353 : i32 to vector<16xi32>
      %and3A_355 = arith.andi %add3A_346, %and3A_354 : vector<16xi32>
      %add3A_356 = arith.addi %shift_left3A_352, %and3A_355 : vector<16xi32>
      %broadcast_in_dim3A_357 = vector.broadcast %scan3A_261 : i32 to vector<16xi32>
      %add3A_358 = arith.addi %broadcast_in_dim3A_357, %iota3A_262 : vector<16xi32>
      %sub3A_359 = arith.subi %add3A_358, %sub3A_344 : vector<16xi32>
      %shift_right_arithmetic3A_360 = arith.constant 5 : i32
      %shift_right_arithmetic3A_361 = vector.broadcast %shift_right_arithmetic3A_360 : i32 to vector<16xi32>
      %shift_right_arithmetic3A_362 = arith.shrsi %sub3A_359, %shift_right_arithmetic3A_361 : vector<16xi32>
      %shift_left3A_363 = arith.constant 6 : i32
      %shift_left3A_364 = vector.broadcast %shift_left3A_363 : i32 to vector<16xi32>
      %shift_left3A_365 = arith.shli %shift_right_arithmetic3A_362, %shift_left3A_364 : vector<16xi32>
      %and3A_366 = arith.constant 31 : i32
      %and3A_367 = vector.broadcast %and3A_366 : i32 to vector<16xi32>
      %and3A_368 = arith.andi %sub3A_359, %and3A_367 : vector<16xi32>
      %add3A_369 = arith.addi %shift_left3A_365, %and3A_368 : vector<16xi32>
      tpu.vector_store_idx %arg8[%add3A_356], %get3A_265 masked %lt3A_271 : memref<20480xi32, #tpu.memory_space<vmem>>[vector<16xi32>], vector<16xi32>, vector<16xi1>
      %add3A_370 = arith.constant 32 : i32
      %add3A_371 = vector.broadcast %add3A_370 : i32 to vector<16xi32>
      %add3A_372 = arith.addi %add3A_356, %add3A_371 : vector<16xi32>
      tpu.vector_store_idx %arg8[%add3A_372], %get3A_269 masked %lt3A_271 : memref<20480xi32, #tpu.memory_space<vmem>>[vector<16xi32>], vector<16xi32>, vector<16xi1>
      tpu.vector_store_idx %arg9[%add3A_369], %get3A_265 masked %not3A_272 : memref<20480xi32, #tpu.memory_space<vmem>>[vector<16xi32>], vector<16xi32>, vector<16xi1>
      %add3A_373 = arith.constant 32 : i32
      %add3A_374 = vector.broadcast %add3A_373 : i32 to vector<16xi32>
      %add3A_375 = arith.addi %add3A_369, %add3A_374 : vector<16xi32>
      %sub3A_376 = arith.constant 5120 : i32
      %sub3A_377 = vector.broadcast %sub3A_376 : i32 to vector<16xi32>
      %sub3A_378 = arith.subi %get3A_269, %sub3A_377 : vector<16xi32>
      tpu.vector_store_idx %arg9[%add3A_375], %sub3A_378 masked %not3A_272 : memref<20480xi32, #tpu.memory_space<vmem>>[vector<16xi32>], vector<16xi32>, vector<16xi1>
      %slice3A = vector.extract_strided_slice %add3A_338 {offsets = [15], sizes = [1], strides = [1]} : vector<16xi32> to vector<1xi32>
      %squeeze3A = vector.extract %slice3A[0] : i32 from vector<1xi32>
      %add3A_379 = arith.addi %scan3A_260, %squeeze3A : i32
      %sub3A_380 = arith.constant 16 : i32
      %sub3A_381 = arith.subi %sub3A_380, %squeeze3A : i32
      %add3A_382 = arith.addi %scan3A_261, %sub3A_381 : i32
      scf.yield %add3A_379, %add3A_382 : i32, i32
    }
    %scan3A_7 = arith.constant 625 : i32
    %iota3A = tpu.iota {dimensions = array<i32: 0>} : vector<16xi32>
    %broadcast_in_dim3A = arith.constant 0 : i32
    %broadcast_in_dim3A_8 = vector.broadcast %broadcast_in_dim3A : i32 to vector<16xi32>
    %broadcast_in_dim3A_9 = arith.constant 5120 : i32
    %broadcast_in_dim3A_10 = vector.broadcast %broadcast_in_dim3A_9 : i32 to vector<16xi32>
    %add3A_11 = arith.constant 0 : i32
    %add3A_12 = arith.addi %scan3A_6#0, %add3A_11 : i32
    %broadcast_in_dim3A_13 = vector.broadcast %add3A_12 : i32 to vector<16xi32>
    %add3A_14 = arith.addi %broadcast_in_dim3A_13, %iota3A : vector<16xi32>
    %shift_right_arithmetic3A = arith.constant 5 : i32
    %shift_right_arithmetic3A_15 = vector.broadcast %shift_right_arithmetic3A : i32 to vector<16xi32>
    %shift_right_arithmetic3A_16 = arith.shrsi %add3A_14, %shift_right_arithmetic3A_15 : vector<16xi32>
    %shift_left3A = arith.constant 6 : i32
    %shift_left3A_17 = vector.broadcast %shift_left3A : i32 to vector<16xi32>
    %shift_left3A_18 = arith.shli %shift_right_arithmetic3A_16, %shift_left3A_17 : vector<16xi32>
    %and3A = arith.constant 31 : i32
    %and3A_19 = vector.broadcast %and3A : i32 to vector<16xi32>
    %and3A_20 = arith.andi %add3A_14, %and3A_19 : vector<16xi32>
    %add3A_21 = arith.addi %shift_left3A_18, %and3A_20 : vector<16xi32>
    %add3A_22 = arith.constant 0 : i32
    %add3A_23 = arith.addi %scan3A_6#1, %add3A_22 : i32
    %broadcast_in_dim3A_24 = vector.broadcast %add3A_23 : i32 to vector<16xi32>
    %add3A_25 = arith.addi %broadcast_in_dim3A_24, %iota3A : vector<16xi32>
    %shift_right_arithmetic3A_26 = arith.constant 5 : i32
    %shift_right_arithmetic3A_27 = vector.broadcast %shift_right_arithmetic3A_26 : i32 to vector<16xi32>
    %shift_right_arithmetic3A_28 = arith.shrsi %add3A_25, %shift_right_arithmetic3A_27 : vector<16xi32>
    %shift_left3A_29 = arith.constant 6 : i32
    %shift_left3A_30 = vector.broadcast %shift_left3A_29 : i32 to vector<16xi32>
    %shift_left3A_31 = arith.shli %shift_right_arithmetic3A_28, %shift_left3A_30 : vector<16xi32>
    %and3A_32 = arith.constant 31 : i32
    %and3A_33 = vector.broadcast %and3A_32 : i32 to vector<16xi32>
    %and3A_34 = arith.andi %add3A_25, %and3A_33 : vector<16xi32>
    %add3A_35 = arith.addi %shift_left3A_31, %and3A_34 : vector<16xi32>
    %eq3A = arith.cmpi eq, %add3A_21, %add3A_21 : vector<16xi32>
    tpu.vector_store_idx %arg8[%add3A_21], %broadcast_in_dim3A_8 masked %eq3A : memref<20480xi32, #tpu.memory_space<vmem>>[vector<16xi32>], vector<16xi32>, vector<16xi1>
    %add3A_36 = arith.constant 32 : i32
    %add3A_37 = vector.broadcast %add3A_36 : i32 to vector<16xi32>
    %add3A_38 = arith.addi %add3A_21, %add3A_37 : vector<16xi32>
    %eq3A_39 = arith.cmpi eq, %add3A_21, %add3A_21 : vector<16xi32>
    tpu.vector_store_idx %arg8[%add3A_38], %broadcast_in_dim3A_10 masked %eq3A_39 : memref<20480xi32, #tpu.memory_space<vmem>>[vector<16xi32>], vector<16xi32>, vector<16xi1>
    %eq3A_40 = arith.cmpi eq, %add3A_35, %add3A_35 : vector<16xi32>
    tpu.vector_store_idx %arg9[%add3A_35], %broadcast_in_dim3A_8 masked %eq3A_40 : memref<20480xi32, #tpu.memory_space<vmem>>[vector<16xi32>], vector<16xi32>, vector<16xi1>
    %add3A_41 = arith.constant 32 : i32
    %add3A_42 = vector.broadcast %add3A_41 : i32 to vector<16xi32>
    %add3A_43 = arith.addi %add3A_35, %add3A_42 : vector<16xi32>
    %eq3A_44 = arith.cmpi eq, %add3A_35, %add3A_35 : vector<16xi32>
    tpu.vector_store_idx %arg9[%add3A_43], %broadcast_in_dim3A_10 masked %eq3A_44 : memref<20480xi32, #tpu.memory_space<vmem>>[vector<16xi32>], vector<16xi32>, vector<16xi1>
    %add3A_45 = arith.constant 16 : i32
    %add3A_46 = arith.addi %scan3A_6#0, %add3A_45 : i32
    %broadcast_in_dim3A_47 = vector.broadcast %add3A_46 : i32 to vector<16xi32>
    %add3A_48 = arith.addi %broadcast_in_dim3A_47, %iota3A : vector<16xi32>
    %shift_right_arithmetic3A_49 = arith.constant 5 : i32
    %shift_right_arithmetic3A_50 = vector.broadcast %shift_right_arithmetic3A_49 : i32 to vector<16xi32>
    %shift_right_arithmetic3A_51 = arith.shrsi %add3A_48, %shift_right_arithmetic3A_50 : vector<16xi32>
    %shift_left3A_52 = arith.constant 6 : i32
    %shift_left3A_53 = vector.broadcast %shift_left3A_52 : i32 to vector<16xi32>
    %shift_left3A_54 = arith.shli %shift_right_arithmetic3A_51, %shift_left3A_53 : vector<16xi32>
    %and3A_55 = arith.constant 31 : i32
    %and3A_56 = vector.broadcast %and3A_55 : i32 to vector<16xi32>
    %and3A_57 = arith.andi %add3A_48, %and3A_56 : vector<16xi32>
    %add3A_58 = arith.addi %shift_left3A_54, %and3A_57 : vector<16xi32>
    %add3A_59 = arith.constant 16 : i32
    %add3A_60 = arith.addi %scan3A_6#1, %add3A_59 : i32
    %broadcast_in_dim3A_61 = vector.broadcast %add3A_60 : i32 to vector<16xi32>
    %add3A_62 = arith.addi %broadcast_in_dim3A_61, %iota3A : vector<16xi32>
    %shift_right_arithmetic3A_63 = arith.constant 5 : i32
    %shift_right_arithmetic3A_64 = vector.broadcast %shift_right_arithmetic3A_63 : i32 to vector<16xi32>
    %shift_right_arithmetic3A_65 = arith.shrsi %add3A_62, %shift_right_arithmetic3A_64 : vector<16xi32>
    %shift_left3A_66 = arith.constant 6 : i32
    %shift_left3A_67 = vector.broadcast %shift_left3A_66 : i32 to vector<16xi32>
    %shift_left3A_68 = arith.shli %shift_right_arithmetic3A_65, %shift_left3A_67 : vector<16xi32>
    %and3A_69 = arith.constant 31 : i32
    %and3A_70 = vector.broadcast %and3A_69 : i32 to vector<16xi32>
    %and3A_71 = arith.andi %add3A_62, %and3A_70 : vector<16xi32>
    %add3A_72 = arith.addi %shift_left3A_68, %and3A_71 : vector<16xi32>
    %eq3A_73 = arith.cmpi eq, %add3A_58, %add3A_58 : vector<16xi32>
    tpu.vector_store_idx %arg8[%add3A_58], %broadcast_in_dim3A_8 masked %eq3A_73 : memref<20480xi32, #tpu.memory_space<vmem>>[vector<16xi32>], vector<16xi32>, vector<16xi1>
    %add3A_74 = arith.constant 32 : i32
    %add3A_75 = vector.broadcast %add3A_74 : i32 to vector<16xi32>
    %add3A_76 = arith.addi %add3A_58, %add3A_75 : vector<16xi32>
    %eq3A_77 = arith.cmpi eq, %add3A_58, %add3A_58 : vector<16xi32>
    tpu.vector_store_idx %arg8[%add3A_76], %broadcast_in_dim3A_10 masked %eq3A_77 : memref<20480xi32, #tpu.memory_space<vmem>>[vector<16xi32>], vector<16xi32>, vector<16xi1>
    %eq3A_78 = arith.cmpi eq, %add3A_72, %add3A_72 : vector<16xi32>
    tpu.vector_store_idx %arg9[%add3A_72], %broadcast_in_dim3A_8 masked %eq3A_78 : memref<20480xi32, #tpu.memory_space<vmem>>[vector<16xi32>], vector<16xi32>, vector<16xi1>
    %add3A_79 = arith.constant 32 : i32
    %add3A_80 = vector.broadcast %add3A_79 : i32 to vector<16xi32>
    %add3A_81 = arith.addi %add3A_72, %add3A_80 : vector<16xi32>
    %eq3A_82 = arith.cmpi eq, %add3A_72, %add3A_72 : vector<16xi32>
    tpu.vector_store_idx %arg9[%add3A_81], %broadcast_in_dim3A_10 masked %eq3A_82 : memref<20480xi32, #tpu.memory_space<vmem>>[vector<16xi32>], vector<16xi32>, vector<16xi1>
    %add3A_83 = arith.constant 32 : i32
    %add3A_84 = arith.addi %scan3A_6#0, %add3A_83 : i32
    %broadcast_in_dim3A_85 = vector.broadcast %add3A_84 : i32 to vector<16xi32>
    %add3A_86 = arith.addi %broadcast_in_dim3A_85, %iota3A : vector<16xi32>
    %shift_right_arithmetic3A_87 = arith.constant 5 : i32
    %shift_right_arithmetic3A_88 = vector.broadcast %shift_right_arithmetic3A_87 : i32 to vector<16xi32>
    %shift_right_arithmetic3A_89 = arith.shrsi %add3A_86, %shift_right_arithmetic3A_88 : vector<16xi32>
    %shift_left3A_90 = arith.constant 6 : i32
    %shift_left3A_91 = vector.broadcast %shift_left3A_90 : i32 to vector<16xi32>
    %shift_left3A_92 = arith.shli %shift_right_arithmetic3A_89, %shift_left3A_91 : vector<16xi32>
    %and3A_93 = arith.constant 31 : i32
    %and3A_94 = vector.broadcast %and3A_93 : i32 to vector<16xi32>
    %and3A_95 = arith.andi %add3A_86, %and3A_94 : vector<16xi32>
    %add3A_96 = arith.addi %shift_left3A_92, %and3A_95 : vector<16xi32>
    %add3A_97 = arith.constant 32 : i32
    %add3A_98 = arith.addi %scan3A_6#1, %add3A_97 : i32
    %broadcast_in_dim3A_99 = vector.broadcast %add3A_98 : i32 to vector<16xi32>
    %add3A_100 = arith.addi %broadcast_in_dim3A_99, %iota3A : vector<16xi32>
    %shift_right_arithmetic3A_101 = arith.constant 5 : i32
    %shift_right_arithmetic3A_102 = vector.broadcast %shift_right_arithmetic3A_101 : i32 to vector<16xi32>
    %shift_right_arithmetic3A_103 = arith.shrsi %add3A_100, %shift_right_arithmetic3A_102 : vector<16xi32>
    %shift_left3A_104 = arith.constant 6 : i32
    %shift_left3A_105 = vector.broadcast %shift_left3A_104 : i32 to vector<16xi32>
    %shift_left3A_106 = arith.shli %shift_right_arithmetic3A_103, %shift_left3A_105 : vector<16xi32>
    %and3A_107 = arith.constant 31 : i32
    %and3A_108 = vector.broadcast %and3A_107 : i32 to vector<16xi32>
    %and3A_109 = arith.andi %add3A_100, %and3A_108 : vector<16xi32>
    %add3A_110 = arith.addi %shift_left3A_106, %and3A_109 : vector<16xi32>
    %eq3A_111 = arith.cmpi eq, %add3A_96, %add3A_96 : vector<16xi32>
    tpu.vector_store_idx %arg8[%add3A_96], %broadcast_in_dim3A_8 masked %eq3A_111 : memref<20480xi32, #tpu.memory_space<vmem>>[vector<16xi32>], vector<16xi32>, vector<16xi1>
    %add3A_112 = arith.constant 32 : i32
    %add3A_113 = vector.broadcast %add3A_112 : i32 to vector<16xi32>
    %add3A_114 = arith.addi %add3A_96, %add3A_113 : vector<16xi32>
    %eq3A_115 = arith.cmpi eq, %add3A_96, %add3A_96 : vector<16xi32>
    tpu.vector_store_idx %arg8[%add3A_114], %broadcast_in_dim3A_10 masked %eq3A_115 : memref<20480xi32, #tpu.memory_space<vmem>>[vector<16xi32>], vector<16xi32>, vector<16xi1>
    %eq3A_116 = arith.cmpi eq, %add3A_110, %add3A_110 : vector<16xi32>
    tpu.vector_store_idx %arg9[%add3A_110], %broadcast_in_dim3A_8 masked %eq3A_116 : memref<20480xi32, #tpu.memory_space<vmem>>[vector<16xi32>], vector<16xi32>, vector<16xi1>
    %add3A_117 = arith.constant 32 : i32
    %add3A_118 = vector.broadcast %add3A_117 : i32 to vector<16xi32>
    %add3A_119 = arith.addi %add3A_110, %add3A_118 : vector<16xi32>
    %eq3A_120 = arith.cmpi eq, %add3A_110, %add3A_110 : vector<16xi32>
    tpu.vector_store_idx %arg9[%add3A_119], %broadcast_in_dim3A_10 masked %eq3A_120 : memref<20480xi32, #tpu.memory_space<vmem>>[vector<16xi32>], vector<16xi32>, vector<16xi1>
    %add3A_121 = arith.constant 48 : i32
    %add3A_122 = arith.addi %scan3A_6#0, %add3A_121 : i32
    %broadcast_in_dim3A_123 = vector.broadcast %add3A_122 : i32 to vector<16xi32>
    %add3A_124 = arith.addi %broadcast_in_dim3A_123, %iota3A : vector<16xi32>
    %shift_right_arithmetic3A_125 = arith.constant 5 : i32
    %shift_right_arithmetic3A_126 = vector.broadcast %shift_right_arithmetic3A_125 : i32 to vector<16xi32>
    %shift_right_arithmetic3A_127 = arith.shrsi %add3A_124, %shift_right_arithmetic3A_126 : vector<16xi32>
    %shift_left3A_128 = arith.constant 6 : i32
    %shift_left3A_129 = vector.broadcast %shift_left3A_128 : i32 to vector<16xi32>
    %shift_left3A_130 = arith.shli %shift_right_arithmetic3A_127, %shift_left3A_129 : vector<16xi32>
    %and3A_131 = arith.constant 31 : i32
    %and3A_132 = vector.broadcast %and3A_131 : i32 to vector<16xi32>
    %and3A_133 = arith.andi %add3A_124, %and3A_132 : vector<16xi32>
    %add3A_134 = arith.addi %shift_left3A_130, %and3A_133 : vector<16xi32>
    %add3A_135 = arith.constant 48 : i32
    %add3A_136 = arith.addi %scan3A_6#1, %add3A_135 : i32
    %broadcast_in_dim3A_137 = vector.broadcast %add3A_136 : i32 to vector<16xi32>
    %add3A_138 = arith.addi %broadcast_in_dim3A_137, %iota3A : vector<16xi32>
    %shift_right_arithmetic3A_139 = arith.constant 5 : i32
    %shift_right_arithmetic3A_140 = vector.broadcast %shift_right_arithmetic3A_139 : i32 to vector<16xi32>
    %shift_right_arithmetic3A_141 = arith.shrsi %add3A_138, %shift_right_arithmetic3A_140 : vector<16xi32>
    %shift_left3A_142 = arith.constant 6 : i32
    %shift_left3A_143 = vector.broadcast %shift_left3A_142 : i32 to vector<16xi32>
    %shift_left3A_144 = arith.shli %shift_right_arithmetic3A_141, %shift_left3A_143 : vector<16xi32>
    %and3A_145 = arith.constant 31 : i32
    %and3A_146 = vector.broadcast %and3A_145 : i32 to vector<16xi32>
    %and3A_147 = arith.andi %add3A_138, %and3A_146 : vector<16xi32>
    %add3A_148 = arith.addi %shift_left3A_144, %and3A_147 : vector<16xi32>
    %eq3A_149 = arith.cmpi eq, %add3A_134, %add3A_134 : vector<16xi32>
    tpu.vector_store_idx %arg8[%add3A_134], %broadcast_in_dim3A_8 masked %eq3A_149 : memref<20480xi32, #tpu.memory_space<vmem>>[vector<16xi32>], vector<16xi32>, vector<16xi1>
    %add3A_150 = arith.constant 32 : i32
    %add3A_151 = vector.broadcast %add3A_150 : i32 to vector<16xi32>
    %add3A_152 = arith.addi %add3A_134, %add3A_151 : vector<16xi32>
    %eq3A_153 = arith.cmpi eq, %add3A_134, %add3A_134 : vector<16xi32>
    tpu.vector_store_idx %arg8[%add3A_152], %broadcast_in_dim3A_10 masked %eq3A_153 : memref<20480xi32, #tpu.memory_space<vmem>>[vector<16xi32>], vector<16xi32>, vector<16xi1>
    %eq3A_154 = arith.cmpi eq, %add3A_148, %add3A_148 : vector<16xi32>
    tpu.vector_store_idx %arg9[%add3A_148], %broadcast_in_dim3A_8 masked %eq3A_154 : memref<20480xi32, #tpu.memory_space<vmem>>[vector<16xi32>], vector<16xi32>, vector<16xi1>
    %add3A_155 = arith.constant 32 : i32
    %add3A_156 = vector.broadcast %add3A_155 : i32 to vector<16xi32>
    %add3A_157 = arith.addi %add3A_148, %add3A_156 : vector<16xi32>
    %eq3A_158 = arith.cmpi eq, %add3A_148, %add3A_148 : vector<16xi32>
    tpu.vector_store_idx %arg9[%add3A_157], %broadcast_in_dim3A_10 masked %eq3A_158 : memref<20480xi32, #tpu.memory_space<vmem>>[vector<16xi32>], vector<16xi32>, vector<16xi1>
    %add3A_159 = arith.constant 64 : i32
    %add3A_160 = arith.addi %scan3A_6#0, %add3A_159 : i32
    %broadcast_in_dim3A_161 = vector.broadcast %add3A_160 : i32 to vector<16xi32>
    %add3A_162 = arith.addi %broadcast_in_dim3A_161, %iota3A : vector<16xi32>
    %shift_right_arithmetic3A_163 = arith.constant 5 : i32
    %shift_right_arithmetic3A_164 = vector.broadcast %shift_right_arithmetic3A_163 : i32 to vector<16xi32>
    %shift_right_arithmetic3A_165 = arith.shrsi %add3A_162, %shift_right_arithmetic3A_164 : vector<16xi32>
    %shift_left3A_166 = arith.constant 6 : i32
    %shift_left3A_167 = vector.broadcast %shift_left3A_166 : i32 to vector<16xi32>
    %shift_left3A_168 = arith.shli %shift_right_arithmetic3A_165, %shift_left3A_167 : vector<16xi32>
    %and3A_169 = arith.constant 31 : i32
    %and3A_170 = vector.broadcast %and3A_169 : i32 to vector<16xi32>
    %and3A_171 = arith.andi %add3A_162, %and3A_170 : vector<16xi32>
    %add3A_172 = arith.addi %shift_left3A_168, %and3A_171 : vector<16xi32>
    %add3A_173 = arith.constant 64 : i32
    %add3A_174 = arith.addi %scan3A_6#1, %add3A_173 : i32
    %broadcast_in_dim3A_175 = vector.broadcast %add3A_174 : i32 to vector<16xi32>
    %add3A_176 = arith.addi %broadcast_in_dim3A_175, %iota3A : vector<16xi32>
    %shift_right_arithmetic3A_177 = arith.constant 5 : i32
    %shift_right_arithmetic3A_178 = vector.broadcast %shift_right_arithmetic3A_177 : i32 to vector<16xi32>
    %shift_right_arithmetic3A_179 = arith.shrsi %add3A_176, %shift_right_arithmetic3A_178 : vector<16xi32>
    %shift_left3A_180 = arith.constant 6 : i32
    %shift_left3A_181 = vector.broadcast %shift_left3A_180 : i32 to vector<16xi32>
    %shift_left3A_182 = arith.shli %shift_right_arithmetic3A_179, %shift_left3A_181 : vector<16xi32>
    %and3A_183 = arith.constant 31 : i32
    %and3A_184 = vector.broadcast %and3A_183 : i32 to vector<16xi32>
    %and3A_185 = arith.andi %add3A_176, %and3A_184 : vector<16xi32>
    %add3A_186 = arith.addi %shift_left3A_182, %and3A_185 : vector<16xi32>
    %eq3A_187 = arith.cmpi eq, %add3A_172, %add3A_172 : vector<16xi32>
    tpu.vector_store_idx %arg8[%add3A_172], %broadcast_in_dim3A_8 masked %eq3A_187 : memref<20480xi32, #tpu.memory_space<vmem>>[vector<16xi32>], vector<16xi32>, vector<16xi1>
    %add3A_188 = arith.constant 32 : i32
    %add3A_189 = vector.broadcast %add3A_188 : i32 to vector<16xi32>
    %add3A_190 = arith.addi %add3A_172, %add3A_189 : vector<16xi32>
    %eq3A_191 = arith.cmpi eq, %add3A_172, %add3A_172 : vector<16xi32>
    tpu.vector_store_idx %arg8[%add3A_190], %broadcast_in_dim3A_10 masked %eq3A_191 : memref<20480xi32, #tpu.memory_space<vmem>>[vector<16xi32>], vector<16xi32>, vector<16xi1>
    %eq3A_192 = arith.cmpi eq, %add3A_186, %add3A_186 : vector<16xi32>
    tpu.vector_store_idx %arg9[%add3A_186], %broadcast_in_dim3A_8 masked %eq3A_192 : memref<20480xi32, #tpu.memory_space<vmem>>[vector<16xi32>], vector<16xi32>, vector<16xi1>
    %add3A_193 = arith.constant 32 : i32
    %add3A_194 = vector.broadcast %add3A_193 : i32 to vector<16xi32>
    %add3A_195 = arith.addi %add3A_186, %add3A_194 : vector<16xi32>
    %eq3A_196 = arith.cmpi eq, %add3A_186, %add3A_186 : vector<16xi32>
    tpu.vector_store_idx %arg9[%add3A_195], %broadcast_in_dim3A_10 masked %eq3A_196 : memref<20480xi32, #tpu.memory_space<vmem>>[vector<16xi32>], vector<16xi32>, vector<16xi1>
    %add3A_197 = arith.constant 63 : i32
    %add3A_198 = arith.addi %scan3A_6#0, %add3A_197 : i32
    %jit3A = arith.constant 64 : i32
    %div3A = arith.divsi %add3A_198, %jit3A : i32
    %sign3A = arith.constant 0 : i32
    %sign3A_199 = arith.cmpi sgt, %add3A_198, %sign3A : i32
    %sign3A_200 = arith.extui %sign3A_199 : i1 to i32
    %sign3A_201 = arith.constant 0 : i32
    %sign3A_202 = arith.cmpi slt, %add3A_198, %sign3A_201 : i32
    %sign3A_203 = arith.extui %sign3A_202 : i1 to i32
    %sign3A_204 = arith.subi %sign3A_200, %sign3A_203 : i32
    %sign3A_205 = arith.constant 0 : i32
    %sign3A_206 = arith.cmpi sgt, %jit3A, %sign3A_205 : i32
    %sign3A_207 = arith.extui %sign3A_206 : i1 to i32
    %sign3A_208 = arith.constant 0 : i32
    %sign3A_209 = arith.cmpi slt, %jit3A, %sign3A_208 : i32
    %sign3A_210 = arith.extui %sign3A_209 : i1 to i32
    %sign3A_211 = arith.subi %sign3A_207, %sign3A_210 : i32
    %ne3A = arith.cmpi ne, %sign3A_204, %sign3A_211 : i32
    %rem3A = arith.remsi %add3A_198, %jit3A : i32
    %ne3A_212 = arith.constant 0 : i32
    %ne3A_213 = arith.cmpi ne, %rem3A, %ne3A_212 : i32
    %and3A_214 = arith.andi %ne3A, %ne3A_213 : i1
    %sub3A = arith.constant 1 : i32
    %sub3A_215 = arith.subi %div3A, %sub3A : i32
    %select_n3A = arith.select %and3A_214, %sub3A_215, %div3A : i32
    %add3A_216 = arith.constant 63 : i32
    %add3A_217 = arith.addi %scan3A_6#1, %add3A_216 : i32
    %jit3A_218 = arith.constant 64 : i32
    %div3A_219 = arith.divsi %add3A_217, %jit3A_218 : i32
    %sign3A_220 = arith.constant 0 : i32
    %sign3A_221 = arith.cmpi sgt, %add3A_217, %sign3A_220 : i32
    %sign3A_222 = arith.extui %sign3A_221 : i1 to i32
    %sign3A_223 = arith.constant 0 : i32
    %sign3A_224 = arith.cmpi slt, %add3A_217, %sign3A_223 : i32
    %sign3A_225 = arith.extui %sign3A_224 : i1 to i32
    %sign3A_226 = arith.subi %sign3A_222, %sign3A_225 : i32
    %sign3A_227 = arith.constant 0 : i32
    %sign3A_228 = arith.cmpi sgt, %jit3A_218, %sign3A_227 : i32
    %sign3A_229 = arith.extui %sign3A_228 : i1 to i32
    %sign3A_230 = arith.constant 0 : i32
    %sign3A_231 = arith.cmpi slt, %jit3A_218, %sign3A_230 : i32
    %sign3A_232 = arith.extui %sign3A_231 : i1 to i32
    %sign3A_233 = arith.subi %sign3A_229, %sign3A_232 : i32
    %ne3A_234 = arith.cmpi ne, %sign3A_226, %sign3A_233 : i32
    %rem3A_235 = arith.remsi %add3A_217, %jit3A_218 : i32
    %ne3A_236 = arith.constant 0 : i32
    %ne3A_237 = arith.cmpi ne, %rem3A_235, %ne3A_236 : i32
    %and3A_238 = arith.andi %ne3A_234, %ne3A_237 : i1
    %sub3A_239 = arith.constant 1 : i32
    %sub3A_240 = arith.subi %div3A_219, %sub3A_239 : i32
    %select_n3A_241 = arith.select %and3A_238, %sub3A_240, %div3A_219 : i32
    %eq3A_242 = arith.constant 0 : i32
    %eq3A_243 = vector.broadcast %eq3A_242 : i32 to vector<16xi32>
    %eq3A_244 = arith.cmpi eq, %iota3A, %eq3A_243 : vector<16xi32>
    %broadcast_in_dim3A_245 = vector.broadcast %select_n3A : i32 to vector<16xi32>
    %jit3A_246 = arith.constant 0 : i32
    %broadcast_in_dim3A_247 = vector.broadcast %jit3A_246 : i32 to vector<16xi32>
    %select_n3A_248 = arith.select %eq3A_244, %broadcast_in_dim3A_245, %broadcast_in_dim3A_247 : vector<16xi1>, vector<16xi32>
    %eq3A_249 = arith.constant 1 : i32
    %eq3A_250 = vector.broadcast %eq3A_249 : i32 to vector<16xi32>
    %eq3A_251 = arith.cmpi eq, %iota3A, %eq3A_250 : vector<16xi32>
    %broadcast_in_dim3A_252 = vector.broadcast %select_n3A_241 : i32 to vector<16xi32>
    %jit3A_253 = arith.constant 0 : i32
    %broadcast_in_dim3A_254 = vector.broadcast %jit3A_253 : i32 to vector<16xi32>
    %select_n3A_255 = arith.select %eq3A_251, %broadcast_in_dim3A_252, %broadcast_in_dim3A_254 : vector<16xi1>, vector<16xi32>
    %add3A_256 = arith.addi %select_n3A_248, %select_n3A_255 : vector<16xi32>
    %swap3A = arith.constant 0 : index
    %swap3A_257 = tpu.vector_load %arg10[%swap3A] {strides = array<i32>} : memref<16xi32, #tpu.memory_space<vmem>>, vector<16xi32>,
    tpu.vector_store %arg10[%swap3A], %add3A_256 {strides = array<i32>} : memref<16xi32, #tpu.memory_space<vmem>>, vector<16xi32>,
    "tpu.region"() ({
      %run_scoped3A_259 = tpu.sem_alloc : memref<!tpu.dma_semaphore, #tpu.memory_space<semaphore_mem>>
      %dma_start3A = arith.constant 0 : i32
      %dma_start3A_260 = tpu.memref_slice %arg5[%add3A, %dma_start3A] : memref<32x16xi32, #tpu.memory_space<hbm>> -> memref<1x16xi32, #tpu.memory_space<hbm>>
      %dma_start3A_261 = tpu.memref_squeeze %dma_start3A_260 : memref<1x16xi32, #tpu.memory_space<hbm>> -> memref<16xi32, #tpu.memory_space<hbm>>
      %dma_start3A_262 = arith.constant 0 : i32
      %dma_start3A_263 = tpu.memref_slice %arg5[%add3A, %dma_start3A_262] : memref<32x16xi32, #tpu.memory_space<hbm>> -> memref<1x16xi32, #tpu.memory_space<hbm>>
      %dma_start3A_264 = tpu.memref_squeeze %dma_start3A_263 : memref<1x16xi32, #tpu.memory_space<hbm>> -> memref<16xi32, #tpu.memory_space<hbm>>
      tpu.enqueue_dma source(%arg10 : memref<16xi32, #tpu.memory_space<vmem>>) target(%dma_start3A_264 : memref<16xi32, #tpu.memory_space<hbm>>) target_semaphore(%run_scoped3A_259 : memref<!tpu.dma_semaphore, #tpu.memory_space<semaphore_mem>>)
      %dma_wait3A = arith.constant 0 : i32
      %dma_wait3A_265 = tpu.memref_slice %arg5[%add3A, %dma_wait3A] : memref<32x16xi32, #tpu.memory_space<hbm>> -> memref<1x16xi32, #tpu.memory_space<hbm>>
      %dma_wait3A_266 = tpu.memref_squeeze %dma_wait3A_265 : memref<1x16xi32, #tpu.memory_space<hbm>> -> memref<16xi32, #tpu.memory_space<hbm>>
      %dma_wait3A_267 = arith.constant 0 : i32
      %dma_wait3A_268 = tpu.memref_slice %arg5[%add3A, %dma_wait3A_267] : memref<32x16xi32, #tpu.memory_space<hbm>> -> memref<1x16xi32, #tpu.memory_space<hbm>>
      %dma_wait3A_269 = tpu.memref_squeeze %dma_wait3A_268 : memref<1x16xi32, #tpu.memory_space<hbm>> -> memref<16xi32, #tpu.memory_space<hbm>>
      tpu.wait_dma2 semaphore(%run_scoped3A_259 : memref<!tpu.dma_semaphore, #tpu.memory_space<semaphore_mem>>) src(%arg10 : memref<16xi32, #tpu.memory_space<vmem>>) dst(%dma_wait3A_269 : memref<16xi32, #tpu.memory_space<hbm>>)
      tpu.yield
    }) : () -> ()
    %run_scoped3A = arith.constant 0 : i32
    "tpu.region"() ({
      %run_scoped3A_259 = tpu.sem_alloc : memref<!tpu.dma_semaphore, #tpu.memory_space<semaphore_mem>>
      %dma_start3A = arith.constant 0 : i32
      %dma_start3A_260 = tpu.memref_slice %arg4[%run_scoped3A, %add3A, %dma_start3A] : memref<2x32x20480xi32, #tpu.memory_space<hbm>> -> memref<1x1x20480xi32, #tpu.memory_space<hbm>>
      %dma_start3A_261 = tpu.memref_squeeze %dma_start3A_260 : memref<1x1x20480xi32, #tpu.memory_space<hbm>> -> memref<20480xi32, #tpu.memory_space<hbm>>
      %dma_start3A_262 = arith.constant 0 : i32
      %dma_start3A_263 = tpu.memref_slice %arg4[%run_scoped3A, %add3A, %dma_start3A_262] : memref<2x32x20480xi32, #tpu.memory_space<hbm>> -> memref<1x1x20480xi32, #tpu.memory_space<hbm>>
      %dma_start3A_264 = tpu.memref_squeeze %dma_start3A_263 : memref<1x1x20480xi32, #tpu.memory_space<hbm>> -> memref<20480xi32, #tpu.memory_space<hbm>>
      tpu.enqueue_dma source(%arg8 : memref<20480xi32, #tpu.memory_space<vmem>>) target(%dma_start3A_264 : memref<20480xi32, #tpu.memory_space<hbm>>) target_semaphore(%run_scoped3A_259 : memref<!tpu.dma_semaphore, #tpu.memory_space<semaphore_mem>>)
      %dma_wait3A = arith.constant 0 : i32
      %dma_wait3A_265 = tpu.memref_slice %arg4[%run_scoped3A, %add3A, %dma_wait3A] : memref<2x32x20480xi32, #tpu.memory_space<hbm>> -> memref<1x1x20480xi32, #tpu.memory_space<hbm>>
      %dma_wait3A_266 = tpu.memref_squeeze %dma_wait3A_265 : memref<1x1x20480xi32, #tpu.memory_space<hbm>> -> memref<20480xi32, #tpu.memory_space<hbm>>
      %dma_wait3A_267 = arith.constant 0 : i32
      %dma_wait3A_268 = tpu.memref_slice %arg4[%run_scoped3A, %add3A, %dma_wait3A_267] : memref<2x32x20480xi32, #tpu.memory_space<hbm>> -> memref<1x1x20480xi32, #tpu.memory_space<hbm>>
      %dma_wait3A_269 = tpu.memref_squeeze %dma_wait3A_268 : memref<1x1x20480xi32, #tpu.memory_space<hbm>> -> memref<20480xi32, #tpu.memory_space<hbm>>
      tpu.wait_dma2 semaphore(%run_scoped3A_259 : memref<!tpu.dma_semaphore, #tpu.memory_space<semaphore_mem>>) src(%arg8 : memref<20480xi32, #tpu.memory_space<vmem>>) dst(%dma_wait3A_269 : memref<20480xi32, #tpu.memory_space<hbm>>)
      tpu.yield
    }) : () -> ()
    %run_scoped3A_258 = arith.constant 1 : i32
    "tpu.region"() ({
      %run_scoped3A_259 = tpu.sem_alloc : memref<!tpu.dma_semaphore, #tpu.memory_space<semaphore_mem>>
      %dma_start3A = arith.constant 0 : i32
      %dma_start3A_260 = tpu.memref_slice %arg4[%run_scoped3A_258, %add3A, %dma_start3A] : memref<2x32x20480xi32, #tpu.memory_space<hbm>> -> memref<1x1x20480xi32, #tpu.memory_space<hbm>>
      %dma_start3A_261 = tpu.memref_squeeze %dma_start3A_260 : memref<1x1x20480xi32, #tpu.memory_space<hbm>> -> memref<20480xi32, #tpu.memory_space<hbm>>
      %dma_start3A_262 = arith.constant 0 : i32
      %dma_start3A_263 = tpu.memref_slice %arg4[%run_scoped3A_258, %add3A, %dma_start3A_262] : memref<2x32x20480xi32, #tpu.memory_space<hbm>> -> memref<1x1x20480xi32, #tpu.memory_space<hbm>>
      %dma_start3A_264 = tpu.memref_squeeze %dma_start3A_263 : memref<1x1x20480xi32, #tpu.memory_space<hbm>> -> memref<20480xi32, #tpu.memory_space<hbm>>
      tpu.enqueue_dma source(%arg9 : memref<20480xi32, #tpu.memory_space<vmem>>) target(%dma_start3A_264 : memref<20480xi32, #tpu.memory_space<hbm>>) target_semaphore(%run_scoped3A_259 : memref<!tpu.dma_semaphore, #tpu.memory_space<semaphore_mem>>)
      %dma_wait3A = arith.constant 0 : i32
      %dma_wait3A_265 = tpu.memref_slice %arg4[%run_scoped3A_258, %add3A, %dma_wait3A] : memref<2x32x20480xi32, #tpu.memory_space<hbm>> -> memref<1x1x20480xi32, #tpu.memory_space<hbm>>
      %dma_wait3A_266 = tpu.memref_squeeze %dma_wait3A_265 : memref<1x1x20480xi32, #tpu.memory_space<hbm>> -> memref<20480xi32, #tpu.memory_space<hbm>>
      %dma_wait3A_267 = arith.constant 0 : i32
      %dma_wait3A_268 = tpu.memref_slice %arg4[%run_scoped3A_258, %add3A, %dma_wait3A_267] : memref<2x32x20480xi32, #tpu.memory_space<hbm>> -> memref<1x1x20480xi32, #tpu.memory_space<hbm>>
      %dma_wait3A_269 = tpu.memref_squeeze %dma_wait3A_268 : memref<1x1x20480xi32, #tpu.memory_space<hbm>> -> memref<20480xi32, #tpu.memory_space<hbm>>
      tpu.wait_dma2 semaphore(%run_scoped3A_259 : memref<!tpu.dma_semaphore, #tpu.memory_space<semaphore_mem>>) src(%arg9 : memref<20480xi32, #tpu.memory_space<vmem>>) dst(%dma_wait3A_269 : memref<20480xi32, #tpu.memory_space<hbm>>)
      tpu.yield
    }) : () -> ()
    return
  }
}

#map = affine_map<(d0, d1) -> (0, 0, 0)>
#map1 = affine_map<(d0, d1) -> (0, 0, 0, 0, 0)>
#map2 = affine_map<(d0, d1) -> (0)>
module attributes {stable_mosaic.version = 14 : i64} {
  func.func @_agg_body(%arg0: i32, %arg1: i32, %arg2: memref<10000x2x128xf32, #tpu.memory_space<hbm>>, %arg3: memref<2x32x160x4x32xi32, #tpu.memory_space<hbm>>, %arg4: memref<512xi32, #tpu.memory_space<hbm>>, %arg5: memref<328x2x128xf32, #tpu.memory_space<hbm>>, %arg6: memref<10496x2x128xf32, #tpu.memory_space<hbm>>, %arg7: memref<4x32xi32, #tpu.memory_space<vmem>>, %arg8: memref<4x32xi32, #tpu.memory_space<vmem>>, %arg9: memref<32x2x128xf32, #tpu.memory_space<vmem>>, %arg10: memref<32x2x128xf32, #tpu.memory_space<vmem>>, %arg11: memref<32x2x128xf32, #tpu.memory_space<vmem>>, %arg12: memref<32x2x128xf32, #tpu.memory_space<vmem>>, %arg13: memref<512xi32, #tpu.memory_space<vmem>>, %arg14: memref<5248x2x128xf32, #tpu.memory_space<vmem_shared>>, %arg15: memref<!tpu.dma_semaphore, #tpu.memory_space<semaphore_mem>>, %arg16: memref<!tpu.dma_semaphore, #tpu.memory_space<semaphore_mem>>, %arg17: memref<!tpu.dma_semaphore, #tpu.memory_space<semaphore_mem>>, %arg18: memref<!tpu.dma_semaphore, #tpu.memory_space<semaphore_mem>>, %arg19: memref<!tpu.dma_semaphore, #tpu.memory_space<semaphore_mem>>, %arg20: memref<!tpu.dma_semaphore, #tpu.memory_space<semaphore_mem>>, %arg21: memref<!tpu.dma_semaphore, #tpu.memory_space<semaphore_mem>>, %arg22: memref<!tpu.dma_semaphore, #tpu.memory_space<semaphore_mem>>) attributes {dimension_semantics = [#tpu.dimension_semantics<core_parallel>, #tpu.dimension_semantics<subcore_parallel>], iteration_bounds = array<i64: 2, 16>, scalar_prefetch = 0 : i64, scratch_operands = 16 : i64, tpu.core_type = #tpu.core_type<sc_vector_subcore>, window_params = [{transform_indices = #map}, {transform_indices = #map1}, {transform_indices = #map2}, {transform_indices = #map}, {transform_indices = #map}]} {
    %mul3A = arith.constant 328 : i32
    %mul3A_0 = arith.muli %arg1, %mul3A : i32
    "tpu.region"() ({
      %run_scoped3A = tpu.sem_alloc : memref<!tpu.dma_semaphore, #tpu.memory_space<semaphore_mem>>
      %dma_start3A = arith.constant 0 : i32
      %dma_start3A_116 = arith.constant 0 : i32
      %dma_start3A_117 = tpu.memref_slice %arg14[%mul3A_0, %dma_start3A, %dma_start3A_116] : memref<5248x2x128xf32, #tpu.memory_space<vmem_shared>> -> memref<328x2x128xf32, #tpu.memory_space<vmem_shared>>
      tpu.enqueue_dma source(%arg5 : memref<328x2x128xf32, #tpu.memory_space<hbm>>) target(%dma_start3A_117 : memref<328x2x128xf32, #tpu.memory_space<vmem_shared>>) target_semaphore(%run_scoped3A : memref<!tpu.dma_semaphore, #tpu.memory_space<semaphore_mem>>)
      %dma_wait3A = arith.constant 0 : i32
      %dma_wait3A_118 = arith.constant 0 : i32
      %dma_wait3A_119 = tpu.memref_slice %arg14[%mul3A_0, %dma_wait3A, %dma_wait3A_118] : memref<5248x2x128xf32, #tpu.memory_space<vmem_shared>> -> memref<328x2x128xf32, #tpu.memory_space<vmem_shared>>
      tpu.wait_dma2 semaphore(%run_scoped3A : memref<!tpu.dma_semaphore, #tpu.memory_space<semaphore_mem>>) src(%arg5 : memref<328x2x128xf32, #tpu.memory_space<hbm>>) dst(%dma_wait3A_119 : memref<328x2x128xf32, #tpu.memory_space<vmem_shared>>)
      tpu.yield
    }) : () -> ()
    "tpu.region"() ({
      %run_scoped3A = tpu.sem_alloc : memref<!tpu.dma_semaphore, #tpu.memory_space<semaphore_mem>>
      tpu.enqueue_dma source(%arg4 : memref<512xi32, #tpu.memory_space<hbm>>) target(%arg13 : memref<512xi32, #tpu.memory_space<vmem>>) target_semaphore(%run_scoped3A : memref<!tpu.dma_semaphore, #tpu.memory_space<semaphore_mem>>)
      tpu.wait_dma2 semaphore(%run_scoped3A : memref<!tpu.dma_semaphore, #tpu.memory_space<semaphore_mem>>) src(%arg4 : memref<512xi32, #tpu.memory_space<hbm>>) dst(%arg13 : memref<512xi32, #tpu.memory_space<vmem>>)
      tpu.yield
    }) : () -> ()
    %barrier3A = arith.constant 0 : index
    tpu.barrier barrier_id(%barrier3A)
    %mul3A_1 = arith.constant 2 : i32
    %mul3A_2 = arith.muli %mul3A_1, %arg1 : i32
    %add3A = arith.constant 0 : i32
    %add3A_3 = arith.addi %mul3A_2, %add3A : i32
    %mul3A_4 = arith.constant 16 : i32
    %mul3A_5 = arith.muli %add3A_3, %mul3A_4 : i32
    %get3A = arith.index_cast %mul3A_5 : i32 to index
    %get3A_6 = tpu.vector_load %arg13[%get3A] {strides = array<i32>} : memref<512xi32, #tpu.memory_space<vmem>>, vector<16xi32>,
    %get3A_7 = vector.shape_cast %get3A_6 : vector<16xi32> to vector<16xi32>
    %slice3A = vector.extract_strided_slice %get3A_7 {offsets = [0], sizes = [1], strides = [1]} : vector<16xi32> to vector<1xi32>
    %squeeze3A = vector.extract %slice3A[0] : i32 from vector<1xi32>
    %slice3A_8 = vector.extract_strided_slice %get3A_7 {offsets = [1], sizes = [1], strides = [1]} : vector<16xi32> to vector<1xi32>
    %squeeze3A_9 = vector.extract %slice3A_8[0] : i32 from vector<1xi32>
    %eq3A = arith.constant 0 : i32
    %eq3A_10 = arith.cmpi eq, %arg0, %eq3A : i32
    %select_n3A = arith.select %eq3A_10, %squeeze3A, %squeeze3A_9 : i32
    %add3A_11 = arith.constant 1 : i32
    %add3A_12 = arith.addi %select_n3A, %add3A_11 : i32
    %jit3A = arith.constant 2 : i32
    %div3A = arith.divsi %add3A_12, %jit3A : i32
    %sign3A = arith.constant 0 : i32
    %sign3A_13 = arith.cmpi sgt, %add3A_12, %sign3A : i32
    %sign3A_14 = arith.extui %sign3A_13 : i1 to i32
    %sign3A_15 = arith.constant 0 : i32
    %sign3A_16 = arith.cmpi slt, %add3A_12, %sign3A_15 : i32
    %sign3A_17 = arith.extui %sign3A_16 : i1 to i32
    %sign3A_18 = arith.subi %sign3A_14, %sign3A_17 : i32
    %sign3A_19 = arith.constant 0 : i32
    %sign3A_20 = arith.cmpi sgt, %jit3A, %sign3A_19 : i32
    %sign3A_21 = arith.extui %sign3A_20 : i1 to i32
    %sign3A_22 = arith.constant 0 : i32
    %sign3A_23 = arith.cmpi slt, %jit3A, %sign3A_22 : i32
    %sign3A_24 = arith.extui %sign3A_23 : i1 to i32
    %sign3A_25 = arith.subi %sign3A_21, %sign3A_24 : i32
    %ne3A = arith.cmpi ne, %sign3A_18, %sign3A_25 : i32
    %rem3A = arith.remsi %add3A_12, %jit3A : i32
    %ne3A_26 = arith.constant 0 : i32
    %ne3A_27 = arith.cmpi ne, %rem3A, %ne3A_26 : i32
    %and3A = arith.andi %ne3A, %ne3A_27 : i1
    %sub3A = arith.constant 1 : i32
    %sub3A_28 = arith.subi %div3A, %sub3A : i32
    %select_n3A_29 = arith.select %and3A, %sub3A_28, %div3A : i32
    %while3A = arith.constant 0 : i32
    %while3A_30 = arith.constant 0 : i32
    %while3A_31 = arith.subi %select_n3A_29, %while3A_30 : i32
    %while3A_32 = arith.addi %while3A_30, %while3A_31 : i32
    %while3A_33 = arith.constant 1 : i32
    %while3A_34 = arith.divsi %while3A_31, %while3A_33 : i32
    %while3A_35 = arith.muli %while3A_34, %while3A_33 : i32
    %while3A_36 = arith.addi %while3A_30, %while3A_35 : i32
    %while3A_37 = arith.constant 1 : i32
    scf.for %while3A_116 = %while3A_30 to %while3A_36 step %while3A_37  : i32 {
      %mul3A_117 = arith.constant 2 : i32
      %mul3A_118 = arith.muli %mul3A_117, %while3A_116 : i32
      %add3A_119 = arith.constant 0 : i32
      %add3A_120 = arith.addi %mul3A_118, %add3A_119 : i32
      %lt3A = arith.cmpi slt, %add3A_120, %select_n3A : i32
      %convert_element_type3A_121 = arith.extui %lt3A : i1 to i32
      %cond3A_122 = arith.constant 0 : i32
      %cond3A_123 = arith.cmpi ne, %convert_element_type3A_121, %cond3A_122 : i32
      scf.if %cond3A_123 {
        %gt3A_148 = arith.constant 1 : i32
        %gt3A_149 = arith.cmpi sgt, %add3A_120, %gt3A_148 : i32
        %convert_element_type3A_150 = arith.extui %gt3A_149 : i1 to i32
        %cond3A_151 = arith.constant 0 : i32
        %cond3A_152 = arith.cmpi ne, %convert_element_type3A_150, %cond3A_151 : i32
        scf.if %cond3A_152 {
          %dma_wait3A = arith.constant 1 : i32
          %dma_wait3A_168 = arith.constant 0 : i32
          %dma_wait3A_169 = tpu.memref_slice %arg7[%dma_wait3A, %dma_wait3A_168] : memref<4x32xi32, #tpu.memory_space<vmem>> -> memref<1x32xi32, #tpu.memory_space<vmem>>
          %dma_wait3A_170 = tpu.memref_squeeze %dma_wait3A_169 : memref<1x32xi32, #tpu.memory_space<vmem>> -> memref<32xi32, #tpu.memory_space<vmem>>
          %dma_wait3A_171 = arith.constant 0 : i32
          %dma_wait3A_172 = arith.constant 0 : i32
          %dma_wait3A_173 = arith.constant 0 : i32
          %dma_wait3A_174 = tpu.memref_slice %arg14[%dma_wait3A_171, %dma_wait3A_172, %dma_wait3A_173] : memref<5248x2x128xf32, #tpu.memory_space<vmem_shared>> -> memref<5248x2x128xf32, #tpu.memory_space<vmem_shared>>
          tpu.wait_indirect_dma semaphore(%arg19 : memref<!tpu.dma_semaphore, #tpu.memory_space<semaphore_mem>>) src(%arg9 : memref<32x2x128xf32, #tpu.memory_space<vmem>>) dst(%dma_wait3A_174 : memref<5248x2x128xf32, #tpu.memory_space<vmem_shared>>)
          %dma_wait3A_175 = arith.constant 3 : i32
          %dma_wait3A_176 = arith.constant 0 : i32
          %dma_wait3A_177 = tpu.memref_slice %arg7[%dma_wait3A_175, %dma_wait3A_176] : memref<4x32xi32, #tpu.memory_space<vmem>> -> memref<1x32xi32, #tpu.memory_space<vmem>>
          %dma_wait3A_178 = tpu.memref_squeeze %dma_wait3A_177 : memref<1x32xi32, #tpu.memory_space<vmem>> -> memref<32xi32, #tpu.memory_space<vmem>>
          %dma_wait3A_179 = arith.constant 0 : i32
          %dma_wait3A_180 = arith.constant 0 : i32
          %dma_wait3A_181 = arith.constant 0 : i32
          %dma_wait3A_182 = tpu.memref_slice %arg14[%dma_wait3A_179, %dma_wait3A_180, %dma_wait3A_181] : memref<5248x2x128xf32, #tpu.memory_space<vmem_shared>> -> memref<5248x2x128xf32, #tpu.memory_space<vmem_shared>>
          tpu.wait_indirect_dma semaphore(%arg20 : memref<!tpu.dma_semaphore, #tpu.memory_space<semaphore_mem>>) src(%arg10 : memref<32x2x128xf32, #tpu.memory_space<vmem>>) dst(%dma_wait3A_182 : memref<5248x2x128xf32, #tpu.memory_space<vmem_shared>>)
        } else {
        }
        "tpu.region"() ({
          %run_scoped3A = tpu.sem_alloc : memref<!tpu.dma_semaphore, #tpu.memory_space<semaphore_mem>>
          %dma_start3A_168 = arith.constant 0 : i32
          %dma_start3A_169 = arith.constant 0 : i32
          %dma_start3A_170 = arith.constant 0 : i32
          %dma_start3A_171 = tpu.memref_slice %arg3[%arg0, %add3A_3, %dma_start3A_168, %dma_start3A_169, %dma_start3A_170] : memref<2x32x160x4x32xi32, #tpu.memory_space<hbm>> -> memref<1x1x160x4x32xi32, #tpu.memory_space<hbm>>
          %dma_start3A_172 = tpu.memref_squeeze %dma_start3A_171 : memref<1x1x160x4x32xi32, #tpu.memory_space<hbm>> -> memref<160x4x32xi32, #tpu.memory_space<hbm>>
          %dma_start3A_173 = arith.constant 0 : i32
          %dma_start3A_174 = arith.constant 0 : i32
          %dma_start3A_175 = tpu.memref_slice %dma_start3A_172[%add3A_120, %dma_start3A_173, %dma_start3A_174] : memref<160x4x32xi32, #tpu.memory_space<hbm>> -> memref<1x4x32xi32, #tpu.memory_space<hbm>>
          %dma_start3A_176 = tpu.memref_squeeze %dma_start3A_175 : memref<1x4x32xi32, #tpu.memory_space<hbm>> -> memref<4x32xi32, #tpu.memory_space<hbm>>
          %dma_start3A_177 = arith.constant 0 : i32
          %dma_start3A_178 = arith.constant 0 : i32
          %dma_start3A_179 = arith.constant 0 : i32
          %dma_start3A_180 = tpu.memref_slice %arg3[%arg0, %add3A_3, %dma_start3A_177, %dma_start3A_178, %dma_start3A_179] : memref<2x32x160x4x32xi32, #tpu.memory_space<hbm>> -> memref<1x1x160x4x32xi32, #tpu.memory_space<hbm>>
          %dma_start3A_181 = tpu.memref_squeeze %dma_start3A_180 : memref<1x1x160x4x32xi32, #tpu.memory_space<hbm>> -> memref<160x4x32xi32, #tpu.memory_space<hbm>>
          %dma_start3A_182 = arith.constant 0 : i32
          %dma_start3A_183 = arith.constant 0 : i32
          %dma_start3A_184 = tpu.memref_slice %dma_start3A_181[%add3A_120, %dma_start3A_182, %dma_start3A_183] : memref<160x4x32xi32, #tpu.memory_space<hbm>> -> memref<1x4x32xi32, #tpu.memory_space<hbm>>
          %dma_start3A_185 = tpu.memref_squeeze %dma_start3A_184 : memref<1x4x32xi32, #tpu.memory_space<hbm>> -> memref<4x32xi32, #tpu.memory_space<hbm>>
          tpu.enqueue_dma source(%dma_start3A_185 : memref<4x32xi32, #tpu.memory_space<hbm>>) target(%arg7 : memref<4x32xi32, #tpu.memory_space<vmem>>) target_semaphore(%run_scoped3A : memref<!tpu.dma_semaphore, #tpu.memory_space<semaphore_mem>>)
          %dma_wait3A = arith.constant 0 : i32
          %dma_wait3A_186 = arith.constant 0 : i32
          %dma_wait3A_187 = arith.constant 0 : i32
          %dma_wait3A_188 = tpu.memref_slice %arg3[%arg0, %add3A_3, %dma_wait3A, %dma_wait3A_186, %dma_wait3A_187] : memref<2x32x160x4x32xi32, #tpu.memory_space<hbm>> -> memref<1x1x160x4x32xi32, #tpu.memory_space<hbm>>
          %dma_wait3A_189 = tpu.memref_squeeze %dma_wait3A_188 : memref<1x1x160x4x32xi32, #tpu.memory_space<hbm>> -> memref<160x4x32xi32, #tpu.memory_space<hbm>>
          %dma_wait3A_190 = arith.constant 0 : i32
          %dma_wait3A_191 = arith.constant 0 : i32
          %dma_wait3A_192 = tpu.memref_slice %dma_wait3A_189[%add3A_120, %dma_wait3A_190, %dma_wait3A_191] : memref<160x4x32xi32, #tpu.memory_space<hbm>> -> memref<1x4x32xi32, #tpu.memory_space<hbm>>
          %dma_wait3A_193 = tpu.memref_squeeze %dma_wait3A_192 : memref<1x4x32xi32, #tpu.memory_space<hbm>> -> memref<4x32xi32, #tpu.memory_space<hbm>>
          %dma_wait3A_194 = arith.constant 0 : i32
          %dma_wait3A_195 = arith.constant 0 : i32
          %dma_wait3A_196 = arith.constant 0 : i32
          %dma_wait3A_197 = tpu.memref_slice %arg3[%arg0, %add3A_3, %dma_wait3A_194, %dma_wait3A_195, %dma_wait3A_196] : memref<2x32x160x4x32xi32, #tpu.memory_space<hbm>> -> memref<1x1x160x4x32xi32, #tpu.memory_space<hbm>>
          %dma_wait3A_198 = tpu.memref_squeeze %dma_wait3A_197 : memref<1x1x160x4x32xi32, #tpu.memory_space<hbm>> -> memref<160x4x32xi32, #tpu.memory_space<hbm>>
          %dma_wait3A_199 = arith.constant 0 : i32
          %dma_wait3A_200 = arith.constant 0 : i32
          %dma_wait3A_201 = tpu.memref_slice %dma_wait3A_198[%add3A_120, %dma_wait3A_199, %dma_wait3A_200] : memref<160x4x32xi32, #tpu.memory_space<hbm>> -> memref<1x4x32xi32, #tpu.memory_space<hbm>>
          %dma_wait3A_202 = tpu.memref_squeeze %dma_wait3A_201 : memref<1x4x32xi32, #tpu.memory_space<hbm>> -> memref<4x32xi32, #tpu.memory_space<hbm>>
          tpu.wait_dma2 semaphore(%run_scoped3A : memref<!tpu.dma_semaphore, #tpu.memory_space<semaphore_mem>>) src(%dma_wait3A_202 : memref<4x32xi32, #tpu.memory_space<hbm>>) dst(%arg7 : memref<4x32xi32, #tpu.memory_space<vmem>>)
          tpu.yield
        }) : () -> ()
        %dma_start3A = arith.constant 0 : i32
        %dma_start3A_153 = arith.constant 0 : i32
        %dma_start3A_154 = tpu.memref_slice %arg7[%dma_start3A, %dma_start3A_153] : memref<4x32xi32, #tpu.memory_space<vmem>> -> memref<1x32xi32, #tpu.memory_space<vmem>>
        %dma_start3A_155 = tpu.memref_squeeze %dma_start3A_154 : memref<1x32xi32, #tpu.memory_space<vmem>> -> memref<32xi32, #tpu.memory_space<vmem>>
        %dma_start3A_156 = arith.constant 0 : i32
        %dma_start3A_157 = arith.constant 0 : i32
        %dma_start3A_158 = arith.constant 0 : i32
        %dma_start3A_159 = tpu.memref_slice %arg2[%dma_start3A_156, %dma_start3A_157, %dma_start3A_158] : memref<10000x2x128xf32, #tpu.memory_space<hbm>> -> memref<10000x2x128xf32, #tpu.memory_space<hbm>>
        tpu.enqueue_indirect_dma source(%dma_start3A_159 : memref<10000x2x128xf32, #tpu.memory_space<hbm>>) target(%arg9 : memref<32x2x128xf32, #tpu.memory_space<vmem>>) offsets(%dma_start3A_155 : memref<32xi32, #tpu.memory_space<vmem>>) semaphore(%arg15 : memref<!tpu.dma_semaphore, #tpu.memory_space<semaphore_mem>>)
        %dma_start3A_160 = arith.constant 2 : i32
        %dma_start3A_161 = arith.constant 0 : i32
        %dma_start3A_162 = tpu.memref_slice %arg7[%dma_start3A_160, %dma_start3A_161] : memref<4x32xi32, #tpu.memory_space<vmem>> -> memref<1x32xi32, #tpu.memory_space<vmem>>
        %dma_start3A_163 = tpu.memref_squeeze %dma_start3A_162 : memref<1x32xi32, #tpu.memory_space<vmem>> -> memref<32xi32, #tpu.memory_space<vmem>>
        %dma_start3A_164 = arith.constant 0 : i32
        %dma_start3A_165 = arith.constant 0 : i32
        %dma_start3A_166 = arith.constant 0 : i32
        %dma_start3A_167 = tpu.memref_slice %arg2[%dma_start3A_164, %dma_start3A_165, %dma_start3A_166] : memref<10000x2x128xf32, #tpu.memory_space<hbm>> -> memref<10000x2x128xf32, #tpu.memory_space<hbm>>
        tpu.enqueue_indirect_dma source(%dma_start3A_167 : memref<10000x2x128xf32, #tpu.memory_space<hbm>>) target(%arg10 : memref<32x2x128xf32, #tpu.memory_space<vmem>>) offsets(%dma_start3A_163 : memref<32xi32, #tpu.memory_space<vmem>>) semaphore(%arg16 : memref<!tpu.dma_semaphore, #tpu.memory_space<semaphore_mem>>)
      } else {
      }
      %mul3A_124 = arith.constant 2 : i32
      %mul3A_125 = arith.muli %mul3A_124, %while3A_116 : i32
      %add3A_126 = arith.constant 1 : i32
      %add3A_127 = arith.addi %mul3A_125, %add3A_126 : i32
      %lt3A_128 = arith.cmpi slt, %add3A_127, %select_n3A : i32
      %convert_element_type3A_129 = arith.extui %lt3A_128 : i1 to i32
      %cond3A_130 = arith.constant 0 : i32
      %cond3A_131 = arith.cmpi ne, %convert_element_type3A_129, %cond3A_130 : i32
      scf.if %cond3A_131 {
        %gt3A_148 = arith.constant 1 : i32
        %gt3A_149 = arith.cmpi sgt, %add3A_127, %gt3A_148 : i32
        %convert_element_type3A_150 = arith.extui %gt3A_149 : i1 to i32
        %cond3A_151 = arith.constant 0 : i32
        %cond3A_152 = arith.cmpi ne, %convert_element_type3A_150, %cond3A_151 : i32
        scf.if %cond3A_152 {
          %dma_wait3A = arith.constant 1 : i32
          %dma_wait3A_168 = arith.constant 0 : i32
          %dma_wait3A_169 = tpu.memref_slice %arg8[%dma_wait3A, %dma_wait3A_168] : memref<4x32xi32, #tpu.memory_space<vmem>> -> memref<1x32xi32, #tpu.memory_space<vmem>>
          %dma_wait3A_170 = tpu.memref_squeeze %dma_wait3A_169 : memref<1x32xi32, #tpu.memory_space<vmem>> -> memref<32xi32, #tpu.memory_space<vmem>>
          %dma_wait3A_171 = arith.constant 0 : i32
          %dma_wait3A_172 = arith.constant 0 : i32
          %dma_wait3A_173 = arith.constant 0 : i32
          %dma_wait3A_174 = tpu.memref_slice %arg14[%dma_wait3A_171, %dma_wait3A_172, %dma_wait3A_173] : memref<5248x2x128xf32, #tpu.memory_space<vmem_shared>> -> memref<5248x2x128xf32, #tpu.memory_space<vmem_shared>>
          tpu.wait_indirect_dma semaphore(%arg21 : memref<!tpu.dma_semaphore, #tpu.memory_space<semaphore_mem>>) src(%arg11 : memref<32x2x128xf32, #tpu.memory_space<vmem>>) dst(%dma_wait3A_174 : memref<5248x2x128xf32, #tpu.memory_space<vmem_shared>>)
          %dma_wait3A_175 = arith.constant 3 : i32
          %dma_wait3A_176 = arith.constant 0 : i32
          %dma_wait3A_177 = tpu.memref_slice %arg8[%dma_wait3A_175, %dma_wait3A_176] : memref<4x32xi32, #tpu.memory_space<vmem>> -> memref<1x32xi32, #tpu.memory_space<vmem>>
          %dma_wait3A_178 = tpu.memref_squeeze %dma_wait3A_177 : memref<1x32xi32, #tpu.memory_space<vmem>> -> memref<32xi32, #tpu.memory_space<vmem>>
          %dma_wait3A_179 = arith.constant 0 : i32
          %dma_wait3A_180 = arith.constant 0 : i32
          %dma_wait3A_181 = arith.constant 0 : i32
          %dma_wait3A_182 = tpu.memref_slice %arg14[%dma_wait3A_179, %dma_wait3A_180, %dma_wait3A_181] : memref<5248x2x128xf32, #tpu.memory_space<vmem_shared>> -> memref<5248x2x128xf32, #tpu.memory_space<vmem_shared>>
          tpu.wait_indirect_dma semaphore(%arg22 : memref<!tpu.dma_semaphore, #tpu.memory_space<semaphore_mem>>) src(%arg12 : memref<32x2x128xf32, #tpu.memory_space<vmem>>) dst(%dma_wait3A_182 : memref<5248x2x128xf32, #tpu.memory_space<vmem_shared>>)
        } else {
        }
        "tpu.region"() ({
          %run_scoped3A = tpu.sem_alloc : memref<!tpu.dma_semaphore, #tpu.memory_space<semaphore_mem>>
          %dma_start3A_168 = arith.constant 0 : i32
          %dma_start3A_169 = arith.constant 0 : i32
          %dma_start3A_170 = arith.constant 0 : i32
          %dma_start3A_171 = tpu.memref_slice %arg3[%arg0, %add3A_3, %dma_start3A_168, %dma_start3A_169, %dma_start3A_170] : memref<2x32x160x4x32xi32, #tpu.memory_space<hbm>> -> memref<1x1x160x4x32xi32, #tpu.memory_space<hbm>>
          %dma_start3A_172 = tpu.memref_squeeze %dma_start3A_171 : memref<1x1x160x4x32xi32, #tpu.memory_space<hbm>> -> memref<160x4x32xi32, #tpu.memory_space<hbm>>
          %dma_start3A_173 = arith.constant 0 : i32
          %dma_start3A_174 = arith.constant 0 : i32
          %dma_start3A_175 = tpu.memref_slice %dma_start3A_172[%add3A_127, %dma_start3A_173, %dma_start3A_174] : memref<160x4x32xi32, #tpu.memory_space<hbm>> -> memref<1x4x32xi32, #tpu.memory_space<hbm>>
          %dma_start3A_176 = tpu.memref_squeeze %dma_start3A_175 : memref<1x4x32xi32, #tpu.memory_space<hbm>> -> memref<4x32xi32, #tpu.memory_space<hbm>>
          %dma_start3A_177 = arith.constant 0 : i32
          %dma_start3A_178 = arith.constant 0 : i32
          %dma_start3A_179 = arith.constant 0 : i32
          %dma_start3A_180 = tpu.memref_slice %arg3[%arg0, %add3A_3, %dma_start3A_177, %dma_start3A_178, %dma_start3A_179] : memref<2x32x160x4x32xi32, #tpu.memory_space<hbm>> -> memref<1x1x160x4x32xi32, #tpu.memory_space<hbm>>
          %dma_start3A_181 = tpu.memref_squeeze %dma_start3A_180 : memref<1x1x160x4x32xi32, #tpu.memory_space<hbm>> -> memref<160x4x32xi32, #tpu.memory_space<hbm>>
          %dma_start3A_182 = arith.constant 0 : i32
          %dma_start3A_183 = arith.constant 0 : i32
          %dma_start3A_184 = tpu.memref_slice %dma_start3A_181[%add3A_127, %dma_start3A_182, %dma_start3A_183] : memref<160x4x32xi32, #tpu.memory_space<hbm>> -> memref<1x4x32xi32, #tpu.memory_space<hbm>>
          %dma_start3A_185 = tpu.memref_squeeze %dma_start3A_184 : memref<1x4x32xi32, #tpu.memory_space<hbm>> -> memref<4x32xi32, #tpu.memory_space<hbm>>
          tpu.enqueue_dma source(%dma_start3A_185 : memref<4x32xi32, #tpu.memory_space<hbm>>) target(%arg8 : memref<4x32xi32, #tpu.memory_space<vmem>>) target_semaphore(%run_scoped3A : memref<!tpu.dma_semaphore, #tpu.memory_space<semaphore_mem>>)
          %dma_wait3A = arith.constant 0 : i32
          %dma_wait3A_186 = arith.constant 0 : i32
          %dma_wait3A_187 = arith.constant 0 : i32
          %dma_wait3A_188 = tpu.memref_slice %arg3[%arg0, %add3A_3, %dma_wait3A, %dma_wait3A_186, %dma_wait3A_187] : memref<2x32x160x4x32xi32, #tpu.memory_space<hbm>> -> memref<1x1x160x4x32xi32, #tpu.memory_space<hbm>>
          %dma_wait3A_189 = tpu.memref_squeeze %dma_wait3A_188 : memref<1x1x160x4x32xi32, #tpu.memory_space<hbm>> -> memref<160x4x32xi32, #tpu.memory_space<hbm>>
          %dma_wait3A_190 = arith.constant 0 : i32
          %dma_wait3A_191 = arith.constant 0 : i32
          %dma_wait3A_192 = tpu.memref_slice %dma_wait3A_189[%add3A_127, %dma_wait3A_190, %dma_wait3A_191] : memref<160x4x32xi32, #tpu.memory_space<hbm>> -> memref<1x4x32xi32, #tpu.memory_space<hbm>>
          %dma_wait3A_193 = tpu.memref_squeeze %dma_wait3A_192 : memref<1x4x32xi32, #tpu.memory_space<hbm>> -> memref<4x32xi32, #tpu.memory_space<hbm>>
          %dma_wait3A_194 = arith.constant 0 : i32
          %dma_wait3A_195 = arith.constant 0 : i32
          %dma_wait3A_196 = arith.constant 0 : i32
          %dma_wait3A_197 = tpu.memref_slice %arg3[%arg0, %add3A_3, %dma_wait3A_194, %dma_wait3A_195, %dma_wait3A_196] : memref<2x32x160x4x32xi32, #tpu.memory_space<hbm>> -> memref<1x1x160x4x32xi32, #tpu.memory_space<hbm>>
          %dma_wait3A_198 = tpu.memref_squeeze %dma_wait3A_197 : memref<1x1x160x4x32xi32, #tpu.memory_space<hbm>> -> memref<160x4x32xi32, #tpu.memory_space<hbm>>
          %dma_wait3A_199 = arith.constant 0 : i32
          %dma_wait3A_200 = arith.constant 0 : i32
          %dma_wait3A_201 = tpu.memref_slice %dma_wait3A_198[%add3A_127, %dma_wait3A_199, %dma_wait3A_200] : memref<160x4x32xi32, #tpu.memory_space<hbm>> -> memref<1x4x32xi32, #tpu.memory_space<hbm>>
          %dma_wait3A_202 = tpu.memref_squeeze %dma_wait3A_201 : memref<1x4x32xi32, #tpu.memory_space<hbm>> -> memref<4x32xi32, #tpu.memory_space<hbm>>
          tpu.wait_dma2 semaphore(%run_scoped3A : memref<!tpu.dma_semaphore, #tpu.memory_space<semaphore_mem>>) src(%dma_wait3A_202 : memref<4x32xi32, #tpu.memory_space<hbm>>) dst(%arg8 : memref<4x32xi32, #tpu.memory_space<vmem>>)
          tpu.yield
        }) : () -> ()
        %dma_start3A = arith.constant 0 : i32
        %dma_start3A_153 = arith.constant 0 : i32
        %dma_start3A_154 = tpu.memref_slice %arg8[%dma_start3A, %dma_start3A_153] : memref<4x32xi32, #tpu.memory_space<vmem>> -> memref<1x32xi32, #tpu.memory_space<vmem>>
        %dma_start3A_155 = tpu.memref_squeeze %dma_start3A_154 : memref<1x32xi32, #tpu.memory_space<vmem>> -> memref<32xi32, #tpu.memory_space<vmem>>
        %dma_start3A_156 = arith.constant 0 : i32
        %dma_start3A_157 = arith.constant 0 : i32
        %dma_start3A_158 = arith.constant 0 : i32
        %dma_start3A_159 = tpu.memref_slice %arg2[%dma_start3A_156, %dma_start3A_157, %dma_start3A_158] : memref<10000x2x128xf32, #tpu.memory_space<hbm>> -> memref<10000x2x128xf32, #tpu.memory_space<hbm>>
        tpu.enqueue_indirect_dma source(%dma_start3A_159 : memref<10000x2x128xf32, #tpu.memory_space<hbm>>) target(%arg11 : memref<32x2x128xf32, #tpu.memory_space<vmem>>) offsets(%dma_start3A_155 : memref<32xi32, #tpu.memory_space<vmem>>) semaphore(%arg17 : memref<!tpu.dma_semaphore, #tpu.memory_space<semaphore_mem>>)
        %dma_start3A_160 = arith.constant 2 : i32
        %dma_start3A_161 = arith.constant 0 : i32
        %dma_start3A_162 = tpu.memref_slice %arg8[%dma_start3A_160, %dma_start3A_161] : memref<4x32xi32, #tpu.memory_space<vmem>> -> memref<1x32xi32, #tpu.memory_space<vmem>>
        %dma_start3A_163 = tpu.memref_squeeze %dma_start3A_162 : memref<1x32xi32, #tpu.memory_space<vmem>> -> memref<32xi32, #tpu.memory_space<vmem>>
        %dma_start3A_164 = arith.constant 0 : i32
        %dma_start3A_165 = arith.constant 0 : i32
        %dma_start3A_166 = arith.constant 0 : i32
        %dma_start3A_167 = tpu.memref_slice %arg2[%dma_start3A_164, %dma_start3A_165, %dma_start3A_166] : memref<10000x2x128xf32, #tpu.memory_space<hbm>> -> memref<10000x2x128xf32, #tpu.memory_space<hbm>>
        tpu.enqueue_indirect_dma source(%dma_start3A_167 : memref<10000x2x128xf32, #tpu.memory_space<hbm>>) target(%arg12 : memref<32x2x128xf32, #tpu.memory_space<vmem>>) offsets(%dma_start3A_163 : memref<32xi32, #tpu.memory_space<vmem>>) semaphore(%arg18 : memref<!tpu.dma_semaphore, #tpu.memory_space<semaphore_mem>>)
      } else {
      }
      %mul3A_132 = arith.constant 2 : i32
      %mul3A_133 = arith.muli %mul3A_132, %while3A_116 : i32
      %add3A_134 = arith.constant 0 : i32
      %add3A_135 = arith.addi %mul3A_133, %add3A_134 : i32
      %lt3A_136 = arith.cmpi slt, %add3A_135, %select_n3A : i32
      %convert_element_type3A_137 = arith.extui %lt3A_136 : i1 to i32
      %cond3A_138 = arith.constant 0 : i32
      %cond3A_139 = arith.cmpi ne, %convert_element_type3A_137, %cond3A_138 : i32
      scf.if %cond3A_139 {
        %dma_wait3A = arith.constant 0 : i32
        %dma_wait3A_148 = arith.constant 0 : i32
        %dma_wait3A_149 = tpu.memref_slice %arg7[%dma_wait3A, %dma_wait3A_148] : memref<4x32xi32, #tpu.memory_space<vmem>> -> memref<1x32xi32, #tpu.memory_space<vmem>>
        %dma_wait3A_150 = tpu.memref_squeeze %dma_wait3A_149 : memref<1x32xi32, #tpu.memory_space<vmem>> -> memref<32xi32, #tpu.memory_space<vmem>>
        %dma_wait3A_151 = arith.constant 0 : i32
        %dma_wait3A_152 = arith.constant 0 : i32
        %dma_wait3A_153 = arith.constant 0 : i32
        %dma_wait3A_154 = tpu.memref_slice %arg2[%dma_wait3A_151, %dma_wait3A_152, %dma_wait3A_153] : memref<10000x2x128xf32, #tpu.memory_space<hbm>> -> memref<10000x2x128xf32, #tpu.memory_space<hbm>>
        tpu.wait_indirect_dma semaphore(%arg15 : memref<!tpu.dma_semaphore, #tpu.memory_space<semaphore_mem>>) src(%dma_wait3A_154 : memref<10000x2x128xf32, #tpu.memory_space<hbm>>) dst(%arg9 : memref<32x2x128xf32, #tpu.memory_space<vmem>>)
        %dma_start3A = arith.constant 1 : i32
        %dma_start3A_155 = arith.constant 0 : i32
        %dma_start3A_156 = tpu.memref_slice %arg7[%dma_start3A, %dma_start3A_155] : memref<4x32xi32, #tpu.memory_space<vmem>> -> memref<1x32xi32, #tpu.memory_space<vmem>>
        %dma_start3A_157 = tpu.memref_squeeze %dma_start3A_156 : memref<1x32xi32, #tpu.memory_space<vmem>> -> memref<32xi32, #tpu.memory_space<vmem>>
        %dma_start3A_158 = arith.constant 0 : i32
        %dma_start3A_159 = arith.constant 0 : i32
        %dma_start3A_160 = arith.constant 0 : i32
        %dma_start3A_161 = tpu.memref_slice %arg14[%dma_start3A_158, %dma_start3A_159, %dma_start3A_160] : memref<5248x2x128xf32, #tpu.memory_space<vmem_shared>> -> memref<5248x2x128xf32, #tpu.memory_space<vmem_shared>>
        tpu.enqueue_indirect_dma source(%arg9 : memref<32x2x128xf32, #tpu.memory_space<vmem>>) target(%dma_start3A_161 : memref<5248x2x128xf32, #tpu.memory_space<vmem_shared>>) offsets(%dma_start3A_157 : memref<32xi32, #tpu.memory_space<vmem>>) semaphore(%arg19 : memref<!tpu.dma_semaphore, #tpu.memory_space<semaphore_mem>>) {add = true}
        %dma_wait3A_162 = arith.constant 2 : i32
        %dma_wait3A_163 = arith.constant 0 : i32
        %dma_wait3A_164 = tpu.memref_slice %arg7[%dma_wait3A_162, %dma_wait3A_163] : memref<4x32xi32, #tpu.memory_space<vmem>> -> memref<1x32xi32, #tpu.memory_space<vmem>>
        %dma_wait3A_165 = tpu.memref_squeeze %dma_wait3A_164 : memref<1x32xi32, #tpu.memory_space<vmem>> -> memref<32xi32, #tpu.memory_space<vmem>>
        %dma_wait3A_166 = arith.constant 0 : i32
        %dma_wait3A_167 = arith.constant 0 : i32
        %dma_wait3A_168 = arith.constant 0 : i32
        %dma_wait3A_169 = tpu.memref_slice %arg2[%dma_wait3A_166, %dma_wait3A_167, %dma_wait3A_168] : memref<10000x2x128xf32, #tpu.memory_space<hbm>> -> memref<10000x2x128xf32, #tpu.memory_space<hbm>>
        tpu.wait_indirect_dma semaphore(%arg16 : memref<!tpu.dma_semaphore, #tpu.memory_space<semaphore_mem>>) src(%dma_wait3A_169 : memref<10000x2x128xf32, #tpu.memory_space<hbm>>) dst(%arg10 : memref<32x2x128xf32, #tpu.memory_space<vmem>>)
        %dma_start3A_170 = arith.constant 3 : i32
        %dma_start3A_171 = arith.constant 0 : i32
        %dma_start3A_172 = tpu.memref_slice %arg7[%dma_start3A_170, %dma_start3A_171] : memref<4x32xi32, #tpu.memory_space<vmem>> -> memref<1x32xi32, #tpu.memory_space<vmem>>
        %dma_start3A_173 = tpu.memref_squeeze %dma_start3A_172 : memref<1x32xi32, #tpu.memory_space<vmem>> -> memref<32xi32, #tpu.memory_space<vmem>>
        %dma_start3A_174 = arith.constant 0 : i32
        %dma_start3A_175 = arith.constant 0 : i32
        %dma_start3A_176 = arith.constant 0 : i32
        %dma_start3A_177 = tpu.memref_slice %arg14[%dma_start3A_174, %dma_start3A_175, %dma_start3A_176] : memref<5248x2x128xf32, #tpu.memory_space<vmem_shared>> -> memref<5248x2x128xf32, #tpu.memory_space<vmem_shared>>
        tpu.enqueue_indirect_dma source(%arg10 : memref<32x2x128xf32, #tpu.memory_space<vmem>>) target(%dma_start3A_177 : memref<5248x2x128xf32, #tpu.memory_space<vmem_shared>>) offsets(%dma_start3A_173 : memref<32xi32, #tpu.memory_space<vmem>>) semaphore(%arg20 : memref<!tpu.dma_semaphore, #tpu.memory_space<semaphore_mem>>) {add = true}
      } else {
      }
      %mul3A_140 = arith.constant 2 : i32
      %mul3A_141 = arith.muli %mul3A_140, %while3A_116 : i32
      %add3A_142 = arith.constant 1 : i32
      %add3A_143 = arith.addi %mul3A_141, %add3A_142 : i32
      %lt3A_144 = arith.cmpi slt, %add3A_143, %select_n3A : i32
      %convert_element_type3A_145 = arith.extui %lt3A_144 : i1 to i32
      %cond3A_146 = arith.constant 0 : i32
      %cond3A_147 = arith.cmpi ne, %convert_element_type3A_145, %cond3A_146 : i32
      scf.if %cond3A_147 {
        %dma_wait3A = arith.constant 0 : i32
        %dma_wait3A_148 = arith.constant 0 : i32
        %dma_wait3A_149 = tpu.memref_slice %arg8[%dma_wait3A, %dma_wait3A_148] : memref<4x32xi32, #tpu.memory_space<vmem>> -> memref<1x32xi32, #tpu.memory_space<vmem>>
        %dma_wait3A_150 = tpu.memref_squeeze %dma_wait3A_149 : memref<1x32xi32, #tpu.memory_space<vmem>> -> memref<32xi32, #tpu.memory_space<vmem>>
        %dma_wait3A_151 = arith.constant 0 : i32
        %dma_wait3A_152 = arith.constant 0 : i32
        %dma_wait3A_153 = arith.constant 0 : i32
        %dma_wait3A_154 = tpu.memref_slice %arg2[%dma_wait3A_151, %dma_wait3A_152, %dma_wait3A_153] : memref<10000x2x128xf32, #tpu.memory_space<hbm>> -> memref<10000x2x128xf32, #tpu.memory_space<hbm>>
        tpu.wait_indirect_dma semaphore(%arg17 : memref<!tpu.dma_semaphore, #tpu.memory_space<semaphore_mem>>) src(%dma_wait3A_154 : memref<10000x2x128xf32, #tpu.memory_space<hbm>>) dst(%arg11 : memref<32x2x128xf32, #tpu.memory_space<vmem>>)
        %dma_start3A = arith.constant 1 : i32
        %dma_start3A_155 = arith.constant 0 : i32
        %dma_start3A_156 = tpu.memref_slice %arg8[%dma_start3A, %dma_start3A_155] : memref<4x32xi32, #tpu.memory_space<vmem>> -> memref<1x32xi32, #tpu.memory_space<vmem>>
        %dma_start3A_157 = tpu.memref_squeeze %dma_start3A_156 : memref<1x32xi32, #tpu.memory_space<vmem>> -> memref<32xi32, #tpu.memory_space<vmem>>
        %dma_start3A_158 = arith.constant 0 : i32
        %dma_start3A_159 = arith.constant 0 : i32
        %dma_start3A_160 = arith.constant 0 : i32
        %dma_start3A_161 = tpu.memref_slice %arg14[%dma_start3A_158, %dma_start3A_159, %dma_start3A_160] : memref<5248x2x128xf32, #tpu.memory_space<vmem_shared>> -> memref<5248x2x128xf32, #tpu.memory_space<vmem_shared>>
        tpu.enqueue_indirect_dma source(%arg11 : memref<32x2x128xf32, #tpu.memory_space<vmem>>) target(%dma_start3A_161 : memref<5248x2x128xf32, #tpu.memory_space<vmem_shared>>) offsets(%dma_start3A_157 : memref<32xi32, #tpu.memory_space<vmem>>) semaphore(%arg21 : memref<!tpu.dma_semaphore, #tpu.memory_space<semaphore_mem>>) {add = true}
        %dma_wait3A_162 = arith.constant 2 : i32
        %dma_wait3A_163 = arith.constant 0 : i32
        %dma_wait3A_164 = tpu.memref_slice %arg8[%dma_wait3A_162, %dma_wait3A_163] : memref<4x32xi32, #tpu.memory_space<vmem>> -> memref<1x32xi32, #tpu.memory_space<vmem>>
        %dma_wait3A_165 = tpu.memref_squeeze %dma_wait3A_164 : memref<1x32xi32, #tpu.memory_space<vmem>> -> memref<32xi32, #tpu.memory_space<vmem>>
        %dma_wait3A_166 = arith.constant 0 : i32
        %dma_wait3A_167 = arith.constant 0 : i32
        %dma_wait3A_168 = arith.constant 0 : i32
        %dma_wait3A_169 = tpu.memref_slice %arg2[%dma_wait3A_166, %dma_wait3A_167, %dma_wait3A_168] : memref<10000x2x128xf32, #tpu.memory_space<hbm>> -> memref<10000x2x128xf32, #tpu.memory_space<hbm>>
        tpu.wait_indirect_dma semaphore(%arg18 : memref<!tpu.dma_semaphore, #tpu.memory_space<semaphore_mem>>) src(%dma_wait3A_169 : memref<10000x2x128xf32, #tpu.memory_space<hbm>>) dst(%arg12 : memref<32x2x128xf32, #tpu.memory_space<vmem>>)
        %dma_start3A_170 = arith.constant 3 : i32
        %dma_start3A_171 = arith.constant 0 : i32
        %dma_start3A_172 = tpu.memref_slice %arg8[%dma_start3A_170, %dma_start3A_171] : memref<4x32xi32, #tpu.memory_space<vmem>> -> memref<1x32xi32, #tpu.memory_space<vmem>>
        %dma_start3A_173 = tpu.memref_squeeze %dma_start3A_172 : memref<1x32xi32, #tpu.memory_space<vmem>> -> memref<32xi32, #tpu.memory_space<vmem>>
        %dma_start3A_174 = arith.constant 0 : i32
        %dma_start3A_175 = arith.constant 0 : i32
        %dma_start3A_176 = arith.constant 0 : i32
        %dma_start3A_177 = tpu.memref_slice %arg14[%dma_start3A_174, %dma_start3A_175, %dma_start3A_176] : memref<5248x2x128xf32, #tpu.memory_space<vmem_shared>> -> memref<5248x2x128xf32, #tpu.memory_space<vmem_shared>>
        tpu.enqueue_indirect_dma source(%arg12 : memref<32x2x128xf32, #tpu.memory_space<vmem>>) target(%dma_start3A_177 : memref<5248x2x128xf32, #tpu.memory_space<vmem_shared>>) offsets(%dma_start3A_173 : memref<32xi32, #tpu.memory_space<vmem>>) semaphore(%arg22 : memref<!tpu.dma_semaphore, #tpu.memory_space<semaphore_mem>>) {add = true}
      } else {
      }
    }
    %while3A_38 = arith.constant 1 : i32
    scf.for %while3A_116 = %while3A_36 to %while3A_32 step %while3A_38  : i32 {
      %mul3A_117 = arith.constant 2 : i32
      %mul3A_118 = arith.muli %mul3A_117, %while3A_116 : i32
      %add3A_119 = arith.constant 0 : i32
      %add3A_120 = arith.addi %mul3A_118, %add3A_119 : i32
      %lt3A = arith.cmpi slt, %add3A_120, %select_n3A : i32
      %convert_element_type3A_121 = arith.extui %lt3A : i1 to i32
      %cond3A_122 = arith.constant 0 : i32
      %cond3A_123 = arith.cmpi ne, %convert_element_type3A_121, %cond3A_122 : i32
      scf.if %cond3A_123 {
        %gt3A_148 = arith.constant 1 : i32
        %gt3A_149 = arith.cmpi sgt, %add3A_120, %gt3A_148 : i32
        %convert_element_type3A_150 = arith.extui %gt3A_149 : i1 to i32
        %cond3A_151 = arith.constant 0 : i32
        %cond3A_152 = arith.cmpi ne, %convert_element_type3A_150, %cond3A_151 : i32
        scf.if %cond3A_152 {
          %dma_wait3A = arith.constant 1 : i32
          %dma_wait3A_168 = arith.constant 0 : i32
          %dma_wait3A_169 = tpu.memref_slice %arg7[%dma_wait3A, %dma_wait3A_168] : memref<4x32xi32, #tpu.memory_space<vmem>> -> memref<1x32xi32, #tpu.memory_space<vmem>>
          %dma_wait3A_170 = tpu.memref_squeeze %dma_wait3A_169 : memref<1x32xi32, #tpu.memory_space<vmem>> -> memref<32xi32, #tpu.memory_space<vmem>>
          %dma_wait3A_171 = arith.constant 0 : i32
          %dma_wait3A_172 = arith.constant 0 : i32
          %dma_wait3A_173 = arith.constant 0 : i32
          %dma_wait3A_174 = tpu.memref_slice %arg14[%dma_wait3A_171, %dma_wait3A_172, %dma_wait3A_173] : memref<5248x2x128xf32, #tpu.memory_space<vmem_shared>> -> memref<5248x2x128xf32, #tpu.memory_space<vmem_shared>>
          tpu.wait_indirect_dma semaphore(%arg19 : memref<!tpu.dma_semaphore, #tpu.memory_space<semaphore_mem>>) src(%arg9 : memref<32x2x128xf32, #tpu.memory_space<vmem>>) dst(%dma_wait3A_174 : memref<5248x2x128xf32, #tpu.memory_space<vmem_shared>>)
          %dma_wait3A_175 = arith.constant 3 : i32
          %dma_wait3A_176 = arith.constant 0 : i32
          %dma_wait3A_177 = tpu.memref_slice %arg7[%dma_wait3A_175, %dma_wait3A_176] : memref<4x32xi32, #tpu.memory_space<vmem>> -> memref<1x32xi32, #tpu.memory_space<vmem>>
          %dma_wait3A_178 = tpu.memref_squeeze %dma_wait3A_177 : memref<1x32xi32, #tpu.memory_space<vmem>> -> memref<32xi32, #tpu.memory_space<vmem>>
          %dma_wait3A_179 = arith.constant 0 : i32
          %dma_wait3A_180 = arith.constant 0 : i32
          %dma_wait3A_181 = arith.constant 0 : i32
          %dma_wait3A_182 = tpu.memref_slice %arg14[%dma_wait3A_179, %dma_wait3A_180, %dma_wait3A_181] : memref<5248x2x128xf32, #tpu.memory_space<vmem_shared>> -> memref<5248x2x128xf32, #tpu.memory_space<vmem_shared>>
          tpu.wait_indirect_dma semaphore(%arg20 : memref<!tpu.dma_semaphore, #tpu.memory_space<semaphore_mem>>) src(%arg10 : memref<32x2x128xf32, #tpu.memory_space<vmem>>) dst(%dma_wait3A_182 : memref<5248x2x128xf32, #tpu.memory_space<vmem_shared>>)
        } else {
        }
        "tpu.region"() ({
          %run_scoped3A = tpu.sem_alloc : memref<!tpu.dma_semaphore, #tpu.memory_space<semaphore_mem>>
          %dma_start3A_168 = arith.constant 0 : i32
          %dma_start3A_169 = arith.constant 0 : i32
          %dma_start3A_170 = arith.constant 0 : i32
          %dma_start3A_171 = tpu.memref_slice %arg3[%arg0, %add3A_3, %dma_start3A_168, %dma_start3A_169, %dma_start3A_170] : memref<2x32x160x4x32xi32, #tpu.memory_space<hbm>> -> memref<1x1x160x4x32xi32, #tpu.memory_space<hbm>>
          %dma_start3A_172 = tpu.memref_squeeze %dma_start3A_171 : memref<1x1x160x4x32xi32, #tpu.memory_space<hbm>> -> memref<160x4x32xi32, #tpu.memory_space<hbm>>
          %dma_start3A_173 = arith.constant 0 : i32
          %dma_start3A_174 = arith.constant 0 : i32
          %dma_start3A_175 = tpu.memref_slice %dma_start3A_172[%add3A_120, %dma_start3A_173, %dma_start3A_174] : memref<160x4x32xi32, #tpu.memory_space<hbm>> -> memref<1x4x32xi32, #tpu.memory_space<hbm>>
          %dma_start3A_176 = tpu.memref_squeeze %dma_start3A_175 : memref<1x4x32xi32, #tpu.memory_space<hbm>> -> memref<4x32xi32, #tpu.memory_space<hbm>>
          %dma_start3A_177 = arith.constant 0 : i32
          %dma_start3A_178 = arith.constant 0 : i32
          %dma_start3A_179 = arith.constant 0 : i32
          %dma_start3A_180 = tpu.memref_slice %arg3[%arg0, %add3A_3, %dma_start3A_177, %dma_start3A_178, %dma_start3A_179] : memref<2x32x160x4x32xi32, #tpu.memory_space<hbm>> -> memref<1x1x160x4x32xi32, #tpu.memory_space<hbm>>
          %dma_start3A_181 = tpu.memref_squeeze %dma_start3A_180 : memref<1x1x160x4x32xi32, #tpu.memory_space<hbm>> -> memref<160x4x32xi32, #tpu.memory_space<hbm>>
          %dma_start3A_182 = arith.constant 0 : i32
          %dma_start3A_183 = arith.constant 0 : i32
          %dma_start3A_184 = tpu.memref_slice %dma_start3A_181[%add3A_120, %dma_start3A_182, %dma_start3A_183] : memref<160x4x32xi32, #tpu.memory_space<hbm>> -> memref<1x4x32xi32, #tpu.memory_space<hbm>>
          %dma_start3A_185 = tpu.memref_squeeze %dma_start3A_184 : memref<1x4x32xi32, #tpu.memory_space<hbm>> -> memref<4x32xi32, #tpu.memory_space<hbm>>
          tpu.enqueue_dma source(%dma_start3A_185 : memref<4x32xi32, #tpu.memory_space<hbm>>) target(%arg7 : memref<4x32xi32, #tpu.memory_space<vmem>>) target_semaphore(%run_scoped3A : memref<!tpu.dma_semaphore, #tpu.memory_space<semaphore_mem>>)
          %dma_wait3A = arith.constant 0 : i32
          %dma_wait3A_186 = arith.constant 0 : i32
          %dma_wait3A_187 = arith.constant 0 : i32
          %dma_wait3A_188 = tpu.memref_slice %arg3[%arg0, %add3A_3, %dma_wait3A, %dma_wait3A_186, %dma_wait3A_187] : memref<2x32x160x4x32xi32, #tpu.memory_space<hbm>> -> memref<1x1x160x4x32xi32, #tpu.memory_space<hbm>>
          %dma_wait3A_189 = tpu.memref_squeeze %dma_wait3A_188 : memref<1x1x160x4x32xi32, #tpu.memory_space<hbm>> -> memref<160x4x32xi32, #tpu.memory_space<hbm>>
          %dma_wait3A_190 = arith.constant 0 : i32
          %dma_wait3A_191 = arith.constant 0 : i32
          %dma_wait3A_192 = tpu.memref_slice %dma_wait3A_189[%add3A_120, %dma_wait3A_190, %dma_wait3A_191] : memref<160x4x32xi32, #tpu.memory_space<hbm>> -> memref<1x4x32xi32, #tpu.memory_space<hbm>>
          %dma_wait3A_193 = tpu.memref_squeeze %dma_wait3A_192 : memref<1x4x32xi32, #tpu.memory_space<hbm>> -> memref<4x32xi32, #tpu.memory_space<hbm>>
          %dma_wait3A_194 = arith.constant 0 : i32
          %dma_wait3A_195 = arith.constant 0 : i32
          %dma_wait3A_196 = arith.constant 0 : i32
          %dma_wait3A_197 = tpu.memref_slice %arg3[%arg0, %add3A_3, %dma_wait3A_194, %dma_wait3A_195, %dma_wait3A_196] : memref<2x32x160x4x32xi32, #tpu.memory_space<hbm>> -> memref<1x1x160x4x32xi32, #tpu.memory_space<hbm>>
          %dma_wait3A_198 = tpu.memref_squeeze %dma_wait3A_197 : memref<1x1x160x4x32xi32, #tpu.memory_space<hbm>> -> memref<160x4x32xi32, #tpu.memory_space<hbm>>
          %dma_wait3A_199 = arith.constant 0 : i32
          %dma_wait3A_200 = arith.constant 0 : i32
          %dma_wait3A_201 = tpu.memref_slice %dma_wait3A_198[%add3A_120, %dma_wait3A_199, %dma_wait3A_200] : memref<160x4x32xi32, #tpu.memory_space<hbm>> -> memref<1x4x32xi32, #tpu.memory_space<hbm>>
          %dma_wait3A_202 = tpu.memref_squeeze %dma_wait3A_201 : memref<1x4x32xi32, #tpu.memory_space<hbm>> -> memref<4x32xi32, #tpu.memory_space<hbm>>
          tpu.wait_dma2 semaphore(%run_scoped3A : memref<!tpu.dma_semaphore, #tpu.memory_space<semaphore_mem>>) src(%dma_wait3A_202 : memref<4x32xi32, #tpu.memory_space<hbm>>) dst(%arg7 : memref<4x32xi32, #tpu.memory_space<vmem>>)
          tpu.yield
        }) : () -> ()
        %dma_start3A = arith.constant 0 : i32
        %dma_start3A_153 = arith.constant 0 : i32
        %dma_start3A_154 = tpu.memref_slice %arg7[%dma_start3A, %dma_start3A_153] : memref<4x32xi32, #tpu.memory_space<vmem>> -> memref<1x32xi32, #tpu.memory_space<vmem>>
        %dma_start3A_155 = tpu.memref_squeeze %dma_start3A_154 : memref<1x32xi32, #tpu.memory_space<vmem>> -> memref<32xi32, #tpu.memory_space<vmem>>
        %dma_start3A_156 = arith.constant 0 : i32
        %dma_start3A_157 = arith.constant 0 : i32
        %dma_start3A_158 = arith.constant 0 : i32
        %dma_start3A_159 = tpu.memref_slice %arg2[%dma_start3A_156, %dma_start3A_157, %dma_start3A_158] : memref<10000x2x128xf32, #tpu.memory_space<hbm>> -> memref<10000x2x128xf32, #tpu.memory_space<hbm>>
        tpu.enqueue_indirect_dma source(%dma_start3A_159 : memref<10000x2x128xf32, #tpu.memory_space<hbm>>) target(%arg9 : memref<32x2x128xf32, #tpu.memory_space<vmem>>) offsets(%dma_start3A_155 : memref<32xi32, #tpu.memory_space<vmem>>) semaphore(%arg15 : memref<!tpu.dma_semaphore, #tpu.memory_space<semaphore_mem>>)
        %dma_start3A_160 = arith.constant 2 : i32
        %dma_start3A_161 = arith.constant 0 : i32
        %dma_start3A_162 = tpu.memref_slice %arg7[%dma_start3A_160, %dma_start3A_161] : memref<4x32xi32, #tpu.memory_space<vmem>> -> memref<1x32xi32, #tpu.memory_space<vmem>>
        %dma_start3A_163 = tpu.memref_squeeze %dma_start3A_162 : memref<1x32xi32, #tpu.memory_space<vmem>> -> memref<32xi32, #tpu.memory_space<vmem>>
        %dma_start3A_164 = arith.constant 0 : i32
        %dma_start3A_165 = arith.constant 0 : i32
        %dma_start3A_166 = arith.constant 0 : i32
        %dma_start3A_167 = tpu.memref_slice %arg2[%dma_start3A_164, %dma_start3A_165, %dma_start3A_166] : memref<10000x2x128xf32, #tpu.memory_space<hbm>> -> memref<10000x2x128xf32, #tpu.memory_space<hbm>>
        tpu.enqueue_indirect_dma source(%dma_start3A_167 : memref<10000x2x128xf32, #tpu.memory_space<hbm>>) target(%arg10 : memref<32x2x128xf32, #tpu.memory_space<vmem>>) offsets(%dma_start3A_163 : memref<32xi32, #tpu.memory_space<vmem>>) semaphore(%arg16 : memref<!tpu.dma_semaphore, #tpu.memory_space<semaphore_mem>>)
      } else {
      }
      %mul3A_124 = arith.constant 2 : i32
      %mul3A_125 = arith.muli %mul3A_124, %while3A_116 : i32
      %add3A_126 = arith.constant 1 : i32
      %add3A_127 = arith.addi %mul3A_125, %add3A_126 : i32
      %lt3A_128 = arith.cmpi slt, %add3A_127, %select_n3A : i32
      %convert_element_type3A_129 = arith.extui %lt3A_128 : i1 to i32
      %cond3A_130 = arith.constant 0 : i32
      %cond3A_131 = arith.cmpi ne, %convert_element_type3A_129, %cond3A_130 : i32
      scf.if %cond3A_131 {
        %gt3A_148 = arith.constant 1 : i32
        %gt3A_149 = arith.cmpi sgt, %add3A_127, %gt3A_148 : i32
        %convert_element_type3A_150 = arith.extui %gt3A_149 : i1 to i32
        %cond3A_151 = arith.constant 0 : i32
        %cond3A_152 = arith.cmpi ne, %convert_element_type3A_150, %cond3A_151 : i32
        scf.if %cond3A_152 {
          %dma_wait3A = arith.constant 1 : i32
          %dma_wait3A_168 = arith.constant 0 : i32
          %dma_wait3A_169 = tpu.memref_slice %arg8[%dma_wait3A, %dma_wait3A_168] : memref<4x32xi32, #tpu.memory_space<vmem>> -> memref<1x32xi32, #tpu.memory_space<vmem>>
          %dma_wait3A_170 = tpu.memref_squeeze %dma_wait3A_169 : memref<1x32xi32, #tpu.memory_space<vmem>> -> memref<32xi32, #tpu.memory_space<vmem>>
          %dma_wait3A_171 = arith.constant 0 : i32
          %dma_wait3A_172 = arith.constant 0 : i32
          %dma_wait3A_173 = arith.constant 0 : i32
          %dma_wait3A_174 = tpu.memref_slice %arg14[%dma_wait3A_171, %dma_wait3A_172, %dma_wait3A_173] : memref<5248x2x128xf32, #tpu.memory_space<vmem_shared>> -> memref<5248x2x128xf32, #tpu.memory_space<vmem_shared>>
          tpu.wait_indirect_dma semaphore(%arg21 : memref<!tpu.dma_semaphore, #tpu.memory_space<semaphore_mem>>) src(%arg11 : memref<32x2x128xf32, #tpu.memory_space<vmem>>) dst(%dma_wait3A_174 : memref<5248x2x128xf32, #tpu.memory_space<vmem_shared>>)
          %dma_wait3A_175 = arith.constant 3 : i32
          %dma_wait3A_176 = arith.constant 0 : i32
          %dma_wait3A_177 = tpu.memref_slice %arg8[%dma_wait3A_175, %dma_wait3A_176] : memref<4x32xi32, #tpu.memory_space<vmem>> -> memref<1x32xi32, #tpu.memory_space<vmem>>
          %dma_wait3A_178 = tpu.memref_squeeze %dma_wait3A_177 : memref<1x32xi32, #tpu.memory_space<vmem>> -> memref<32xi32, #tpu.memory_space<vmem>>
          %dma_wait3A_179 = arith.constant 0 : i32
          %dma_wait3A_180 = arith.constant 0 : i32
          %dma_wait3A_181 = arith.constant 0 : i32
          %dma_wait3A_182 = tpu.memref_slice %arg14[%dma_wait3A_179, %dma_wait3A_180, %dma_wait3A_181] : memref<5248x2x128xf32, #tpu.memory_space<vmem_shared>> -> memref<5248x2x128xf32, #tpu.memory_space<vmem_shared>>
          tpu.wait_indirect_dma semaphore(%arg22 : memref<!tpu.dma_semaphore, #tpu.memory_space<semaphore_mem>>) src(%arg12 : memref<32x2x128xf32, #tpu.memory_space<vmem>>) dst(%dma_wait3A_182 : memref<5248x2x128xf32, #tpu.memory_space<vmem_shared>>)
        } else {
        }
        "tpu.region"() ({
          %run_scoped3A = tpu.sem_alloc : memref<!tpu.dma_semaphore, #tpu.memory_space<semaphore_mem>>
          %dma_start3A_168 = arith.constant 0 : i32
          %dma_start3A_169 = arith.constant 0 : i32
          %dma_start3A_170 = arith.constant 0 : i32
          %dma_start3A_171 = tpu.memref_slice %arg3[%arg0, %add3A_3, %dma_start3A_168, %dma_start3A_169, %dma_start3A_170] : memref<2x32x160x4x32xi32, #tpu.memory_space<hbm>> -> memref<1x1x160x4x32xi32, #tpu.memory_space<hbm>>
          %dma_start3A_172 = tpu.memref_squeeze %dma_start3A_171 : memref<1x1x160x4x32xi32, #tpu.memory_space<hbm>> -> memref<160x4x32xi32, #tpu.memory_space<hbm>>
          %dma_start3A_173 = arith.constant 0 : i32
          %dma_start3A_174 = arith.constant 0 : i32
          %dma_start3A_175 = tpu.memref_slice %dma_start3A_172[%add3A_127, %dma_start3A_173, %dma_start3A_174] : memref<160x4x32xi32, #tpu.memory_space<hbm>> -> memref<1x4x32xi32, #tpu.memory_space<hbm>>
          %dma_start3A_176 = tpu.memref_squeeze %dma_start3A_175 : memref<1x4x32xi32, #tpu.memory_space<hbm>> -> memref<4x32xi32, #tpu.memory_space<hbm>>
          %dma_start3A_177 = arith.constant 0 : i32
          %dma_start3A_178 = arith.constant 0 : i32
          %dma_start3A_179 = arith.constant 0 : i32
          %dma_start3A_180 = tpu.memref_slice %arg3[%arg0, %add3A_3, %dma_start3A_177, %dma_start3A_178, %dma_start3A_179] : memref<2x32x160x4x32xi32, #tpu.memory_space<hbm>> -> memref<1x1x160x4x32xi32, #tpu.memory_space<hbm>>
          %dma_start3A_181 = tpu.memref_squeeze %dma_start3A_180 : memref<1x1x160x4x32xi32, #tpu.memory_space<hbm>> -> memref<160x4x32xi32, #tpu.memory_space<hbm>>
          %dma_start3A_182 = arith.constant 0 : i32
          %dma_start3A_183 = arith.constant 0 : i32
          %dma_start3A_184 = tpu.memref_slice %dma_start3A_181[%add3A_127, %dma_start3A_182, %dma_start3A_183] : memref<160x4x32xi32, #tpu.memory_space<hbm>> -> memref<1x4x32xi32, #tpu.memory_space<hbm>>
          %dma_start3A_185 = tpu.memref_squeeze %dma_start3A_184 : memref<1x4x32xi32, #tpu.memory_space<hbm>> -> memref<4x32xi32, #tpu.memory_space<hbm>>
          tpu.enqueue_dma source(%dma_start3A_185 : memref<4x32xi32, #tpu.memory_space<hbm>>) target(%arg8 : memref<4x32xi32, #tpu.memory_space<vmem>>) target_semaphore(%run_scoped3A : memref<!tpu.dma_semaphore, #tpu.memory_space<semaphore_mem>>)
          %dma_wait3A = arith.constant 0 : i32
          %dma_wait3A_186 = arith.constant 0 : i32
          %dma_wait3A_187 = arith.constant 0 : i32
          %dma_wait3A_188 = tpu.memref_slice %arg3[%arg0, %add3A_3, %dma_wait3A, %dma_wait3A_186, %dma_wait3A_187] : memref<2x32x160x4x32xi32, #tpu.memory_space<hbm>> -> memref<1x1x160x4x32xi32, #tpu.memory_space<hbm>>
          %dma_wait3A_189 = tpu.memref_squeeze %dma_wait3A_188 : memref<1x1x160x4x32xi32, #tpu.memory_space<hbm>> -> memref<160x4x32xi32, #tpu.memory_space<hbm>>
          %dma_wait3A_190 = arith.constant 0 : i32
          %dma_wait3A_191 = arith.constant 0 : i32
          %dma_wait3A_192 = tpu.memref_slice %dma_wait3A_189[%add3A_127, %dma_wait3A_190, %dma_wait3A_191] : memref<160x4x32xi32, #tpu.memory_space<hbm>> -> memref<1x4x32xi32, #tpu.memory_space<hbm>>
          %dma_wait3A_193 = tpu.memref_squeeze %dma_wait3A_192 : memref<1x4x32xi32, #tpu.memory_space<hbm>> -> memref<4x32xi32, #tpu.memory_space<hbm>>
          %dma_wait3A_194 = arith.constant 0 : i32
          %dma_wait3A_195 = arith.constant 0 : i32
          %dma_wait3A_196 = arith.constant 0 : i32
          %dma_wait3A_197 = tpu.memref_slice %arg3[%arg0, %add3A_3, %dma_wait3A_194, %dma_wait3A_195, %dma_wait3A_196] : memref<2x32x160x4x32xi32, #tpu.memory_space<hbm>> -> memref<1x1x160x4x32xi32, #tpu.memory_space<hbm>>
          %dma_wait3A_198 = tpu.memref_squeeze %dma_wait3A_197 : memref<1x1x160x4x32xi32, #tpu.memory_space<hbm>> -> memref<160x4x32xi32, #tpu.memory_space<hbm>>
          %dma_wait3A_199 = arith.constant 0 : i32
          %dma_wait3A_200 = arith.constant 0 : i32
          %dma_wait3A_201 = tpu.memref_slice %dma_wait3A_198[%add3A_127, %dma_wait3A_199, %dma_wait3A_200] : memref<160x4x32xi32, #tpu.memory_space<hbm>> -> memref<1x4x32xi32, #tpu.memory_space<hbm>>
          %dma_wait3A_202 = tpu.memref_squeeze %dma_wait3A_201 : memref<1x4x32xi32, #tpu.memory_space<hbm>> -> memref<4x32xi32, #tpu.memory_space<hbm>>
          tpu.wait_dma2 semaphore(%run_scoped3A : memref<!tpu.dma_semaphore, #tpu.memory_space<semaphore_mem>>) src(%dma_wait3A_202 : memref<4x32xi32, #tpu.memory_space<hbm>>) dst(%arg8 : memref<4x32xi32, #tpu.memory_space<vmem>>)
          tpu.yield
        }) : () -> ()
        %dma_start3A = arith.constant 0 : i32
        %dma_start3A_153 = arith.constant 0 : i32
        %dma_start3A_154 = tpu.memref_slice %arg8[%dma_start3A, %dma_start3A_153] : memref<4x32xi32, #tpu.memory_space<vmem>> -> memref<1x32xi32, #tpu.memory_space<vmem>>
        %dma_start3A_155 = tpu.memref_squeeze %dma_start3A_154 : memref<1x32xi32, #tpu.memory_space<vmem>> -> memref<32xi32, #tpu.memory_space<vmem>>
        %dma_start3A_156 = arith.constant 0 : i32
        %dma_start3A_157 = arith.constant 0 : i32
        %dma_start3A_158 = arith.constant 0 : i32
        %dma_start3A_159 = tpu.memref_slice %arg2[%dma_start3A_156, %dma_start3A_157, %dma_start3A_158] : memref<10000x2x128xf32, #tpu.memory_space<hbm>> -> memref<10000x2x128xf32, #tpu.memory_space<hbm>>
        tpu.enqueue_indirect_dma source(%dma_start3A_159 : memref<10000x2x128xf32, #tpu.memory_space<hbm>>) target(%arg11 : memref<32x2x128xf32, #tpu.memory_space<vmem>>) offsets(%dma_start3A_155 : memref<32xi32, #tpu.memory_space<vmem>>) semaphore(%arg17 : memref<!tpu.dma_semaphore, #tpu.memory_space<semaphore_mem>>)
        %dma_start3A_160 = arith.constant 2 : i32
        %dma_start3A_161 = arith.constant 0 : i32
        %dma_start3A_162 = tpu.memref_slice %arg8[%dma_start3A_160, %dma_start3A_161] : memref<4x32xi32, #tpu.memory_space<vmem>> -> memref<1x32xi32, #tpu.memory_space<vmem>>
        %dma_start3A_163 = tpu.memref_squeeze %dma_start3A_162 : memref<1x32xi32, #tpu.memory_space<vmem>> -> memref<32xi32, #tpu.memory_space<vmem>>
        %dma_start3A_164 = arith.constant 0 : i32
        %dma_start3A_165 = arith.constant 0 : i32
        %dma_start3A_166 = arith.constant 0 : i32
        %dma_start3A_167 = tpu.memref_slice %arg2[%dma_start3A_164, %dma_start3A_165, %dma_start3A_166] : memref<10000x2x128xf32, #tpu.memory_space<hbm>> -> memref<10000x2x128xf32, #tpu.memory_space<hbm>>
        tpu.enqueue_indirect_dma source(%dma_start3A_167 : memref<10000x2x128xf32, #tpu.memory_space<hbm>>) target(%arg12 : memref<32x2x128xf32, #tpu.memory_space<vmem>>) offsets(%dma_start3A_163 : memref<32xi32, #tpu.memory_space<vmem>>) semaphore(%arg18 : memref<!tpu.dma_semaphore, #tpu.memory_space<semaphore_mem>>)
      } else {
      }
      %mul3A_132 = arith.constant 2 : i32
      %mul3A_133 = arith.muli %mul3A_132, %while3A_116 : i32
      %add3A_134 = arith.constant 0 : i32
      %add3A_135 = arith.addi %mul3A_133, %add3A_134 : i32
      %lt3A_136 = arith.cmpi slt, %add3A_135, %select_n3A : i32
      %convert_element_type3A_137 = arith.extui %lt3A_136 : i1 to i32
      %cond3A_138 = arith.constant 0 : i32
      %cond3A_139 = arith.cmpi ne, %convert_element_type3A_137, %cond3A_138 : i32
      scf.if %cond3A_139 {
        %dma_wait3A = arith.constant 0 : i32
        %dma_wait3A_148 = arith.constant 0 : i32
        %dma_wait3A_149 = tpu.memref_slice %arg7[%dma_wait3A, %dma_wait3A_148] : memref<4x32xi32, #tpu.memory_space<vmem>> -> memref<1x32xi32, #tpu.memory_space<vmem>>
        %dma_wait3A_150 = tpu.memref_squeeze %dma_wait3A_149 : memref<1x32xi32, #tpu.memory_space<vmem>> -> memref<32xi32, #tpu.memory_space<vmem>>
        %dma_wait3A_151 = arith.constant 0 : i32
        %dma_wait3A_152 = arith.constant 0 : i32
        %dma_wait3A_153 = arith.constant 0 : i32
        %dma_wait3A_154 = tpu.memref_slice %arg2[%dma_wait3A_151, %dma_wait3A_152, %dma_wait3A_153] : memref<10000x2x128xf32, #tpu.memory_space<hbm>> -> memref<10000x2x128xf32, #tpu.memory_space<hbm>>
        tpu.wait_indirect_dma semaphore(%arg15 : memref<!tpu.dma_semaphore, #tpu.memory_space<semaphore_mem>>) src(%dma_wait3A_154 : memref<10000x2x128xf32, #tpu.memory_space<hbm>>) dst(%arg9 : memref<32x2x128xf32, #tpu.memory_space<vmem>>)
        %dma_start3A = arith.constant 1 : i32
        %dma_start3A_155 = arith.constant 0 : i32
        %dma_start3A_156 = tpu.memref_slice %arg7[%dma_start3A, %dma_start3A_155] : memref<4x32xi32, #tpu.memory_space<vmem>> -> memref<1x32xi32, #tpu.memory_space<vmem>>
        %dma_start3A_157 = tpu.memref_squeeze %dma_start3A_156 : memref<1x32xi32, #tpu.memory_space<vmem>> -> memref<32xi32, #tpu.memory_space<vmem>>
        %dma_start3A_158 = arith.constant 0 : i32
        %dma_start3A_159 = arith.constant 0 : i32
        %dma_start3A_160 = arith.constant 0 : i32
        %dma_start3A_161 = tpu.memref_slice %arg14[%dma_start3A_158, %dma_start3A_159, %dma_start3A_160] : memref<5248x2x128xf32, #tpu.memory_space<vmem_shared>> -> memref<5248x2x128xf32, #tpu.memory_space<vmem_shared>>
        tpu.enqueue_indirect_dma source(%arg9 : memref<32x2x128xf32, #tpu.memory_space<vmem>>) target(%dma_start3A_161 : memref<5248x2x128xf32, #tpu.memory_space<vmem_shared>>) offsets(%dma_start3A_157 : memref<32xi32, #tpu.memory_space<vmem>>) semaphore(%arg19 : memref<!tpu.dma_semaphore, #tpu.memory_space<semaphore_mem>>) {add = true}
        %dma_wait3A_162 = arith.constant 2 : i32
        %dma_wait3A_163 = arith.constant 0 : i32
        %dma_wait3A_164 = tpu.memref_slice %arg7[%dma_wait3A_162, %dma_wait3A_163] : memref<4x32xi32, #tpu.memory_space<vmem>> -> memref<1x32xi32, #tpu.memory_space<vmem>>
        %dma_wait3A_165 = tpu.memref_squeeze %dma_wait3A_164 : memref<1x32xi32, #tpu.memory_space<vmem>> -> memref<32xi32, #tpu.memory_space<vmem>>
        %dma_wait3A_166 = arith.constant 0 : i32
        %dma_wait3A_167 = arith.constant 0 : i32
        %dma_wait3A_168 = arith.constant 0 : i32
        %dma_wait3A_169 = tpu.memref_slice %arg2[%dma_wait3A_166, %dma_wait3A_167, %dma_wait3A_168] : memref<10000x2x128xf32, #tpu.memory_space<hbm>> -> memref<10000x2x128xf32, #tpu.memory_space<hbm>>
        tpu.wait_indirect_dma semaphore(%arg16 : memref<!tpu.dma_semaphore, #tpu.memory_space<semaphore_mem>>) src(%dma_wait3A_169 : memref<10000x2x128xf32, #tpu.memory_space<hbm>>) dst(%arg10 : memref<32x2x128xf32, #tpu.memory_space<vmem>>)
        %dma_start3A_170 = arith.constant 3 : i32
        %dma_start3A_171 = arith.constant 0 : i32
        %dma_start3A_172 = tpu.memref_slice %arg7[%dma_start3A_170, %dma_start3A_171] : memref<4x32xi32, #tpu.memory_space<vmem>> -> memref<1x32xi32, #tpu.memory_space<vmem>>
        %dma_start3A_173 = tpu.memref_squeeze %dma_start3A_172 : memref<1x32xi32, #tpu.memory_space<vmem>> -> memref<32xi32, #tpu.memory_space<vmem>>
        %dma_start3A_174 = arith.constant 0 : i32
        %dma_start3A_175 = arith.constant 0 : i32
        %dma_start3A_176 = arith.constant 0 : i32
        %dma_start3A_177 = tpu.memref_slice %arg14[%dma_start3A_174, %dma_start3A_175, %dma_start3A_176] : memref<5248x2x128xf32, #tpu.memory_space<vmem_shared>> -> memref<5248x2x128xf32, #tpu.memory_space<vmem_shared>>
        tpu.enqueue_indirect_dma source(%arg10 : memref<32x2x128xf32, #tpu.memory_space<vmem>>) target(%dma_start3A_177 : memref<5248x2x128xf32, #tpu.memory_space<vmem_shared>>) offsets(%dma_start3A_173 : memref<32xi32, #tpu.memory_space<vmem>>) semaphore(%arg20 : memref<!tpu.dma_semaphore, #tpu.memory_space<semaphore_mem>>) {add = true}
      } else {
      }
      %mul3A_140 = arith.constant 2 : i32
      %mul3A_141 = arith.muli %mul3A_140, %while3A_116 : i32
      %add3A_142 = arith.constant 1 : i32
      %add3A_143 = arith.addi %mul3A_141, %add3A_142 : i32
      %lt3A_144 = arith.cmpi slt, %add3A_143, %select_n3A : i32
      %convert_element_type3A_145 = arith.extui %lt3A_144 : i1 to i32
      %cond3A_146 = arith.constant 0 : i32
      %cond3A_147 = arith.cmpi ne, %convert_element_type3A_145, %cond3A_146 : i32
      scf.if %cond3A_147 {
        %dma_wait3A = arith.constant 0 : i32
        %dma_wait3A_148 = arith.constant 0 : i32
        %dma_wait3A_149 = tpu.memref_slice %arg8[%dma_wait3A, %dma_wait3A_148] : memref<4x32xi32, #tpu.memory_space<vmem>> -> memref<1x32xi32, #tpu.memory_space<vmem>>
        %dma_wait3A_150 = tpu.memref_squeeze %dma_wait3A_149 : memref<1x32xi32, #tpu.memory_space<vmem>> -> memref<32xi32, #tpu.memory_space<vmem>>
        %dma_wait3A_151 = arith.constant 0 : i32
        %dma_wait3A_152 = arith.constant 0 : i32
        %dma_wait3A_153 = arith.constant 0 : i32
        %dma_wait3A_154 = tpu.memref_slice %arg2[%dma_wait3A_151, %dma_wait3A_152, %dma_wait3A_153] : memref<10000x2x128xf32, #tpu.memory_space<hbm>> -> memref<10000x2x128xf32, #tpu.memory_space<hbm>>
        tpu.wait_indirect_dma semaphore(%arg17 : memref<!tpu.dma_semaphore, #tpu.memory_space<semaphore_mem>>) src(%dma_wait3A_154 : memref<10000x2x128xf32, #tpu.memory_space<hbm>>) dst(%arg11 : memref<32x2x128xf32, #tpu.memory_space<vmem>>)
        %dma_start3A = arith.constant 1 : i32
        %dma_start3A_155 = arith.constant 0 : i32
        %dma_start3A_156 = tpu.memref_slice %arg8[%dma_start3A, %dma_start3A_155] : memref<4x32xi32, #tpu.memory_space<vmem>> -> memref<1x32xi32, #tpu.memory_space<vmem>>
        %dma_start3A_157 = tpu.memref_squeeze %dma_start3A_156 : memref<1x32xi32, #tpu.memory_space<vmem>> -> memref<32xi32, #tpu.memory_space<vmem>>
        %dma_start3A_158 = arith.constant 0 : i32
        %dma_start3A_159 = arith.constant 0 : i32
        %dma_start3A_160 = arith.constant 0 : i32
        %dma_start3A_161 = tpu.memref_slice %arg14[%dma_start3A_158, %dma_start3A_159, %dma_start3A_160] : memref<5248x2x128xf32, #tpu.memory_space<vmem_shared>> -> memref<5248x2x128xf32, #tpu.memory_space<vmem_shared>>
        tpu.enqueue_indirect_dma source(%arg11 : memref<32x2x128xf32, #tpu.memory_space<vmem>>) target(%dma_start3A_161 : memref<5248x2x128xf32, #tpu.memory_space<vmem_shared>>) offsets(%dma_start3A_157 : memref<32xi32, #tpu.memory_space<vmem>>) semaphore(%arg21 : memref<!tpu.dma_semaphore, #tpu.memory_space<semaphore_mem>>) {add = true}
        %dma_wait3A_162 = arith.constant 2 : i32
        %dma_wait3A_163 = arith.constant 0 : i32
        %dma_wait3A_164 = tpu.memref_slice %arg8[%dma_wait3A_162, %dma_wait3A_163] : memref<4x32xi32, #tpu.memory_space<vmem>> -> memref<1x32xi32, #tpu.memory_space<vmem>>
        %dma_wait3A_165 = tpu.memref_squeeze %dma_wait3A_164 : memref<1x32xi32, #tpu.memory_space<vmem>> -> memref<32xi32, #tpu.memory_space<vmem>>
        %dma_wait3A_166 = arith.constant 0 : i32
        %dma_wait3A_167 = arith.constant 0 : i32
        %dma_wait3A_168 = arith.constant 0 : i32
        %dma_wait3A_169 = tpu.memref_slice %arg2[%dma_wait3A_166, %dma_wait3A_167, %dma_wait3A_168] : memref<10000x2x128xf32, #tpu.memory_space<hbm>> -> memref<10000x2x128xf32, #tpu.memory_space<hbm>>
        tpu.wait_indirect_dma semaphore(%arg18 : memref<!tpu.dma_semaphore, #tpu.memory_space<semaphore_mem>>) src(%dma_wait3A_169 : memref<10000x2x128xf32, #tpu.memory_space<hbm>>) dst(%arg12 : memref<32x2x128xf32, #tpu.memory_space<vmem>>)
        %dma_start3A_170 = arith.constant 3 : i32
        %dma_start3A_171 = arith.constant 0 : i32
        %dma_start3A_172 = tpu.memref_slice %arg8[%dma_start3A_170, %dma_start3A_171] : memref<4x32xi32, #tpu.memory_space<vmem>> -> memref<1x32xi32, #tpu.memory_space<vmem>>
        %dma_start3A_173 = tpu.memref_squeeze %dma_start3A_172 : memref<1x32xi32, #tpu.memory_space<vmem>> -> memref<32xi32, #tpu.memory_space<vmem>>
        %dma_start3A_174 = arith.constant 0 : i32
        %dma_start3A_175 = arith.constant 0 : i32
        %dma_start3A_176 = arith.constant 0 : i32
        %dma_start3A_177 = tpu.memref_slice %arg14[%dma_start3A_174, %dma_start3A_175, %dma_start3A_176] : memref<5248x2x128xf32, #tpu.memory_space<vmem_shared>> -> memref<5248x2x128xf32, #tpu.memory_space<vmem_shared>>
        tpu.enqueue_indirect_dma source(%arg12 : memref<32x2x128xf32, #tpu.memory_space<vmem>>) target(%dma_start3A_177 : memref<5248x2x128xf32, #tpu.memory_space<vmem_shared>>) offsets(%dma_start3A_173 : memref<32xi32, #tpu.memory_space<vmem>>) semaphore(%arg22 : memref<!tpu.dma_semaphore, #tpu.memory_space<semaphore_mem>>) {add = true}
      } else {
      }
    }
    %gt3A = arith.constant 0 : i32
    %gt3A_39 = arith.cmpi sgt, %select_n3A, %gt3A : i32
    %convert_element_type3A = arith.extui %gt3A_39 : i1 to i32
    %cond3A = arith.constant 0 : i32
    %cond3A_40 = arith.cmpi ne, %convert_element_type3A, %cond3A : i32
    scf.if %cond3A_40 {
      %dma_wait3A = arith.constant 1 : i32
      %dma_wait3A_116 = arith.constant 0 : i32
      %dma_wait3A_117 = tpu.memref_slice %arg7[%dma_wait3A, %dma_wait3A_116] : memref<4x32xi32, #tpu.memory_space<vmem>> -> memref<1x32xi32, #tpu.memory_space<vmem>>
      %dma_wait3A_118 = tpu.memref_squeeze %dma_wait3A_117 : memref<1x32xi32, #tpu.memory_space<vmem>> -> memref<32xi32, #tpu.memory_space<vmem>>
      %dma_wait3A_119 = arith.constant 0 : i32
      %dma_wait3A_120 = arith.constant 0 : i32
      %dma_wait3A_121 = arith.constant 0 : i32
      %dma_wait3A_122 = tpu.memref_slice %arg14[%dma_wait3A_119, %dma_wait3A_120, %dma_wait3A_121] : memref<5248x2x128xf32, #tpu.memory_space<vmem_shared>> -> memref<5248x2x128xf32, #tpu.memory_space<vmem_shared>>
      tpu.wait_indirect_dma semaphore(%arg19 : memref<!tpu.dma_semaphore, #tpu.memory_space<semaphore_mem>>) src(%arg9 : memref<32x2x128xf32, #tpu.memory_space<vmem>>) dst(%dma_wait3A_122 : memref<5248x2x128xf32, #tpu.memory_space<vmem_shared>>)
      %dma_wait3A_123 = arith.constant 3 : i32
      %dma_wait3A_124 = arith.constant 0 : i32
      %dma_wait3A_125 = tpu.memref_slice %arg7[%dma_wait3A_123, %dma_wait3A_124] : memref<4x32xi32, #tpu.memory_space<vmem>> -> memref<1x32xi32, #tpu.memory_space<vmem>>
      %dma_wait3A_126 = tpu.memref_squeeze %dma_wait3A_125 : memref<1x32xi32, #tpu.memory_space<vmem>> -> memref<32xi32, #tpu.memory_space<vmem>>
      %dma_wait3A_127 = arith.constant 0 : i32
      %dma_wait3A_128 = arith.constant 0 : i32
      %dma_wait3A_129 = arith.constant 0 : i32
      %dma_wait3A_130 = tpu.memref_slice %arg14[%dma_wait3A_127, %dma_wait3A_128, %dma_wait3A_129] : memref<5248x2x128xf32, #tpu.memory_space<vmem_shared>> -> memref<5248x2x128xf32, #tpu.memory_space<vmem_shared>>
      tpu.wait_indirect_dma semaphore(%arg20 : memref<!tpu.dma_semaphore, #tpu.memory_space<semaphore_mem>>) src(%arg10 : memref<32x2x128xf32, #tpu.memory_space<vmem>>) dst(%dma_wait3A_130 : memref<5248x2x128xf32, #tpu.memory_space<vmem_shared>>)
    } else {
    }
    %gt3A_41 = arith.constant 1 : i32
    %gt3A_42 = arith.cmpi sgt, %select_n3A, %gt3A_41 : i32
    %convert_element_type3A_43 = arith.extui %gt3A_42 : i1 to i32
    %cond3A_44 = arith.constant 0 : i32
    %cond3A_45 = arith.cmpi ne, %convert_element_type3A_43, %cond3A_44 : i32
    scf.if %cond3A_45 {
      %dma_wait3A = arith.constant 1 : i32
      %dma_wait3A_116 = arith.constant 0 : i32
      %dma_wait3A_117 = tpu.memref_slice %arg8[%dma_wait3A, %dma_wait3A_116] : memref<4x32xi32, #tpu.memory_space<vmem>> -> memref<1x32xi32, #tpu.memory_space<vmem>>
      %dma_wait3A_118 = tpu.memref_squeeze %dma_wait3A_117 : memref<1x32xi32, #tpu.memory_space<vmem>> -> memref<32xi32, #tpu.memory_space<vmem>>
      %dma_wait3A_119 = arith.constant 0 : i32
      %dma_wait3A_120 = arith.constant 0 : i32
      %dma_wait3A_121 = arith.constant 0 : i32
      %dma_wait3A_122 = tpu.memref_slice %arg14[%dma_wait3A_119, %dma_wait3A_120, %dma_wait3A_121] : memref<5248x2x128xf32, #tpu.memory_space<vmem_shared>> -> memref<5248x2x128xf32, #tpu.memory_space<vmem_shared>>
      tpu.wait_indirect_dma semaphore(%arg21 : memref<!tpu.dma_semaphore, #tpu.memory_space<semaphore_mem>>) src(%arg11 : memref<32x2x128xf32, #tpu.memory_space<vmem>>) dst(%dma_wait3A_122 : memref<5248x2x128xf32, #tpu.memory_space<vmem_shared>>)
      %dma_wait3A_123 = arith.constant 3 : i32
      %dma_wait3A_124 = arith.constant 0 : i32
      %dma_wait3A_125 = tpu.memref_slice %arg8[%dma_wait3A_123, %dma_wait3A_124] : memref<4x32xi32, #tpu.memory_space<vmem>> -> memref<1x32xi32, #tpu.memory_space<vmem>>
      %dma_wait3A_126 = tpu.memref_squeeze %dma_wait3A_125 : memref<1x32xi32, #tpu.memory_space<vmem>> -> memref<32xi32, #tpu.memory_space<vmem>>
      %dma_wait3A_127 = arith.constant 0 : i32
      %dma_wait3A_128 = arith.constant 0 : i32
      %dma_wait3A_129 = arith.constant 0 : i32
      %dma_wait3A_130 = tpu.memref_slice %arg14[%dma_wait3A_127, %dma_wait3A_128, %dma_wait3A_129] : memref<5248x2x128xf32, #tpu.memory_space<vmem_shared>> -> memref<5248x2x128xf32, #tpu.memory_space<vmem_shared>>
      tpu.wait_indirect_dma semaphore(%arg22 : memref<!tpu.dma_semaphore, #tpu.memory_space<semaphore_mem>>) src(%arg12 : memref<32x2x128xf32, #tpu.memory_space<vmem>>) dst(%dma_wait3A_130 : memref<5248x2x128xf32, #tpu.memory_space<vmem_shared>>)
    } else {
    }
    %mul3A_46 = arith.constant 2 : i32
    %mul3A_47 = arith.muli %mul3A_46, %arg1 : i32
    %add3A_48 = arith.constant 1 : i32
    %add3A_49 = arith.addi %mul3A_47, %add3A_48 : i32
    %mul3A_50 = arith.constant 16 : i32
    %mul3A_51 = arith.muli %add3A_49, %mul3A_50 : i32
    %get3A_52 = arith.index_cast %mul3A_51 : i32 to index
    %get3A_53 = tpu.vector_load %arg13[%get3A_52] {strides = array<i32>} : memref<512xi32, #tpu.memory_space<vmem>>, vector<16xi32>,
    %get3A_54 = vector.shape_cast %get3A_53 : vector<16xi32> to vector<16xi32>
    %slice3A_55 = vector.extract_strided_slice %get3A_54 {offsets = [0], sizes = [1], strides = [1]} : vector<16xi32> to vector<1xi32>
    %squeeze3A_56 = vector.extract %slice3A_55[0] : i32 from vector<1xi32>
    %slice3A_57 = vector.extract_strided_slice %get3A_54 {offsets = [1], sizes = [1], strides = [1]} : vector<16xi32> to vector<1xi32>
    %squeeze3A_58 = vector.extract %slice3A_57[0] : i32 from vector<1xi32>
    %eq3A_59 = arith.constant 0 : i32
    %eq3A_60 = arith.cmpi eq, %arg0, %eq3A_59 : i32
    %select_n3A_61 = arith.select %eq3A_60, %squeeze3A_56, %squeeze3A_58 : i32
    %add3A_62 = arith.constant 1 : i32
    %add3A_63 = arith.addi %select_n3A_61, %add3A_62 : i32
    %jit3A_64 = arith.constant 2 : i32
    %div3A_65 = arith.divsi %add3A_63, %jit3A_64 : i32
    %sign3A_66 = arith.constant 0 : i32
    %sign3A_67 = arith.cmpi sgt, %add3A_63, %sign3A_66 : i32
    %sign3A_68 = arith.extui %sign3A_67 : i1 to i32
    %sign3A_69 = arith.constant 0 : i32
    %sign3A_70 = arith.cmpi slt, %add3A_63, %sign3A_69 : i32
    %sign3A_71 = arith.extui %sign3A_70 : i1 to i32
    %sign3A_72 = arith.subi %sign3A_68, %sign3A_71 : i32
    %sign3A_73 = arith.constant 0 : i32
    %sign3A_74 = arith.cmpi sgt, %jit3A_64, %sign3A_73 : i32
    %sign3A_75 = arith.extui %sign3A_74 : i1 to i32
    %sign3A_76 = arith.constant 0 : i32
    %sign3A_77 = arith.cmpi slt, %jit3A_64, %sign3A_76 : i32
    %sign3A_78 = arith.extui %sign3A_77 : i1 to i32
    %sign3A_79 = arith.subi %sign3A_75, %sign3A_78 : i32
    %ne3A_80 = arith.cmpi ne, %sign3A_72, %sign3A_79 : i32
    %rem3A_81 = arith.remsi %add3A_63, %jit3A_64 : i32
    %ne3A_82 = arith.constant 0 : i32
    %ne3A_83 = arith.cmpi ne, %rem3A_81, %ne3A_82 : i32
    %and3A_84 = arith.andi %ne3A_80, %ne3A_83 : i1
    %sub3A_85 = arith.constant 1 : i32
    %sub3A_86 = arith.subi %div3A_65, %sub3A_85 : i32
    %select_n3A_87 = arith.select %and3A_84, %sub3A_86, %div3A_65 : i32
    %while3A_88 = arith.constant 0 : i32
    %while3A_89 = arith.constant 0 : i32
    %while3A_90 = arith.subi %select_n3A_87, %while3A_89 : i32
    %while3A_91 = arith.addi %while3A_89, %while3A_90 : i32
    %while3A_92 = arith.constant 1 : i32
    %while3A_93 = arith.divsi %while3A_90, %while3A_92 : i32
    %while3A_94 = arith.muli %while3A_93, %while3A_92 : i32
    %while3A_95 = arith.addi %while3A_89, %while3A_94 : i32
    %while3A_96 = arith.constant 1 : i32
    scf.for %while3A_116 = %while3A_89 to %while3A_95 step %while3A_96  : i32 {
      %mul3A_117 = arith.constant 2 : i32
      %mul3A_118 = arith.muli %mul3A_117, %while3A_116 : i32
      %add3A_119 = arith.constant 0 : i32
      %add3A_120 = arith.addi %mul3A_118, %add3A_119 : i32
      %lt3A = arith.cmpi slt, %add3A_120, %select_n3A_61 : i32
      %convert_element_type3A_121 = arith.extui %lt3A : i1 to i32
      %cond3A_122 = arith.constant 0 : i32
      %cond3A_123 = arith.cmpi ne, %convert_element_type3A_121, %cond3A_122 : i32
      scf.if %cond3A_123 {
        %gt3A_148 = arith.constant 1 : i32
        %gt3A_149 = arith.cmpi sgt, %add3A_120, %gt3A_148 : i32
        %convert_element_type3A_150 = arith.extui %gt3A_149 : i1 to i32
        %cond3A_151 = arith.constant 0 : i32
        %cond3A_152 = arith.cmpi ne, %convert_element_type3A_150, %cond3A_151 : i32
        scf.if %cond3A_152 {
          %dma_wait3A = arith.constant 1 : i32
          %dma_wait3A_168 = arith.constant 0 : i32
          %dma_wait3A_169 = tpu.memref_slice %arg7[%dma_wait3A, %dma_wait3A_168] : memref<4x32xi32, #tpu.memory_space<vmem>> -> memref<1x32xi32, #tpu.memory_space<vmem>>
          %dma_wait3A_170 = tpu.memref_squeeze %dma_wait3A_169 : memref<1x32xi32, #tpu.memory_space<vmem>> -> memref<32xi32, #tpu.memory_space<vmem>>
          %dma_wait3A_171 = arith.constant 0 : i32
          %dma_wait3A_172 = arith.constant 0 : i32
          %dma_wait3A_173 = arith.constant 0 : i32
          %dma_wait3A_174 = tpu.memref_slice %arg14[%dma_wait3A_171, %dma_wait3A_172, %dma_wait3A_173] : memref<5248x2x128xf32, #tpu.memory_space<vmem_shared>> -> memref<5248x2x128xf32, #tpu.memory_space<vmem_shared>>
          tpu.wait_indirect_dma semaphore(%arg19 : memref<!tpu.dma_semaphore, #tpu.memory_space<semaphore_mem>>) src(%arg9 : memref<32x2x128xf32, #tpu.memory_space<vmem>>) dst(%dma_wait3A_174 : memref<5248x2x128xf32, #tpu.memory_space<vmem_shared>>)
          %dma_wait3A_175 = arith.constant 3 : i32
          %dma_wait3A_176 = arith.constant 0 : i32
          %dma_wait3A_177 = tpu.memref_slice %arg7[%dma_wait3A_175, %dma_wait3A_176] : memref<4x32xi32, #tpu.memory_space<vmem>> -> memref<1x32xi32, #tpu.memory_space<vmem>>
          %dma_wait3A_178 = tpu.memref_squeeze %dma_wait3A_177 : memref<1x32xi32, #tpu.memory_space<vmem>> -> memref<32xi32, #tpu.memory_space<vmem>>
          %dma_wait3A_179 = arith.constant 0 : i32
          %dma_wait3A_180 = arith.constant 0 : i32
          %dma_wait3A_181 = arith.constant 0 : i32
          %dma_wait3A_182 = tpu.memref_slice %arg14[%dma_wait3A_179, %dma_wait3A_180, %dma_wait3A_181] : memref<5248x2x128xf32, #tpu.memory_space<vmem_shared>> -> memref<5248x2x128xf32, #tpu.memory_space<vmem_shared>>
          tpu.wait_indirect_dma semaphore(%arg20 : memref<!tpu.dma_semaphore, #tpu.memory_space<semaphore_mem>>) src(%arg10 : memref<32x2x128xf32, #tpu.memory_space<vmem>>) dst(%dma_wait3A_182 : memref<5248x2x128xf32, #tpu.memory_space<vmem_shared>>)
        } else {
        }
        "tpu.region"() ({
          %run_scoped3A = tpu.sem_alloc : memref<!tpu.dma_semaphore, #tpu.memory_space<semaphore_mem>>
          %dma_start3A_168 = arith.constant 0 : i32
          %dma_start3A_169 = arith.constant 0 : i32
          %dma_start3A_170 = arith.constant 0 : i32
          %dma_start3A_171 = tpu.memref_slice %arg3[%arg0, %add3A_49, %dma_start3A_168, %dma_start3A_169, %dma_start3A_170] : memref<2x32x160x4x32xi32, #tpu.memory_space<hbm>> -> memref<1x1x160x4x32xi32, #tpu.memory_space<hbm>>
          %dma_start3A_172 = tpu.memref_squeeze %dma_start3A_171 : memref<1x1x160x4x32xi32, #tpu.memory_space<hbm>> -> memref<160x4x32xi32, #tpu.memory_space<hbm>>
          %dma_start3A_173 = arith.constant 0 : i32
          %dma_start3A_174 = arith.constant 0 : i32
          %dma_start3A_175 = tpu.memref_slice %dma_start3A_172[%add3A_120, %dma_start3A_173, %dma_start3A_174] : memref<160x4x32xi32, #tpu.memory_space<hbm>> -> memref<1x4x32xi32, #tpu.memory_space<hbm>>
          %dma_start3A_176 = tpu.memref_squeeze %dma_start3A_175 : memref<1x4x32xi32, #tpu.memory_space<hbm>> -> memref<4x32xi32, #tpu.memory_space<hbm>>
          %dma_start3A_177 = arith.constant 0 : i32
          %dma_start3A_178 = arith.constant 0 : i32
          %dma_start3A_179 = arith.constant 0 : i32
          %dma_start3A_180 = tpu.memref_slice %arg3[%arg0, %add3A_49, %dma_start3A_177, %dma_start3A_178, %dma_start3A_179] : memref<2x32x160x4x32xi32, #tpu.memory_space<hbm>> -> memref<1x1x160x4x32xi32, #tpu.memory_space<hbm>>
          %dma_start3A_181 = tpu.memref_squeeze %dma_start3A_180 : memref<1x1x160x4x32xi32, #tpu.memory_space<hbm>> -> memref<160x4x32xi32, #tpu.memory_space<hbm>>
          %dma_start3A_182 = arith.constant 0 : i32
          %dma_start3A_183 = arith.constant 0 : i32
          %dma_start3A_184 = tpu.memref_slice %dma_start3A_181[%add3A_120, %dma_start3A_182, %dma_start3A_183] : memref<160x4x32xi32, #tpu.memory_space<hbm>> -> memref<1x4x32xi32, #tpu.memory_space<hbm>>
          %dma_start3A_185 = tpu.memref_squeeze %dma_start3A_184 : memref<1x4x32xi32, #tpu.memory_space<hbm>> -> memref<4x32xi32, #tpu.memory_space<hbm>>
          tpu.enqueue_dma source(%dma_start3A_185 : memref<4x32xi32, #tpu.memory_space<hbm>>) target(%arg7 : memref<4x32xi32, #tpu.memory_space<vmem>>) target_semaphore(%run_scoped3A : memref<!tpu.dma_semaphore, #tpu.memory_space<semaphore_mem>>)
          %dma_wait3A = arith.constant 0 : i32
          %dma_wait3A_186 = arith.constant 0 : i32
          %dma_wait3A_187 = arith.constant 0 : i32
          %dma_wait3A_188 = tpu.memref_slice %arg3[%arg0, %add3A_49, %dma_wait3A, %dma_wait3A_186, %dma_wait3A_187] : memref<2x32x160x4x32xi32, #tpu.memory_space<hbm>> -> memref<1x1x160x4x32xi32, #tpu.memory_space<hbm>>
          %dma_wait3A_189 = tpu.memref_squeeze %dma_wait3A_188 : memref<1x1x160x4x32xi32, #tpu.memory_space<hbm>> -> memref<160x4x32xi32, #tpu.memory_space<hbm>>
          %dma_wait3A_190 = arith.constant 0 : i32
          %dma_wait3A_191 = arith.constant 0 : i32
          %dma_wait3A_192 = tpu.memref_slice %dma_wait3A_189[%add3A_120, %dma_wait3A_190, %dma_wait3A_191] : memref<160x4x32xi32, #tpu.memory_space<hbm>> -> memref<1x4x32xi32, #tpu.memory_space<hbm>>
          %dma_wait3A_193 = tpu.memref_squeeze %dma_wait3A_192 : memref<1x4x32xi32, #tpu.memory_space<hbm>> -> memref<4x32xi32, #tpu.memory_space<hbm>>
          %dma_wait3A_194 = arith.constant 0 : i32
          %dma_wait3A_195 = arith.constant 0 : i32
          %dma_wait3A_196 = arith.constant 0 : i32
          %dma_wait3A_197 = tpu.memref_slice %arg3[%arg0, %add3A_49, %dma_wait3A_194, %dma_wait3A_195, %dma_wait3A_196] : memref<2x32x160x4x32xi32, #tpu.memory_space<hbm>> -> memref<1x1x160x4x32xi32, #tpu.memory_space<hbm>>
          %dma_wait3A_198 = tpu.memref_squeeze %dma_wait3A_197 : memref<1x1x160x4x32xi32, #tpu.memory_space<hbm>> -> memref<160x4x32xi32, #tpu.memory_space<hbm>>
          %dma_wait3A_199 = arith.constant 0 : i32
          %dma_wait3A_200 = arith.constant 0 : i32
          %dma_wait3A_201 = tpu.memref_slice %dma_wait3A_198[%add3A_120, %dma_wait3A_199, %dma_wait3A_200] : memref<160x4x32xi32, #tpu.memory_space<hbm>> -> memref<1x4x32xi32, #tpu.memory_space<hbm>>
          %dma_wait3A_202 = tpu.memref_squeeze %dma_wait3A_201 : memref<1x4x32xi32, #tpu.memory_space<hbm>> -> memref<4x32xi32, #tpu.memory_space<hbm>>
          tpu.wait_dma2 semaphore(%run_scoped3A : memref<!tpu.dma_semaphore, #tpu.memory_space<semaphore_mem>>) src(%dma_wait3A_202 : memref<4x32xi32, #tpu.memory_space<hbm>>) dst(%arg7 : memref<4x32xi32, #tpu.memory_space<vmem>>)
          tpu.yield
        }) : () -> ()
        %dma_start3A = arith.constant 0 : i32
        %dma_start3A_153 = arith.constant 0 : i32
        %dma_start3A_154 = tpu.memref_slice %arg7[%dma_start3A, %dma_start3A_153] : memref<4x32xi32, #tpu.memory_space<vmem>> -> memref<1x32xi32, #tpu.memory_space<vmem>>
        %dma_start3A_155 = tpu.memref_squeeze %dma_start3A_154 : memref<1x32xi32, #tpu.memory_space<vmem>> -> memref<32xi32, #tpu.memory_space<vmem>>
        %dma_start3A_156 = arith.constant 0 : i32
        %dma_start3A_157 = arith.constant 0 : i32
        %dma_start3A_158 = arith.constant 0 : i32
        %dma_start3A_159 = tpu.memref_slice %arg2[%dma_start3A_156, %dma_start3A_157, %dma_start3A_158] : memref<10000x2x128xf32, #tpu.memory_space<hbm>> -> memref<10000x2x128xf32, #tpu.memory_space<hbm>>
        tpu.enqueue_indirect_dma source(%dma_start3A_159 : memref<10000x2x128xf32, #tpu.memory_space<hbm>>) target(%arg9 : memref<32x2x128xf32, #tpu.memory_space<vmem>>) offsets(%dma_start3A_155 : memref<32xi32, #tpu.memory_space<vmem>>) semaphore(%arg15 : memref<!tpu.dma_semaphore, #tpu.memory_space<semaphore_mem>>)
        %dma_start3A_160 = arith.constant 2 : i32
        %dma_start3A_161 = arith.constant 0 : i32
        %dma_start3A_162 = tpu.memref_slice %arg7[%dma_start3A_160, %dma_start3A_161] : memref<4x32xi32, #tpu.memory_space<vmem>> -> memref<1x32xi32, #tpu.memory_space<vmem>>
        %dma_start3A_163 = tpu.memref_squeeze %dma_start3A_162 : memref<1x32xi32, #tpu.memory_space<vmem>> -> memref<32xi32, #tpu.memory_space<vmem>>
        %dma_start3A_164 = arith.constant 0 : i32
        %dma_start3A_165 = arith.constant 0 : i32
        %dma_start3A_166 = arith.constant 0 : i32
        %dma_start3A_167 = tpu.memref_slice %arg2[%dma_start3A_164, %dma_start3A_165, %dma_start3A_166] : memref<10000x2x128xf32, #tpu.memory_space<hbm>> -> memref<10000x2x128xf32, #tpu.memory_space<hbm>>
        tpu.enqueue_indirect_dma source(%dma_start3A_167 : memref<10000x2x128xf32, #tpu.memory_space<hbm>>) target(%arg10 : memref<32x2x128xf32, #tpu.memory_space<vmem>>) offsets(%dma_start3A_163 : memref<32xi32, #tpu.memory_space<vmem>>) semaphore(%arg16 : memref<!tpu.dma_semaphore, #tpu.memory_space<semaphore_mem>>)
      } else {
      }
      %mul3A_124 = arith.constant 2 : i32
      %mul3A_125 = arith.muli %mul3A_124, %while3A_116 : i32
      %add3A_126 = arith.constant 1 : i32
      %add3A_127 = arith.addi %mul3A_125, %add3A_126 : i32
      %lt3A_128 = arith.cmpi slt, %add3A_127, %select_n3A_61 : i32
      %convert_element_type3A_129 = arith.extui %lt3A_128 : i1 to i32
      %cond3A_130 = arith.constant 0 : i32
      %cond3A_131 = arith.cmpi ne, %convert_element_type3A_129, %cond3A_130 : i32
      scf.if %cond3A_131 {
        %gt3A_148 = arith.constant 1 : i32
        %gt3A_149 = arith.cmpi sgt, %add3A_127, %gt3A_148 : i32
        %convert_element_type3A_150 = arith.extui %gt3A_149 : i1 to i32
        %cond3A_151 = arith.constant 0 : i32
        %cond3A_152 = arith.cmpi ne, %convert_element_type3A_150, %cond3A_151 : i32
        scf.if %cond3A_152 {
          %dma_wait3A = arith.constant 1 : i32
          %dma_wait3A_168 = arith.constant 0 : i32
          %dma_wait3A_169 = tpu.memref_slice %arg8[%dma_wait3A, %dma_wait3A_168] : memref<4x32xi32, #tpu.memory_space<vmem>> -> memref<1x32xi32, #tpu.memory_space<vmem>>
          %dma_wait3A_170 = tpu.memref_squeeze %dma_wait3A_169 : memref<1x32xi32, #tpu.memory_space<vmem>> -> memref<32xi32, #tpu.memory_space<vmem>>
          %dma_wait3A_171 = arith.constant 0 : i32
          %dma_wait3A_172 = arith.constant 0 : i32
          %dma_wait3A_173 = arith.constant 0 : i32
          %dma_wait3A_174 = tpu.memref_slice %arg14[%dma_wait3A_171, %dma_wait3A_172, %dma_wait3A_173] : memref<5248x2x128xf32, #tpu.memory_space<vmem_shared>> -> memref<5248x2x128xf32, #tpu.memory_space<vmem_shared>>
          tpu.wait_indirect_dma semaphore(%arg21 : memref<!tpu.dma_semaphore, #tpu.memory_space<semaphore_mem>>) src(%arg11 : memref<32x2x128xf32, #tpu.memory_space<vmem>>) dst(%dma_wait3A_174 : memref<5248x2x128xf32, #tpu.memory_space<vmem_shared>>)
          %dma_wait3A_175 = arith.constant 3 : i32
          %dma_wait3A_176 = arith.constant 0 : i32
          %dma_wait3A_177 = tpu.memref_slice %arg8[%dma_wait3A_175, %dma_wait3A_176] : memref<4x32xi32, #tpu.memory_space<vmem>> -> memref<1x32xi32, #tpu.memory_space<vmem>>
          %dma_wait3A_178 = tpu.memref_squeeze %dma_wait3A_177 : memref<1x32xi32, #tpu.memory_space<vmem>> -> memref<32xi32, #tpu.memory_space<vmem>>
          %dma_wait3A_179 = arith.constant 0 : i32
          %dma_wait3A_180 = arith.constant 0 : i32
          %dma_wait3A_181 = arith.constant 0 : i32
          %dma_wait3A_182 = tpu.memref_slice %arg14[%dma_wait3A_179, %dma_wait3A_180, %dma_wait3A_181] : memref<5248x2x128xf32, #tpu.memory_space<vmem_shared>> -> memref<5248x2x128xf32, #tpu.memory_space<vmem_shared>>
          tpu.wait_indirect_dma semaphore(%arg22 : memref<!tpu.dma_semaphore, #tpu.memory_space<semaphore_mem>>) src(%arg12 : memref<32x2x128xf32, #tpu.memory_space<vmem>>) dst(%dma_wait3A_182 : memref<5248x2x128xf32, #tpu.memory_space<vmem_shared>>)
        } else {
        }
        "tpu.region"() ({
          %run_scoped3A = tpu.sem_alloc : memref<!tpu.dma_semaphore, #tpu.memory_space<semaphore_mem>>
          %dma_start3A_168 = arith.constant 0 : i32
          %dma_start3A_169 = arith.constant 0 : i32
          %dma_start3A_170 = arith.constant 0 : i32
          %dma_start3A_171 = tpu.memref_slice %arg3[%arg0, %add3A_49, %dma_start3A_168, %dma_start3A_169, %dma_start3A_170] : memref<2x32x160x4x32xi32, #tpu.memory_space<hbm>> -> memref<1x1x160x4x32xi32, #tpu.memory_space<hbm>>
          %dma_start3A_172 = tpu.memref_squeeze %dma_start3A_171 : memref<1x1x160x4x32xi32, #tpu.memory_space<hbm>> -> memref<160x4x32xi32, #tpu.memory_space<hbm>>
          %dma_start3A_173 = arith.constant 0 : i32
          %dma_start3A_174 = arith.constant 0 : i32
          %dma_start3A_175 = tpu.memref_slice %dma_start3A_172[%add3A_127, %dma_start3A_173, %dma_start3A_174] : memref<160x4x32xi32, #tpu.memory_space<hbm>> -> memref<1x4x32xi32, #tpu.memory_space<hbm>>
          %dma_start3A_176 = tpu.memref_squeeze %dma_start3A_175 : memref<1x4x32xi32, #tpu.memory_space<hbm>> -> memref<4x32xi32, #tpu.memory_space<hbm>>
          %dma_start3A_177 = arith.constant 0 : i32
          %dma_start3A_178 = arith.constant 0 : i32
          %dma_start3A_179 = arith.constant 0 : i32
          %dma_start3A_180 = tpu.memref_slice %arg3[%arg0, %add3A_49, %dma_start3A_177, %dma_start3A_178, %dma_start3A_179] : memref<2x32x160x4x32xi32, #tpu.memory_space<hbm>> -> memref<1x1x160x4x32xi32, #tpu.memory_space<hbm>>
          %dma_start3A_181 = tpu.memref_squeeze %dma_start3A_180 : memref<1x1x160x4x32xi32, #tpu.memory_space<hbm>> -> memref<160x4x32xi32, #tpu.memory_space<hbm>>
          %dma_start3A_182 = arith.constant 0 : i32
          %dma_start3A_183 = arith.constant 0 : i32
          %dma_start3A_184 = tpu.memref_slice %dma_start3A_181[%add3A_127, %dma_start3A_182, %dma_start3A_183] : memref<160x4x32xi32, #tpu.memory_space<hbm>> -> memref<1x4x32xi32, #tpu.memory_space<hbm>>
          %dma_start3A_185 = tpu.memref_squeeze %dma_start3A_184 : memref<1x4x32xi32, #tpu.memory_space<hbm>> -> memref<4x32xi32, #tpu.memory_space<hbm>>
          tpu.enqueue_dma source(%dma_start3A_185 : memref<4x32xi32, #tpu.memory_space<hbm>>) target(%arg8 : memref<4x32xi32, #tpu.memory_space<vmem>>) target_semaphore(%run_scoped3A : memref<!tpu.dma_semaphore, #tpu.memory_space<semaphore_mem>>)
          %dma_wait3A = arith.constant 0 : i32
          %dma_wait3A_186 = arith.constant 0 : i32
          %dma_wait3A_187 = arith.constant 0 : i32
          %dma_wait3A_188 = tpu.memref_slice %arg3[%arg0, %add3A_49, %dma_wait3A, %dma_wait3A_186, %dma_wait3A_187] : memref<2x32x160x4x32xi32, #tpu.memory_space<hbm>> -> memref<1x1x160x4x32xi32, #tpu.memory_space<hbm>>
          %dma_wait3A_189 = tpu.memref_squeeze %dma_wait3A_188 : memref<1x1x160x4x32xi32, #tpu.memory_space<hbm>> -> memref<160x4x32xi32, #tpu.memory_space<hbm>>
          %dma_wait3A_190 = arith.constant 0 : i32
          %dma_wait3A_191 = arith.constant 0 : i32
          %dma_wait3A_192 = tpu.memref_slice %dma_wait3A_189[%add3A_127, %dma_wait3A_190, %dma_wait3A_191] : memref<160x4x32xi32, #tpu.memory_space<hbm>> -> memref<1x4x32xi32, #tpu.memory_space<hbm>>
          %dma_wait3A_193 = tpu.memref_squeeze %dma_wait3A_192 : memref<1x4x32xi32, #tpu.memory_space<hbm>> -> memref<4x32xi32, #tpu.memory_space<hbm>>
          %dma_wait3A_194 = arith.constant 0 : i32
          %dma_wait3A_195 = arith.constant 0 : i32
          %dma_wait3A_196 = arith.constant 0 : i32
          %dma_wait3A_197 = tpu.memref_slice %arg3[%arg0, %add3A_49, %dma_wait3A_194, %dma_wait3A_195, %dma_wait3A_196] : memref<2x32x160x4x32xi32, #tpu.memory_space<hbm>> -> memref<1x1x160x4x32xi32, #tpu.memory_space<hbm>>
          %dma_wait3A_198 = tpu.memref_squeeze %dma_wait3A_197 : memref<1x1x160x4x32xi32, #tpu.memory_space<hbm>> -> memref<160x4x32xi32, #tpu.memory_space<hbm>>
          %dma_wait3A_199 = arith.constant 0 : i32
          %dma_wait3A_200 = arith.constant 0 : i32
          %dma_wait3A_201 = tpu.memref_slice %dma_wait3A_198[%add3A_127, %dma_wait3A_199, %dma_wait3A_200] : memref<160x4x32xi32, #tpu.memory_space<hbm>> -> memref<1x4x32xi32, #tpu.memory_space<hbm>>
          %dma_wait3A_202 = tpu.memref_squeeze %dma_wait3A_201 : memref<1x4x32xi32, #tpu.memory_space<hbm>> -> memref<4x32xi32, #tpu.memory_space<hbm>>
          tpu.wait_dma2 semaphore(%run_scoped3A : memref<!tpu.dma_semaphore, #tpu.memory_space<semaphore_mem>>) src(%dma_wait3A_202 : memref<4x32xi32, #tpu.memory_space<hbm>>) dst(%arg8 : memref<4x32xi32, #tpu.memory_space<vmem>>)
          tpu.yield
        }) : () -> ()
        %dma_start3A = arith.constant 0 : i32
        %dma_start3A_153 = arith.constant 0 : i32
        %dma_start3A_154 = tpu.memref_slice %arg8[%dma_start3A, %dma_start3A_153] : memref<4x32xi32, #tpu.memory_space<vmem>> -> memref<1x32xi32, #tpu.memory_space<vmem>>
        %dma_start3A_155 = tpu.memref_squeeze %dma_start3A_154 : memref<1x32xi32, #tpu.memory_space<vmem>> -> memref<32xi32, #tpu.memory_space<vmem>>
        %dma_start3A_156 = arith.constant 0 : i32
        %dma_start3A_157 = arith.constant 0 : i32
        %dma_start3A_158 = arith.constant 0 : i32
        %dma_start3A_159 = tpu.memref_slice %arg2[%dma_start3A_156, %dma_start3A_157, %dma_start3A_158] : memref<10000x2x128xf32, #tpu.memory_space<hbm>> -> memref<10000x2x128xf32, #tpu.memory_space<hbm>>
        tpu.enqueue_indirect_dma source(%dma_start3A_159 : memref<10000x2x128xf32, #tpu.memory_space<hbm>>) target(%arg11 : memref<32x2x128xf32, #tpu.memory_space<vmem>>) offsets(%dma_start3A_155 : memref<32xi32, #tpu.memory_space<vmem>>) semaphore(%arg17 : memref<!tpu.dma_semaphore, #tpu.memory_space<semaphore_mem>>)
        %dma_start3A_160 = arith.constant 2 : i32
        %dma_start3A_161 = arith.constant 0 : i32
        %dma_start3A_162 = tpu.memref_slice %arg8[%dma_start3A_160, %dma_start3A_161] : memref<4x32xi32, #tpu.memory_space<vmem>> -> memref<1x32xi32, #tpu.memory_space<vmem>>
        %dma_start3A_163 = tpu.memref_squeeze %dma_start3A_162 : memref<1x32xi32, #tpu.memory_space<vmem>> -> memref<32xi32, #tpu.memory_space<vmem>>
        %dma_start3A_164 = arith.constant 0 : i32
        %dma_start3A_165 = arith.constant 0 : i32
        %dma_start3A_166 = arith.constant 0 : i32
        %dma_start3A_167 = tpu.memref_slice %arg2[%dma_start3A_164, %dma_start3A_165, %dma_start3A_166] : memref<10000x2x128xf32, #tpu.memory_space<hbm>> -> memref<10000x2x128xf32, #tpu.memory_space<hbm>>
        tpu.enqueue_indirect_dma source(%dma_start3A_167 : memref<10000x2x128xf32, #tpu.memory_space<hbm>>) target(%arg12 : memref<32x2x128xf32, #tpu.memory_space<vmem>>) offsets(%dma_start3A_163 : memref<32xi32, #tpu.memory_space<vmem>>) semaphore(%arg18 : memref<!tpu.dma_semaphore, #tpu.memory_space<semaphore_mem>>)
      } else {
      }
      %mul3A_132 = arith.constant 2 : i32
      %mul3A_133 = arith.muli %mul3A_132, %while3A_116 : i32
      %add3A_134 = arith.constant 0 : i32
      %add3A_135 = arith.addi %mul3A_133, %add3A_134 : i32
      %lt3A_136 = arith.cmpi slt, %add3A_135, %select_n3A_61 : i32
      %convert_element_type3A_137 = arith.extui %lt3A_136 : i1 to i32
      %cond3A_138 = arith.constant 0 : i32
      %cond3A_139 = arith.cmpi ne, %convert_element_type3A_137, %cond3A_138 : i32
      scf.if %cond3A_139 {
        %dma_wait3A = arith.constant 0 : i32
        %dma_wait3A_148 = arith.constant 0 : i32
        %dma_wait3A_149 = tpu.memref_slice %arg7[%dma_wait3A, %dma_wait3A_148] : memref<4x32xi32, #tpu.memory_space<vmem>> -> memref<1x32xi32, #tpu.memory_space<vmem>>
        %dma_wait3A_150 = tpu.memref_squeeze %dma_wait3A_149 : memref<1x32xi32, #tpu.memory_space<vmem>> -> memref<32xi32, #tpu.memory_space<vmem>>
        %dma_wait3A_151 = arith.constant 0 : i32
        %dma_wait3A_152 = arith.constant 0 : i32
        %dma_wait3A_153 = arith.constant 0 : i32
        %dma_wait3A_154 = tpu.memref_slice %arg2[%dma_wait3A_151, %dma_wait3A_152, %dma_wait3A_153] : memref<10000x2x128xf32, #tpu.memory_space<hbm>> -> memref<10000x2x128xf32, #tpu.memory_space<hbm>>
        tpu.wait_indirect_dma semaphore(%arg15 : memref<!tpu.dma_semaphore, #tpu.memory_space<semaphore_mem>>) src(%dma_wait3A_154 : memref<10000x2x128xf32, #tpu.memory_space<hbm>>) dst(%arg9 : memref<32x2x128xf32, #tpu.memory_space<vmem>>)
        %dma_start3A = arith.constant 1 : i32
        %dma_start3A_155 = arith.constant 0 : i32
        %dma_start3A_156 = tpu.memref_slice %arg7[%dma_start3A, %dma_start3A_155] : memref<4x32xi32, #tpu.memory_space<vmem>> -> memref<1x32xi32, #tpu.memory_space<vmem>>
        %dma_start3A_157 = tpu.memref_squeeze %dma_start3A_156 : memref<1x32xi32, #tpu.memory_space<vmem>> -> memref<32xi32, #tpu.memory_space<vmem>>
        %dma_start3A_158 = arith.constant 0 : i32
        %dma_start3A_159 = arith.constant 0 : i32
        %dma_start3A_160 = arith.constant 0 : i32
        %dma_start3A_161 = tpu.memref_slice %arg14[%dma_start3A_158, %dma_start3A_159, %dma_start3A_160] : memref<5248x2x128xf32, #tpu.memory_space<vmem_shared>> -> memref<5248x2x128xf32, #tpu.memory_space<vmem_shared>>
        tpu.enqueue_indirect_dma source(%arg9 : memref<32x2x128xf32, #tpu.memory_space<vmem>>) target(%dma_start3A_161 : memref<5248x2x128xf32, #tpu.memory_space<vmem_shared>>) offsets(%dma_start3A_157 : memref<32xi32, #tpu.memory_space<vmem>>) semaphore(%arg19 : memref<!tpu.dma_semaphore, #tpu.memory_space<semaphore_mem>>) {add = true}
        %dma_wait3A_162 = arith.constant 2 : i32
        %dma_wait3A_163 = arith.constant 0 : i32
        %dma_wait3A_164 = tpu.memref_slice %arg7[%dma_wait3A_162, %dma_wait3A_163] : memref<4x32xi32, #tpu.memory_space<vmem>> -> memref<1x32xi32, #tpu.memory_space<vmem>>
        %dma_wait3A_165 = tpu.memref_squeeze %dma_wait3A_164 : memref<1x32xi32, #tpu.memory_space<vmem>> -> memref<32xi32, #tpu.memory_space<vmem>>
        %dma_wait3A_166 = arith.constant 0 : i32
        %dma_wait3A_167 = arith.constant 0 : i32
        %dma_wait3A_168 = arith.constant 0 : i32
        %dma_wait3A_169 = tpu.memref_slice %arg2[%dma_wait3A_166, %dma_wait3A_167, %dma_wait3A_168] : memref<10000x2x128xf32, #tpu.memory_space<hbm>> -> memref<10000x2x128xf32, #tpu.memory_space<hbm>>
        tpu.wait_indirect_dma semaphore(%arg16 : memref<!tpu.dma_semaphore, #tpu.memory_space<semaphore_mem>>) src(%dma_wait3A_169 : memref<10000x2x128xf32, #tpu.memory_space<hbm>>) dst(%arg10 : memref<32x2x128xf32, #tpu.memory_space<vmem>>)
        %dma_start3A_170 = arith.constant 3 : i32
        %dma_start3A_171 = arith.constant 0 : i32
        %dma_start3A_172 = tpu.memref_slice %arg7[%dma_start3A_170, %dma_start3A_171] : memref<4x32xi32, #tpu.memory_space<vmem>> -> memref<1x32xi32, #tpu.memory_space<vmem>>
        %dma_start3A_173 = tpu.memref_squeeze %dma_start3A_172 : memref<1x32xi32, #tpu.memory_space<vmem>> -> memref<32xi32, #tpu.memory_space<vmem>>
        %dma_start3A_174 = arith.constant 0 : i32
        %dma_start3A_175 = arith.constant 0 : i32
        %dma_start3A_176 = arith.constant 0 : i32
        %dma_start3A_177 = tpu.memref_slice %arg14[%dma_start3A_174, %dma_start3A_175, %dma_start3A_176] : memref<5248x2x128xf32, #tpu.memory_space<vmem_shared>> -> memref<5248x2x128xf32, #tpu.memory_space<vmem_shared>>
        tpu.enqueue_indirect_dma source(%arg10 : memref<32x2x128xf32, #tpu.memory_space<vmem>>) target(%dma_start3A_177 : memref<5248x2x128xf32, #tpu.memory_space<vmem_shared>>) offsets(%dma_start3A_173 : memref<32xi32, #tpu.memory_space<vmem>>) semaphore(%arg20 : memref<!tpu.dma_semaphore, #tpu.memory_space<semaphore_mem>>) {add = true}
      } else {
      }
      %mul3A_140 = arith.constant 2 : i32
      %mul3A_141 = arith.muli %mul3A_140, %while3A_116 : i32
      %add3A_142 = arith.constant 1 : i32
      %add3A_143 = arith.addi %mul3A_141, %add3A_142 : i32
      %lt3A_144 = arith.cmpi slt, %add3A_143, %select_n3A_61 : i32
      %convert_element_type3A_145 = arith.extui %lt3A_144 : i1 to i32
      %cond3A_146 = arith.constant 0 : i32
      %cond3A_147 = arith.cmpi ne, %convert_element_type3A_145, %cond3A_146 : i32
      scf.if %cond3A_147 {
        %dma_wait3A = arith.constant 0 : i32
        %dma_wait3A_148 = arith.constant 0 : i32
        %dma_wait3A_149 = tpu.memref_slice %arg8[%dma_wait3A, %dma_wait3A_148] : memref<4x32xi32, #tpu.memory_space<vmem>> -> memref<1x32xi32, #tpu.memory_space<vmem>>
        %dma_wait3A_150 = tpu.memref_squeeze %dma_wait3A_149 : memref<1x32xi32, #tpu.memory_space<vmem>> -> memref<32xi32, #tpu.memory_space<vmem>>
        %dma_wait3A_151 = arith.constant 0 : i32
        %dma_wait3A_152 = arith.constant 0 : i32
        %dma_wait3A_153 = arith.constant 0 : i32
        %dma_wait3A_154 = tpu.memref_slice %arg2[%dma_wait3A_151, %dma_wait3A_152, %dma_wait3A_153] : memref<10000x2x128xf32, #tpu.memory_space<hbm>> -> memref<10000x2x128xf32, #tpu.memory_space<hbm>>
        tpu.wait_indirect_dma semaphore(%arg17 : memref<!tpu.dma_semaphore, #tpu.memory_space<semaphore_mem>>) src(%dma_wait3A_154 : memref<10000x2x128xf32, #tpu.memory_space<hbm>>) dst(%arg11 : memref<32x2x128xf32, #tpu.memory_space<vmem>>)
        %dma_start3A = arith.constant 1 : i32
        %dma_start3A_155 = arith.constant 0 : i32
        %dma_start3A_156 = tpu.memref_slice %arg8[%dma_start3A, %dma_start3A_155] : memref<4x32xi32, #tpu.memory_space<vmem>> -> memref<1x32xi32, #tpu.memory_space<vmem>>
        %dma_start3A_157 = tpu.memref_squeeze %dma_start3A_156 : memref<1x32xi32, #tpu.memory_space<vmem>> -> memref<32xi32, #tpu.memory_space<vmem>>
        %dma_start3A_158 = arith.constant 0 : i32
        %dma_start3A_159 = arith.constant 0 : i32
        %dma_start3A_160 = arith.constant 0 : i32
        %dma_start3A_161 = tpu.memref_slice %arg14[%dma_start3A_158, %dma_start3A_159, %dma_start3A_160] : memref<5248x2x128xf32, #tpu.memory_space<vmem_shared>> -> memref<5248x2x128xf32, #tpu.memory_space<vmem_shared>>
        tpu.enqueue_indirect_dma source(%arg11 : memref<32x2x128xf32, #tpu.memory_space<vmem>>) target(%dma_start3A_161 : memref<5248x2x128xf32, #tpu.memory_space<vmem_shared>>) offsets(%dma_start3A_157 : memref<32xi32, #tpu.memory_space<vmem>>) semaphore(%arg21 : memref<!tpu.dma_semaphore, #tpu.memory_space<semaphore_mem>>) {add = true}
        %dma_wait3A_162 = arith.constant 2 : i32
        %dma_wait3A_163 = arith.constant 0 : i32
        %dma_wait3A_164 = tpu.memref_slice %arg8[%dma_wait3A_162, %dma_wait3A_163] : memref<4x32xi32, #tpu.memory_space<vmem>> -> memref<1x32xi32, #tpu.memory_space<vmem>>
        %dma_wait3A_165 = tpu.memref_squeeze %dma_wait3A_164 : memref<1x32xi32, #tpu.memory_space<vmem>> -> memref<32xi32, #tpu.memory_space<vmem>>
        %dma_wait3A_166 = arith.constant 0 : i32
        %dma_wait3A_167 = arith.constant 0 : i32
        %dma_wait3A_168 = arith.constant 0 : i32
        %dma_wait3A_169 = tpu.memref_slice %arg2[%dma_wait3A_166, %dma_wait3A_167, %dma_wait3A_168] : memref<10000x2x128xf32, #tpu.memory_space<hbm>> -> memref<10000x2x128xf32, #tpu.memory_space<hbm>>
        tpu.wait_indirect_dma semaphore(%arg18 : memref<!tpu.dma_semaphore, #tpu.memory_space<semaphore_mem>>) src(%dma_wait3A_169 : memref<10000x2x128xf32, #tpu.memory_space<hbm>>) dst(%arg12 : memref<32x2x128xf32, #tpu.memory_space<vmem>>)
        %dma_start3A_170 = arith.constant 3 : i32
        %dma_start3A_171 = arith.constant 0 : i32
        %dma_start3A_172 = tpu.memref_slice %arg8[%dma_start3A_170, %dma_start3A_171] : memref<4x32xi32, #tpu.memory_space<vmem>> -> memref<1x32xi32, #tpu.memory_space<vmem>>
        %dma_start3A_173 = tpu.memref_squeeze %dma_start3A_172 : memref<1x32xi32, #tpu.memory_space<vmem>> -> memref<32xi32, #tpu.memory_space<vmem>>
        %dma_start3A_174 = arith.constant 0 : i32
        %dma_start3A_175 = arith.constant 0 : i32
        %dma_start3A_176 = arith.constant 0 : i32
        %dma_start3A_177 = tpu.memref_slice %arg14[%dma_start3A_174, %dma_start3A_175, %dma_start3A_176] : memref<5248x2x128xf32, #tpu.memory_space<vmem_shared>> -> memref<5248x2x128xf32, #tpu.memory_space<vmem_shared>>
        tpu.enqueue_indirect_dma source(%arg12 : memref<32x2x128xf32, #tpu.memory_space<vmem>>) target(%dma_start3A_177 : memref<5248x2x128xf32, #tpu.memory_space<vmem_shared>>) offsets(%dma_start3A_173 : memref<32xi32, #tpu.memory_space<vmem>>) semaphore(%arg22 : memref<!tpu.dma_semaphore, #tpu.memory_space<semaphore_mem>>) {add = true}
      } else {
      }
    }
    %while3A_97 = arith.constant 1 : i32
    scf.for %while3A_116 = %while3A_95 to %while3A_91 step %while3A_97  : i32 {
      %mul3A_117 = arith.constant 2 : i32
      %mul3A_118 = arith.muli %mul3A_117, %while3A_116 : i32
      %add3A_119 = arith.constant 0 : i32
      %add3A_120 = arith.addi %mul3A_118, %add3A_119 : i32
      %lt3A = arith.cmpi slt, %add3A_120, %select_n3A_61 : i32
      %convert_element_type3A_121 = arith.extui %lt3A : i1 to i32
      %cond3A_122 = arith.constant 0 : i32
      %cond3A_123 = arith.cmpi ne, %convert_element_type3A_121, %cond3A_122 : i32
      scf.if %cond3A_123 {
        %gt3A_148 = arith.constant 1 : i32
        %gt3A_149 = arith.cmpi sgt, %add3A_120, %gt3A_148 : i32
        %convert_element_type3A_150 = arith.extui %gt3A_149 : i1 to i32
        %cond3A_151 = arith.constant 0 : i32
        %cond3A_152 = arith.cmpi ne, %convert_element_type3A_150, %cond3A_151 : i32
        scf.if %cond3A_152 {
          %dma_wait3A = arith.constant 1 : i32
          %dma_wait3A_168 = arith.constant 0 : i32
          %dma_wait3A_169 = tpu.memref_slice %arg7[%dma_wait3A, %dma_wait3A_168] : memref<4x32xi32, #tpu.memory_space<vmem>> -> memref<1x32xi32, #tpu.memory_space<vmem>>
          %dma_wait3A_170 = tpu.memref_squeeze %dma_wait3A_169 : memref<1x32xi32, #tpu.memory_space<vmem>> -> memref<32xi32, #tpu.memory_space<vmem>>
          %dma_wait3A_171 = arith.constant 0 : i32
          %dma_wait3A_172 = arith.constant 0 : i32
          %dma_wait3A_173 = arith.constant 0 : i32
          %dma_wait3A_174 = tpu.memref_slice %arg14[%dma_wait3A_171, %dma_wait3A_172, %dma_wait3A_173] : memref<5248x2x128xf32, #tpu.memory_space<vmem_shared>> -> memref<5248x2x128xf32, #tpu.memory_space<vmem_shared>>
          tpu.wait_indirect_dma semaphore(%arg19 : memref<!tpu.dma_semaphore, #tpu.memory_space<semaphore_mem>>) src(%arg9 : memref<32x2x128xf32, #tpu.memory_space<vmem>>) dst(%dma_wait3A_174 : memref<5248x2x128xf32, #tpu.memory_space<vmem_shared>>)
          %dma_wait3A_175 = arith.constant 3 : i32
          %dma_wait3A_176 = arith.constant 0 : i32
          %dma_wait3A_177 = tpu.memref_slice %arg7[%dma_wait3A_175, %dma_wait3A_176] : memref<4x32xi32, #tpu.memory_space<vmem>> -> memref<1x32xi32, #tpu.memory_space<vmem>>
          %dma_wait3A_178 = tpu.memref_squeeze %dma_wait3A_177 : memref<1x32xi32, #tpu.memory_space<vmem>> -> memref<32xi32, #tpu.memory_space<vmem>>
          %dma_wait3A_179 = arith.constant 0 : i32
          %dma_wait3A_180 = arith.constant 0 : i32
          %dma_wait3A_181 = arith.constant 0 : i32
          %dma_wait3A_182 = tpu.memref_slice %arg14[%dma_wait3A_179, %dma_wait3A_180, %dma_wait3A_181] : memref<5248x2x128xf32, #tpu.memory_space<vmem_shared>> -> memref<5248x2x128xf32, #tpu.memory_space<vmem_shared>>
          tpu.wait_indirect_dma semaphore(%arg20 : memref<!tpu.dma_semaphore, #tpu.memory_space<semaphore_mem>>) src(%arg10 : memref<32x2x128xf32, #tpu.memory_space<vmem>>) dst(%dma_wait3A_182 : memref<5248x2x128xf32, #tpu.memory_space<vmem_shared>>)
        } else {
        }
        "tpu.region"() ({
          %run_scoped3A = tpu.sem_alloc : memref<!tpu.dma_semaphore, #tpu.memory_space<semaphore_mem>>
          %dma_start3A_168 = arith.constant 0 : i32
          %dma_start3A_169 = arith.constant 0 : i32
          %dma_start3A_170 = arith.constant 0 : i32
          %dma_start3A_171 = tpu.memref_slice %arg3[%arg0, %add3A_49, %dma_start3A_168, %dma_start3A_169, %dma_start3A_170] : memref<2x32x160x4x32xi32, #tpu.memory_space<hbm>> -> memref<1x1x160x4x32xi32, #tpu.memory_space<hbm>>
          %dma_start3A_172 = tpu.memref_squeeze %dma_start3A_171 : memref<1x1x160x4x32xi32, #tpu.memory_space<hbm>> -> memref<160x4x32xi32, #tpu.memory_space<hbm>>
          %dma_start3A_173 = arith.constant 0 : i32
          %dma_start3A_174 = arith.constant 0 : i32
          %dma_start3A_175 = tpu.memref_slice %dma_start3A_172[%add3A_120, %dma_start3A_173, %dma_start3A_174] : memref<160x4x32xi32, #tpu.memory_space<hbm>> -> memref<1x4x32xi32, #tpu.memory_space<hbm>>
          %dma_start3A_176 = tpu.memref_squeeze %dma_start3A_175 : memref<1x4x32xi32, #tpu.memory_space<hbm>> -> memref<4x32xi32, #tpu.memory_space<hbm>>
          %dma_start3A_177 = arith.constant 0 : i32
          %dma_start3A_178 = arith.constant 0 : i32
          %dma_start3A_179 = arith.constant 0 : i32
          %dma_start3A_180 = tpu.memref_slice %arg3[%arg0, %add3A_49, %dma_start3A_177, %dma_start3A_178, %dma_start3A_179] : memref<2x32x160x4x32xi32, #tpu.memory_space<hbm>> -> memref<1x1x160x4x32xi32, #tpu.memory_space<hbm>>
          %dma_start3A_181 = tpu.memref_squeeze %dma_start3A_180 : memref<1x1x160x4x32xi32, #tpu.memory_space<hbm>> -> memref<160x4x32xi32, #tpu.memory_space<hbm>>
          %dma_start3A_182 = arith.constant 0 : i32
          %dma_start3A_183 = arith.constant 0 : i32
          %dma_start3A_184 = tpu.memref_slice %dma_start3A_181[%add3A_120, %dma_start3A_182, %dma_start3A_183] : memref<160x4x32xi32, #tpu.memory_space<hbm>> -> memref<1x4x32xi32, #tpu.memory_space<hbm>>
          %dma_start3A_185 = tpu.memref_squeeze %dma_start3A_184 : memref<1x4x32xi32, #tpu.memory_space<hbm>> -> memref<4x32xi32, #tpu.memory_space<hbm>>
          tpu.enqueue_dma source(%dma_start3A_185 : memref<4x32xi32, #tpu.memory_space<hbm>>) target(%arg7 : memref<4x32xi32, #tpu.memory_space<vmem>>) target_semaphore(%run_scoped3A : memref<!tpu.dma_semaphore, #tpu.memory_space<semaphore_mem>>)
          %dma_wait3A = arith.constant 0 : i32
          %dma_wait3A_186 = arith.constant 0 : i32
          %dma_wait3A_187 = arith.constant 0 : i32
          %dma_wait3A_188 = tpu.memref_slice %arg3[%arg0, %add3A_49, %dma_wait3A, %dma_wait3A_186, %dma_wait3A_187] : memref<2x32x160x4x32xi32, #tpu.memory_space<hbm>> -> memref<1x1x160x4x32xi32, #tpu.memory_space<hbm>>
          %dma_wait3A_189 = tpu.memref_squeeze %dma_wait3A_188 : memref<1x1x160x4x32xi32, #tpu.memory_space<hbm>> -> memref<160x4x32xi32, #tpu.memory_space<hbm>>
          %dma_wait3A_190 = arith.constant 0 : i32
          %dma_wait3A_191 = arith.constant 0 : i32
          %dma_wait3A_192 = tpu.memref_slice %dma_wait3A_189[%add3A_120, %dma_wait3A_190, %dma_wait3A_191] : memref<160x4x32xi32, #tpu.memory_space<hbm>> -> memref<1x4x32xi32, #tpu.memory_space<hbm>>
          %dma_wait3A_193 = tpu.memref_squeeze %dma_wait3A_192 : memref<1x4x32xi32, #tpu.memory_space<hbm>> -> memref<4x32xi32, #tpu.memory_space<hbm>>
          %dma_wait3A_194 = arith.constant 0 : i32
          %dma_wait3A_195 = arith.constant 0 : i32
          %dma_wait3A_196 = arith.constant 0 : i32
          %dma_wait3A_197 = tpu.memref_slice %arg3[%arg0, %add3A_49, %dma_wait3A_194, %dma_wait3A_195, %dma_wait3A_196] : memref<2x32x160x4x32xi32, #tpu.memory_space<hbm>> -> memref<1x1x160x4x32xi32, #tpu.memory_space<hbm>>
          %dma_wait3A_198 = tpu.memref_squeeze %dma_wait3A_197 : memref<1x1x160x4x32xi32, #tpu.memory_space<hbm>> -> memref<160x4x32xi32, #tpu.memory_space<hbm>>
          %dma_wait3A_199 = arith.constant 0 : i32
          %dma_wait3A_200 = arith.constant 0 : i32
          %dma_wait3A_201 = tpu.memref_slice %dma_wait3A_198[%add3A_120, %dma_wait3A_199, %dma_wait3A_200] : memref<160x4x32xi32, #tpu.memory_space<hbm>> -> memref<1x4x32xi32, #tpu.memory_space<hbm>>
          %dma_wait3A_202 = tpu.memref_squeeze %dma_wait3A_201 : memref<1x4x32xi32, #tpu.memory_space<hbm>> -> memref<4x32xi32, #tpu.memory_space<hbm>>
          tpu.wait_dma2 semaphore(%run_scoped3A : memref<!tpu.dma_semaphore, #tpu.memory_space<semaphore_mem>>) src(%dma_wait3A_202 : memref<4x32xi32, #tpu.memory_space<hbm>>) dst(%arg7 : memref<4x32xi32, #tpu.memory_space<vmem>>)
          tpu.yield
        }) : () -> ()
        %dma_start3A = arith.constant 0 : i32
        %dma_start3A_153 = arith.constant 0 : i32
        %dma_start3A_154 = tpu.memref_slice %arg7[%dma_start3A, %dma_start3A_153] : memref<4x32xi32, #tpu.memory_space<vmem>> -> memref<1x32xi32, #tpu.memory_space<vmem>>
        %dma_start3A_155 = tpu.memref_squeeze %dma_start3A_154 : memref<1x32xi32, #tpu.memory_space<vmem>> -> memref<32xi32, #tpu.memory_space<vmem>>
        %dma_start3A_156 = arith.constant 0 : i32
        %dma_start3A_157 = arith.constant 0 : i32
        %dma_start3A_158 = arith.constant 0 : i32
        %dma_start3A_159 = tpu.memref_slice %arg2[%dma_start3A_156, %dma_start3A_157, %dma_start3A_158] : memref<10000x2x128xf32, #tpu.memory_space<hbm>> -> memref<10000x2x128xf32, #tpu.memory_space<hbm>>
        tpu.enqueue_indirect_dma source(%dma_start3A_159 : memref<10000x2x128xf32, #tpu.memory_space<hbm>>) target(%arg9 : memref<32x2x128xf32, #tpu.memory_space<vmem>>) offsets(%dma_start3A_155 : memref<32xi32, #tpu.memory_space<vmem>>) semaphore(%arg15 : memref<!tpu.dma_semaphore, #tpu.memory_space<semaphore_mem>>)
        %dma_start3A_160 = arith.constant 2 : i32
        %dma_start3A_161 = arith.constant 0 : i32
        %dma_start3A_162 = tpu.memref_slice %arg7[%dma_start3A_160, %dma_start3A_161] : memref<4x32xi32, #tpu.memory_space<vmem>> -> memref<1x32xi32, #tpu.memory_space<vmem>>
        %dma_start3A_163 = tpu.memref_squeeze %dma_start3A_162 : memref<1x32xi32, #tpu.memory_space<vmem>> -> memref<32xi32, #tpu.memory_space<vmem>>
        %dma_start3A_164 = arith.constant 0 : i32
        %dma_start3A_165 = arith.constant 0 : i32
        %dma_start3A_166 = arith.constant 0 : i32
        %dma_start3A_167 = tpu.memref_slice %arg2[%dma_start3A_164, %dma_start3A_165, %dma_start3A_166] : memref<10000x2x128xf32, #tpu.memory_space<hbm>> -> memref<10000x2x128xf32, #tpu.memory_space<hbm>>
        tpu.enqueue_indirect_dma source(%dma_start3A_167 : memref<10000x2x128xf32, #tpu.memory_space<hbm>>) target(%arg10 : memref<32x2x128xf32, #tpu.memory_space<vmem>>) offsets(%dma_start3A_163 : memref<32xi32, #tpu.memory_space<vmem>>) semaphore(%arg16 : memref<!tpu.dma_semaphore, #tpu.memory_space<semaphore_mem>>)
      } else {
      }
      %mul3A_124 = arith.constant 2 : i32
      %mul3A_125 = arith.muli %mul3A_124, %while3A_116 : i32
      %add3A_126 = arith.constant 1 : i32
      %add3A_127 = arith.addi %mul3A_125, %add3A_126 : i32
      %lt3A_128 = arith.cmpi slt, %add3A_127, %select_n3A_61 : i32
      %convert_element_type3A_129 = arith.extui %lt3A_128 : i1 to i32
      %cond3A_130 = arith.constant 0 : i32
      %cond3A_131 = arith.cmpi ne, %convert_element_type3A_129, %cond3A_130 : i32
      scf.if %cond3A_131 {
        %gt3A_148 = arith.constant 1 : i32
        %gt3A_149 = arith.cmpi sgt, %add3A_127, %gt3A_148 : i32
        %convert_element_type3A_150 = arith.extui %gt3A_149 : i1 to i32
        %cond3A_151 = arith.constant 0 : i32
        %cond3A_152 = arith.cmpi ne, %convert_element_type3A_150, %cond3A_151 : i32
        scf.if %cond3A_152 {
          %dma_wait3A = arith.constant 1 : i32
          %dma_wait3A_168 = arith.constant 0 : i32
          %dma_wait3A_169 = tpu.memref_slice %arg8[%dma_wait3A, %dma_wait3A_168] : memref<4x32xi32, #tpu.memory_space<vmem>> -> memref<1x32xi32, #tpu.memory_space<vmem>>
          %dma_wait3A_170 = tpu.memref_squeeze %dma_wait3A_169 : memref<1x32xi32, #tpu.memory_space<vmem>> -> memref<32xi32, #tpu.memory_space<vmem>>
          %dma_wait3A_171 = arith.constant 0 : i32
          %dma_wait3A_172 = arith.constant 0 : i32
          %dma_wait3A_173 = arith.constant 0 : i32
          %dma_wait3A_174 = tpu.memref_slice %arg14[%dma_wait3A_171, %dma_wait3A_172, %dma_wait3A_173] : memref<5248x2x128xf32, #tpu.memory_space<vmem_shared>> -> memref<5248x2x128xf32, #tpu.memory_space<vmem_shared>>
          tpu.wait_indirect_dma semaphore(%arg21 : memref<!tpu.dma_semaphore, #tpu.memory_space<semaphore_mem>>) src(%arg11 : memref<32x2x128xf32, #tpu.memory_space<vmem>>) dst(%dma_wait3A_174 : memref<5248x2x128xf32, #tpu.memory_space<vmem_shared>>)
          %dma_wait3A_175 = arith.constant 3 : i32
          %dma_wait3A_176 = arith.constant 0 : i32
          %dma_wait3A_177 = tpu.memref_slice %arg8[%dma_wait3A_175, %dma_wait3A_176] : memref<4x32xi32, #tpu.memory_space<vmem>> -> memref<1x32xi32, #tpu.memory_space<vmem>>
          %dma_wait3A_178 = tpu.memref_squeeze %dma_wait3A_177 : memref<1x32xi32, #tpu.memory_space<vmem>> -> memref<32xi32, #tpu.memory_space<vmem>>
          %dma_wait3A_179 = arith.constant 0 : i32
          %dma_wait3A_180 = arith.constant 0 : i32
          %dma_wait3A_181 = arith.constant 0 : i32
          %dma_wait3A_182 = tpu.memref_slice %arg14[%dma_wait3A_179, %dma_wait3A_180, %dma_wait3A_181] : memref<5248x2x128xf32, #tpu.memory_space<vmem_shared>> -> memref<5248x2x128xf32, #tpu.memory_space<vmem_shared>>
          tpu.wait_indirect_dma semaphore(%arg22 : memref<!tpu.dma_semaphore, #tpu.memory_space<semaphore_mem>>) src(%arg12 : memref<32x2x128xf32, #tpu.memory_space<vmem>>) dst(%dma_wait3A_182 : memref<5248x2x128xf32, #tpu.memory_space<vmem_shared>>)
        } else {
        }
        "tpu.region"() ({
          %run_scoped3A = tpu.sem_alloc : memref<!tpu.dma_semaphore, #tpu.memory_space<semaphore_mem>>
          %dma_start3A_168 = arith.constant 0 : i32
          %dma_start3A_169 = arith.constant 0 : i32
          %dma_start3A_170 = arith.constant 0 : i32
          %dma_start3A_171 = tpu.memref_slice %arg3[%arg0, %add3A_49, %dma_start3A_168, %dma_start3A_169, %dma_start3A_170] : memref<2x32x160x4x32xi32, #tpu.memory_space<hbm>> -> memref<1x1x160x4x32xi32, #tpu.memory_space<hbm>>
          %dma_start3A_172 = tpu.memref_squeeze %dma_start3A_171 : memref<1x1x160x4x32xi32, #tpu.memory_space<hbm>> -> memref<160x4x32xi32, #tpu.memory_space<hbm>>
          %dma_start3A_173 = arith.constant 0 : i32
          %dma_start3A_174 = arith.constant 0 : i32
          %dma_start3A_175 = tpu.memref_slice %dma_start3A_172[%add3A_127, %dma_start3A_173, %dma_start3A_174] : memref<160x4x32xi32, #tpu.memory_space<hbm>> -> memref<1x4x32xi32, #tpu.memory_space<hbm>>
          %dma_start3A_176 = tpu.memref_squeeze %dma_start3A_175 : memref<1x4x32xi32, #tpu.memory_space<hbm>> -> memref<4x32xi32, #tpu.memory_space<hbm>>
          %dma_start3A_177 = arith.constant 0 : i32
          %dma_start3A_178 = arith.constant 0 : i32
          %dma_start3A_179 = arith.constant 0 : i32
          %dma_start3A_180 = tpu.memref_slice %arg3[%arg0, %add3A_49, %dma_start3A_177, %dma_start3A_178, %dma_start3A_179] : memref<2x32x160x4x32xi32, #tpu.memory_space<hbm>> -> memref<1x1x160x4x32xi32, #tpu.memory_space<hbm>>
          %dma_start3A_181 = tpu.memref_squeeze %dma_start3A_180 : memref<1x1x160x4x32xi32, #tpu.memory_space<hbm>> -> memref<160x4x32xi32, #tpu.memory_space<hbm>>
          %dma_start3A_182 = arith.constant 0 : i32
          %dma_start3A_183 = arith.constant 0 : i32
          %dma_start3A_184 = tpu.memref_slice %dma_start3A_181[%add3A_127, %dma_start3A_182, %dma_start3A_183] : memref<160x4x32xi32, #tpu.memory_space<hbm>> -> memref<1x4x32xi32, #tpu.memory_space<hbm>>
          %dma_start3A_185 = tpu.memref_squeeze %dma_start3A_184 : memref<1x4x32xi32, #tpu.memory_space<hbm>> -> memref<4x32xi32, #tpu.memory_space<hbm>>
          tpu.enqueue_dma source(%dma_start3A_185 : memref<4x32xi32, #tpu.memory_space<hbm>>) target(%arg8 : memref<4x32xi32, #tpu.memory_space<vmem>>) target_semaphore(%run_scoped3A : memref<!tpu.dma_semaphore, #tpu.memory_space<semaphore_mem>>)
          %dma_wait3A = arith.constant 0 : i32
          %dma_wait3A_186 = arith.constant 0 : i32
          %dma_wait3A_187 = arith.constant 0 : i32
          %dma_wait3A_188 = tpu.memref_slice %arg3[%arg0, %add3A_49, %dma_wait3A, %dma_wait3A_186, %dma_wait3A_187] : memref<2x32x160x4x32xi32, #tpu.memory_space<hbm>> -> memref<1x1x160x4x32xi32, #tpu.memory_space<hbm>>
          %dma_wait3A_189 = tpu.memref_squeeze %dma_wait3A_188 : memref<1x1x160x4x32xi32, #tpu.memory_space<hbm>> -> memref<160x4x32xi32, #tpu.memory_space<hbm>>
          %dma_wait3A_190 = arith.constant 0 : i32
          %dma_wait3A_191 = arith.constant 0 : i32
          %dma_wait3A_192 = tpu.memref_slice %dma_wait3A_189[%add3A_127, %dma_wait3A_190, %dma_wait3A_191] : memref<160x4x32xi32, #tpu.memory_space<hbm>> -> memref<1x4x32xi32, #tpu.memory_space<hbm>>
          %dma_wait3A_193 = tpu.memref_squeeze %dma_wait3A_192 : memref<1x4x32xi32, #tpu.memory_space<hbm>> -> memref<4x32xi32, #tpu.memory_space<hbm>>
          %dma_wait3A_194 = arith.constant 0 : i32
          %dma_wait3A_195 = arith.constant 0 : i32
          %dma_wait3A_196 = arith.constant 0 : i32
          %dma_wait3A_197 = tpu.memref_slice %arg3[%arg0, %add3A_49, %dma_wait3A_194, %dma_wait3A_195, %dma_wait3A_196] : memref<2x32x160x4x32xi32, #tpu.memory_space<hbm>> -> memref<1x1x160x4x32xi32, #tpu.memory_space<hbm>>
          %dma_wait3A_198 = tpu.memref_squeeze %dma_wait3A_197 : memref<1x1x160x4x32xi32, #tpu.memory_space<hbm>> -> memref<160x4x32xi32, #tpu.memory_space<hbm>>
          %dma_wait3A_199 = arith.constant 0 : i32
          %dma_wait3A_200 = arith.constant 0 : i32
          %dma_wait3A_201 = tpu.memref_slice %dma_wait3A_198[%add3A_127, %dma_wait3A_199, %dma_wait3A_200] : memref<160x4x32xi32, #tpu.memory_space<hbm>> -> memref<1x4x32xi32, #tpu.memory_space<hbm>>
          %dma_wait3A_202 = tpu.memref_squeeze %dma_wait3A_201 : memref<1x4x32xi32, #tpu.memory_space<hbm>> -> memref<4x32xi32, #tpu.memory_space<hbm>>
          tpu.wait_dma2 semaphore(%run_scoped3A : memref<!tpu.dma_semaphore, #tpu.memory_space<semaphore_mem>>) src(%dma_wait3A_202 : memref<4x32xi32, #tpu.memory_space<hbm>>) dst(%arg8 : memref<4x32xi32, #tpu.memory_space<vmem>>)
          tpu.yield
        }) : () -> ()
        %dma_start3A = arith.constant 0 : i32
        %dma_start3A_153 = arith.constant 0 : i32
        %dma_start3A_154 = tpu.memref_slice %arg8[%dma_start3A, %dma_start3A_153] : memref<4x32xi32, #tpu.memory_space<vmem>> -> memref<1x32xi32, #tpu.memory_space<vmem>>
        %dma_start3A_155 = tpu.memref_squeeze %dma_start3A_154 : memref<1x32xi32, #tpu.memory_space<vmem>> -> memref<32xi32, #tpu.memory_space<vmem>>
        %dma_start3A_156 = arith.constant 0 : i32
        %dma_start3A_157 = arith.constant 0 : i32
        %dma_start3A_158 = arith.constant 0 : i32
        %dma_start3A_159 = tpu.memref_slice %arg2[%dma_start3A_156, %dma_start3A_157, %dma_start3A_158] : memref<10000x2x128xf32, #tpu.memory_space<hbm>> -> memref<10000x2x128xf32, #tpu.memory_space<hbm>>
        tpu.enqueue_indirect_dma source(%dma_start3A_159 : memref<10000x2x128xf32, #tpu.memory_space<hbm>>) target(%arg11 : memref<32x2x128xf32, #tpu.memory_space<vmem>>) offsets(%dma_start3A_155 : memref<32xi32, #tpu.memory_space<vmem>>) semaphore(%arg17 : memref<!tpu.dma_semaphore, #tpu.memory_space<semaphore_mem>>)
        %dma_start3A_160 = arith.constant 2 : i32
        %dma_start3A_161 = arith.constant 0 : i32
        %dma_start3A_162 = tpu.memref_slice %arg8[%dma_start3A_160, %dma_start3A_161] : memref<4x32xi32, #tpu.memory_space<vmem>> -> memref<1x32xi32, #tpu.memory_space<vmem>>
        %dma_start3A_163 = tpu.memref_squeeze %dma_start3A_162 : memref<1x32xi32, #tpu.memory_space<vmem>> -> memref<32xi32, #tpu.memory_space<vmem>>
        %dma_start3A_164 = arith.constant 0 : i32
        %dma_start3A_165 = arith.constant 0 : i32
        %dma_start3A_166 = arith.constant 0 : i32
        %dma_start3A_167 = tpu.memref_slice %arg2[%dma_start3A_164, %dma_start3A_165, %dma_start3A_166] : memref<10000x2x128xf32, #tpu.memory_space<hbm>> -> memref<10000x2x128xf32, #tpu.memory_space<hbm>>
        tpu.enqueue_indirect_dma source(%dma_start3A_167 : memref<10000x2x128xf32, #tpu.memory_space<hbm>>) target(%arg12 : memref<32x2x128xf32, #tpu.memory_space<vmem>>) offsets(%dma_start3A_163 : memref<32xi32, #tpu.memory_space<vmem>>) semaphore(%arg18 : memref<!tpu.dma_semaphore, #tpu.memory_space<semaphore_mem>>)
      } else {
      }
      %mul3A_132 = arith.constant 2 : i32
      %mul3A_133 = arith.muli %mul3A_132, %while3A_116 : i32
      %add3A_134 = arith.constant 0 : i32
      %add3A_135 = arith.addi %mul3A_133, %add3A_134 : i32
      %lt3A_136 = arith.cmpi slt, %add3A_135, %select_n3A_61 : i32
      %convert_element_type3A_137 = arith.extui %lt3A_136 : i1 to i32
      %cond3A_138 = arith.constant 0 : i32
      %cond3A_139 = arith.cmpi ne, %convert_element_type3A_137, %cond3A_138 : i32
      scf.if %cond3A_139 {
        %dma_wait3A = arith.constant 0 : i32
        %dma_wait3A_148 = arith.constant 0 : i32
        %dma_wait3A_149 = tpu.memref_slice %arg7[%dma_wait3A, %dma_wait3A_148] : memref<4x32xi32, #tpu.memory_space<vmem>> -> memref<1x32xi32, #tpu.memory_space<vmem>>
        %dma_wait3A_150 = tpu.memref_squeeze %dma_wait3A_149 : memref<1x32xi32, #tpu.memory_space<vmem>> -> memref<32xi32, #tpu.memory_space<vmem>>
        %dma_wait3A_151 = arith.constant 0 : i32
        %dma_wait3A_152 = arith.constant 0 : i32
        %dma_wait3A_153 = arith.constant 0 : i32
        %dma_wait3A_154 = tpu.memref_slice %arg2[%dma_wait3A_151, %dma_wait3A_152, %dma_wait3A_153] : memref<10000x2x128xf32, #tpu.memory_space<hbm>> -> memref<10000x2x128xf32, #tpu.memory_space<hbm>>
        tpu.wait_indirect_dma semaphore(%arg15 : memref<!tpu.dma_semaphore, #tpu.memory_space<semaphore_mem>>) src(%dma_wait3A_154 : memref<10000x2x128xf32, #tpu.memory_space<hbm>>) dst(%arg9 : memref<32x2x128xf32, #tpu.memory_space<vmem>>)
        %dma_start3A = arith.constant 1 : i32
        %dma_start3A_155 = arith.constant 0 : i32
        %dma_start3A_156 = tpu.memref_slice %arg7[%dma_start3A, %dma_start3A_155] : memref<4x32xi32, #tpu.memory_space<vmem>> -> memref<1x32xi32, #tpu.memory_space<vmem>>
        %dma_start3A_157 = tpu.memref_squeeze %dma_start3A_156 : memref<1x32xi32, #tpu.memory_space<vmem>> -> memref<32xi32, #tpu.memory_space<vmem>>
        %dma_start3A_158 = arith.constant 0 : i32
        %dma_start3A_159 = arith.constant 0 : i32
        %dma_start3A_160 = arith.constant 0 : i32
        %dma_start3A_161 = tpu.memref_slice %arg14[%dma_start3A_158, %dma_start3A_159, %dma_start3A_160] : memref<5248x2x128xf32, #tpu.memory_space<vmem_shared>> -> memref<5248x2x128xf32, #tpu.memory_space<vmem_shared>>
        tpu.enqueue_indirect_dma source(%arg9 : memref<32x2x128xf32, #tpu.memory_space<vmem>>) target(%dma_start3A_161 : memref<5248x2x128xf32, #tpu.memory_space<vmem_shared>>) offsets(%dma_start3A_157 : memref<32xi32, #tpu.memory_space<vmem>>) semaphore(%arg19 : memref<!tpu.dma_semaphore, #tpu.memory_space<semaphore_mem>>) {add = true}
        %dma_wait3A_162 = arith.constant 2 : i32
        %dma_wait3A_163 = arith.constant 0 : i32
        %dma_wait3A_164 = tpu.memref_slice %arg7[%dma_wait3A_162, %dma_wait3A_163] : memref<4x32xi32, #tpu.memory_space<vmem>> -> memref<1x32xi32, #tpu.memory_space<vmem>>
        %dma_wait3A_165 = tpu.memref_squeeze %dma_wait3A_164 : memref<1x32xi32, #tpu.memory_space<vmem>> -> memref<32xi32, #tpu.memory_space<vmem>>
        %dma_wait3A_166 = arith.constant 0 : i32
        %dma_wait3A_167 = arith.constant 0 : i32
        %dma_wait3A_168 = arith.constant 0 : i32
        %dma_wait3A_169 = tpu.memref_slice %arg2[%dma_wait3A_166, %dma_wait3A_167, %dma_wait3A_168] : memref<10000x2x128xf32, #tpu.memory_space<hbm>> -> memref<10000x2x128xf32, #tpu.memory_space<hbm>>
        tpu.wait_indirect_dma semaphore(%arg16 : memref<!tpu.dma_semaphore, #tpu.memory_space<semaphore_mem>>) src(%dma_wait3A_169 : memref<10000x2x128xf32, #tpu.memory_space<hbm>>) dst(%arg10 : memref<32x2x128xf32, #tpu.memory_space<vmem>>)
        %dma_start3A_170 = arith.constant 3 : i32
        %dma_start3A_171 = arith.constant 0 : i32
        %dma_start3A_172 = tpu.memref_slice %arg7[%dma_start3A_170, %dma_start3A_171] : memref<4x32xi32, #tpu.memory_space<vmem>> -> memref<1x32xi32, #tpu.memory_space<vmem>>
        %dma_start3A_173 = tpu.memref_squeeze %dma_start3A_172 : memref<1x32xi32, #tpu.memory_space<vmem>> -> memref<32xi32, #tpu.memory_space<vmem>>
        %dma_start3A_174 = arith.constant 0 : i32
        %dma_start3A_175 = arith.constant 0 : i32
        %dma_start3A_176 = arith.constant 0 : i32
        %dma_start3A_177 = tpu.memref_slice %arg14[%dma_start3A_174, %dma_start3A_175, %dma_start3A_176] : memref<5248x2x128xf32, #tpu.memory_space<vmem_shared>> -> memref<5248x2x128xf32, #tpu.memory_space<vmem_shared>>
        tpu.enqueue_indirect_dma source(%arg10 : memref<32x2x128xf32, #tpu.memory_space<vmem>>) target(%dma_start3A_177 : memref<5248x2x128xf32, #tpu.memory_space<vmem_shared>>) offsets(%dma_start3A_173 : memref<32xi32, #tpu.memory_space<vmem>>) semaphore(%arg20 : memref<!tpu.dma_semaphore, #tpu.memory_space<semaphore_mem>>) {add = true}
      } else {
      }
      %mul3A_140 = arith.constant 2 : i32
      %mul3A_141 = arith.muli %mul3A_140, %while3A_116 : i32
      %add3A_142 = arith.constant 1 : i32
      %add3A_143 = arith.addi %mul3A_141, %add3A_142 : i32
      %lt3A_144 = arith.cmpi slt, %add3A_143, %select_n3A_61 : i32
      %convert_element_type3A_145 = arith.extui %lt3A_144 : i1 to i32
      %cond3A_146 = arith.constant 0 : i32
      %cond3A_147 = arith.cmpi ne, %convert_element_type3A_145, %cond3A_146 : i32
      scf.if %cond3A_147 {
        %dma_wait3A = arith.constant 0 : i32
        %dma_wait3A_148 = arith.constant 0 : i32
        %dma_wait3A_149 = tpu.memref_slice %arg8[%dma_wait3A, %dma_wait3A_148] : memref<4x32xi32, #tpu.memory_space<vmem>> -> memref<1x32xi32, #tpu.memory_space<vmem>>
        %dma_wait3A_150 = tpu.memref_squeeze %dma_wait3A_149 : memref<1x32xi32, #tpu.memory_space<vmem>> -> memref<32xi32, #tpu.memory_space<vmem>>
        %dma_wait3A_151 = arith.constant 0 : i32
        %dma_wait3A_152 = arith.constant 0 : i32
        %dma_wait3A_153 = arith.constant 0 : i32
        %dma_wait3A_154 = tpu.memref_slice %arg2[%dma_wait3A_151, %dma_wait3A_152, %dma_wait3A_153] : memref<10000x2x128xf32, #tpu.memory_space<hbm>> -> memref<10000x2x128xf32, #tpu.memory_space<hbm>>
        tpu.wait_indirect_dma semaphore(%arg17 : memref<!tpu.dma_semaphore, #tpu.memory_space<semaphore_mem>>) src(%dma_wait3A_154 : memref<10000x2x128xf32, #tpu.memory_space<hbm>>) dst(%arg11 : memref<32x2x128xf32, #tpu.memory_space<vmem>>)
        %dma_start3A = arith.constant 1 : i32
        %dma_start3A_155 = arith.constant 0 : i32
        %dma_start3A_156 = tpu.memref_slice %arg8[%dma_start3A, %dma_start3A_155] : memref<4x32xi32, #tpu.memory_space<vmem>> -> memref<1x32xi32, #tpu.memory_space<vmem>>
        %dma_start3A_157 = tpu.memref_squeeze %dma_start3A_156 : memref<1x32xi32, #tpu.memory_space<vmem>> -> memref<32xi32, #tpu.memory_space<vmem>>
        %dma_start3A_158 = arith.constant 0 : i32
        %dma_start3A_159 = arith.constant 0 : i32
        %dma_start3A_160 = arith.constant 0 : i32
        %dma_start3A_161 = tpu.memref_slice %arg14[%dma_start3A_158, %dma_start3A_159, %dma_start3A_160] : memref<5248x2x128xf32, #tpu.memory_space<vmem_shared>> -> memref<5248x2x128xf32, #tpu.memory_space<vmem_shared>>
        tpu.enqueue_indirect_dma source(%arg11 : memref<32x2x128xf32, #tpu.memory_space<vmem>>) target(%dma_start3A_161 : memref<5248x2x128xf32, #tpu.memory_space<vmem_shared>>) offsets(%dma_start3A_157 : memref<32xi32, #tpu.memory_space<vmem>>) semaphore(%arg21 : memref<!tpu.dma_semaphore, #tpu.memory_space<semaphore_mem>>) {add = true}
        %dma_wait3A_162 = arith.constant 2 : i32
        %dma_wait3A_163 = arith.constant 0 : i32
        %dma_wait3A_164 = tpu.memref_slice %arg8[%dma_wait3A_162, %dma_wait3A_163] : memref<4x32xi32, #tpu.memory_space<vmem>> -> memref<1x32xi32, #tpu.memory_space<vmem>>
        %dma_wait3A_165 = tpu.memref_squeeze %dma_wait3A_164 : memref<1x32xi32, #tpu.memory_space<vmem>> -> memref<32xi32, #tpu.memory_space<vmem>>
        %dma_wait3A_166 = arith.constant 0 : i32
        %dma_wait3A_167 = arith.constant 0 : i32
        %dma_wait3A_168 = arith.constant 0 : i32
        %dma_wait3A_169 = tpu.memref_slice %arg2[%dma_wait3A_166, %dma_wait3A_167, %dma_wait3A_168] : memref<10000x2x128xf32, #tpu.memory_space<hbm>> -> memref<10000x2x128xf32, #tpu.memory_space<hbm>>
        tpu.wait_indirect_dma semaphore(%arg18 : memref<!tpu.dma_semaphore, #tpu.memory_space<semaphore_mem>>) src(%dma_wait3A_169 : memref<10000x2x128xf32, #tpu.memory_space<hbm>>) dst(%arg12 : memref<32x2x128xf32, #tpu.memory_space<vmem>>)
        %dma_start3A_170 = arith.constant 3 : i32
        %dma_start3A_171 = arith.constant 0 : i32
        %dma_start3A_172 = tpu.memref_slice %arg8[%dma_start3A_170, %dma_start3A_171] : memref<4x32xi32, #tpu.memory_space<vmem>> -> memref<1x32xi32, #tpu.memory_space<vmem>>
        %dma_start3A_173 = tpu.memref_squeeze %dma_start3A_172 : memref<1x32xi32, #tpu.memory_space<vmem>> -> memref<32xi32, #tpu.memory_space<vmem>>
        %dma_start3A_174 = arith.constant 0 : i32
        %dma_start3A_175 = arith.constant 0 : i32
        %dma_start3A_176 = arith.constant 0 : i32
        %dma_start3A_177 = tpu.memref_slice %arg14[%dma_start3A_174, %dma_start3A_175, %dma_start3A_176] : memref<5248x2x128xf32, #tpu.memory_space<vmem_shared>> -> memref<5248x2x128xf32, #tpu.memory_space<vmem_shared>>
        tpu.enqueue_indirect_dma source(%arg12 : memref<32x2x128xf32, #tpu.memory_space<vmem>>) target(%dma_start3A_177 : memref<5248x2x128xf32, #tpu.memory_space<vmem_shared>>) offsets(%dma_start3A_173 : memref<32xi32, #tpu.memory_space<vmem>>) semaphore(%arg22 : memref<!tpu.dma_semaphore, #tpu.memory_space<semaphore_mem>>) {add = true}
      } else {
      }
    }
    %gt3A_98 = arith.constant 0 : i32
    %gt3A_99 = arith.cmpi sgt, %select_n3A_61, %gt3A_98 : i32
    %convert_element_type3A_100 = arith.extui %gt3A_99 : i1 to i32
    %cond3A_101 = arith.constant 0 : i32
    %cond3A_102 = arith.cmpi ne, %convert_element_type3A_100, %cond3A_101 : i32
    scf.if %cond3A_102 {
      %dma_wait3A = arith.constant 1 : i32
      %dma_wait3A_116 = arith.constant 0 : i32
      %dma_wait3A_117 = tpu.memref_slice %arg7[%dma_wait3A, %dma_wait3A_116] : memref<4x32xi32, #tpu.memory_space<vmem>> -> memref<1x32xi32, #tpu.memory_space<vmem>>
      %dma_wait3A_118 = tpu.memref_squeeze %dma_wait3A_117 : memref<1x32xi32, #tpu.memory_space<vmem>> -> memref<32xi32, #tpu.memory_space<vmem>>
      %dma_wait3A_119 = arith.constant 0 : i32
      %dma_wait3A_120 = arith.constant 0 : i32
      %dma_wait3A_121 = arith.constant 0 : i32
      %dma_wait3A_122 = tpu.memref_slice %arg14[%dma_wait3A_119, %dma_wait3A_120, %dma_wait3A_121] : memref<5248x2x128xf32, #tpu.memory_space<vmem_shared>> -> memref<5248x2x128xf32, #tpu.memory_space<vmem_shared>>
      tpu.wait_indirect_dma semaphore(%arg19 : memref<!tpu.dma_semaphore, #tpu.memory_space<semaphore_mem>>) src(%arg9 : memref<32x2x128xf32, #tpu.memory_space<vmem>>) dst(%dma_wait3A_122 : memref<5248x2x128xf32, #tpu.memory_space<vmem_shared>>)
      %dma_wait3A_123 = arith.constant 3 : i32
      %dma_wait3A_124 = arith.constant 0 : i32
      %dma_wait3A_125 = tpu.memref_slice %arg7[%dma_wait3A_123, %dma_wait3A_124] : memref<4x32xi32, #tpu.memory_space<vmem>> -> memref<1x32xi32, #tpu.memory_space<vmem>>
      %dma_wait3A_126 = tpu.memref_squeeze %dma_wait3A_125 : memref<1x32xi32, #tpu.memory_space<vmem>> -> memref<32xi32, #tpu.memory_space<vmem>>
      %dma_wait3A_127 = arith.constant 0 : i32
      %dma_wait3A_128 = arith.constant 0 : i32
      %dma_wait3A_129 = arith.constant 0 : i32
      %dma_wait3A_130 = tpu.memref_slice %arg14[%dma_wait3A_127, %dma_wait3A_128, %dma_wait3A_129] : memref<5248x2x128xf32, #tpu.memory_space<vmem_shared>> -> memref<5248x2x128xf32, #tpu.memory_space<vmem_shared>>
      tpu.wait_indirect_dma semaphore(%arg20 : memref<!tpu.dma_semaphore, #tpu.memory_space<semaphore_mem>>) src(%arg10 : memref<32x2x128xf32, #tpu.memory_space<vmem>>) dst(%dma_wait3A_130 : memref<5248x2x128xf32, #tpu.memory_space<vmem_shared>>)
    } else {
    }
    %gt3A_103 = arith.constant 1 : i32
    %gt3A_104 = arith.cmpi sgt, %select_n3A_61, %gt3A_103 : i32
    %convert_element_type3A_105 = arith.extui %gt3A_104 : i1 to i32
    %cond3A_106 = arith.constant 0 : i32
    %cond3A_107 = arith.cmpi ne, %convert_element_type3A_105, %cond3A_106 : i32
    scf.if %cond3A_107 {
      %dma_wait3A = arith.constant 1 : i32
      %dma_wait3A_116 = arith.constant 0 : i32
      %dma_wait3A_117 = tpu.memref_slice %arg8[%dma_wait3A, %dma_wait3A_116] : memref<4x32xi32, #tpu.memory_space<vmem>> -> memref<1x32xi32, #tpu.memory_space<vmem>>
      %dma_wait3A_118 = tpu.memref_squeeze %dma_wait3A_117 : memref<1x32xi32, #tpu.memory_space<vmem>> -> memref<32xi32, #tpu.memory_space<vmem>>
      %dma_wait3A_119 = arith.constant 0 : i32
      %dma_wait3A_120 = arith.constant 0 : i32
      %dma_wait3A_121 = arith.constant 0 : i32
      %dma_wait3A_122 = tpu.memref_slice %arg14[%dma_wait3A_119, %dma_wait3A_120, %dma_wait3A_121] : memref<5248x2x128xf32, #tpu.memory_space<vmem_shared>> -> memref<5248x2x128xf32, #tpu.memory_space<vmem_shared>>
      tpu.wait_indirect_dma semaphore(%arg21 : memref<!tpu.dma_semaphore, #tpu.memory_space<semaphore_mem>>) src(%arg11 : memref<32x2x128xf32, #tpu.memory_space<vmem>>) dst(%dma_wait3A_122 : memref<5248x2x128xf32, #tpu.memory_space<vmem_shared>>)
      %dma_wait3A_123 = arith.constant 3 : i32
      %dma_wait3A_124 = arith.constant 0 : i32
      %dma_wait3A_125 = tpu.memref_slice %arg8[%dma_wait3A_123, %dma_wait3A_124] : memref<4x32xi32, #tpu.memory_space<vmem>> -> memref<1x32xi32, #tpu.memory_space<vmem>>
      %dma_wait3A_126 = tpu.memref_squeeze %dma_wait3A_125 : memref<1x32xi32, #tpu.memory_space<vmem>> -> memref<32xi32, #tpu.memory_space<vmem>>
      %dma_wait3A_127 = arith.constant 0 : i32
      %dma_wait3A_128 = arith.constant 0 : i32
      %dma_wait3A_129 = arith.constant 0 : i32
      %dma_wait3A_130 = tpu.memref_slice %arg14[%dma_wait3A_127, %dma_wait3A_128, %dma_wait3A_129] : memref<5248x2x128xf32, #tpu.memory_space<vmem_shared>> -> memref<5248x2x128xf32, #tpu.memory_space<vmem_shared>>
      tpu.wait_indirect_dma semaphore(%arg22 : memref<!tpu.dma_semaphore, #tpu.memory_space<semaphore_mem>>) src(%arg12 : memref<32x2x128xf32, #tpu.memory_space<vmem>>) dst(%dma_wait3A_130 : memref<5248x2x128xf32, #tpu.memory_space<vmem_shared>>)
    } else {
    }
    %barrier3A_108 = arith.constant 0 : index
    tpu.barrier barrier_id(%barrier3A_108)
    %mul3A_109 = arith.constant 328 : i32
    %mul3A_110 = arith.muli %arg1, %mul3A_109 : i32
    %mul3A_111 = arith.constant 5248 : i32
    %mul3A_112 = arith.muli %arg0, %mul3A_111 : i32
    %mul3A_113 = arith.constant 328 : i32
    %mul3A_114 = arith.muli %arg1, %mul3A_113 : i32
    %add3A_115 = arith.addi %mul3A_112, %mul3A_114 : i32
    "tpu.region"() ({
      %run_scoped3A = tpu.sem_alloc : memref<!tpu.dma_semaphore, #tpu.memory_space<semaphore_mem>>
      %dma_start3A = arith.constant 0 : i32
      %dma_start3A_116 = arith.constant 0 : i32
      %dma_start3A_117 = tpu.memref_slice %arg6[%add3A_115, %dma_start3A, %dma_start3A_116] : memref<10496x2x128xf32, #tpu.memory_space<hbm>> -> memref<328x2x128xf32, #tpu.memory_space<hbm>>
      %dma_start3A_118 = arith.constant 0 : i32
      %dma_start3A_119 = arith.constant 0 : i32
      %dma_start3A_120 = tpu.memref_slice %arg14[%mul3A_110, %dma_start3A_118, %dma_start3A_119] : memref<5248x2x128xf32, #tpu.memory_space<vmem_shared>> -> memref<328x2x128xf32, #tpu.memory_space<vmem_shared>>
      tpu.enqueue_dma source(%dma_start3A_120 : memref<328x2x128xf32, #tpu.memory_space<vmem_shared>>) target(%dma_start3A_117 : memref<328x2x128xf32, #tpu.memory_space<hbm>>) target_semaphore(%run_scoped3A : memref<!tpu.dma_semaphore, #tpu.memory_space<semaphore_mem>>)
      %dma_wait3A = arith.constant 0 : i32
      %dma_wait3A_121 = arith.constant 0 : i32
      %dma_wait3A_122 = tpu.memref_slice %arg6[%add3A_115, %dma_wait3A, %dma_wait3A_121] : memref<10496x2x128xf32, #tpu.memory_space<hbm>> -> memref<328x2x128xf32, #tpu.memory_space<hbm>>
      %dma_wait3A_123 = arith.constant 0 : i32
      %dma_wait3A_124 = arith.constant 0 : i32
      %dma_wait3A_125 = tpu.memref_slice %arg14[%mul3A_110, %dma_wait3A_123, %dma_wait3A_124] : memref<5248x2x128xf32, #tpu.memory_space<vmem_shared>> -> memref<328x2x128xf32, #tpu.memory_space<vmem_shared>>
      tpu.wait_dma2 semaphore(%run_scoped3A : memref<!tpu.dma_semaphore, #tpu.memory_space<semaphore_mem>>) src(%dma_wait3A_125 : memref<328x2x128xf32, #tpu.memory_space<vmem_shared>>) dst(%dma_wait3A_122 : memref<328x2x128xf32, #tpu.memory_space<hbm>>)
      tpu.yield
    }) : () -> ()
    return
  }
}

module attributes {stable_mosaic.version = 14 : i64} {
  func.func @_embed_body(%arg0: i32, %arg1: memref<1000x128xf32, #tpu.memory_space<vmem>>, %arg2: memref<128x256xf32, #tpu.memory_space<vmem>>, %arg3: memref<1x256xf32, #tpu.memory_space<vmem>>, %arg4: memref<1000x256xf32, #tpu.memory_space<vmem>>) attributes {dimension_semantics = [#tpu.dimension_semantics<arbitrary>], iteration_bounds = array<i64: 10>, scalar_prefetch = 0 : i64, scratch_operands = 0 : i64, tpu.core_type = #tpu.core_type<tc>, window_params = [{transform_indices = @transform_0, window_bounds = array<i64: 1000, 128>}, {pipeline_mode = #tpu.pipeline_mode<synchronous>, transform_indices = @transform_1, window_bounds = array<i64: 128, 256>}, {pipeline_mode = #tpu.pipeline_mode<synchronous>, transform_indices = @transform_2, window_bounds = array<i64: 1, 256>}, {transform_indices = @transform_3, window_bounds = array<i64: 1000, 256>}]} {
    %get3A = arith.constant 0 : index
    %get3A_0 = arith.constant 0 : index
    %get3A_1 = vector.load %arg1[%get3A, %get3A_0] : memref<1000x128xf32, #tpu.memory_space<vmem>>, vector<1000x128xf32>
    %get3A_2 = arith.constant 0 : index
    %get3A_3 = arith.constant 0 : index
    %get3A_4 = vector.load %arg2[%get3A_2, %get3A_3] : memref<128x256xf32, #tpu.memory_space<vmem>>, vector<128x256xf32>
    %dot_general3A = arith.constant dense<0.000000e+00> : vector<1000x256xf32>
    %dot_general3A_5 = tpu.matmul %get3A_1, %get3A_4, %dot_general3A {dimension_numbers = #tpu.dot_dimension_numbers<[1], [0], [0], [1], [0, 0, 1, 1], [], []>, transpose_lhs_hint = false} : vector<1000x128xf32>, vector<128x256xf32>, vector<1000x256xf32> -> vector<1000x256xf32>
    %get3A_6 = arith.constant 0 : index
    %get3A_7 = arith.constant 0 : index
    %get3A_8 = vector.load %arg3[%get3A_6, %get3A_7] : memref<1x256xf32, #tpu.memory_space<vmem>>, vector<1x256xf32>
    %add3A = vector.broadcast %get3A_8 : vector<1x256xf32> to vector<1000x256xf32>
    %add3A_9 = arith.addf %dot_general3A_5, %add3A : vector<1000x256xf32>
    %gt3A = arith.constant 0.000000e+00 : f32
    %gt3A_10 = vector.broadcast %gt3A : f32 to vector<1000x256xf32>
    %gt3A_11 = arith.cmpf ogt, %add3A_9, %gt3A_10 : vector<1000x256xf32>
    %mul3A = arith.constant 0.00999999977 : f32
    %mul3A_12 = vector.broadcast %mul3A : f32 to vector<1000x256xf32>
    %mul3A_13 = arith.mulf %mul3A_12, %add3A_9 : vector<1000x256xf32>
    %select_n3A = arith.select %gt3A_11, %add3A_9, %mul3A_13 : vector<1000x256xi1>, vector<1000x256xf32>
    %swap3A = arith.constant 0 : index
    %swap3A_14 = arith.constant 0 : index
    %swap3A_15 = vector.load %arg4[%swap3A, %swap3A_14] : memref<1000x256xf32, #tpu.memory_space<vmem>>, vector<1000x256xf32>
    tpu.vector_store %arg4[%swap3A, %swap3A_14], %select_n3A {strides = array<i32>} : memref<1000x256xf32, #tpu.memory_space<vmem>>, vector<1000x256xf32>,
    return
  }
  func.func @transform_0(%arg0: i32) -> (i32, i32) {
    %c0_i32 = arith.constant 0 : i32
    %c0_i32_0 = arith.constant 0 : i32
    return %arg0, %c0_i32 : i32, i32
  }
  func.func @transform_1(%arg0: i32) -> (i32, i32) {
    %c0_i32 = arith.constant 0 : i32
    %c0_i32_0 = arith.constant 0 : i32
    %c0_i32_1 = arith.constant 0 : i32
    return %c0_i32, %c0_i32_0 : i32, i32
  }
  func.func @transform_2(%arg0: i32) -> (i32, i32) {
    %c0_i32 = arith.constant 0 : i32
    %c0_i32_0 = arith.constant 0 : i32
    %c0_i32_1 = arith.constant 0 : i32
    return %c0_i32, %c0_i32_0 : i32, i32
  }
  func.func @transform_3(%arg0: i32) -> (i32, i32) {
    %c0_i32 = arith.constant 0 : i32
    %c0_i32_0 = arith.constant 0 : i32
    return %arg0, %c0_i32 : i32, i32
  }
}

module attributes {stable_mosaic.version = 14 : i64} {
  func.func @_convlin_body(%arg0: i32, %arg1: memref<1000x256xf32, #tpu.memory_space<vmem>>, %arg2: memref<1000x256xf32, #tpu.memory_space<vmem>>, %arg3: memref<256x256xf32, #tpu.memory_space<vmem>>, %arg4: memref<256x256xf32, #tpu.memory_space<vmem>>, %arg5: memref<1x256xf32, #tpu.memory_space<vmem>>, %arg6: memref<1000x256xf32, #tpu.memory_space<vmem>>, %arg7: memref<1x256xf32, #tpu.memory_space<vmem>>, %arg8: memref<1x256xf32, #tpu.memory_space<vmem>>, %arg9: memref<1x256xf32, #tpu.memory_space<vmem>>, %arg10: memref<1x256xf32, #tpu.memory_space<vmem>>) attributes {dimension_semantics = [#tpu.dimension_semantics<arbitrary>], iteration_bounds = array<i64: 10>, scalar_prefetch = 0 : i64, scratch_operands = 2 : i64, tpu.core_type = #tpu.core_type<tc>, window_params = [{transform_indices = @transform_0, window_bounds = array<i64: 1000, 256>}, {transform_indices = @transform_1, window_bounds = array<i64: 1000, 256>}, {pipeline_mode = #tpu.pipeline_mode<synchronous>, transform_indices = @transform_2, window_bounds = array<i64: 256, 256>}, {pipeline_mode = #tpu.pipeline_mode<synchronous>, transform_indices = @transform_3, window_bounds = array<i64: 256, 256>}, {pipeline_mode = #tpu.pipeline_mode<synchronous>, transform_indices = @transform_4, window_bounds = array<i64: 1, 256>}, {transform_indices = @transform_5, window_bounds = array<i64: 1000, 256>}, {pipeline_mode = #tpu.pipeline_mode<synchronous>, transform_indices = @transform_6, window_bounds = array<i64: 1, 256>}, {pipeline_mode = #tpu.pipeline_mode<synchronous>, transform_indices = @transform_7, window_bounds = array<i64: 1, 256>}]} {
    %get3A = arith.constant 0 : index
    %get3A_0 = arith.constant 0 : index
    %get3A_1 = vector.load %arg1[%get3A, %get3A_0] : memref<1000x256xf32, #tpu.memory_space<vmem>>, vector<1000x256xf32>
    %get3A_2 = arith.constant 0 : index
    %get3A_3 = arith.constant 0 : index
    %get3A_4 = vector.load %arg3[%get3A_2, %get3A_3] : memref<256x256xf32, #tpu.memory_space<vmem>>, vector<256x256xf32>
    %dot_general3A = arith.constant dense<0.000000e+00> : vector<1000x256xf32>
    %dot_general3A_5 = tpu.matmul %get3A_1, %get3A_4, %dot_general3A {dimension_numbers = #tpu.dot_dimension_numbers<[1], [0], [0], [1], [0, 0, 1, 1], [], []>, transpose_lhs_hint = false} : vector<1000x256xf32>, vector<256x256xf32>, vector<1000x256xf32> -> vector<1000x256xf32>
    %get3A_6 = arith.constant 0 : index
    %get3A_7 = arith.constant 0 : index
    %get3A_8 = vector.load %arg2[%get3A_6, %get3A_7] : memref<1000x256xf32, #tpu.memory_space<vmem>>, vector<1000x256xf32>
    %get3A_9 = arith.constant 0 : index
    %get3A_10 = arith.constant 0 : index
    %get3A_11 = vector.load %arg4[%get3A_9, %get3A_10] : memref<256x256xf32, #tpu.memory_space<vmem>>, vector<256x256xf32>
    %dot_general3A_12 = arith.constant dense<0.000000e+00> : vector<1000x256xf32>
    %dot_general3A_13 = tpu.matmul %get3A_8, %get3A_11, %dot_general3A_12 {dimension_numbers = #tpu.dot_dimension_numbers<[1], [0], [0], [1], [0, 0, 1, 1], [], []>, transpose_lhs_hint = false} : vector<1000x256xf32>, vector<256x256xf32>, vector<1000x256xf32> -> vector<1000x256xf32>
    %add3A = arith.addf %dot_general3A_5, %dot_general3A_13 : vector<1000x256xf32>
    %get3A_14 = arith.constant 0 : index
    %get3A_15 = arith.constant 0 : index
    %get3A_16 = vector.load %arg5[%get3A_14, %get3A_15] : memref<1x256xf32, #tpu.memory_space<vmem>>, vector<1x256xf32>
    %add3A_17 = vector.broadcast %get3A_16 : vector<1x256xf32> to vector<1000x256xf32>
    %add3A_18 = arith.addf %add3A, %add3A_17 : vector<1000x256xf32>
    %swap3A = arith.constant 0 : index
    %swap3A_19 = arith.constant 0 : index
    %swap3A_20 = vector.load %arg6[%swap3A, %swap3A_19] : memref<1000x256xf32, #tpu.memory_space<vmem>>, vector<1000x256xf32>
    tpu.vector_store %arg6[%swap3A, %swap3A_19], %add3A_18 {strides = array<i32>} : memref<1000x256xf32, #tpu.memory_space<vmem>>, vector<1000x256xf32>,
    %eq3A = arith.constant 0 : i32
    %eq3A_21 = arith.cmpi eq, %arg0, %eq3A : i32
    %convert_element_type3A = arith.extui %eq3A_21 : i1 to i32
    %cond3A = arith.constant 0 : i32
    %cond3A_22 = arith.cmpi ne, %convert_element_type3A, %cond3A : i32
    scf.if %cond3A_22 {
      %broadcast_in_dim3A_46 = arith.constant 0.000000e+00 : f32
      %broadcast_in_dim3A_47 = vector.broadcast %broadcast_in_dim3A_46 : f32 to vector<1x256xf32>
      %swap3A_48 = arith.constant 0 : index
      %swap3A_49 = arith.constant 0 : index
      %swap3A_50 = vector.load %arg9[%swap3A_48, %swap3A_49] : memref<1x256xf32, #tpu.memory_space<vmem>>, vector<1x256xf32>
      tpu.vector_store %arg9[%swap3A_48, %swap3A_49], %broadcast_in_dim3A_47 {strides = array<i32>} : memref<1x256xf32, #tpu.memory_space<vmem>>, vector<1x256xf32>,
      %broadcast_in_dim3A_51 = arith.constant 0.000000e+00 : f32
      %broadcast_in_dim3A_52 = vector.broadcast %broadcast_in_dim3A_51 : f32 to vector<1x256xf32>
      %swap3A_53 = arith.constant 0 : index
      %swap3A_54 = arith.constant 0 : index
      %swap3A_55 = vector.load %arg10[%swap3A_53, %swap3A_54] : memref<1x256xf32, #tpu.memory_space<vmem>>, vector<1x256xf32>
      tpu.vector_store %arg10[%swap3A_53, %swap3A_54], %broadcast_in_dim3A_52 {strides = array<i32>} : memref<1x256xf32, #tpu.memory_space<vmem>>, vector<1x256xf32>,
    } else {
    }
    %get3A_23 = arith.constant 0 : index
    %get3A_24 = arith.constant 0 : index
    %get3A_25 = vector.load %arg9[%get3A_23, %get3A_24] : memref<1x256xf32, #tpu.memory_space<vmem>>, vector<1x256xf32>
    %reduce_sum3A = arith.constant dense<0.000000e+00> : vector<256xf32>
    %reduce_sum3A_26 = vector.multi_reduction <add>, %add3A_18, %reduce_sum3A [0] : vector<1000x256xf32> to vector<256xf32>
    %broadcast_in_dim3A = vector.shape_cast %reduce_sum3A_26 : vector<256xf32> to vector<1x256xf32>
    %add3A_27 = arith.addf %get3A_25, %broadcast_in_dim3A : vector<1x256xf32>
    %swap3A_28 = arith.constant 0 : index
    %swap3A_29 = arith.constant 0 : index
    %swap3A_30 = vector.load %arg9[%swap3A_28, %swap3A_29] : memref<1x256xf32, #tpu.memory_space<vmem>>, vector<1x256xf32>
    tpu.vector_store %arg9[%swap3A_28, %swap3A_29], %add3A_27 {strides = array<i32>} : memref<1x256xf32, #tpu.memory_space<vmem>>, vector<1x256xf32>,
    %get3A_31 = arith.constant 0 : index
    %get3A_32 = arith.constant 0 : index
    %get3A_33 = vector.load %arg10[%get3A_31, %get3A_32] : memref<1x256xf32, #tpu.memory_space<vmem>>, vector<1x256xf32>
    %mul3A = arith.mulf %add3A_18, %add3A_18 : vector<1000x256xf32>
    %reduce_sum3A_34 = arith.constant dense<0.000000e+00> : vector<256xf32>
    %reduce_sum3A_35 = vector.multi_reduction <add>, %mul3A, %reduce_sum3A_34 [0] : vector<1000x256xf32> to vector<256xf32>
    %broadcast_in_dim3A_36 = vector.shape_cast %reduce_sum3A_35 : vector<256xf32> to vector<1x256xf32>
    %add3A_37 = arith.addf %get3A_33, %broadcast_in_dim3A_36 : vector<1x256xf32>
    %swap3A_38 = arith.constant 0 : index
    %swap3A_39 = arith.constant 0 : index
    %swap3A_40 = vector.load %arg10[%swap3A_38, %swap3A_39] : memref<1x256xf32, #tpu.memory_space<vmem>>, vector<1x256xf32>
    tpu.vector_store %arg10[%swap3A_38, %swap3A_39], %add3A_37 {strides = array<i32>} : memref<1x256xf32, #tpu.memory_space<vmem>>, vector<1x256xf32>,
    %eq3A_41 = arith.constant 9 : i32
    %eq3A_42 = arith.cmpi eq, %arg0, %eq3A_41 : i32
    %convert_element_type3A_43 = arith.extui %eq3A_42 : i1 to i32
    %cond3A_44 = arith.constant 0 : i32
    %cond3A_45 = arith.cmpi ne, %convert_element_type3A_43, %cond3A_44 : i32
    scf.if %cond3A_45 {
      %get3A_46 = arith.constant 0 : index
      %get3A_47 = arith.constant 0 : index
      %get3A_48 = vector.load %arg9[%get3A_46, %get3A_47] : memref<1x256xf32, #tpu.memory_space<vmem>>, vector<1x256xf32>
      %swap3A_49 = arith.constant 0 : index
      %swap3A_50 = arith.constant 0 : index
      %swap3A_51 = vector.load %arg7[%swap3A_49, %swap3A_50] : memref<1x256xf32, #tpu.memory_space<vmem>>, vector<1x256xf32>
      tpu.vector_store %arg7[%swap3A_49, %swap3A_50], %get3A_48 {strides = array<i32>} : memref<1x256xf32, #tpu.memory_space<vmem>>, vector<1x256xf32>,
      %get3A_52 = arith.constant 0 : index
      %get3A_53 = arith.constant 0 : index
      %get3A_54 = vector.load %arg10[%get3A_52, %get3A_53] : memref<1x256xf32, #tpu.memory_space<vmem>>, vector<1x256xf32>
      %swap3A_55 = arith.constant 0 : index
      %swap3A_56 = arith.constant 0 : index
      %swap3A_57 = vector.load %arg8[%swap3A_55, %swap3A_56] : memref<1x256xf32, #tpu.memory_space<vmem>>, vector<1x256xf32>
      tpu.vector_store %arg8[%swap3A_55, %swap3A_56], %get3A_54 {strides = array<i32>} : memref<1x256xf32, #tpu.memory_space<vmem>>, vector<1x256xf32>,
    } else {
    }
    return
  }
  func.func @transform_0(%arg0: i32) -> (i32, i32) {
    %c0_i32 = arith.constant 0 : i32
    %c0_i32_0 = arith.constant 0 : i32
    return %arg0, %c0_i32 : i32, i32
  }
  func.func @transform_1(%arg0: i32) -> (i32, i32) {
    %c0_i32 = arith.constant 0 : i32
    %c0_i32_0 = arith.constant 0 : i32
    return %arg0, %c0_i32 : i32, i32
  }
  func.func @transform_2(%arg0: i32) -> (i32, i32) {
    %c0_i32 = arith.constant 0 : i32
    %c0_i32_0 = arith.constant 0 : i32
    %c0_i32_1 = arith.constant 0 : i32
    return %c0_i32, %c0_i32_0 : i32, i32
  }
  func.func @transform_3(%arg0: i32) -> (i32, i32) {
    %c0_i32 = arith.constant 0 : i32
    %c0_i32_0 = arith.constant 0 : i32
    %c0_i32_1 = arith.constant 0 : i32
    return %c0_i32, %c0_i32_0 : i32, i32
  }
  func.func @transform_4(%arg0: i32) -> (i32, i32) {
    %c0_i32 = arith.constant 0 : i32
    %c0_i32_0 = arith.constant 0 : i32
    %c0_i32_1 = arith.constant 0 : i32
    return %c0_i32, %c0_i32_0 : i32, i32
  }
  func.func @transform_5(%arg0: i32) -> (i32, i32) {
    %c0_i32 = arith.constant 0 : i32
    %c0_i32_0 = arith.constant 0 : i32
    return %arg0, %c0_i32 : i32, i32
  }
  func.func @transform_6(%arg0: i32) -> (i32, i32) {
    %c0_i32 = arith.constant 0 : i32
    %c0_i32_0 = arith.constant 0 : i32
    %c0_i32_1 = arith.constant 0 : i32
    return %c0_i32, %c0_i32_0 : i32, i32
  }
  func.func @transform_7(%arg0: i32) -> (i32, i32) {
    %c0_i32 = arith.constant 0 : i32
    %c0_i32_0 = arith.constant 0 : i32
    %c0_i32_1 = arith.constant 0 : i32
    return %c0_i32, %c0_i32_0 : i32, i32
  }
}

module attributes {stable_mosaic.version = 14 : i64} {
  func.func @_bnapply_body(%arg0: i32, %arg1: memref<1000x256xf32, #tpu.memory_space<vmem>>, %arg2: memref<1x256xf32, #tpu.memory_space<vmem>>, %arg3: memref<1x256xf32, #tpu.memory_space<vmem>>, %arg4: memref<1x256xf32, #tpu.memory_space<vmem>>, %arg5: memref<1x256xf32, #tpu.memory_space<vmem>>, %arg6: memref<1000x256xf32, #tpu.memory_space<vmem>>, %arg7: memref<1000x256xf32, #tpu.memory_space<vmem>>) attributes {dimension_semantics = [#tpu.dimension_semantics<arbitrary>], iteration_bounds = array<i64: 10>, scalar_prefetch = 0 : i64, scratch_operands = 0 : i64, tpu.core_type = #tpu.core_type<tc>, window_params = [{transform_indices = @transform_0, window_bounds = array<i64: 1000, 256>}, {pipeline_mode = #tpu.pipeline_mode<synchronous>, transform_indices = @transform_1, window_bounds = array<i64: 1, 256>}, {pipeline_mode = #tpu.pipeline_mode<synchronous>, transform_indices = @transform_2, window_bounds = array<i64: 1, 256>}, {pipeline_mode = #tpu.pipeline_mode<synchronous>, transform_indices = @transform_3, window_bounds = array<i64: 1, 256>}, {pipeline_mode = #tpu.pipeline_mode<synchronous>, transform_indices = @transform_4, window_bounds = array<i64: 1, 256>}, {transform_indices = @transform_5, window_bounds = array<i64: 1000, 256>}, {transform_indices = @transform_6, window_bounds = array<i64: 1000, 256>}]} {
    %get3A = arith.constant 0 : index
    %get3A_0 = arith.constant 0 : index
    %get3A_1 = vector.load %arg2[%get3A, %get3A_0] : memref<1x256xf32, #tpu.memory_space<vmem>>, vector<1x256xf32>
    %mul3A = arith.constant 9.99999974E-5 : f32
    %mul3A_2 = vector.broadcast %mul3A : f32 to vector<1x256xf32>
    %mul3A_3 = arith.mulf %get3A_1, %mul3A_2 : vector<1x256xf32>
    %get3A_4 = arith.constant 0 : index
    %get3A_5 = arith.constant 0 : index
    %get3A_6 = vector.load %arg3[%get3A_4, %get3A_5] : memref<1x256xf32, #tpu.memory_space<vmem>>, vector<1x256xf32>
    %mul3A_7 = arith.constant 9.99999974E-5 : f32
    %mul3A_8 = vector.broadcast %mul3A_7 : f32 to vector<1x256xf32>
    %mul3A_9 = arith.mulf %get3A_6, %mul3A_8 : vector<1x256xf32>
    %mul3A_10 = arith.mulf %mul3A_3, %mul3A_3 : vector<1x256xf32>
    %sub3A = arith.subf %mul3A_9, %mul3A_10 : vector<1x256xf32>
    %get3A_11 = arith.constant 0 : index
    %get3A_12 = arith.constant 0 : index
    %get3A_13 = vector.load %arg4[%get3A_11, %get3A_12] : memref<1x256xf32, #tpu.memory_space<vmem>>, vector<1x256xf32>
    %add3A = arith.constant 9.99999974E-6 : f32
    %add3A_14 = vector.broadcast %add3A : f32 to vector<1x256xf32>
    %add3A_15 = arith.addf %sub3A, %add3A_14 : vector<1x256xf32>
    %rsqrt3A = math.rsqrt %add3A_15 : vector<1x256xf32>
    %mul3A_16 = arith.mulf %get3A_13, %rsqrt3A : vector<1x256xf32>
    %get3A_17 = arith.constant 0 : index
    %get3A_18 = arith.constant 0 : index
    %get3A_19 = vector.load %arg1[%get3A_17, %get3A_18] : memref<1000x256xf32, #tpu.memory_space<vmem>>, vector<1000x256xf32>
    %sub3A_20 = vector.broadcast %mul3A_3 : vector<1x256xf32> to vector<1000x256xf32>
    %sub3A_21 = arith.subf %get3A_19, %sub3A_20 : vector<1000x256xf32>
    %mul3A_22 = vector.broadcast %mul3A_16 : vector<1x256xf32> to vector<1000x256xf32>
    %mul3A_23 = arith.mulf %sub3A_21, %mul3A_22 : vector<1000x256xf32>
    %get3A_24 = arith.constant 0 : index
    %get3A_25 = arith.constant 0 : index
    %get3A_26 = vector.load %arg5[%get3A_24, %get3A_25] : memref<1x256xf32, #tpu.memory_space<vmem>>, vector<1x256xf32>
    %add3A_27 = vector.broadcast %get3A_26 : vector<1x256xf32> to vector<1000x256xf32>
    %add3A_28 = arith.addf %mul3A_23, %add3A_27 : vector<1000x256xf32>
    %gt3A = arith.constant 0.000000e+00 : f32
    %gt3A_29 = vector.broadcast %gt3A : f32 to vector<1000x256xf32>
    %gt3A_30 = arith.cmpf ogt, %add3A_28, %gt3A_29 : vector<1000x256xf32>
    %mul3A_31 = arith.constant 0.00999999977 : f32
    %mul3A_32 = vector.broadcast %mul3A_31 : f32 to vector<1000x256xf32>
    %mul3A_33 = arith.mulf %mul3A_32, %add3A_28 : vector<1000x256xf32>
    %select_n3A = arith.select %gt3A_30, %add3A_28, %mul3A_33 : vector<1000x256xi1>, vector<1000x256xf32>
    %get3A_34 = arith.constant 0 : index
    %get3A_35 = arith.constant 0 : index
    %get3A_36 = vector.load %arg6[%get3A_34, %get3A_35] : memref<1000x256xf32, #tpu.memory_space<vmem>>, vector<1000x256xf32>
    %add3A_37 = arith.addf %select_n3A, %get3A_36 : vector<1000x256xf32>
    %swap3A = arith.constant 0 : index
    %swap3A_38 = arith.constant 0 : index
    %swap3A_39 = vector.load %arg7[%swap3A, %swap3A_38] : memref<1000x256xf32, #tpu.memory_space<vmem>>, vector<1000x256xf32>
    tpu.vector_store %arg7[%swap3A, %swap3A_38], %add3A_37 {strides = array<i32>} : memref<1000x256xf32, #tpu.memory_space<vmem>>, vector<1000x256xf32>,
    return
  }
  func.func @transform_0(%arg0: i32) -> (i32, i32) {
    %c0_i32 = arith.constant 0 : i32
    %c0_i32_0 = arith.constant 0 : i32
    return %arg0, %c0_i32 : i32, i32
  }
  func.func @transform_1(%arg0: i32) -> (i32, i32) {
    %c0_i32 = arith.constant 0 : i32
    %c0_i32_0 = arith.constant 0 : i32
    %c0_i32_1 = arith.constant 0 : i32
    return %c0_i32, %c0_i32_0 : i32, i32
  }
  func.func @transform_2(%arg0: i32) -> (i32, i32) {
    %c0_i32 = arith.constant 0 : i32
    %c0_i32_0 = arith.constant 0 : i32
    %c0_i32_1 = arith.constant 0 : i32
    return %c0_i32, %c0_i32_0 : i32, i32
  }
  func.func @transform_3(%arg0: i32) -> (i32, i32) {
    %c0_i32 = arith.constant 0 : i32
    %c0_i32_0 = arith.constant 0 : i32
    %c0_i32_1 = arith.constant 0 : i32
    return %c0_i32, %c0_i32_0 : i32, i32
  }
  func.func @transform_4(%arg0: i32) -> (i32, i32) {
    %c0_i32 = arith.constant 0 : i32
    %c0_i32_0 = arith.constant 0 : i32
    %c0_i32_1 = arith.constant 0 : i32
    return %c0_i32, %c0_i32_0 : i32, i32
  }
  func.func @transform_5(%arg0: i32) -> (i32, i32) {
    %c0_i32 = arith.constant 0 : i32
    %c0_i32_0 = arith.constant 0 : i32
    return %arg0, %c0_i32 : i32, i32
  }
  func.func @transform_6(%arg0: i32) -> (i32, i32) {
    %c0_i32 = arith.constant 0 : i32
    %c0_i32_0 = arith.constant 0 : i32
    return %arg0, %c0_i32 : i32, i32
  }
}

module attributes {stable_mosaic.version = 14 : i64} {
  func.func @_pool_body(%arg0: i32, %arg1: memref<1000x256xf32, #tpu.memory_space<vmem>>, %arg2: memref<1x1x1000xi32, #tpu.memory_space<vmem>>, %arg3: memref<256x256xf32, #tpu.memory_space<vmem>>, %arg4: memref<1x256xf32, #tpu.memory_space<vmem>>, %arg5: memref<256x128xf32, #tpu.memory_space<vmem>>, %arg6: memref<1x128xf32, #tpu.memory_space<vmem>>, %arg7: memref<128x10xf32, #tpu.memory_space<vmem>>, %arg8: memref<1x10xf32, #tpu.memory_space<vmem>>, %arg9: memref<64x10xf32, #tpu.memory_space<vmem>>, %arg10: memref<64x256xf32, #tpu.memory_space<vmem>>, %arg11: memref<64x1xf32, #tpu.memory_space<vmem>>) attributes {dimension_semantics = [#tpu.dimension_semantics<arbitrary>], iteration_bounds = array<i64: 10>, scalar_prefetch = 0 : i64, scratch_operands = 2 : i64, tpu.core_type = #tpu.core_type<tc>, window_params = [{transform_indices = @transform_0, window_bounds = array<i64: 1000, 256>}, {transform_indices = @transform_1, window_bounds = array<i64: 1, 1, 1000>}, {pipeline_mode = #tpu.pipeline_mode<synchronous>, transform_indices = @transform_2, window_bounds = array<i64: 256, 256>}, {pipeline_mode = #tpu.pipeline_mode<synchronous>, transform_indices = @transform_3, window_bounds = array<i64: 1, 256>}, {pipeline_mode = #tpu.pipeline_mode<synchronous>, transform_indices = @transform_4, window_bounds = array<i64: 256, 128>}, {pipeline_mode = #tpu.pipeline_mode<synchronous>, transform_indices = @transform_5, window_bounds = array<i64: 1, 128>}, {pipeline_mode = #tpu.pipeline_mode<synchronous>, transform_indices = @transform_6, window_bounds = array<i64: 128, 10>}, {pipeline_mode = #tpu.pipeline_mode<synchronous>, transform_indices = @transform_7, window_bounds = array<i64: 1, 10>}, {pipeline_mode = #tpu.pipeline_mode<synchronous>, transform_indices = @transform_8, window_bounds = array<i64: 64, 10>}]} {
    %eq3A = arith.constant 0 : i32
    %eq3A_0 = arith.cmpi eq, %arg0, %eq3A : i32
    %convert_element_type3A = arith.extui %eq3A_0 : i1 to i32
    %cond3A = arith.constant 0 : i32
    %cond3A_1 = arith.cmpi ne, %convert_element_type3A, %cond3A : i32
    scf.if %cond3A_1 {
      %broadcast_in_dim3A_32 = arith.constant 0.000000e+00 : f32
      %broadcast_in_dim3A_33 = vector.broadcast %broadcast_in_dim3A_32 : f32 to vector<64x256xf32>
      %swap3A_34 = arith.constant 0 : index
      %swap3A_35 = arith.constant 0 : index
      %swap3A_36 = vector.load %arg10[%swap3A_34, %swap3A_35] : memref<64x256xf32, #tpu.memory_space<vmem>>, vector<64x256xf32>
      tpu.vector_store %arg10[%swap3A_34, %swap3A_35], %broadcast_in_dim3A_33 {strides = array<i32>} : memref<64x256xf32, #tpu.memory_space<vmem>>, vector<64x256xf32>,
      %broadcast_in_dim3A_37 = arith.constant 0.000000e+00 : f32
      %broadcast_in_dim3A_38 = vector.broadcast %broadcast_in_dim3A_37 : f32 to vector<64x1xf32>
      %swap3A_39 = arith.constant 0 : index
      %swap3A_40 = arith.constant 0 : index
      %swap3A_41 = vector.load %arg11[%swap3A_39, %swap3A_40] : memref<64x1xf32, #tpu.memory_space<vmem>>, vector<64x1xf32>
      tpu.vector_store %arg11[%swap3A_39, %swap3A_40], %broadcast_in_dim3A_38 {strides = array<i32>} : memref<64x1xf32, #tpu.memory_space<vmem>>, vector<64x1xf32>,
    } else {
    }
    %get3A = arith.constant 0 : index
    %get3A_2 = arith.constant 0 : index
    %get3A_3 = arith.constant 0 : index
    %get3A_4 = vector.load %arg2[%get3A, %get3A_2, %get3A_3] : memref<1x1x1000xi32, #tpu.memory_space<vmem>>, vector<1x1x1000xi32>
    %get3A_5 = vector.shape_cast %get3A_4 : vector<1x1x1000xi32> to vector<1000xi32>
    %broadcast_in_dim3A = vector.shape_cast %get3A_5 : vector<1000xi32> to vector<1000x1xi32>
    %iota3A = tpu.iota {dimensions = array<i32: 1>} : vector<1000x64xi32>
    %eq3A_6 = vector.broadcast %broadcast_in_dim3A : vector<1000x1xi32> to vector<1000x64xi32>
    %eq3A_7 = arith.cmpi eq, %eq3A_6, %iota3A : vector<1000x64xi32>
    %convert_element_type3A_8 = arith.extui %eq3A_7 : vector<1000x64xi1> to vector<1000x64xi32>
    %convert_element_type3A_9 = arith.sitofp %convert_element_type3A_8 : vector<1000x64xi32> to vector<1000x64xf32>
    %get3A_10 = arith.constant 0 : index
    %get3A_11 = arith.constant 0 : index
    %get3A_12 = vector.load %arg10[%get3A_10, %get3A_11] : memref<64x256xf32, #tpu.memory_space<vmem>>, vector<64x256xf32>
    %get3A_13 = arith.constant 0 : index
    %get3A_14 = arith.constant 0 : index
    %get3A_15 = vector.load %arg1[%get3A_13, %get3A_14] : memref<1000x256xf32, #tpu.memory_space<vmem>>, vector<1000x256xf32>
    %dot_general3A = arith.constant dense<0.000000e+00> : vector<64x256xf32>
    %dot_general3A_16 = tpu.matmul %convert_element_type3A_9, %get3A_15, %dot_general3A {dimension_numbers = #tpu.dot_dimension_numbers<[0], [0], [1], [1], [0, 1, 1, 1], [], []>, transpose_lhs_hint = false} : vector<1000x64xf32>, vector<1000x256xf32>, vector<64x256xf32> -> vector<64x256xf32>
    %add3A = arith.addf %get3A_12, %dot_general3A_16 : vector<64x256xf32>
    %swap3A = arith.constant 0 : index
    %swap3A_17 = arith.constant 0 : index
    %swap3A_18 = vector.load %arg10[%swap3A, %swap3A_17] : memref<64x256xf32, #tpu.memory_space<vmem>>, vector<64x256xf32>
    tpu.vector_store %arg10[%swap3A, %swap3A_17], %add3A {strides = array<i32>} : memref<64x256xf32, #tpu.memory_space<vmem>>, vector<64x256xf32>,
    %get3A_19 = arith.constant 0 : index
    %get3A_20 = arith.constant 0 : index
    %get3A_21 = vector.load %arg11[%get3A_19, %get3A_20] : memref<64x1xf32, #tpu.memory_space<vmem>>, vector<64x1xf32>
    %reduce_sum3A = arith.constant dense<0.000000e+00> : vector<64xf32>
    %reduce_sum3A_22 = vector.multi_reduction <add>, %convert_element_type3A_9, %reduce_sum3A [0] : vector<1000x64xf32> to vector<64xf32>
    %reshape3A = vector.shape_cast %reduce_sum3A_22 : vector<64xf32> to vector<64x1xf32>
    %add3A_23 = arith.addf %get3A_21, %reshape3A : vector<64x1xf32>
    %swap3A_24 = arith.constant 0 : index
    %swap3A_25 = arith.constant 0 : index
    %swap3A_26 = vector.load %arg11[%swap3A_24, %swap3A_25] : memref<64x1xf32, #tpu.memory_space<vmem>>, vector<64x1xf32>
    tpu.vector_store %arg11[%swap3A_24, %swap3A_25], %add3A_23 {strides = array<i32>} : memref<64x1xf32, #tpu.memory_space<vmem>>, vector<64x1xf32>,
    %eq3A_27 = arith.constant 9 : i32
    %eq3A_28 = arith.cmpi eq, %arg0, %eq3A_27 : i32
    %convert_element_type3A_29 = arith.extui %eq3A_28 : i1 to i32
    %cond3A_30 = arith.constant 0 : i32
    %cond3A_31 = arith.cmpi ne, %convert_element_type3A_29, %cond3A_30 : i32
    scf.if %cond3A_31 {
      %get3A_32 = arith.constant 0 : index
      %get3A_33 = arith.constant 0 : index
      %get3A_34 = vector.load %arg10[%get3A_32, %get3A_33] : memref<64x256xf32, #tpu.memory_space<vmem>>, vector<64x256xf32>
      %get3A_35 = arith.constant 0 : index
      %get3A_36 = arith.constant 0 : index
      %get3A_37 = vector.load %arg11[%get3A_35, %get3A_36] : memref<64x1xf32, #tpu.memory_space<vmem>>, vector<64x1xf32>
      %max3A = arith.constant 1.000000e+00 : f32
      %max3A_38 = vector.broadcast %max3A : f32 to vector<64x1xf32>
      %max3A_39 = arith.maximumf %get3A_37, %max3A_38 : vector<64x1xf32>
      %div3A = vector.broadcast %max3A_39 : vector<64x1xf32> to vector<64x256xf32>
      %div3A_40 = arith.divf %get3A_34, %div3A : vector<64x256xf32>
      %get3A_41 = arith.constant 0 : index
      %get3A_42 = arith.constant 0 : index
      %get3A_43 = vector.load %arg3[%get3A_41, %get3A_42] : memref<256x256xf32, #tpu.memory_space<vmem>>, vector<256x256xf32>
      %dot_general3A_44 = arith.constant dense<0.000000e+00> : vector<64x256xf32>
      %dot_general3A_45 = tpu.matmul %div3A_40, %get3A_43, %dot_general3A_44 {dimension_numbers = #tpu.dot_dimension_numbers<[1], [0], [0], [1], [0, 0, 1, 1], [], []>, transpose_lhs_hint = false} : vector<64x256xf32>, vector<256x256xf32>, vector<64x256xf32> -> vector<64x256xf32>
      %get3A_46 = arith.constant 0 : index
      %get3A_47 = arith.constant 0 : index
      %get3A_48 = vector.load %arg4[%get3A_46, %get3A_47] : memref<1x256xf32, #tpu.memory_space<vmem>>, vector<1x256xf32>
      %add3A_49 = vector.broadcast %get3A_48 : vector<1x256xf32> to vector<64x256xf32>
      %add3A_50 = arith.addf %dot_general3A_45, %add3A_49 : vector<64x256xf32>
      %gt3A = arith.constant 0.000000e+00 : f32
      %gt3A_51 = vector.broadcast %gt3A : f32 to vector<64x256xf32>
      %gt3A_52 = arith.cmpf ogt, %add3A_50, %gt3A_51 : vector<64x256xf32>
      %mul3A = arith.constant 0.00999999977 : f32
      %mul3A_53 = vector.broadcast %mul3A : f32 to vector<64x256xf32>
      %mul3A_54 = arith.mulf %mul3A_53, %add3A_50 : vector<64x256xf32>
      %select_n3A = arith.select %gt3A_52, %add3A_50, %mul3A_54 : vector<64x256xi1>, vector<64x256xf32>
      %get3A_55 = arith.constant 0 : index
      %get3A_56 = arith.constant 0 : index
      %get3A_57 = vector.load %arg5[%get3A_55, %get3A_56] : memref<256x128xf32, #tpu.memory_space<vmem>>, vector<256x128xf32>
      %dot_general3A_58 = arith.constant dense<0.000000e+00> : vector<64x128xf32>
      %dot_general3A_59 = tpu.matmul %select_n3A, %get3A_57, %dot_general3A_58 {dimension_numbers = #tpu.dot_dimension_numbers<[1], [0], [0], [1], [0, 0, 1, 1], [], []>, transpose_lhs_hint = false} : vector<64x256xf32>, vector<256x128xf32>, vector<64x128xf32> -> vector<64x128xf32>
      %get3A_60 = arith.constant 0 : index
      %get3A_61 = arith.constant 0 : index
      %get3A_62 = vector.load %arg6[%get3A_60, %get3A_61] : memref<1x128xf32, #tpu.memory_space<vmem>>, vector<1x128xf32>
      %add3A_63 = vector.broadcast %get3A_62 : vector<1x128xf32> to vector<64x128xf32>
      %add3A_64 = arith.addf %dot_general3A_59, %add3A_63 : vector<64x128xf32>
      %gt3A_65 = arith.constant 0.000000e+00 : f32
      %gt3A_66 = vector.broadcast %gt3A_65 : f32 to vector<64x128xf32>
      %gt3A_67 = arith.cmpf ogt, %add3A_64, %gt3A_66 : vector<64x128xf32>
      %mul3A_68 = arith.constant 0.00999999977 : f32
      %mul3A_69 = vector.broadcast %mul3A_68 : f32 to vector<64x128xf32>
      %mul3A_70 = arith.mulf %mul3A_69, %add3A_64 : vector<64x128xf32>
      %select_n3A_71 = arith.select %gt3A_67, %add3A_64, %mul3A_70 : vector<64x128xi1>, vector<64x128xf32>
      %get3A_72 = arith.constant 0 : index
      %get3A_73 = arith.constant 0 : index
      %get3A_74 = vector.load %arg7[%get3A_72, %get3A_73] : memref<128x10xf32, #tpu.memory_space<vmem>>, vector<128x10xf32>
      %dot_general3A_75 = arith.constant dense<0.000000e+00> : vector<64x10xf32>
      %dot_general3A_76 = tpu.matmul %select_n3A_71, %get3A_74, %dot_general3A_75 {dimension_numbers = #tpu.dot_dimension_numbers<[1], [0], [0], [1], [0, 0, 1, 1], [], []>, transpose_lhs_hint = false} : vector<64x128xf32>, vector<128x10xf32>, vector<64x10xf32> -> vector<64x10xf32>
      %get3A_77 = arith.constant 0 : index
      %get3A_78 = arith.constant 0 : index
      %get3A_79 = vector.load %arg8[%get3A_77, %get3A_78] : memref<1x10xf32, #tpu.memory_space<vmem>>, vector<1x10xf32>
      %add3A_80 = vector.broadcast %get3A_79 : vector<1x10xf32> to vector<64x10xf32>
      %add3A_81 = arith.addf %dot_general3A_76, %add3A_80 : vector<64x10xf32>
      %swap3A_82 = arith.constant 0 : index
      %swap3A_83 = arith.constant 0 : index
      %swap3A_84 = vector.load %arg9[%swap3A_82, %swap3A_83] : memref<64x10xf32, #tpu.memory_space<vmem>>, vector<64x10xf32>
      tpu.vector_store %arg9[%swap3A_82, %swap3A_83], %add3A_81 {strides = array<i32>} : memref<64x10xf32, #tpu.memory_space<vmem>>, vector<64x10xf32>,
    } else {
    }
    return
  }
  func.func @transform_0(%arg0: i32) -> (i32, i32) {
    %c0_i32 = arith.constant 0 : i32
    %c0_i32_0 = arith.constant 0 : i32
    return %arg0, %c0_i32 : i32, i32
  }
  func.func @transform_1(%arg0: i32) -> (i32, i32, i32) {
    %c0_i32 = arith.constant 0 : i32
    %c0_i32_0 = arith.constant 0 : i32
    %c0_i32_1 = arith.constant 0 : i32
    return %arg0, %c0_i32, %c0_i32_0 : i32, i32, i32
  }
  func.func @transform_2(%arg0: i32) -> (i32, i32) {
    %c0_i32 = arith.constant 0 : i32
    %c0_i32_0 = arith.constant 0 : i32
    %c0_i32_1 = arith.constant 0 : i32
    return %c0_i32, %c0_i32_0 : i32, i32
  }
  func.func @transform_3(%arg0: i32) -> (i32, i32) {
    %c0_i32 = arith.constant 0 : i32
    %c0_i32_0 = arith.constant 0 : i32
    %c0_i32_1 = arith.constant 0 : i32
    return %c0_i32, %c0_i32_0 : i32, i32
  }
  func.func @transform_4(%arg0: i32) -> (i32, i32) {
    %c0_i32 = arith.constant 0 : i32
    %c0_i32_0 = arith.constant 0 : i32
    %c0_i32_1 = arith.constant 0 : i32
    return %c0_i32, %c0_i32_0 : i32, i32
  }
  func.func @transform_5(%arg0: i32) -> (i32, i32) {
    %c0_i32 = arith.constant 0 : i32
    %c0_i32_0 = arith.constant 0 : i32
    %c0_i32_1 = arith.constant 0 : i32
    return %c0_i32, %c0_i32_0 : i32, i32
  }
  func.func @transform_6(%arg0: i32) -> (i32, i32) {
    %c0_i32 = arith.constant 0 : i32
    %c0_i32_0 = arith.constant 0 : i32
    %c0_i32_1 = arith.constant 0 : i32
    return %c0_i32, %c0_i32_0 : i32, i32
  }
  func.func @transform_7(%arg0: i32) -> (i32, i32) {
    %c0_i32 = arith.constant 0 : i32
    %c0_i32_0 = arith.constant 0 : i32
    %c0_i32_1 = arith.constant 0 : i32
    return %c0_i32, %c0_i32_0 : i32, i32
  }
  func.func @transform_8(%arg0: i32) -> (i32, i32) {
    %c0_i32 = arith.constant 0 : i32
    %c0_i32_0 = arith.constant 0 : i32
    %c0_i32_1 = arith.constant 0 : i32
    return %c0_i32, %c0_i32_0 : i32, i32
  }
}

</mosaic_0001>

<sc_bundles>
// kernel: kernel.11.cloned.1.call-start
scs
__scs_entry_jumppad:
0x0: {  	(pc) =	sbr.rel $0x88, $3  }
0x1: {  	(tag) =	ssettag $0x0;
	lr =	simm.s32 $0x1  }
0x2: {  	[smem:$0x3F8C] =	sst lr;
	_ =	strace $0xD0000000  }
0x3: {  	_ = 	snop  }
0x4: {  	_ = 	snop  }
0x5: {  	_ = 	snop  }
0x6: {  	_ = 	snop  }
0x7: {  	_ = 	snop  }
__scs_overlays_trampoline_lowered:
0x8: {  	[smem:$0x3F9B] =	sst s0  }
0x9: {  	[smem:$0x3F9C] =	sst s1  }
0xa: {  	[smem:$0x3F9D] =	sst s2  }
0xb: {  	[smem:$0x3F9E] =	sst s3  }
0xc: {  	[smem:$0x3F9F] =	sst s4  }
0xd: {  	[smem:$0x3FA0] =	sst s5  }
0xe: {  	[smem:$0x3FA1] =	sst s6  }
0xf: {  	[smem:$0x3FA2] =	sst s7  }
0x10: {  	[smem:$0x3FA3] =	sst s8  }
0x11: {  	[smem:$0x3FA4] =	sst s9;
	s0 =	simm.s32 @!p0 $0x0  }
0x12: {  	s1 =	sld [smem:$0x3F8A];
	s0 =	simm.s32 @p0 $0x1  }
0x13: {  	[smem:$0x3FA5] =	sst s0;
	s0 =	simm.s32 @!p1 $0x0  }
0x14: {  	s2 =	sld [smem:$0x3F89];
	s0 =	simm.s32 @p1 $0x1  }
0x15: {  	[smem:$0x3FA6] =	sst s0;
	s0 =	simm.s32 @!p2 $0x0  }
0x16: {  	s3 =	sld [smem:$0x3FDB];
	s0 =	simm.s32 @p2 $0x1  }
0x17: {  	s4 =	simm.s32 $0x1BF5;
	[smem:$0x3FA8] =	sst s0  }
0x18: {  	s0 =	sld [smem:$0x3F8B];
	_ =	swait.ge [sflag:s4], $0x0  }
0x19: {  	s7 =	sld [smem:$0x3F8C]  }
0x1a: {  	s8 =	sadd.s32 $0xFFFFE003, lr  }
0x1b: {  	s9 =	sadd.s32 $0xFFFFFEF7, lr;
	s5 =	simm.s32 $0xFFFFFFFF;
	p2 =	slt.u32 s8, $0xFFFFF086  }
0x1c: {  	p1 =	slt.u32 s9, $0xF7A;
	s5 =	simm.s32 @!p2 $0x0  }
0x1d: {  	s5 =	simm.s32 @p1 $0x1;
	p0 =	seq.s32 s7, s2  }
0x1e: {  	s7 =	smul.u32 @!p0 $0xF7A, s2;
	p2 =	seq.s32 @!p0 s5, $0x0  }
0x1f: {  	s9 =	smul.u32 $0xF7A, s1;
	s8 =	simm.s32 @!p0 $0x1BF5;
	p2 =	por !p2, p0  }
0x20: {  	[sflag:s8] =	ssyncset.s32 @!p0 $0xFFFFF086;
	s6 =	sadd.s32 @!p0 s3, s7;
	s7 =	simm.s32 @!p0 $0x108  }
0x21: {  	s3 =	sadd.s32 s3, s9;
	s6 =	sadd.s32 @!p0 $0x88, s6;
	s7 =	simm.s32 @p2 $0x1082  }
0x22: {  	[simem:s7], [sflag:s8] =	dma.local @!p0 [hbm:s6], $0xF7A  }
0x23: {  	s9 =	sor.u32 $0xD0000000, s2;
	s6 =	simm.s32 $0x108;
	_ =	swait.ge @!p0 [sflag:s8], $0x0  }
0x24: {  	s3 =	sadd.s32 $0x88, s3;
	s6 =	simm.s32 @!p1 $0x1082;
	[sflag:s4] =	ssyncset.s32 $0xFFFFF086  }
0x25: {  	[simem:s6], [sflag:s4] =	dma.local [hbm:s3], $0xF7A  }
0x26: {  	[smem:$0x3F8C] =	sst s1;
	(tag) =	ssettag s2;
	_ =	strace s9  }
0x27: {  	s1 =	sld [smem:$0x3F9C]  }
0x28: {  	s2 =	sld [smem:$0x3F9D]  }
0x29: {  	s4 =	sld [smem:$0x3F9F]  }
0x2a: {  	p0 =	seq.s32 s5, $0x0;
	s5 =	sld [smem:$0x3FA0]  }
0x2b: {  	s6 =	sld [smem:$0x3FA1]  }
0x2c: {  	s7 =	sld [smem:$0x3FA2]  }
0x2d: {  	s3 =	simm.s32 $0x108;
	s8 =	sld [smem:$0x3FA3]  }
0x2e: {  	s3 =	simm.s32 @!p0 $0x1082;
	s9 =	sld [smem:$0x3FA4]  }
0x2f: {  	lr =	sadd.s32 s0, s3;
	s0 =	sld [smem:$0x3F9B]  }
0x30: {  	s3 =	sld [smem:$0x3F9E]  }
0x31: {  	[smem:$0x3FA7] =	sst s10  }
0x32: {  	s10 =	sld [smem:$0x3FA5];
	_ =	sdelay $0x3  }
0x33: {  	p0 =	seq.s32 s10, $0x1;
	s10 =	sld [smem:$0x3FA7];
	_ =	sdelay $0x3  }
0x34: {  	[smem:$0x3FA7] =	sst s10  }
0x35: {  	s10 =	sld [smem:$0x3FA6];
	_ =	sdelay $0x3  }
0x36: {  	p1 =	seq.s32 s10, $0x1;
	s10 =	sld [smem:$0x3FA7];
	_ =	sdelay $0x3  }
0x37: {  	[smem:$0x3FA7] =	sst s10  }
0x38: {  	s10 =	sld [smem:$0x3FA8]  }
0x39: {  	_ = 	snop;
	(pc) =	sbr.ind lr, $3  }
0x3a: {  	_ = 	snop  }
0x3b: {  	_ = 	snop  }
0x3c: {  	p2 =	seq.s32 s10, $0x1;
	s10 =	sld [smem:$0x3FA7]  }
0x3d: {  	_ =	shalt  }
0x3e: {  	_ =	shalt  }
0x3f: {  	_ =	shalt  }
0x40: {  	_ =	shalt  }
0x41: {  	_ =	shalt  }
0x42: {  	_ =	shalt  }
0x43: {  	_ =	shalt  }
0x44: {  	_ =	shalt  }
0x45: {  	_ =	shalt  }
0x46: {  	_ =	shalt  }
0x47: {  	_ =	shalt  }
0x48: {  	_ =	shalt  }
0x49: {  	_ =	shalt  }
0x4a: {  	_ =	shalt  }
0x4b: {  	_ =	shalt  }
0x4c: {  	_ =	shalt  }
0x4d: {  	_ =	shalt  }
0x4e: {  	_ =	shalt  }
0x4f: {  	_ =	shalt  }
0x50: {  	_ =	shalt  }
0x51: {  	_ =	shalt  }
0x52: {  	_ =	shalt  }
0x53: {  	_ =	shalt  }
0x54: {  	_ =	shalt  }
0x55: {  	_ =	shalt  }
0x56: {  	_ =	shalt  }
0x57: {  	_ =	shalt  }
0x58: {  	_ =	shalt  }
0x59: {  	_ =	shalt  }
0x5a: {  	_ =	shalt  }
0x5b: {  	_ =	shalt  }
0x5c: {  	_ =	shalt  }
0x5d: {  	_ =	shalt  }
0x5e: {  	_ =	shalt  }
0x5f: {  	_ =	shalt  }
0x60: {  	_ =	shalt  }
0x61: {  	_ =	shalt  }
0x62: {  	_ =	shalt  }
0x63: {  	_ =	shalt  }
0x64: {  	_ =	shalt  }
0x65: {  	_ =	shalt  }
0x66: {  	_ =	shalt  }
0x67: {  	_ =	shalt  }
0x68: {  	_ =	shalt  }
0x69: {  	_ =	shalt  }
0x6a: {  	_ =	shalt  }
0x6b: {  	_ =	shalt  }
0x6c: {  	_ =	shalt  }
0x6d: {  	_ =	shalt  }
0x6e: {  	_ =	shalt  }
0x6f: {  	_ =	shalt  }
0x70: {  	_ =	shalt  }
0x71: {  	_ =	shalt  }
0x72: {  	_ =	shalt  }
0x73: {  	_ =	shalt  }
0x74: {  	_ =	shalt  }
0x75: {  	_ =	shalt  }
0x76: {  	_ =	shalt  }
0x77: {  	_ =	shalt  }
0x78: {  	_ =	shalt  }
0x79: {  	_ =	shalt  }
0x7a: {  	_ =	shalt  }
0x7b: {  	_ =	shalt  }
0x7c: {  	_ =	shalt  }
0x7d: {  	_ =	shalt  }
0x7e: {  	_ =	shalt  }
0x7f: {  	_ =	shalt  }
0x80: {  	_ =	shalt  }
0x81: {  	_ =	shalt  }
0x82: {  	_ =	shalt  }
0x83: {  	_ =	shalt  }
0x84: {  	_ =	shalt  }
0x85: {  	_ =	shalt  }
0x86: {  	_ =	shalt  }
0x87: {  	_ =	shalt  }
.Lfunc_end0:
.L_simem_size_0:
called_computation_lowered:
.L_overlay_start_0:
0x88: {  	s2 =	sld [smem:$0x3FD9]  }
0x89: {  	s3 =	sld [smem:$0x3FFE];
	_ =	sdelay $0x1  }
0x8a: {  	s1 =	srdreg.scid  }
0x8b: {  	s0 =	sand.u32 $0x1, s1  }
0x8c: {  	s16 =	sshll.u32 s0, $0xA;
	s2 =	sadd.s32 s3, s2  }
0x8d: {  	s2 =	sadd.s32 s2, s16  }
0x8e: {  	[smem:$0x3FB3] =	sst s2  }
0x8f: {  	_ = 	snop  }
0x90: {  	(tm) =	ssettm $0x1  }
0x91: {  	s17 =	sld [smem:$0x3FFB];
	_ =	sdelay $0x3  }
0x92: {  	_ =	strace s17  }
0x93: {  	s2 =	sld [smem:$0x3FFC];
	_ =	sdelay $0x3  }
0x94: {  	_ =	strace s2  }
0x95: {  	s2 =	sld [smem:$0x3FFD];
	_ =	sdelay $0x3  }
0x96: {  	_ =	strace s2  }
0x97: {  	_ =	strace $0x8FFFFFFF  }
0x98: {  	s18 =	sld [smem:$0x3FDB];
	_ =	sdelay $0x1  }
0x99: {  	s19 =	simm.s32 $_scs_section_size  }
0x9a: {  	s4 =	simm.s32 $_size__tile_overlayer_lowered;
	s5 =	simm.s32 $_tile_overlayer_lowered  }
0x9b: {  	s22 =	simm.s32 $0x1BFF;
	s21 =	sshll.u32 s5, $0x1;
	s2 =	sadd.s32 s19, s18  }
0x9c: {  	s6 =	simm.s32 $0x0;
	s20 =	sshll.u32 s4, $0x1;
	s4 =	sadd.s32 s21, s2  }
0x9d: {  	[timem:s6], [sflag:s22] =	dma.local [hbm:s4], s20  }
0x9e: {  	_ =	swait.ge [sflag:s22], s20  }
0x9f: {  	s3 =	ssub.s32 $0x0, s20;
	[sflag:s22] =	ssyncset.done $0x0  }
0xa0: {  	[sflag:s22] =	ssyncadd.s32 s3;
	_ =	sdelay $0x1  }
0xa1: {  	s23 =	simm.s32 $0x1B8B  }
0xa2: {  	_ =	swait.ge [sflag:s23], $0x1  }
0xa3: {  	[sflag:s23] =	ssyncset.done $0x0  }
0xa4: {  	s25 =	simm.s32 $0x1B8E;
	s24 =	sld [smem:$0x3FFE];
	[sflag:s23] =	ssyncadd.s32 $0xFFFFFFFF  }
0xa5: {  	s26 =	simm.s32 $execute0_lowered;
	[smem:$0x3FD2] =	sst s25  }
0xa6: {  	s4 =	sshll.u32 s26, $0x1;
	_ =	strace $0x80000046;
	[dreg:$0x1] =	wrdreg $0xFFFFFFFF  }
0xa7: {  	s28 =	simm.s32 $_size_execute0_lowered;
	s2 =	sadd.s32 s2, s4;
	[dreg:$0x0] =	wrdreg $0x0  }
0xa8: {  	s4 =	sshll.u32 s28, $0x1;
	[dreg:$0x2] =	wrdreg s2  }
0xa9: {  	[dreg:$0x3] =	wrdreg s4  }
0xaa: {  	[dreg:$0x4] =	wrdreg $0xC0  }
0xab: {  	_ =	task [dreg:s6], $0x5FFFF  }
0xac: {  	[dreg:$0x1] =	wrdreg $0xFFFFFFFF  }
0xad: {  	[dreg:$0x0] =	wrdreg $0x60  }
0xae: {  	[dreg:$0x2] =	wrdreg s24  }
0xaf: {  	[dreg:$0x3] =	wrdreg $0x9  }
0xb0: {  	_ =	task.clear_ibuf [dreg:s6], $0x4FFFF;
	_ =	strace $0x90000046  }
0xb1: {  	s29 =	simm.s32 $0x9;
	_ =	strace $0x80000048  }
0xb2: {  	_ =	swait.ge [sflag:s29], $0x1  }
0xb3: {  	[sflag:s29] =	ssyncadd.s32 $0xFFFFFFFF  }
0xb4: {  	_ =	strace $0x90000048  }
0xb5: {  	_ =	sfence  }
0xb6: {  	s30 =	sld [smem:$0x0];
	_ =	sdelay $0x2  }
0xb7: {  	s31 =	sshll.u32 s1, $0xD;
	s1 =	sshrl.u32 s1, $0x2  }
0xb8: {  	s3 =	sand.u32 $0x4000, s31;
	s1 =	sadd.s32 s1, s30  }
0xb9: {  	s0 =	sor.u32 s3, s0;
	s1 =	sshll.u32 s1, $0x11  }
0xba: {  	s0 =	sor.u32 s1, s0  }
0xbb: {  	s0 =	sadd.s32 $0x8F2B, s0  }
0xbc: {  	[sflag:s0] =	ssyncadd.remote.s32 $0x1  }
0xbd: {  	_ =	sfence.sel $0xFFFF  }
0xbe: {  	[dreg:$0x0] =	wrdreg $0xFFFFFFFF;
	(pc) =	sbr.abs _section_cstart, $3  }
0xbf: {  	[dreg:$0x1] =	wrdreg $0xFFFFFFFF  }
0xc0: {  	_ =	task.clear_ibuf [dreg:s6], $0x2FFFF;
	_ =	strace $0x9FFFFFFF  }
0xc1: {  	(tm) =	ssettm $0x7FFFFFFF  }
tec
execute0_lowered:
.L_overlay_start_1:
0x0: {  	(tag) =	ssettag $0x1  }
0x1: {  	s0 =	srdreg.scid;
	v0 =	vimm.s32 $0xEDCBA987;
	s4 =	rddreg [dreg:$0x0]  }
0x2: {  	v1 =	vimm.s32 $0x65432100;
	s12 =	simm.s32 $0x2780;
	s13 =	simm.s32 $0x4F00;
	s14 =	simm.s32 $0x9F00  }
0x3: {  	v2 =	vimm.s32 $0xDCBA9876;
	v3 =	vimm.s32 $0x54321000;
	v4 =	vimm.s32 $0xBA987654;
	s15 =	simm.s32 $0xEF00;
	s16 =	simm.s32 $0x0;
	s3 =	sand.u32 $0x1, s0  }
0x4: {  	v5 =	vimm.s32 $0xE40000;
	v6 =	vimm.s32 $0x32100000;
	vm0 =	vmmov $0x3;
	s0 =	stileid.u32;
	s9 =	sadd.s32 $0x17C00, s4;
	s1 =	sshll.u32 s3, $0x4  }
0x5: {  	vm2 =	vcmask $0x3F30;
	vm1 =	vmmov $0xf;
	vm3 =	vcmask $0x300;
	s6 =	sshll.u32 s0, $0x7;
	s3 =	ssub.s32 $0x2, s3;
	s2 =	sor.u32 s0, s1  }
0x6: {  	vm4 =	vcmask $0x704;
	v0 =	vunpack.c.l.s4.s8 v0;
	v1 =	vunpack.c.l.s4.s8 v1;
	s1 =	rddreg [dreg:$0x1];
	s6 =	sand.u32 $0x380, s6;
	s5 =	sshrl.u32 s2, $0x3  }
0x7: {  	v2 =	vunpack.c.l.s4.s8 v2;
	v4 =	vunpack.c.l.s4.s8 v4;
	v5 =	vunpack.c.l.s2.s4 v5;
	s30 =	sshrl.u32 s3, $0x1;
	s2 =	simm.s32 $0x0;
	s7 =	smul.u32 $0x13C00, s5  }
0x8: {  	v3 =	vunpack.c.l.s4.s8 v3;
	v6 =	vunpack.c.l.s4.s8 v6;
	v0 =	vunpack.c.0.s8.s32 v0;
	[smem:$0x7FF] =	sst s2;
	s8 =	sshll.u32 s5, $0xA;
	s5 =	smul.u32 $0x28000, s5  }
0x9: {  	v2 =	vunpack.c.0.s8.s32 v2;
	v4 =	vunpack.c.0.s8.s32 v4;
	v5 =	vunpack.c.l.s4.s8 v5;
	s10 =	ssub.s32 s3, s30;
	_ =	strace $0x80000047;
	s8 =	sor.u32 s6, s8  }
0xa: {  	v1 =	vunpack.c.0.s8.s32 v1;
	v3 =	vunpack.c.0.s8.s32 v3;
	v0 =	vand.u32 $0xF, v0;
	s7 =	sor.u32 s6, s7;
	s8 =	sshrl.u32 s8, $0x3;
	s5 =	sor.u32 s6, s5  }
0xb: {  	v2 =	vand.u32 $0xF, v2;
	v4 =	vand.u32 $0xF, v4;
	v5 =	vunpack.c.0.s8.s32 v5;
	s7 =	sshrl.u32 s7, $0x3;
	s8 =	sadd.s32 s8, s4;
	s6 =	sadd.s32 $0xA0000, s5  }
0xc: {  	v2 =	vcombine.low v3, v2;
	v3 =	vunpack.c.0.s8.s32 v6;
	v6 =	vimm.s32 $0x7060504;
	s31 =	sshrl.u32 s5, $0x3;
	s7 =	sadd.s32 s7, s4;
	s11 =	sshrl.u32 s6, $0x3  }
0xd: {  	v0 =	vcombine.low v1, v0;
	v1 =	vimm.s32 $0x0;
	v6 =	vunpack.c.0.s8.s32 v6;
	s5 =	sadd.s32 $0x3FC00, s8;
	s6 =	sadd.s32 s9, s31;
	s8 =	smax.u32 s10, $0x1  }
0xe: {  	v5 =	vand.u32 $0x3, v5;
	v3 =	vcombine.low v3, v4;
	v4 =	vlaneseq.u32;
	s10 =	simm.s32 $0x400;
	s3 =	sadd.s32 $0x4000, s7;
	s4 =	sadd.s32 $0xDE00, s7  }
0xf: {  	v5 =	vsel vm2, v6, v5;
	vm2 =	vmmov $0xff;
	v6 =	vimm.s32 $0x1400;
	s7 =	sadd.s32 s9, s11;
	s9 =	simm.s32 $0x80;
	s11 =	simm.s32 $0x1  }
.LBB2_1:
0x10: {  	[tilespmem:s2], [sflag:$0x1] =	stream.strided.gather [hbm4b:s3+s9], $0x2780, s10, s9, $0x38;
	[tilespmem:$0xEF80] =	vst v63  }
0x11: {  	_ =	swait.ge [sflag:s11], $0x2780  }
0x12: {  	[sflag:s11] =	ssyncset.done $0x0  }
0x13: {  	[sflag:s11] =	ssyncadd.s32 $0xFFFFD880  }
0x14: {  	[tilespmem:s12], [sflag:$0x1] =	stream.strided.gather [hbm4b:s4+s9], $0x2780, s10, s9, $0x38;
	[tilespmem:$0xEF80] =	vst v63  }
0x15: {  	_ =	swait.ge [sflag:s11], $0x2780  }
0x16: {  	[sflag:s11] =	ssyncset.done $0x0  }
0x17: {  	s17 =	simm.s32 $0x0;
	[sflag:s11] =	ssyncadd.s32 $0xFFFFD880  }
0x18: {  	v7 =	vld [tilespmem:s17+$0x2780];
	_ =	sdelay $0x4  }
0x19: {  	vm6 =	vlt.s32 v7, $0x1400  }
0x1a: {  	v8 =	vsel vm6, $0x1, v1  }
0x1b: {  	v9 =	vperm.xlane v8, v0  }
0x1c: {  	vm5 =	veq.s32 v4, $0x0  }
0x1d: {  	v9 =	vsel vm5, $0x0, v9  }
0x1e: {  	v9 =	vadd.s32 v8, v9  }
0x1f: {  	v10 =	vperm.xlane v9, v2;
	_ =	sdelay $0x1  }
0x20: {  	v10 =	vsel vm0, $0x0, v10  }
0x21: {  	v9 =	vadd.s32 v10, v9  }
0x22: {  	v10 =	vperm.xlane v9, v3;
	_ =	sdelay $0x1  }
0x23: {  	v10 =	vsel vm1, $0x0, v10  }
0x24: {  	v9 =	vadd.s32 v10, v9  }
0x25: {  	v10 =	vperm.xlane v9, v5;
	_ =	sdelay $0x1  }
0x26: {  	v10 =	vsel vm2, $0x0, v10  }
0x27: {  	v9 =	vadd.s32 v10, v9  }
0x28: {  	v8 =	vsub.s32 v9, v8;
	(v2sf) =	vpush v9, $0xF  }
0x29: {  	v10 =	vsub.s32 s2, v8;
	v8 =	vadd.s32 s2, v8  }
0x2a: {  	v10 =	vadd.s32 v4, v10;
	v11 =	vshll.u32 v8, $0x1  }
0x2b: {  	v8 =	vand.u32 $0x1F, v8;
	v12 =	vshll.u32 v10, $0x1;
	v11 =	vand.u32 $0xFFFFFFC0, v11  }
0x2c: {  	v10 =	vand.u32 $0x1F, v10;
	v12 =	vand.u32 $0xFFFFFFC0, v12;
	v9 =	vor.u32 v8, v11;
	v8 =	vld [tilespmem:s17+$0x0]  }
0x2d: {  	vm7 =	vge.s32 v7, $0x1400;
	v10 =	vor.u32 v10, v12;
	v12 =	vor.u32 $0x20, v9  }
0x2e: {  	s19 =	simm.s32 $0x40  }
0x2f: {  	s20 =	simm.s32 $0x80;
	s18 =	simm.s32 $0x0;
	s17 =	simm.s32 $0x0;
	v11 =	vor.u32 $0x20, v10  }
.LBB2_2:
0x30: {  	p0 =	sne.s32 s20, $0x9C00  }
0x31: {  	[tilespmem:v9+s13+$0x0] =	vst.idx.msk vm6, v8  }
0x32: {  	[tilespmem:v12+s13+$0x0] =	vst.idx.msk vm6, v7  }
0x33: {  	v7 =	vadd.s32 $0xFFFFEC00, v7;
	[tilespmem:v10+s14+$0x0] =	vst.idx.msk vm7, v8  }
0x34: {  	s21 =	sshra.s32 s19, $0x2;
	s19 =	smov.u32 s20;
	[tilespmem:v11+s14+$0x0] =	vst.idx.msk vm7, v7  }
0x35: {  	v7 =	vld [tilespmem:s21+$0x2780]  }
0x36: {  	v8 =	vld [tilespmem:s21+$0x0]  }
0x37: {  	s21 =	spop (v2sf)  }
0x38: {  	s17 =	sadd.s32 s17, s21;
	s18 =	ssub.s32 s18, s21  }
0x39: {  	s18 =	sadd.s32 $0x10, s18  }
0x3a: {  	vm6 =	vlt.s32 v7, $0x1400  }
0x3b: {  	v9 =	vsel vm6, $0x1, v1  }
0x3c: {  	v10 =	vperm.xlane v9, v0;
	_ =	sdelay $0x1  }
0x3d: {  	v10 =	vsel vm5, $0x0, v10  }
0x3e: {  	v10 =	vadd.s32 v9, v10  }
0x3f: {  	v11 =	vperm.xlane v10, v2;
	_ =	sdelay $0x1  }
0x40: {  	v11 =	vsel vm0, $0x0, v11  }
0x41: {  	v10 =	vadd.s32 v11, v10  }
0x42: {  	v11 =	vperm.xlane v10, v3;
	_ =	sdelay $0x1  }
0x43: {  	v11 =	vsel vm1, $0x0, v11  }
0x44: {  	v10 =	vadd.s32 v11, v10  }
0x45: {  	v11 =	vperm.xlane v10, v5;
	_ =	sdelay $0x1  }
0x46: {  	v11 =	vsel vm2, $0x0, v11  }
0x47: {  	v10 =	vadd.s32 v11, v10  }
0x48: {  	v9 =	vsub.s32 v10, v9;
	(v2sf) =	vpush v10, $0xF  }
0x49: {  	v10 =	vadd.s32 s17, v9  }
0x4a: {  	v9 =	vsub.s32 s18, v9;
	v11 =	vshll.u32 v10, $0x1  }
.Ltmp0:
0x4b: {  	v10 =	vand.u32 $0x1F, v10;
	v12 =	vadd.s32 v4, v9;
	v9 =	vand.u32 $0xFFFFFFC0, v11;
	(pc) =	sbr.rel @p0 .LBB2_2-.Ltmp0, $4  }
0x4c: {  	vm7 =	vge.s32 v7, $0x1400;
	v11 =	vshll.u32 v12, $0x1;
	v9 =	vor.u32 v10, v9  }
0x4d: {  	v10 =	vand.u32 $0x1F, v12;
	v11 =	vand.u32 $0xFFFFFFC0, v11;
	v12 =	vor.u32 $0x20, v9  }
0x4e: {  	v10 =	vor.u32 v10, v11  }
0x4f: {  	s20 =	sadd.s32 $0x40, s20;
	v11 =	vor.u32 $0x20, v10  }
0x50: {  	_ =	sdelay $0x4  }
0x51: {  	[tilespmem:v9+s13+$0x0] =	vst.idx.msk vm6, v8  }
0x52: {  	[tilespmem:v12+s13+$0x0] =	vst.idx.msk vm6, v7  }
0x53: {  	v7 =	vadd.s32 $0xFFFFEC00, v7;
	[tilespmem:v10+s14+$0x0] =	vst.idx.msk vm7, v8  }
0x54: {  	s19 =	sshra.s32 s19, $0x2;
	[tilespmem:v11+s14+$0x0] =	vst.idx.msk vm7, v7  }
0x55: {  	v7 =	vld [tilespmem:s19+$0x2780];
	_ =	sdelay $0x4  }
0x56: {  	vm5 =	vlt.s32 v7, $0x1400  }
0x57: {  	v8 =	vsel vm5, $0x1, v1  }
0x58: {  	v30 =	vperm.xlane v8, v0  }
0x59: {  	vm6 =	veq.s32 v4, $0x0  }
0x5a: {  	v9 =	vsel vm6, $0x0, v30  }
0x5b: {  	v9 =	vadd.s32 v8, v9  }
0x5c: {  	v31 =	vperm.xlane v9, v2;
	_ =	sdelay $0x1  }
0x5d: {  	v10 =	vsel vm0, $0x0, v31  }
0x5e: {  	v9 =	vadd.s32 v10, v9  }
0x5f: {  	v10 =	vperm.xlane v9, v3;
	_ =	sdelay $0x1  }
0x60: {  	v10 =	vsel vm1, $0x0, v10  }
0x61: {  	v9 =	vadd.s32 v10, v9  }
0x62: {  	v10 =	vperm.xlane v9, v5;
	_ =	sdelay $0x1  }
0x63: {  	v10 =	vsel vm2, $0x0, v10  }
0x64: {  	v9 =	vadd.s32 v10, v9  }
0x65: {  	(v2sf) =	vpush v9, $0xF;
	_ =	sdelay $0x9  }
0x66: {  	s20 =	spop (v2sf)  }
0x67: {  	s18 =	ssub.s32 s18, s20  }
0x68: {  	s17 =	sadd.s32 s17, s20;
	s20 =	sadd.s32 $0x10, s18;
	v8 =	vsub.s32 v9, v8  }
0x69: {  	v9 =	vadd.s32 s17, v8;
	v8 =	vsub.s32 s20, v8  }
0x6a: {  	vm6 =	vge.s32 v7, $0x1400;
	v32 =	vshll.u32 v9, $0x1;
	v8 =	vadd.s32 v4, v8  }
0x6b: {  	v9 =	vand.u32 $0x1F, v9;
	v10 =	vand.u32 $0xFFFFFFC0, v32;
	v33 =	vshll.u32 v8, $0x1;
	s21 =	spop (v2sf)  }
0x6c: {  	v34 =	vld [tilespmem:s19+$0x0];
	v8 =	vand.u32 $0x1F, v8;
	v9 =	vor.u32 v9, v10;
	v11 =	vand.u32 $0xFFFFFFC0, v33;
	s28 =	sadd.s32 s17, s21  }
0x6d: {  	v13 =	vor.u32 $0x20, v9;
	v8 =	vor.u32 v8, v11;
	s29 =	ssub.s32 s20, s21;
	v35 =	vadd.s32 s28, v4  }
0x6e: {  	v37 =	vadd.s32 $0xFFFFEC00, v7;
	v15 =	vor.u32 $0x20, v8;
	s17 =	sadd.s32 $0x10, s29;
	v36 =	vshll.u32 v35, $0x1  }
0x6f: {  	s30 =	sadd.s32 $0x10, s28;
	v12 =	vand.u32 $0x1F, v35;
	v14 =	vadd.s32 s17, v4;
	v11 =	vand.u32 $0xFFFFFFC0, v36  }
0x70: {  	v39 =	vadd.s32 s30, v4;
	v16 =	vshll.u32 v14, $0x1;
	v11 =	vor.u32 v12, v11  }
0x71: {  	[tilespmem:v9+s13+$0x0] =	vst.idx.msk vm5, v34;
	s31 =	sadd.s32 $0x10, s17;
	v14 =	vand.u32 $0x1F, v14;
	v16 =	vand.u32 $0xFFFFFFC0, v16;
	v38 =	vor.u32 $0x20, v11  }
0x72: {  	[tilespmem:v13+s13+$0x0] =	vst.idx.msk vm5, v7;
	v40 =	vshll.u32 v39, $0x1;
	v17 =	vadd.s32 s31, v4;
	v14 =	vor.u32 v14, v16  }
0x73: {  	[tilespmem:v8+s14+$0x0] =	vst.idx.msk vm6, v34;
	s20 =	sadd.s32 $0x20, s28;
	v8 =	vand.u32 $0x1F, v39;
	v13 =	vand.u32 $0xFFFFFFC0, v40;
	v7 =	vor.u32 $0x20, v14  }
0x74: {  	[tilespmem:v15+s14+$0x0] =	vst.idx.msk vm6, v37;
	v44 =	vadd.s32 s20, v4;
	v41 =	vshll.u32 v17, $0x1;
	v8 =	vor.u32 v8, v13  }
0x75: {  	s21 =	sadd.s32 $0x20, s17;
	v42 =	vand.u32 $0x1F, v17;
	v10 =	vand.u32 $0xFFFFFFC0, v41;
	v43 =	vor.u32 $0x20, v8;
	[tilespmem:v11+s13+$0x0] =	vst.idx.msk $0xffff, v1  }
0x76: {  	v46 =	vshll.u32 v44, $0x1;
	v47 =	vadd.s32 s21, v4;
	v10 =	vor.u32 v42, v10;
	[tilespmem:v38+s13+$0x0] =	vst.idx.msk $0xffff, v6  }
0x77: {  	s22 =	sadd.s32 $0x30, s28;
	v12 =	vand.u32 $0x1F, v44;
	v13 =	vand.u32 $0xFFFFFFC0, v46;
	v45 =	vor.u32 $0x20, v10;
	[tilespmem:v14+s14+$0x0] =	vst.idx.msk $0xffff, v1  }
0x78: {  	v50 =	vadd.s32 s22, v4;
	v48 =	vshll.u32 v47, $0x1;
	v12 =	vor.u32 v12, v13;
	[tilespmem:v7+s14+$0x0] =	vst.idx.msk $0xffff, v6  }
0x79: {  	v49 =	vand.u32 $0xFFFFFFC0, v48;
	v7 =	vand.u32 $0x1F, v47;
	[tilespmem:v8+s13+$0x0] =	vst.idx.msk $0xffff, v1;
	v8 =	vor.u32 $0x20, v12  }
0x7a: {  	s23 =	sadd.s32 $0x30, s17;
	v52 =	vshll.u32 v50, $0x1;
	v53 =	vand.u32 $0x1F, v50;
	v7 =	vor.u32 v7, v49;
	[tilespmem:v43+s13+$0x0] =	vst.idx.msk $0xffff, v6  }
0x7b: {  	s18 =	sadd.s32 $0x40, s28;
	v54 =	vadd.s32 s23, v4;
	v14 =	vand.u32 $0xFFFFFFC0, v52;
	v51 =	vor.u32 $0x20, v7;
	[tilespmem:v10+s14+$0x0] =	vst.idx.msk $0xffff, v1  }
0x7c: {  	s24 =	sadd.s32 $0x3F, s28;
	v57 =	vadd.s32 s18, v4;
	v55 =	vshll.u32 v54, $0x1;
	v10 =	vor.u32 v53, v14;
	[tilespmem:v45+s14+$0x0] =	vst.idx.msk $0xffff, v6  }
0x7d: {  	s25 =	sshra.s32 s24, $0x1F;
	s26 =	sadd.s32 $0x40, s17;
	s29 =	sand.u32 $0x3F, s24;
	v9 =	vand.u32 $0xFFFFFFC0, v55;
	v13 =	vand.u32 $0x1F, v54;
	v56 =	vor.u32 $0x20, v10;
	[tilespmem:v12+s13+$0x0] =	vst.idx.msk $0xffff, v1  }
0x7e: {  	s17 =	sadd.s32 $0x3F, s17;
	p0 =	slt.s32 s24, $0x1;
	s20 =	sshrl.u32 s25, $0x1A;
	v58 =	vshll.u32 v57, $0x1;
	v59 =	vadd.s32 s26, v4;
	[tilespmem:v8+s13+$0x0] =	vst.idx.msk $0xffff, v6;
	v8 =	vor.u32 v13, v9  }
0x7f: {  	p1 =	sne.s32 s29, $0x0;
	s30 =	sand.u32 $0x3F, s17;
	p6 =	slt.s32 s17, $0x1;
	v14 =	vand.u32 $0x1F, v57;
	v9 =	vand.u32 $0xFFFFFFC0, v58;
	[tilespmem:v7+s14+$0x0] =	vst.idx.msk $0xffff, v1;
	v7 =	vor.u32 $0x20, v8  }
0x80: {  	s31 =	sshra.s32 s17, $0x1F;
	s28 =	sadd.s32 s20, s24;
	v60 =	vshll.u32 v59, $0x1;
	p1 =	por !p0, !p1;
	v9 =	vor.u32 v14, v9;
	[tilespmem:v51+s14+$0x0] =	vst.idx.msk $0xffff, v6  }
0x81: {  	p2 =	sne.s32 s30, $0x0;
	v61 =	vand.u32 $0x1F, v59;
	s20 =	simm.s32 $0x1;
	s19 =	sshrl.u32 s31, $0x1A;
	v11 =	vand.u32 $0xFFFFFFC0, v60;
	v62 =	vor.u32 $0x20, v9;
	[tilespmem:v10+s13+$0x0] =	vst.idx.msk $0xffff, v1  }
0x82: {  	p0 =	por !p6, !p2;
	s18 =	sshra.s32 s28, $0x6;
	p1 =	por !p1, !p1;
	v10 =	vor.u32 v61, v11;
	[tilespmem:v56+s13+$0x0] =	vst.idx.msk $0xffff, v6  }
0x83: {  	s17 =	sadd.s32 s19, s17;
	s19 =	simm.s32 $0x1;
	p0 =	por !p0, !p0;
	[tilespmem:v8+s14+$0x0] =	vst.idx.msk $0xffff, v1;
	v8 =	vor.u32 $0x20, v10  }
0x84: {  	s20 =	simm.s32 @!p1 $0x0;
	s17 =	sshra.s32 s17, $0x6;
	s19 =	simm.s32 @!p0 $0x0;
	[tilespmem:v7+s14+$0x0] =	vst.idx.msk $0xffff, v6  }
0x85: {  	s18 =	ssub.s32 s18, s20;
	s17 =	ssub.s32 s17, s19;
	[tilespmem:v9+s13+$0x0] =	vst.idx.msk $0xffff, v1  }
0x86: {  	v63 =	vmov s17;
	v7 =	vmov s18;
	[tilespmem:v62+s13+$0x0] =	vst.idx.msk $0xffff, v6  }
0x87: {  	v7 =	vnsel vm3, $0x0, v7;
	v9 =	vnsel vm4, $0x0, v63;
	[tilespmem:v10+s14+$0x0] =	vst.idx.msk $0xffff, v1  }
0x88: {  	v7 =	vadd.s32 v7, v9;
	[tilespmem:v8+s14+$0x0] =	vst.idx.msk $0xffff, v6  }
0x89: {  	[tilespmem:$0xEF00] =	vst v7  }
0x8a: {  	[hbm4b:s5+s2] =	stream.linear.scatter [tilespmem:s15], [sflag:$0x1], $0x80, $0x38;
	[tilespmem:$0xEF80] =	vst v63  }
0x8b: {  	_ =	swait.ge [sflag:s11], $0x80  }
0x8c: {  	[sflag:s11] =	ssyncset.done $0x0  }
0x8d: {  	[sflag:s11] =	ssyncadd.s32 $0xFFFFFF80  }
0x8e: {  	[hbm4b:s6+s9] =	stream.strided.scatter [tilespmem:s13], [sflag:$0x1], $0x5000, s10, s9, $0x38;
	[tilespmem:$0xEF80] =	vst v63  }
0x8f: {  	s16 =	sadd.s32 $0x1, s16;
	_ =	swait.ge [sflag:s11], $0x5000  }
0x90: {  	p0 =	sne.s32 s16, s8;
	[sflag:s11] =	ssyncset.done $0x0  }
.Ltmp1:
0x91: {  	[sflag:s11] =	ssyncadd.s32 $0xFFFFB000;
	(pc) =	sbr.rel @p0 .LBB2_1-.Ltmp1, $4  }
0x92: {  	[hbm4b:s7+s9] =	stream.strided.scatter [tilespmem:s14], [sflag:$0x1], $0x5000, s10, s9, $0x38;
	[tilespmem:$0xEF80] =	vst v63  }
0x93: {  	_ =	swait.ge [sflag:s11], $0x5000  }
0x94: {  	[sflag:s11] =	ssyncset.done $0x0  }
0x95: {  	[sflag:s11] =	ssyncadd.s32 $0xFFFFB000  }
0x96: {  	_ =	sfence.sel $0x180000  }
0x97: {  	[bflag:$0x0] =	sbarrier.arrive $0xFFFF  }
0x98: {  	p0 =	sne.s32 s0, $0x0;
	_ =	strace $0x90000047  }
0x99: {  	s0 =	sadd.s32 @!p0 $0x100000, s1;
	[bflag:$0x2] =	sbarrier.arrive $0xFFFF  }
0x9a: {  	[sflag:s0] =	ssyncadd.tile.s32 @!p0 $0x1;
	_ =	shalt  }
.Lfunc_end2:
_tile_overlayer_lowered:
.L_overlay_start_2:
0x9b: {  	(tag) =	ssettag $0x2  }
0x9c: {  	s0 =	rddreg [dreg:$0x0];
	s2 =	stileid.u32  }
0x9d: {  	s1 =	rddreg [dreg:$0x1];
	p0 =	sne.s32 s2, $0x0  }
0x9e: {  	s3 =	rddreg [dreg:$0x2];
	[bflag:$0x3] =	sbarrier.arrive $0xFFFF;
	s2 =	simm.s32 @!p0 $0x1C01  }
0x9f: {  	[timem:s3], [sflag:s2] =	dma.local @!p0 [hbm:s0], s1  }
0xa0: {  	s0 =	simm.s32 @!p0 $0x1  }
0xa1: {  	_ =	swait.ge @!p0 [sflag:s0], s1  }
0xa2: {  	s1 =	ssub.s32 @!p0 $0x0, s1;
	[sflag:s0] =	ssyncset.done @!p0 $0x0  }
0xa3: {  	[sflag:s0] =	ssyncadd.s32 @!p0 s1  }
0xa4: {  	[bflag:$0x3] =	sbarrier.arrive $0xFFFF  }
0xa5: {  	_ =	shalt  }

// kernel: kernel.14.cloned.1.call-start
scs
__scs_entry_jumppad:
0x0: {  	(pc) =	sbr.rel $0x88, $3  }
0x1: {  	(tag) =	ssettag $0x0;
	lr =	simm.s32 $0x1  }
0x2: {  	[smem:$0x3F8C] =	sst lr;
	_ =	strace $0xD0000000  }
0x3: {  	_ = 	snop  }
0x4: {  	_ = 	snop  }
0x5: {  	_ = 	snop  }
0x6: {  	_ = 	snop  }
0x7: {  	_ = 	snop  }
__scs_overlays_trampoline_lowered:
0x8: {  	[smem:$0x3F9B] =	sst s0  }
0x9: {  	[smem:$0x3F9C] =	sst s1  }
0xa: {  	[smem:$0x3F9D] =	sst s2  }
0xb: {  	[smem:$0x3F9E] =	sst s3  }
0xc: {  	[smem:$0x3F9F] =	sst s4  }
0xd: {  	[smem:$0x3FA0] =	sst s5  }
0xe: {  	[smem:$0x3FA1] =	sst s6  }
0xf: {  	[smem:$0x3FA2] =	sst s7  }
0x10: {  	[smem:$0x3FA3] =	sst s8  }
0x11: {  	[smem:$0x3FA4] =	sst s9;
	s0 =	simm.s32 @!p0 $0x0  }
0x12: {  	s1 =	sld [smem:$0x3F8A];
	s0 =	simm.s32 @p0 $0x1  }
0x13: {  	[smem:$0x3FA5] =	sst s0;
	s0 =	simm.s32 @!p1 $0x0  }
0x14: {  	s2 =	sld [smem:$0x3F89];
	s0 =	simm.s32 @p1 $0x1  }
0x15: {  	[smem:$0x3FA6] =	sst s0;
	s0 =	simm.s32 @!p2 $0x0  }
0x16: {  	s3 =	sld [smem:$0x3FDB];
	s0 =	simm.s32 @p2 $0x1  }
0x17: {  	s4 =	simm.s32 $0x1BF5;
	[smem:$0x3FA8] =	sst s0  }
0x18: {  	s0 =	sld [smem:$0x3F8B];
	_ =	swait.ge [sflag:s4], $0x0  }
0x19: {  	s7 =	sld [smem:$0x3F8C]  }
0x1a: {  	s8 =	sadd.s32 $0xFFFFE003, lr  }
0x1b: {  	s9 =	sadd.s32 $0xFFFFFEF7, lr;
	s5 =	simm.s32 $0xFFFFFFFF;
	p2 =	slt.u32 s8, $0xFFFFF086  }
0x1c: {  	p1 =	slt.u32 s9, $0xF7A;
	s5 =	simm.s32 @!p2 $0x0  }
0x1d: {  	s5 =	simm.s32 @p1 $0x1;
	p0 =	seq.s32 s7, s2  }
0x1e: {  	s7 =	smul.u32 @!p0 $0xF7A, s2;
	p2 =	seq.s32 @!p0 s5, $0x0  }
0x1f: {  	s9 =	smul.u32 $0xF7A, s1;
	s8 =	simm.s32 @!p0 $0x1BF5;
	p2 =	por !p2, p0  }
0x20: {  	[sflag:s8] =	ssyncset.s32 @!p0 $0xFFFFF086;
	s6 =	sadd.s32 @!p0 s3, s7;
	s7 =	simm.s32 @!p0 $0x108  }
0x21: {  	s3 =	sadd.s32 s3, s9;
	s6 =	sadd.s32 @!p0 $0x88, s6;
	s7 =	simm.s32 @p2 $0x1082  }
0x22: {  	[simem:s7], [sflag:s8] =	dma.local @!p0 [hbm:s6], $0xF7A  }
0x23: {  	s9 =	sor.u32 $0xD0000000, s2;
	s6 =	simm.s32 $0x108;
	_ =	swait.ge @!p0 [sflag:s8], $0x0  }
0x24: {  	s3 =	sadd.s32 $0x88, s3;
	s6 =	simm.s32 @!p1 $0x1082;
	[sflag:s4] =	ssyncset.s32 $0xFFFFF086  }
0x25: {  	[simem:s6], [sflag:s4] =	dma.local [hbm:s3], $0xF7A  }
0x26: {  	[smem:$0x3F8C] =	sst s1;
	(tag) =	ssettag s2;
	_ =	strace s9  }
0x27: {  	s1 =	sld [smem:$0x3F9C]  }
0x28: {  	s2 =	sld [smem:$0x3F9D]  }
0x29: {  	s4 =	sld [smem:$0x3F9F]  }
0x2a: {  	p0 =	seq.s32 s5, $0x0;
	s5 =	sld [smem:$0x3FA0]  }
0x2b: {  	s6 =	sld [smem:$0x3FA1]  }
0x2c: {  	s7 =	sld [smem:$0x3FA2]  }
0x2d: {  	s3 =	simm.s32 $0x108;
	s8 =	sld [smem:$0x3FA3]  }
0x2e: {  	s3 =	simm.s32 @!p0 $0x1082;
	s9 =	sld [smem:$0x3FA4]  }
0x2f: {  	lr =	sadd.s32 s0, s3;
	s0 =	sld [smem:$0x3F9B]  }
0x30: {  	s3 =	sld [smem:$0x3F9E]  }
0x31: {  	[smem:$0x3FA7] =	sst s10  }
0x32: {  	s10 =	sld [smem:$0x3FA5];
	_ =	sdelay $0x3  }
0x33: {  	p0 =	seq.s32 s10, $0x1;
	s10 =	sld [smem:$0x3FA7];
	_ =	sdelay $0x3  }
0x34: {  	[smem:$0x3FA7] =	sst s10  }
0x35: {  	s10 =	sld [smem:$0x3FA6];
	_ =	sdelay $0x3  }
0x36: {  	p1 =	seq.s32 s10, $0x1;
	s10 =	sld [smem:$0x3FA7];
	_ =	sdelay $0x3  }
0x37: {  	[smem:$0x3FA7] =	sst s10  }
0x38: {  	s10 =	sld [smem:$0x3FA8]  }
0x39: {  	_ = 	snop;
	(pc) =	sbr.ind lr, $3  }
0x3a: {  	_ = 	snop  }
0x3b: {  	_ = 	snop  }
0x3c: {  	p2 =	seq.s32 s10, $0x1;
	s10 =	sld [smem:$0x3FA7]  }
0x3d: {  	_ =	shalt  }
0x3e: {  	_ =	shalt  }
0x3f: {  	_ =	shalt  }
0x40: {  	_ =	shalt  }
0x41: {  	_ =	shalt  }
0x42: {  	_ =	shalt  }
0x43: {  	_ =	shalt  }
0x44: {  	_ =	shalt  }
0x45: {  	_ =	shalt  }
0x46: {  	_ =	shalt  }
0x47: {  	_ =	shalt  }
0x48: {  	_ =	shalt  }
0x49: {  	_ =	shalt  }
0x4a: {  	_ =	shalt  }
0x4b: {  	_ =	shalt  }
0x4c: {  	_ =	shalt  }
0x4d: {  	_ =	shalt  }
0x4e: {  	_ =	shalt  }
0x4f: {  	_ =	shalt  }
0x50: {  	_ =	shalt  }
0x51: {  	_ =	shalt  }
0x52: {  	_ =	shalt  }
0x53: {  	_ =	shalt  }
0x54: {  	_ =	shalt  }
0x55: {  	_ =	shalt  }
0x56: {  	_ =	shalt  }
0x57: {  	_ =	shalt  }
0x58: {  	_ =	shalt  }
0x59: {  	_ =	shalt  }
0x5a: {  	_ =	shalt  }
0x5b: {  	_ =	shalt  }
0x5c: {  	_ =	shalt  }
0x5d: {  	_ =	shalt  }
0x5e: {  	_ =	shalt  }
0x5f: {  	_ =	shalt  }
0x60: {  	_ =	shalt  }
0x61: {  	_ =	shalt  }
0x62: {  	_ =	shalt  }
0x63: {  	_ =	shalt  }
0x64: {  	_ =	shalt  }
0x65: {  	_ =	shalt  }
0x66: {  	_ =	shalt  }
0x67: {  	_ =	shalt  }
0x68: {  	_ =	shalt  }
0x69: {  	_ =	shalt  }
0x6a: {  	_ =	shalt  }
0x6b: {  	_ =	shalt  }
0x6c: {  	_ =	shalt  }
0x6d: {  	_ =	shalt  }
0x6e: {  	_ =	shalt  }
0x6f: {  	_ =	shalt  }
0x70: {  	_ =	shalt  }
0x71: {  	_ =	shalt  }
0x72: {  	_ =	shalt  }
0x73: {  	_ =	shalt  }
0x74: {  	_ =	shalt  }
0x75: {  	_ =	shalt  }
0x76: {  	_ =	shalt  }
0x77: {  	_ =	shalt  }
0x78: {  	_ =	shalt  }
0x79: {  	_ =	shalt  }
0x7a: {  	_ =	shalt  }
0x7b: {  	_ =	shalt  }
0x7c: {  	_ =	shalt  }
0x7d: {  	_ =	shalt  }
0x7e: {  	_ =	shalt  }
0x7f: {  	_ =	shalt  }
0x80: {  	_ =	shalt  }
0x81: {  	_ =	shalt  }
0x82: {  	_ =	shalt  }
0x83: {  	_ =	shalt  }
0x84: {  	_ =	shalt  }
0x85: {  	_ =	shalt  }
0x86: {  	_ =	shalt  }
0x87: {  	_ =	shalt  }
.Lfunc_end0:
.L_simem_size_0:
called_computation.1_lowered:
.L_overlay_start_0:
0x88: {  	s2 =	sld [smem:$0x3FD9]  }
0x89: {  	s3 =	sld [smem:$0x3FFE];
	_ =	sdelay $0x1  }
0x8a: {  	s1 =	srdreg.scid  }
0x8b: {  	s0 =	sand.u32 $0x1, s1  }
0x8c: {  	s17 =	sshll.u32 s0, $0xA;
	s2 =	sadd.s32 s3, s2  }
0x8d: {  	s2 =	sadd.s32 s2, s17  }
0x8e: {  	[smem:$0x3FB3] =	sst s2  }
0x8f: {  	_ = 	snop  }
0x90: {  	s2 =	sld [smem:$0x3FD0];
	(tm) =	ssettm $0x1  }
0x91: {  	s18 =	sld [smem:$0x3FFB];
	_ =	sdelay $0x3  }
0x92: {  	_ =	strace s18  }
0x93: {  	s3 =	sld [smem:$0x3FFC];
	_ =	sdelay $0x3  }
0x94: {  	_ =	strace s3  }
0x95: {  	s3 =	sld [smem:$0x3FFD];
	_ =	sdelay $0x3  }
0x96: {  	_ =	strace s3  }
0x97: {  	_ =	strace $0x8FFFFFFF  }
0x98: {  	s19 =	sld [smem:$0x3FDB];
	_ =	sdelay $0x1  }
0x99: {  	s4 =	simm.s32 $_scs_section_size  }
0x9a: {  	s5 =	simm.s32 $_size__tile_overlayer_lowered;
	s6 =	simm.s32 $_tile_overlayer_lowered  }
0x9b: {  	s22 =	simm.s32 $0x1BFF;
	s21 =	sshll.u32 s6, $0x1;
	s3 =	sadd.s32 s4, s19  }
0x9c: {  	s7 =	simm.s32 $0x0;
	s20 =	sshll.u32 s5, $0x1;
	s5 =	sadd.s32 s21, s3  }
0x9d: {  	[timem:s7], [sflag:s22] =	dma.local [hbm:s5], s20  }
0x9e: {  	_ =	swait.ge [sflag:s22], s20  }
0x9f: {  	s4 =	ssub.s32 $0x0, s20;
	[sflag:s22] =	ssyncset.done $0x0  }
0xa0: {  	[sflag:s22] =	ssyncadd.s32 s4;
	_ =	sdelay $0x1  }
0xa1: {  	s23 =	simm.s32 $0x1B8B  }
0xa2: {  	_ =	swait.ge [sflag:s23], $0x1  }
0xa3: {  	[sflag:s23] =	ssyncset.done $0x0  }
0xa4: {  	s25 =	simm.s32 $0x1B8E;
	s24 =	sld [smem:$0x3FFE];
	[sflag:s23] =	ssyncadd.s32 $0xFFFFFFFF  }
0xa5: {  	s26 =	simm.s32 $execute0_lowered;
	[smem:$0x3FD2] =	sst s25  }
0xa6: {  	s5 =	sshll.u32 s26, $0x1;
	_ =	strace $0x80000049;
	[dreg:$0x1] =	wrdreg $0xFFFFFFFF  }
0xa7: {  	s28 =	simm.s32 $_size_execute0_lowered;
	s3 =	sadd.s32 s3, s5;
	[dreg:$0x0] =	wrdreg $0x0  }
0xa8: {  	s5 =	sshll.u32 s28, $0x1;
	[dreg:$0x2] =	wrdreg s3  }
0xa9: {  	[dreg:$0x3] =	wrdreg s5  }
0xaa: {  	[dreg:$0x4] =	wrdreg $0xC0  }
0xab: {  	_ =	task [dreg:s7], $0x5FFFF  }
0xac: {  	[dreg:$0x1] =	wrdreg $0xFFFFFFFF  }
0xad: {  	[dreg:$0x0] =	wrdreg $0x60  }
0xae: {  	[dreg:$0x2] =	wrdreg s24  }
0xaf: {  	[dreg:$0x3] =	wrdreg s2  }
0xb0: {  	[dreg:$0x4] =	wrdreg $0x86000  }
0xb1: {  	[dreg:$0x5] =	wrdreg $0x9  }
0xb2: {  	_ =	task.clear_ibuf [dreg:s7], $0x6FFFF;
	_ =	strace $0x90000049  }
0xb3: {  	s29 =	simm.s32 $0x9;
	_ =	strace $0x8000004B  }
0xb4: {  	_ =	swait.ge [sflag:s29], $0x1  }
0xb5: {  	[sflag:s29] =	ssyncadd.s32 $0xFFFFFFFF  }
0xb6: {  	_ =	strace $0x9000004B  }
0xb7: {  	_ =	sfence  }
0xb8: {  	s30 =	sld [smem:$0x0];
	_ =	sdelay $0x2  }
0xb9: {  	s31 =	sshll.u32 s1, $0xD;
	s1 =	sshrl.u32 s1, $0x2  }
0xba: {  	s3 =	sand.u32 $0x4000, s31;
	s1 =	sadd.s32 s1, s30  }
0xbb: {  	s0 =	sor.u32 s3, s0;
	s1 =	sshll.u32 s1, $0x11  }
0xbc: {  	s0 =	sor.u32 s1, s0  }
0xbd: {  	s0 =	sadd.s32 $0x8F2B, s0  }
0xbe: {  	[sflag:s0] =	ssyncadd.remote.s32 $0x1  }
0xbf: {  	_ =	sfence.sel $0xFFFF  }
0xc0: {  	[dreg:$0x0] =	wrdreg $0xFFFFFFFF;
	(pc) =	sbr.abs _section_cstart, $3  }
0xc1: {  	[dreg:$0x1] =	wrdreg $0xFFFFFFFF  }
0xc2: {  	_ =	task.clear_ibuf [dreg:s7], $0x2FFFF;
	_ =	strace $0x9FFFFFFF  }
0xc3: {  	(tm) =	ssettm $0x7FFFFFFF  }
tec
execute0_lowered:
.L_overlay_start_1:
0x0: {  	(tag) =	ssettag $0x1  }
0x1: {  	s7 =	rddreg [dreg:$0x0]  }
0x2: {  	s2 =	rddreg [dreg:$0x1]  }
0x3: {  	s3 =	rddreg [dreg:$0x2];
	s0 =	stileid.u32  }
0x4: {  	s5 =	srdreg.scid;
	s4 =	simm.s32 $0x0;
	s6 =	smul.u32 $0x2900, s0  }
0x5: {  	s12 =	sand.u32 $0x1, s5;
	[smem:$0x7FF] =	sst s4;
	s10 =	smul.u32 $0x52000, s0  }
0x6: {  	s5 =	sadd.s32 $0x8E000, s7;
	s9 =	sadd.s32 $0xDC200, s7;
	s13 =	smul.u32 $0x28000, s0  }
0x7: {  	s14 =	sshllo.u32 s0, $0x1;
	s28 =	sshll.u32 s0, $0x6;
	s8 =	smul.u32 $0x29000, s12  }
0x8: {  	s30 =	sshll.u32 s0, $0x7;
	_ =	strace $0x8000004A;
	s25 =	smul.u32 $0x280000, s12  }
0x9: {  	s26 =	ssub.s32 $0x2, s12;
	s16 =	smul.u32 $0x14000, s14;
	s18 =	sshll.u32 s14, $0x6  }
0xa: {  	p0 =	seq.s32 s12, $0x0;
	s14 =	simm.s32 $0x8400;
	s15 =	sshrl.u32 s26, $0x1  }
0xb: {  	s10 =	sshrl.u32 s10, $0x2;
	s8 =	sadd.s32 s6, s8;
	s6 =	sadd.s32 $0x4000, s7  }
0xc: {  	s15 =	ssub.s32 s26, s15;
	s17 =	sadd.s32 s10, s3;
	s29 =	sadd.s32 s13, s25  }
.Ltmp0:
0xd: {  	s13 =	simm.s32 $0x9;
	s11 =	sadd.s32 s8, s7;
	(pc) =	sbr.rel .LBB2_1-.Ltmp0, $4  }
0xe: {  	s7 =	sor.u32 $0x1C09, s28;
	s8 =	sadd.s32 s25, s16;
	s10 =	sshrl.u32 s29, $0x3  }
0xf: {  	s12 =	sshrl.u32 s17, $0x3;
	s16 =	sshrl.u32 s18, $0x2;
	s17 =	simm.s32 $0x0  }
0x10: {  	s31 =	sshrl.u32 s8, $0x3;
	s8 =	sadd.s32 s9, s10;
	s10 =	sadd.s32 $0x17C200, s11  }
0x11: {  	s11 =	smax.u32 s15, $0x1;
	s15 =	sshrl.u32 s30, $0x2;
	s9 =	sadd.s32 s9, s31  }
.LBB2_9:
0x12: {  	s20 =	simm.s32 $0x0  }
.LBB2_12:
0x13: {  	p3 =	por p2, !p3  }
0x14: {  	[sflag:s29] =	ssyncadd.s32 @!p3 $0xFFFFE000;
	s0 =	simm.s32 @!p3 $0x4  }
0x15: {  	[spmem:s3] =	stream.indirect.scatter.add.f32 @!p3 [tilespmem:s25], [sflag:$0x7], $0x100, s24, s22, $0xb8;
	[tilespmem:$0x1CE00] =	vst v63  }
0x16: {  	_ =	swait.ge @!p3 [sflag:s0], $0x2000  }
0x17: {  	p2 =	por p5, p1;
	[sflag:s0] =	ssyncset.done @!p3 $0x0  }
0x18: {  	s1 =	simm.s32 @!p2 $0x5;
	[sflag:s0] =	ssyncadd.s32 @!p3 $0xFFFFE000;
	s0 =	simm.s32 @!p3 $0x380  }
0x19: {  	[spmem:s3] =	stream.indirect.scatter.add.f32 @!p3 [tilespmem:s23], [sflag:$0x8], $0x100, s0, s22, $0xb8;
	[tilespmem:$0x1CE00] =	vst v63  }
0x1a: {  	_ =	swait.ge @!p2 [sflag:s1], $0x2000  }
0x1b: {  	[sflag:s1] =	ssyncset.done @!p2 $0x0  }
0x1c: {  	s0 =	simm.s32 @!p2 $0x6;
	[sflag:s1] =	ssyncadd.s32 @!p2 $0xFFFFE000  }
0x1d: {  	_ =	swait.ge @!p2 [sflag:s0], $0x2000  }
0x1e: {  	s21 =	simm.s32 @!p1 $0x9;
	s1 =	sand.u32 @!p1 $0x1FFFFF80, s19;
	[sflag:s0] =	ssyncset.done @!p2 $0x0  }
0x1f: {  	s22 =	simm.s32 @!p1 $0x0;
	s1 =	sadd.s32 @!p1 s1, s9;
	[sflag:s0] =	ssyncadd.s32 @!p2 $0xFFFFE000  }
0x20: {  	[tilespmem:s22], [sflag:$0x9] =	stream.linear.gather @!p1 [hbm4b:s1+s22], $0x200, $0x38;
	[tilespmem:$0x1CE00] =	vst v63  }
0x21: {  	s31 =	sadd.s32 $0x1, s20;
	_ =	swait.ge @!p1 [sflag:s21], $0x200  }
0x22: {  	p2 =	sge.s32 s31, s18;
	s0 =	simm.s32 @!p1 $0x20;
	[sflag:s21] =	ssyncset.done @!p1 $0x0  }
0x23: {  	s1 =	simm.s32 @!p1 $0x400;
	p3 =	seq.s32 @!p2 s20, $0x0;
	[sflag:s21] =	ssyncadd.s32 @!p1 $0xFFFFFE00  }
0x24: {  	[tilespmem:s1], [sflag:$0x1] =	stream.indirect.gather @!p1 [hbm4b:s5+s0], $0x100, s22, s0, $0xb8;
	[tilespmem:$0x1CE00] =	vst v63  }
0x25: {  	s20 =	simm.s32 @!p1 $0x2400;
	p3 =	por p3, p2;
	s21 =	simm.s32 @!p1 $0x100  }
0x26: {  	[tilespmem:s20], [sflag:$0x2] =	stream.indirect.gather @!p1 [hbm4b:s5+s0], $0x100, s21, s0, $0xb8;
	[tilespmem:$0x1CE00] =	vst v63  }
0x27: {  	s21 =	simm.s32 @!p3 $0x7  }
0x28: {  	_ =	swait.ge @!p3 [sflag:s21], $0x2000  }
0x29: {  	[sflag:s21] =	ssyncset.done @!p3 $0x0  }
0x2a: {  	s19 =	sadd.s32 @!p2 $0x40, s19;
	[sflag:s21] =	ssyncadd.s32 @!p3 $0xFFFFE000;
	s21 =	simm.s32 @!p3 $0x8  }
0x2b: {  	s19 =	sand.u32 @!p2 $0x1FFFFFC0, s19;
	_ =	swait.ge @!p3 [sflag:s21], $0x2000  }
0x2c: {  	s23 =	simm.s32 @!p2 $0x200;
	s19 =	sadd.s32 @!p2 s19, s9;
	[sflag:s21] =	ssyncset.done @!p3 $0x0  }
0x2d: {  	s22 =	simm.s32 @!p2 $0x9;
	[sflag:s21] =	ssyncadd.s32 @!p3 $0xFFFFE000;
	s21 =	simm.s32 @!p2 $0x0  }
0x2e: {  	[tilespmem:s23], [sflag:$0x9] =	stream.linear.gather @!p2 [hbm4b:s19+s21], $0x200, $0x38;
	[tilespmem:$0x1CE00] =	vst v63  }
0x2f: {  	_ =	swait.ge @!p2 [sflag:s22], $0x200  }
0x30: {  	[sflag:s22] =	ssyncset.done @!p2 $0x0  }
0x31: {  	s19 =	simm.s32 @!p2 $0x20;
	s21 =	simm.s32 @!p2 $0x4400;
	[sflag:s22] =	ssyncadd.s32 @!p2 $0xFFFFFE00  }
0x32: {  	[tilespmem:s21], [sflag:$0x3] =	stream.indirect.gather @!p2 [hbm4b:s5+s19], $0x100, s23, s19, $0xb8;
	[tilespmem:$0x1CE00] =	vst v63  }
0x33: {  	s24 =	simm.s32 @!p2 $0x300;
	s22 =	simm.s32 @!p1 $0x1;
	s23 =	simm.s32 @!p2 $0x6400  }
0x34: {  	[tilespmem:s23], [sflag:$0x4] =	stream.indirect.gather @!p2 [hbm4b:s5+s19], $0x100, s24, s19, $0xb8;
	[tilespmem:$0x1CE00] =	vst v63  }
0x35: {  	_ =	swait.ge @!p1 [sflag:s22], $0x2000  }
0x36: {  	[sflag:s22] =	ssyncset.done @!p1 $0x0  }
0x37: {  	s25 =	simm.s32 @!p1 $0x2;
	s24 =	simm.s32 @!p1 $0x80;
	[sflag:s22] =	ssyncadd.s32 @!p1 $0xFFFFE000  }
0x38: {  	[spmem:s3] =	stream.indirect.scatter.add.f32 @!p1 [tilespmem:s1], [sflag:$0x5], $0x100, s24, s0, $0xb8;
	[tilespmem:$0x1CE00] =	vst v63  }
0x39: {  	_ =	swait.ge @!p1 [sflag:s25], $0x2000  }
0x3a: {  	[sflag:s25] =	ssyncset.done @!p1 $0x0  }
0x3b: {  	s22 =	simm.s32 @!p2 $0x3;
	s1 =	simm.s32 @!p1 $0x180;
	[sflag:s25] =	ssyncadd.s32 @!p1 $0xFFFFE000  }
0x3c: {  	[spmem:s3] =	stream.indirect.scatter.add.f32 @!p1 [tilespmem:s20], [sflag:$0x6], $0x100, s1, s0, $0xb8;
	[tilespmem:$0x1CE00] =	vst v63  }
0x3d: {  	_ =	swait.ge @!p2 [sflag:s22], $0x2000  }
0x3e: {  	[sflag:s22] =	ssyncset.done @!p2 $0x0  }
0x3f: {  	s0 =	simm.s32 @!p2 $0x280;
	s1 =	simm.s32 @!p2 $0x4;
	[sflag:s22] =	ssyncadd.s32 @!p2 $0xFFFFE000  }
0x40: {  	[spmem:s3] =	stream.indirect.scatter.add.f32 @!p2 [tilespmem:s21], [sflag:$0x7], $0x100, s0, s19, $0xb8;
	[tilespmem:$0x1CE00] =	vst v63  }
0x41: {  	_ =	swait.ge @!p2 [sflag:s1], $0x2000  }
0x42: {  	[sflag:s1] =	ssyncset.done @!p2 $0x0  }
0x43: {  	s0 =	simm.s32 @!p2 $0x380;
	[sflag:s1] =	ssyncadd.s32 @!p2 $0xFFFFE000  }
0x44: {  	[spmem:s3] =	stream.indirect.scatter.add.f32 @!p2 [tilespmem:s23], [sflag:$0x8], $0x100, s0, s19, $0xb8;
	[tilespmem:$0x1CE00] =	vst v63  }
.LBB2_13:
0x45: {  	p1 =	slt.s32 s18, $0x1  }
0x46: {  	s0 =	simm.s32 @!p1 $0x5  }
0x47: {  	_ =	swait.ge @!p1 [sflag:s0], $0x2000  }
0x48: {  	[sflag:s0] =	ssyncset.done @!p1 $0x0  }
0x49: {  	[sflag:s0] =	ssyncadd.s32 @!p1 $0xFFFFE000;
	s0 =	simm.s32 @!p1 $0x6  }
0x4a: {  	p2 =	seq.s32 @!p1 s18, $0x1;
	_ =	swait.ge @!p1 [sflag:s0], $0x2000  }
0x4b: {  	p2 =	por p2, p1;
	[sflag:s0] =	ssyncset.done @!p1 $0x0  }
0x4c: {  	[sflag:s0] =	ssyncadd.s32 @!p1 $0xFFFFE000;
	s0 =	simm.s32 @!p2 $0x7  }
0x4d: {  	_ =	swait.ge @!p2 [sflag:s0], $0x2000  }
0x4e: {  	[sflag:s0] =	ssyncset.done @!p2 $0x0  }
0x4f: {  	[sflag:s0] =	ssyncadd.s32 @!p2 $0xFFFFE000;
	s0 =	simm.s32 @!p2 $0x8  }
0x50: {  	_ =	swait.ge @!p2 [sflag:s0], $0x2000  }
0x51: {  	s17 =	sadd.s32 $0x1, s17;
	[sflag:s0] =	ssyncset.done @!p2 $0x0  }
0x52: {  	p1 =	sne.s32 s17, s11;
	[sflag:s0] =	ssyncadd.s32 @!p2 $0xFFFFE000  }
.Ltmp1:
0x53: {  	[bflag:$0x0] =	sbarrier.arrive $0xFFFF;
	(pc) =	sbr.rel @!p1 .LBB2_14-.Ltmp1, $4  }
0x54: {  	[hbm:s10], [sflag:s7] =	dma.local [spmem:s12], $0x2900  }
0x55: {  	_ =	swait.ge [sflag:s13], $0x2900  }
0x56: {  	[sflag:s13] =	ssyncset.done $0x0  }
0x57: {  	[sflag:s13] =	ssyncadd.s32 $0xFFFFD700  }
.LBB2_1:
0x58: {  	[spmem:s12], [sflag:s7] =	dma.local [hbm:s6], $0x2900  }
0x59: {  	_ =	swait.ge [sflag:s13], $0x2900  }
0x5a: {  	[sflag:s13] =	ssyncset.done $0x0  }
0x5b: {  	[sflag:s13] =	ssyncadd.s32 $0xFFFFD700  }
0x5c: {  	[tilespmem:s14], [sflag:$0x9] =	stream.linear.gather [hbm4b:s2+s4], $0x200, $0x38;
	[tilespmem:$0x1CE00] =	vst v63  }
0x5d: {  	_ =	swait.ge [sflag:s13], $0x200  }
0x5e: {  	[sflag:s13] =	ssyncset.done $0x0  }
0x5f: {  	[sflag:s13] =	ssyncadd.s32 $0xFFFFFE00  }
0x60: {  	[bflag:$0x0] =	sbarrier.arrive $0xFFFF  }
0x61: {  	v0 =	vld [tilespmem:s15+$0x8400];
	_ =	sdelay $0x4  }
0x62: {  	(v2sf) =	vpush v0, $0x0  }
0x63: {  	(v2sf) =	vpush v0, $0x1;
	_ =	sdelay $0xd  }
0x64: {  	s19 =	spop (v2sf)  }
0x65: {  	s18 =	spop (v2sf)  }
0x66: {  	s18 =	smov.u32 @p0 s19  }
0x67: {  	s20 =	simm.s32 $0x1;
	s19 =	sadd.s32 $0x1, s18;
	p1 =	slt.u32 s18, $0x7FFFFFFF  }
0x68: {  	s20 =	simm.s32 @!p1 $0x0;
	s21 =	sshra.s32 s19, $0x1F  }
0x69: {  	s30 =	sand.u32 $0x1, s19;
	s20 =	sadd.s32 s20, s21  }
0x6a: {  	p2 =	seq.s32 s30, $0x1;
	p6 =	sne.s32 s20, $0x1  }
0x6b: {  	s31 =	sshrl.u32 s19, $0x1F;
	p1 =	por !p6, !p2  }
0x6c: {  	s19 =	sadd.s32 s31, s19;
	s20 =	simm.s32 $0x1;
	p1 =	por !p1, !p1  }
0x6d: {  	s19 =	sshra.s32 s19, $0x1;
	s20 =	simm.s32 @!p1 $0x0  }
0x6e: {  	s19 =	ssub.s32 s19, s20  }
0x6f: {  	p1 =	slt.s32 s19, $0x1  }
.Ltmp2:
0x70: {  	_ = 	snop;
	(pc) =	sbr.rel @p1 .LBB2_7-.Ltmp2, $1  }
0x71: {  	_ =	sdelay $0x3  }
0x72: {  	s19 =	sadd.s32 $0xFFFFFFFF, s19  }
0x73: {  	p2 =	sne.s32 s19, $0x0  }
.Ltmp3:
0x74: {  	_ = 	snop;
	(pc) =	sbr.rel @!p2 .LBB2_3-.Ltmp3, $3  }
0x75: {  	_ =	sdelay $0x1  }
0x76: {  	p1 =	sge.s32 s4, s18  }
0x77: {  	p3 =	por $0x0, $0x0;
	p5 =	seq.s32 @!p1 s4, $0x0  }
0x78: {  	p2 =	por p5, p1  }
0x79: {  	s20 =	simm.s32 @!p2 $0x5  }
0x7a: {  	_ =	swait.ge @!p2 [sflag:s20], $0x2000  }
0x7b: {  	[sflag:s20] =	ssyncset.done @!p2 $0x0  }
0x7c: {  	s21 =	simm.s32 @!p2 $0x6;
	[sflag:s20] =	ssyncadd.s32 @!p2 $0xFFFFE000  }
0x7d: {  	_ =	swait.ge @!p2 [sflag:s21], $0x2000  }
0x7e: {  	s22 =	simm.s32 @!p1 $0x9;
	s20 =	sand.u32 @!p1 $0x1FFFFF80, s4;
	[sflag:s21] =	ssyncset.done @!p2 $0x0  }
0x7f: {  	s23 =	simm.s32 @!p1 $0x0;
	s20 =	sadd.s32 @!p1 s20, s8;
	[sflag:s21] =	ssyncadd.s32 @!p2 $0xFFFFE000  }
0x80: {  	[tilespmem:s23], [sflag:$0x9] =	stream.linear.gather @!p1 [hbm4b:s20+s23], $0x200, $0x38;
	[tilespmem:$0x1CE00] =	vst v63  }
0x81: {  	s31 =	sadd.s32 $0x1, s4;
	_ =	swait.ge @!p1 [sflag:s22], $0x200  }
0x82: {  	s24 =	simm.s32 @!p1 $0x400;
	p2 =	sge.s32 s31, s18;
	[sflag:s22] =	ssyncset.done @!p1 $0x0  }
0x83: {  	s26 =	simm.s32 @!p1 $0x20;
	p3 =	seq.s32 @!p2 s4, $0x0;
	[sflag:s22] =	ssyncadd.s32 @!p1 $0xFFFFFE00  }
0x84: {  	[tilespmem:s24], [sflag:$0x1] =	stream.indirect.gather @!p1 [hbm4b:s5+s26], $0x100, s23, s26, $0xb8;
	[tilespmem:$0x1CE00] =	vst v63  }
0x85: {  	s28 =	simm.s32 @!p1 $0x2400;
	s20 =	simm.s32 @!p1 $0x100;
	p3 =	por p3, p2  }
0x86: {  	[tilespmem:s28], [sflag:$0x2] =	stream.indirect.gather @!p1 [hbm4b:s5+s26], $0x100, s20, s26, $0xb8;
	[tilespmem:$0x1CE00] =	vst v63  }
0x87: {  	s20 =	simm.s32 @!p3 $0x7  }
0x88: {  	_ =	swait.ge @!p3 [sflag:s20], $0x2000  }
0x89: {  	[sflag:s20] =	ssyncset.done @!p3 $0x0  }
0x8a: {  	s21 =	sadd.s32 @!p2 $0x40, s4;
	[sflag:s20] =	ssyncadd.s32 @!p3 $0xFFFFE000;
	s20 =	simm.s32 @!p3 $0x8  }
0x8b: {  	s21 =	sand.u32 @!p2 $0x1FFFFFC0, s21;
	_ =	swait.ge @!p3 [sflag:s20], $0x2000  }
0x8c: {  	s21 =	sadd.s32 @!p2 s21, s8;
	s22 =	simm.s32 @!p2 $0x9;
	[sflag:s20] =	ssyncset.done @!p3 $0x0  }
0x8d: {  	s23 =	simm.s32 @!p2 $0x200;
	[sflag:s20] =	ssyncadd.s32 @!p3 $0xFFFFE000;
	s20 =	simm.s32 @!p2 $0x0  }
0x8e: {  	[tilespmem:s23], [sflag:$0x9] =	stream.linear.gather @!p2 [hbm4b:s21+s20], $0x200, $0x38;
	[tilespmem:$0x1CE00] =	vst v63  }
0x8f: {  	_ =	swait.ge @!p2 [sflag:s22], $0x200  }
0x90: {  	[sflag:s22] =	ssyncset.done @!p2 $0x0  }
0x91: {  	s25 =	simm.s32 @!p2 $0x4400;
	[sflag:s22] =	ssyncadd.s32 @!p2 $0xFFFFFE00;
	s22 =	simm.s32 @!p2 $0x20  }
0x92: {  	[tilespmem:s25], [sflag:$0x3] =	stream.indirect.gather @!p2 [hbm4b:s5+s22], $0x100, s23, s22, $0xb8;
	[tilespmem:$0x1CE00] =	vst v63  }
0x93: {  	s20 =	simm.s32 @!p1 $0x1;
	s21 =	simm.s32 @!p2 $0x300;
	s23 =	simm.s32 @!p2 $0x6400  }
0x94: {  	[tilespmem:s23], [sflag:$0x4] =	stream.indirect.gather @!p2 [hbm4b:s5+s22], $0x100, s21, s22, $0xb8;
	[tilespmem:$0x1CE00] =	vst v63  }
0x95: {  	_ =	swait.ge @!p1 [sflag:s20], $0x2000  }
0x96: {  	s29 =	simm.s32 @!p1 $0x2;
	[sflag:s20] =	ssyncset.done @!p1 $0x0  }
0x97: {  	s21 =	sadd.s32 $0xFFFFFFFF, s19;
	s19 =	simm.s32 @!p1 $0x80;
	[sflag:s20] =	ssyncadd.s32 @!p1 $0xFFFFE000  }
0x98: {  	[spmem:s3] =	stream.indirect.scatter.add.f32 @!p1 [tilespmem:s24], [sflag:$0x5], $0x100, s19, s26, $0xb8;
	[tilespmem:$0x1CE00] =	vst v63  }
0x99: {  	p3 =	por $0x1, $0x1;
	p4 =	sne.s32 s21, $0x0;
	_ =	swait.ge @!p1 [sflag:s29], $0x2000  }
.Ltmp4:
0x9a: {  	s20 =	sadd.s32 $0x2, s4;
	[sflag:s29] =	ssyncset.done @!p1 $0x0;
	(pc) =	sbr.rel @!p4 .LBB2_6-.Ltmp4, $4  }
0x9b: {  	s19 =	simm.s32 @!p1 $0x180;
	[sflag:s29] =	ssyncadd.s32 @!p1 $0xFFFFE000;
	s29 =	simm.s32 @!p2 $0x3  }
0x9c: {  	[spmem:s3] =	stream.indirect.scatter.add.f32 @!p1 [tilespmem:s28], [sflag:$0x6], $0x100, s19, s26, $0xb8;
	[tilespmem:$0x1CE00] =	vst v63  }
0x9d: {  	s24 =	simm.s32 @!p2 $0x280;
	p1 =	sge.s32 s20, s18;
	_ =	swait.ge @!p2 [sflag:s29], $0x2000  }
0x9e: {  	s19 =	sadd.s32 $0x80, s4;
	p5 =	seq.s32 @!p1 s20, $0x0;
	[sflag:s29] =	ssyncset.done @!p2 $0x0  }
.LBB2_5:
0x9f: {  	s21 =	sadd.s32 $0xFFFFFFFF, s21;
	[sflag:s29] =	ssyncadd.s32 @!p2 $0xFFFFE000;
	s26 =	simm.s32 @!p2 $0x4  }
0xa0: {  	[spmem:s3] =	stream.indirect.scatter.add.f32 @!p2 [tilespmem:s25], [sflag:$0x7], $0x100, s24, s22, $0xb8;
	[tilespmem:$0x1CE00] =	vst v63  }
0xa1: {  	p5 =	por p5, p1;
	p4 =	sne.s32 s21, $0x0;
	_ =	swait.ge @!p2 [sflag:s26], $0x2000  }
0xa2: {  	s24 =	simm.s32 @!p5 $0x5;
	[sflag:s26] =	ssyncset.done @!p2 $0x0  }
0xa3: {  	s25 =	simm.s32 @!p2 $0x380;
	[sflag:s26] =	ssyncadd.s32 @!p2 $0xFFFFE000  }
0xa4: {  	[spmem:s3] =	stream.indirect.scatter.add.f32 @!p2 [tilespmem:s23], [sflag:$0x8], $0x100, s25, s22, $0xb8;
	[tilespmem:$0x1CE00] =	vst v63  }
0xa5: {  	s22 =	sand.u32 @!p1 $0x1FFFFF80, s19;
	_ =	swait.ge @!p5 [sflag:s24], $0x2000  }
0xa6: {  	s23 =	simm.s32 @!p5 $0x6;
	s25 =	simm.s32 @!p1 $0x9;
	[sflag:s24] =	ssyncset.done @!p5 $0x0  }
0xa7: {  	s22 =	sadd.s32 @!p1 s22, s8;
	[sflag:s24] =	ssyncadd.s32 @!p5 $0xFFFFE000;
	s24 =	simm.s32 @!p1 $0x0  }
0xa8: {  	_ =	swait.ge @!p5 [sflag:s23], $0x2000  }
0xa9: {  	[sflag:s23] =	ssyncset.done @!p5 $0x0  }
0xaa: {  	s26 =	simm.s32 @!p1 $0x2400;
	[sflag:s23] =	ssyncadd.s32 @!p5 $0xFFFFE000;
	s23 =	sadd.s32 $0x1, s20  }
0xab: {  	[tilespmem:s24], [sflag:$0x9] =	stream.linear.gather @!p1 [hbm4b:s22+s24], $0x200, $0x38;
	[tilespmem:$0x1CE00] =	vst v63  }
0xac: {  	s29 =	simm.s32 @!p1 $0x400;
	p2 =	sge.s32 s23, s18;
	_ =	swait.ge @!p1 [sflag:s25], $0x200  }
0xad: {  	p5 =	seq.s32 @!p2 s20, $0x0;
	s22 =	sadd.s32 @!p2 $0x40, s19;
	[sflag:s25] =	ssyncset.done @!p1 $0x0  }
0xae: {  	s28 =	simm.s32 @!p1 $0x20;
	s22 =	sand.u32 @!p2 $0x1FFFFFC0, s22;
	[sflag:s25] =	ssyncadd.s32 @!p1 $0xFFFFFE00  }
0xaf: {  	[tilespmem:s29], [sflag:$0x1] =	stream.indirect.gather @!p1 [hbm4b:s5+s28], $0x100, s24, s28, $0xb8;
	[tilespmem:$0x1CE00] =	vst v63  }
0xb0: {  	s23 =	simm.s32 @!p1 $0x100;
	p5 =	por p5, p2;
	s22 =	sadd.s32 @!p2 s22, s8  }
0xb1: {  	[tilespmem:s26], [sflag:$0x2] =	stream.indirect.gather @!p1 [hbm4b:s5+s28], $0x100, s23, s28, $0xb8;
	[tilespmem:$0x1CE00] =	vst v63  }
0xb2: {  	s24 =	simm.s32 @!p2 $0x280;
	s23 =	simm.s32 @!p5 $0x7  }
0xb3: {  	_ =	swait.ge @!p5 [sflag:s23], $0x2000  }
0xb4: {  	[sflag:s23] =	ssyncset.done @!p5 $0x0  }
0xb5: {  	[sflag:s23] =	ssyncadd.s32 @!p5 $0xFFFFE000;
	s23 =	simm.s32 @!p5 $0x8  }
0xb6: {  	_ =	swait.ge @!p5 [sflag:s23], $0x2000  }
0xb7: {  	s25 =	simm.s32 @!p2 $0x9;
	[sflag:s23] =	ssyncset.done @!p5 $0x0  }
0xb8: {  	s30 =	simm.s32 @!p2 $0x200;
	[sflag:s23] =	ssyncadd.s32 @!p5 $0xFFFFE000;
	s23 =	simm.s32 @!p2 $0x0  }
0xb9: {  	[tilespmem:s30], [sflag:$0x9] =	stream.linear.gather @!p2 [hbm4b:s22+s23], $0x200, $0x38;
	[tilespmem:$0x1CE00] =	vst v63  }
0xba: {  	s31 =	simm.s32 @!p1 $0x1;
	_ =	swait.ge @!p2 [sflag:s25], $0x200  }
0xbb: {  	s23 =	simm.s32 @!p2 $0x6400;
	[sflag:s25] =	ssyncset.done @!p2 $0x0  }
0xbc: {  	s22 =	simm.s32 @!p2 $0x20;
	[sflag:s25] =	ssyncadd.s32 @!p2 $0xFFFFFE00;
	s25 =	simm.s32 @!p2 $0x4400  }
0xbd: {  	[tilespmem:s25], [sflag:$0x3] =	stream.indirect.gather @!p2 [hbm4b:s5+s22], $0x100, s30, s22, $0xb8;
	[tilespmem:$0x1CE00] =	vst v63  }
0xbe: {  	s0 =	simm.s32 @!p1 $0x80;
	s1 =	simm.s32 @!p1 $0x2;
	s30 =	simm.s32 @!p2 $0x300  }
0xbf: {  	[tilespmem:s23], [sflag:$0x4] =	stream.indirect.gather @!p2 [hbm4b:s5+s22], $0x100, s30, s22, $0xb8;
	[tilespmem:$0x1CE00] =	vst v63  }
0xc0: {  	_ =	swait.ge @!p1 [sflag:s31], $0x2000  }
0xc1: {  	[sflag:s31] =	ssyncset.done @!p1 $0x0  }
0xc2: {  	s30 =	simm.s32 @!p1 $0x180;
	[sflag:s31] =	ssyncadd.s32 @!p1 $0xFFFFE000  }
0xc3: {  	[spmem:s3] =	stream.indirect.scatter.add.f32 @!p1 [tilespmem:s29], [sflag:$0x5], $0x100, s0, s28, $0xb8;
	[tilespmem:$0x1CE00] =	vst v63  }
0xc4: {  	_ =	swait.ge @!p1 [sflag:s1], $0x2000  }
.Ltmp5:
0xc5: {  	[sflag:s1] =	ssyncset.done @!p1 $0x0;
	(pc) =	sbr.rel @p4 .LBB2_5-.Ltmp5, $4  }
0xc6: {  	s20 =	sadd.s32 $0x2, s20;
	s29 =	simm.s32 @!p2 $0x3;
	[sflag:s1] =	ssyncadd.s32 @!p1 $0xFFFFE000  }
0xc7: {  	[spmem:s3] =	stream.indirect.scatter.add.f32 @!p1 [tilespmem:s26], [sflag:$0x6], $0x100, s30, s28, $0xb8;
	[tilespmem:$0x1CE00] =	vst v63  }
0xc8: {  	s19 =	sadd.s32 $0x80, s19;
	p1 =	sge.s32 s20, s18;
	_ =	swait.ge @!p2 [sflag:s29], $0x2000  }
0xc9: {  	p5 =	seq.s32 @!p1 s20, $0x0;
	[sflag:s29] =	ssyncset.done @!p2 $0x0  }
.LBB2_6:
0xca: {  	p3 =	por p2, !p3  }
0xcb: {  	[sflag:s29] =	ssyncadd.s32 @!p3 $0xFFFFE000;
	s0 =	simm.s32 @!p3 $0x4  }
0xcc: {  	[spmem:s3] =	stream.indirect.scatter.add.f32 @!p3 [tilespmem:s25], [sflag:$0x7], $0x100, s24, s22, $0xb8;
	[tilespmem:$0x1CE00] =	vst v63  }
0xcd: {  	_ =	swait.ge @!p3 [sflag:s0], $0x2000  }
0xce: {  	p2 =	por p5, p1;
	[sflag:s0] =	ssyncset.done @!p3 $0x0  }
0xcf: {  	s1 =	simm.s32 @!p2 $0x5;
	[sflag:s0] =	ssyncadd.s32 @!p3 $0xFFFFE000;
	s0 =	simm.s32 @!p3 $0x380  }
0xd0: {  	[spmem:s3] =	stream.indirect.scatter.add.f32 @!p3 [tilespmem:s23], [sflag:$0x8], $0x100, s0, s22, $0xb8;
	[tilespmem:$0x1CE00] =	vst v63  }
0xd1: {  	_ =	swait.ge @!p2 [sflag:s1], $0x2000  }
0xd2: {  	[sflag:s1] =	ssyncset.done @!p2 $0x0  }
0xd3: {  	s0 =	simm.s32 @!p2 $0x6;
	[sflag:s1] =	ssyncadd.s32 @!p2 $0xFFFFE000  }
0xd4: {  	_ =	swait.ge @!p2 [sflag:s0], $0x2000  }
0xd5: {  	s21 =	simm.s32 @!p1 $0x9;
	s1 =	sand.u32 @!p1 $0x1FFFFF80, s19;
	[sflag:s0] =	ssyncset.done @!p2 $0x0  }
0xd6: {  	s22 =	simm.s32 @!p1 $0x0;
	s1 =	sadd.s32 @!p1 s1, s8;
	[sflag:s0] =	ssyncadd.s32 @!p2 $0xFFFFE000  }
0xd7: {  	[tilespmem:s22], [sflag:$0x9] =	stream.linear.gather @!p1 [hbm4b:s1+s22], $0x200, $0x38;
	[tilespmem:$0x1CE00] =	vst v63  }
0xd8: {  	s31 =	sadd.s32 $0x1, s20;
	_ =	swait.ge @!p1 [sflag:s21], $0x200  }
0xd9: {  	p2 =	sge.s32 s31, s18;
	s0 =	simm.s32 @!p1 $0x20;
	[sflag:s21] =	ssyncset.done @!p1 $0x0  }
0xda: {  	s1 =	simm.s32 @!p1 $0x400;
	p3 =	seq.s32 @!p2 s20, $0x0;
	[sflag:s21] =	ssyncadd.s32 @!p1 $0xFFFFFE00  }
0xdb: {  	[tilespmem:s1], [sflag:$0x1] =	stream.indirect.gather @!p1 [hbm4b:s5+s0], $0x100, s22, s0, $0xb8;
	[tilespmem:$0x1CE00] =	vst v63  }
0xdc: {  	s20 =	simm.s32 @!p1 $0x2400;
	p3 =	por p3, p2;
	s21 =	simm.s32 @!p1 $0x100  }
0xdd: {  	[tilespmem:s20], [sflag:$0x2] =	stream.indirect.gather @!p1 [hbm4b:s5+s0], $0x100, s21, s0, $0xb8;
	[tilespmem:$0x1CE00] =	vst v63  }
0xde: {  	s21 =	simm.s32 @!p3 $0x7  }
0xdf: {  	_ =	swait.ge @!p3 [sflag:s21], $0x2000  }
0xe0: {  	[sflag:s21] =	ssyncset.done @!p3 $0x0  }
0xe1: {  	s19 =	sadd.s32 @!p2 $0x40, s19;
	[sflag:s21] =	ssyncadd.s32 @!p3 $0xFFFFE000;
	s21 =	simm.s32 @!p3 $0x8  }
0xe2: {  	s19 =	sand.u32 @!p2 $0x1FFFFFC0, s19;
	_ =	swait.ge @!p3 [sflag:s21], $0x2000  }
0xe3: {  	s23 =	simm.s32 @!p2 $0x200;
	s19 =	sadd.s32 @!p2 s19, s8;
	[sflag:s21] =	ssyncset.done @!p3 $0x0  }
0xe4: {  	s22 =	simm.s32 @!p2 $0x9;
	[sflag:s21] =	ssyncadd.s32 @!p3 $0xFFFFE000;
	s21 =	simm.s32 @!p2 $0x0  }
0xe5: {  	[tilespmem:s23], [sflag:$0x9] =	stream.linear.gather @!p2 [hbm4b:s19+s21], $0x200, $0x38;
	[tilespmem:$0x1CE00] =	vst v63  }
0xe6: {  	_ =	swait.ge @!p2 [sflag:s22], $0x200  }
0xe7: {  	[sflag:s22] =	ssyncset.done @!p2 $0x0  }
0xe8: {  	s19 =	simm.s32 @!p2 $0x20;
	s21 =	simm.s32 @!p2 $0x4400;
	[sflag:s22] =	ssyncadd.s32 @!p2 $0xFFFFFE00  }
0xe9: {  	[tilespmem:s21], [sflag:$0x3] =	stream.indirect.gather @!p2 [hbm4b:s5+s19], $0x100, s23, s19, $0xb8;
	[tilespmem:$0x1CE00] =	vst v63  }
0xea: {  	s24 =	simm.s32 @!p2 $0x300;
	s22 =	simm.s32 @!p1 $0x1;
	s23 =	simm.s32 @!p2 $0x6400  }
0xeb: {  	[tilespmem:s23], [sflag:$0x4] =	stream.indirect.gather @!p2 [hbm4b:s5+s19], $0x100, s24, s19, $0xb8;
	[tilespmem:$0x1CE00] =	vst v63  }
0xec: {  	_ =	swait.ge @!p1 [sflag:s22], $0x2000  }
0xed: {  	[sflag:s22] =	ssyncset.done @!p1 $0x0  }
0xee: {  	s25 =	simm.s32 @!p1 $0x2;
	s24 =	simm.s32 @!p1 $0x80;
	[sflag:s22] =	ssyncadd.s32 @!p1 $0xFFFFE000  }
0xef: {  	[spmem:s3] =	stream.indirect.scatter.add.f32 @!p1 [tilespmem:s1], [sflag:$0x5], $0x100, s24, s0, $0xb8;
	[tilespmem:$0x1CE00] =	vst v63  }
0xf0: {  	_ =	swait.ge @!p1 [sflag:s25], $0x2000  }
0xf1: {  	[sflag:s25] =	ssyncset.done @!p1 $0x0  }
0xf2: {  	s22 =	simm.s32 @!p2 $0x3;
	s1 =	simm.s32 @!p1 $0x180;
	[sflag:s25] =	ssyncadd.s32 @!p1 $0xFFFFE000  }
0xf3: {  	[spmem:s3] =	stream.indirect.scatter.add.f32 @!p1 [tilespmem:s20], [sflag:$0x6], $0x100, s1, s0, $0xb8;
	[tilespmem:$0x1CE00] =	vst v63  }
0xf4: {  	_ =	swait.ge @!p2 [sflag:s22], $0x2000  }
0xf5: {  	[sflag:s22] =	ssyncset.done @!p2 $0x0  }
0xf6: {  	s0 =	simm.s32 @!p2 $0x280;
	s1 =	simm.s32 @!p2 $0x4;
	[sflag:s22] =	ssyncadd.s32 @!p2 $0xFFFFE000  }
0xf7: {  	[spmem:s3] =	stream.indirect.scatter.add.f32 @!p2 [tilespmem:s21], [sflag:$0x7], $0x100, s0, s19, $0xb8;
	[tilespmem:$0x1CE00] =	vst v63  }
0xf8: {  	_ =	swait.ge @!p2 [sflag:s1], $0x2000  }
0xf9: {  	[sflag:s1] =	ssyncset.done @!p2 $0x0  }
0xfa: {  	s0 =	simm.s32 @!p2 $0x380;
	[sflag:s1] =	ssyncadd.s32 @!p2 $0xFFFFE000  }
0xfb: {  	[spmem:s3] =	stream.indirect.scatter.add.f32 @!p2 [tilespmem:s23], [sflag:$0x8], $0x100, s0, s19, $0xb8;
	[tilespmem:$0x1CE00] =	vst v63  }
.LBB2_7:
0xfc: {  	p1 =	slt.s32 s18, $0x1  }
0xfd: {  	s0 =	simm.s32 @!p1 $0x5  }
0xfe: {  	_ =	swait.ge @!p1 [sflag:s0], $0x2000  }
0xff: {  	[sflag:s0] =	ssyncset.done @!p1 $0x0  }
0x100: {  	[sflag:s0] =	ssyncadd.s32 @!p1 $0xFFFFE000;
	s0 =	simm.s32 @!p1 $0x6  }
0x101: {  	p2 =	seq.s32 @!p1 s18, $0x1;
	_ =	swait.ge @!p1 [sflag:s0], $0x2000  }
0x102: {  	p2 =	por p2, p1;
	[sflag:s0] =	ssyncset.done @!p1 $0x0  }
0x103: {  	[sflag:s0] =	ssyncadd.s32 @!p1 $0xFFFFE000;
	s0 =	simm.s32 @!p2 $0x7  }
0x104: {  	_ =	swait.ge @!p2 [sflag:s0], $0x2000  }
0x105: {  	[sflag:s0] =	ssyncset.done @!p2 $0x0  }
0x106: {  	[sflag:s0] =	ssyncadd.s32 @!p2 $0xFFFFE000;
	s0 =	simm.s32 @!p2 $0x8  }
0x107: {  	_ =	swait.ge @!p2 [sflag:s0], $0x2000  }
0x108: {  	[sflag:s0] =	ssyncset.done @!p2 $0x0  }
0x109: {  	[sflag:s0] =	ssyncadd.s32 @!p2 $0xFFFFE000  }
0x10a: {  	v0 =	vld [tilespmem:s16+$0x8400];
	_ =	sdelay $0x4  }
0x10b: {  	(v2sf) =	vpush v0, $0x0  }
0x10c: {  	(v2sf) =	vpush v0, $0x1;
	_ =	sdelay $0xd  }
0x10d: {  	s0 =	spop (v2sf)  }
0x10e: {  	s18 =	spop (v2sf)  }
0x10f: {  	s18 =	smov.u32 @p0 s0  }
0x110: {  	s1 =	simm.s32 $0x1;
	s0 =	sadd.s32 $0x1, s18;
	p1 =	slt.u32 s18, $0x7FFFFFFF  }
0x111: {  	s1 =	simm.s32 @!p1 $0x0;
	s19 =	sshra.s32 s0, $0x1F  }
0x112: {  	s30 =	sand.u32 $0x1, s0;
	s1 =	sadd.s32 s1, s19  }
0x113: {  	p6 =	seq.s32 s30, $0x1;
	p5 =	sne.s32 s1, $0x1  }
0x114: {  	s31 =	sshrl.u32 s0, $0x1F;
	p1 =	por !p5, !p6  }
0x115: {  	s0 =	sadd.s32 s31, s0;
	s1 =	simm.s32 $0x1;
	p1 =	por !p1, !p1  }
0x116: {  	s0 =	sshra.s32 s0, $0x1;
	s1 =	simm.s32 @!p1 $0x0  }
0x117: {  	s20 =	ssub.s32 s0, s1  }
0x118: {  	p1 =	slt.s32 s20, $0x1  }
.Ltmp6:
0x119: {  	_ = 	snop;
	(pc) =	sbr.rel @p1 .LBB2_13-.Ltmp6, $2  }
0x11a: {  	_ =	sdelay $0x2  }
0x11b: {  	s19 =	simm.s32 $0x0  }
0x11c: {  	s20 =	sadd.s32 $0xFFFFFFFF, s20  }
0x11d: {  	p2 =	sne.s32 s20, $0x0  }
.Ltmp7:
0x11e: {  	_ = 	snop;
	(pc) =	sbr.rel @!p2 .LBB2_9-.Ltmp7, $3  }
0x11f: {  	_ =	sdelay $0x1  }
0x120: {  	p1 =	sge.s32 s19, s18  }
0x121: {  	p3 =	por $0x0, $0x0;
	p5 =	seq.s32 @!p1 s19, $0x0  }
0x122: {  	p2 =	por p5, p1  }
0x123: {  	s0 =	simm.s32 @!p2 $0x5  }
0x124: {  	_ =	swait.ge @!p2 [sflag:s0], $0x2000  }
0x125: {  	[sflag:s0] =	ssyncset.done @!p2 $0x0  }
0x126: {  	s1 =	simm.s32 @!p2 $0x6;
	[sflag:s0] =	ssyncadd.s32 @!p2 $0xFFFFE000  }
0x127: {  	_ =	swait.ge @!p2 [sflag:s1], $0x2000  }
0x128: {  	s21 =	simm.s32 @!p1 $0x9;
	s0 =	sand.u32 @!p1 $0x1FFFFF80, s19;
	[sflag:s1] =	ssyncset.done @!p2 $0x0  }
0x129: {  	s22 =	simm.s32 @!p1 $0x0;
	s0 =	sadd.s32 @!p1 s0, s9;
	[sflag:s1] =	ssyncadd.s32 @!p2 $0xFFFFE000  }
0x12a: {  	[tilespmem:s22], [sflag:$0x9] =	stream.linear.gather @!p1 [hbm4b:s0+s22], $0x200, $0x38;
	[tilespmem:$0x1CE00] =	vst v63  }
0x12b: {  	s31 =	sadd.s32 $0x1, s19;
	_ =	swait.ge @!p1 [sflag:s21], $0x200  }
0x12c: {  	s1 =	simm.s32 @!p1 $0x400;
	p2 =	sge.s32 s31, s18;
	[sflag:s21] =	ssyncset.done @!p1 $0x0  }
0x12d: {  	p3 =	seq.s32 @!p2 s19, $0x0;
	s0 =	simm.s32 @!p1 $0x20;
	[sflag:s21] =	ssyncadd.s32 @!p1 $0xFFFFFE00  }
0x12e: {  	[tilespmem:s1], [sflag:$0x1] =	stream.indirect.gather @!p1 [hbm4b:s5+s0], $0x100, s22, s0, $0xb8;
	[tilespmem:$0x1CE00] =	vst v63  }
0x12f: {  	s26 =	simm.s32 @!p1 $0x2400;
	p3 =	por p3, p2;
	s21 =	simm.s32 @!p1 $0x100  }
0x130: {  	[tilespmem:s26], [sflag:$0x2] =	stream.indirect.gather @!p1 [hbm4b:s5+s0], $0x100, s21, s0, $0xb8;
	[tilespmem:$0x1CE00] =	vst v63  }
0x131: {  	s21 =	simm.s32 @!p3 $0x7  }
0x132: {  	_ =	swait.ge @!p3 [sflag:s21], $0x2000  }
0x133: {  	[sflag:s21] =	ssyncset.done @!p3 $0x0  }
0x134: {  	[sflag:s21] =	ssyncadd.s32 @!p3 $0xFFFFE000;
	s21 =	simm.s32 @!p3 $0x8  }
0x135: {  	s23 =	simm.s32 @!p2 $0x9;
	s22 =	sadd.s32 @!p2 $0x40, s19;
	_ =	swait.ge @!p3 [sflag:s21], $0x2000  }
0x136: {  	s24 =	simm.s32 @!p2 $0x200;
	s22 =	sand.u32 @!p2 $0x1FFFFFC0, s22;
	[sflag:s21] =	ssyncset.done @!p3 $0x0  }
0x137: {  	s22 =	sadd.s32 @!p2 s22, s9;
	[sflag:s21] =	ssyncadd.s32 @!p3 $0xFFFFE000;
	s21 =	simm.s32 @!p2 $0x0  }
0x138: {  	[tilespmem:s24], [sflag:$0x9] =	stream.linear.gather @!p2 [hbm4b:s22+s21], $0x200, $0x38;
	[tilespmem:$0x1CE00] =	vst v63  }
0x139: {  	_ =	swait.ge @!p2 [sflag:s23], $0x200  }
0x13a: {  	[sflag:s23] =	ssyncset.done @!p2 $0x0  }
0x13b: {  	s25 =	simm.s32 @!p2 $0x4400;
	s22 =	simm.s32 @!p2 $0x20;
	[sflag:s23] =	ssyncadd.s32 @!p2 $0xFFFFFE00  }
0x13c: {  	[tilespmem:s25], [sflag:$0x3] =	stream.indirect.gather @!p2 [hbm4b:s5+s22], $0x100, s24, s22, $0xb8;
	[tilespmem:$0x1CE00] =	vst v63  }
0x13d: {  	s21 =	simm.s32 @!p2 $0x300;
	s23 =	simm.s32 @!p2 $0x6400;
	s24 =	simm.s32 @!p1 $0x1  }
0x13e: {  	[tilespmem:s23], [sflag:$0x4] =	stream.indirect.gather @!p2 [hbm4b:s5+s22], $0x100, s21, s22, $0xb8;
	[tilespmem:$0x1CE00] =	vst v63  }
0x13f: {  	_ =	swait.ge @!p1 [sflag:s24], $0x2000  }
0x140: {  	s28 =	simm.s32 @!p1 $0x2;
	[sflag:s24] =	ssyncset.done @!p1 $0x0  }
0x141: {  	s21 =	sadd.s32 $0xFFFFFFFF, s20;
	s20 =	simm.s32 @!p1 $0x80;
	[sflag:s24] =	ssyncadd.s32 @!p1 $0xFFFFE000  }
0x142: {  	[spmem:s3] =	stream.indirect.scatter.add.f32 @!p1 [tilespmem:s1], [sflag:$0x5], $0x100, s20, s0, $0xb8;
	[tilespmem:$0x1CE00] =	vst v63  }
0x143: {  	s29 =	simm.s32 @!p2 $0x3;
	p4 =	sne.s32 s21, $0x0;
	_ =	swait.ge @!p1 [sflag:s28], $0x2000  }
.Ltmp8:
0x144: {  	p3 =	por $0x1, $0x1;
	[sflag:s28] =	ssyncset.done @!p1 $0x0;
	(pc) =	sbr.rel @!p4 .LBB2_12-.Ltmp8, $4  }
0x145: {  	s1 =	simm.s32 @!p1 $0x180;
	s20 =	sadd.s32 $0x2, s19;
	[sflag:s28] =	ssyncadd.s32 @!p1 $0xFFFFE000  }
0x146: {  	[spmem:s3] =	stream.indirect.scatter.add.f32 @!p1 [tilespmem:s26], [sflag:$0x6], $0x100, s1, s0, $0xb8;
	[tilespmem:$0x1CE00] =	vst v63  }
0x147: {  	s24 =	simm.s32 @!p2 $0x280;
	p1 =	sge.s32 s20, s18;
	_ =	swait.ge @!p2 [sflag:s29], $0x2000  }
0x148: {  	s19 =	sadd.s32 $0x80, s19;
	p5 =	seq.s32 @!p1 s20, $0x0;
	[sflag:s29] =	ssyncset.done @!p2 $0x0  }
.LBB2_11:
0x149: {  	s21 =	sadd.s32 $0xFFFFFFFF, s21;
	[sflag:s29] =	ssyncadd.s32 @!p2 $0xFFFFE000;
	s0 =	simm.s32 @!p2 $0x4  }
0x14a: {  	[spmem:s3] =	stream.indirect.scatter.add.f32 @!p2 [tilespmem:s25], [sflag:$0x7], $0x100, s24, s22, $0xb8;
	[tilespmem:$0x1CE00] =	vst v63  }
0x14b: {  	p5 =	por p5, p1;
	p4 =	sne.s32 s21, $0x0;
	_ =	swait.ge @!p2 [sflag:s0], $0x2000  }
0x14c: {  	s1 =	simm.s32 @!p5 $0x5;
	[sflag:s0] =	ssyncset.done @!p2 $0x0  }
0x14d: {  	[sflag:s0] =	ssyncadd.s32 @!p2 $0xFFFFE000;
	s0 =	simm.s32 @!p2 $0x380  }
0x14e: {  	[spmem:s3] =	stream.indirect.scatter.add.f32 @!p2 [tilespmem:s23], [sflag:$0x8], $0x100, s0, s22, $0xb8;
	[tilespmem:$0x1CE00] =	vst v63  }
0x14f: {  	s0 =	sand.u32 @!p1 $0x1FFFFF80, s19;
	_ =	swait.ge @!p5 [sflag:s1], $0x2000  }
0x150: {  	s22 =	simm.s32 @!p5 $0x6;
	s23 =	simm.s32 @!p1 $0x9;
	[sflag:s1] =	ssyncset.done @!p5 $0x0  }
0x151: {  	s0 =	sadd.s32 @!p1 s0, s9;
	[sflag:s1] =	ssyncadd.s32 @!p5 $0xFFFFE000;
	s1 =	simm.s32 @!p1 $0x0  }
0x152: {  	_ =	swait.ge @!p5 [sflag:s22], $0x2000  }
0x153: {  	[sflag:s22] =	ssyncset.done @!p5 $0x0  }
0x154: {  	s26 =	simm.s32 @!p1 $0x2400;
	[sflag:s22] =	ssyncadd.s32 @!p5 $0xFFFFE000;
	s22 =	sadd.s32 $0x1, s20  }
0x155: {  	[tilespmem:s1], [sflag:$0x9] =	stream.linear.gather @!p1 [hbm4b:s0+s1], $0x200, $0x38;
	[tilespmem:$0x1CE00] =	vst v63  }
0x156: {  	s29 =	simm.s32 @!p1 $0x400;
	p2 =	sge.s32 s22, s18;
	_ =	swait.ge @!p1 [sflag:s23], $0x200  }
0x157: {  	p5 =	seq.s32 @!p2 s20, $0x0;
	s0 =	sadd.s32 @!p2 $0x40, s19;
	[sflag:s23] =	ssyncset.done @!p1 $0x0  }
0x158: {  	s28 =	simm.s32 @!p1 $0x20;
	s0 =	sand.u32 @!p2 $0x1FFFFFC0, s0;
	[sflag:s23] =	ssyncadd.s32 @!p1 $0xFFFFFE00  }
0x159: {  	[tilespmem:s29], [sflag:$0x1] =	stream.indirect.gather @!p1 [hbm4b:s5+s28], $0x100, s1, s28, $0xb8;
	[tilespmem:$0x1CE00] =	vst v63  }
0x15a: {  	p5 =	por p5, p2;
	s0 =	sadd.s32 @!p2 s0, s9;
	s1 =	simm.s32 @!p1 $0x100  }
0x15b: {  	[tilespmem:s26], [sflag:$0x2] =	stream.indirect.gather @!p1 [hbm4b:s5+s28], $0x100, s1, s28, $0xb8;
	[tilespmem:$0x1CE00] =	vst v63  }
0x15c: {  	s24 =	simm.s32 @!p2 $0x280;
	s1 =	simm.s32 @!p5 $0x7  }
0x15d: {  	_ =	swait.ge @!p5 [sflag:s1], $0x2000  }
0x15e: {  	[sflag:s1] =	ssyncset.done @!p5 $0x0  }
0x15f: {  	[sflag:s1] =	ssyncadd.s32 @!p5 $0xFFFFE000;
	s1 =	simm.s32 @!p5 $0x8  }
0x160: {  	_ =	swait.ge @!p5 [sflag:s1], $0x2000  }
0x161: {  	s22 =	simm.s32 @!p2 $0x9;
	[sflag:s1] =	ssyncset.done @!p5 $0x0  }
0x162: {  	s30 =	simm.s32 @!p2 $0x200;
	[sflag:s1] =	ssyncadd.s32 @!p5 $0xFFFFE000;
	s1 =	simm.s32 @!p2 $0x0  }
0x163: {  	[tilespmem:s30], [sflag:$0x9] =	stream.linear.gather @!p2 [hbm4b:s0+s1], $0x200, $0x38;
	[tilespmem:$0x1CE00] =	vst v63  }
0x164: {  	s0 =	simm.s32 @!p1 $0x1;
	_ =	swait.ge @!p2 [sflag:s22], $0x200  }
0x165: {  	s23 =	simm.s32 @!p2 $0x6400;
	[sflag:s22] =	ssyncset.done @!p2 $0x0  }
0x166: {  	s25 =	simm.s32 @!p2 $0x4400;
	[sflag:s22] =	ssyncadd.s32 @!p2 $0xFFFFFE00;
	s22 =	simm.s32 @!p2 $0x20  }
0x167: {  	[tilespmem:s25], [sflag:$0x3] =	stream.indirect.gather @!p2 [hbm4b:s5+s22], $0x100, s30, s22, $0xb8;
	[tilespmem:$0x1CE00] =	vst v63  }
0x168: {  	s31 =	simm.s32 @!p1 $0x2;
	s1 =	simm.s32 @!p2 $0x300;
	s30 =	simm.s32 @!p1 $0x80  }
0x169: {  	[tilespmem:s23], [sflag:$0x4] =	stream.indirect.gather @!p2 [hbm4b:s5+s22], $0x100, s1, s22, $0xb8;
	[tilespmem:$0x1CE00] =	vst v63  }
0x16a: {  	_ =	swait.ge @!p1 [sflag:s0], $0x2000  }
0x16b: {  	[sflag:s0] =	ssyncset.done @!p1 $0x0  }
0x16c: {  	[sflag:s0] =	ssyncadd.s32 @!p1 $0xFFFFE000;
	s0 =	simm.s32 @!p1 $0x180  }
0x16d: {  	[spmem:s3] =	stream.indirect.scatter.add.f32 @!p1 [tilespmem:s29], [sflag:$0x5], $0x100, s30, s28, $0xb8;
	[tilespmem:$0x1CE00] =	vst v63  }
0x16e: {  	_ =	swait.ge @!p1 [sflag:s31], $0x2000  }
.Ltmp9:
0x16f: {  	[sflag:s31] =	ssyncset.done @!p1 $0x0;
	(pc) =	sbr.rel @p4 .LBB2_11-.Ltmp9, $4  }
0x170: {  	s20 =	sadd.s32 $0x2, s20;
	s29 =	simm.s32 @!p2 $0x3;
	[sflag:s31] =	ssyncadd.s32 @!p1 $0xFFFFE000  }
0x171: {  	[spmem:s3] =	stream.indirect.scatter.add.f32 @!p1 [tilespmem:s26], [sflag:$0x6], $0x100, s0, s28, $0xb8;
	[tilespmem:$0x1CE00] =	vst v63  }
0x172: {  	s19 =	sadd.s32 $0x80, s19;
	p1 =	sge.s32 s20, s18;
	_ =	swait.ge @!p2 [sflag:s29], $0x2000  }
0x173: {  	p5 =	seq.s32 @!p1 s20, $0x0;
	[sflag:s29] =	ssyncset.done @!p2 $0x0  }
.Ltmp10:
0x174: {  	_ = 	snop;
	(pc) =	sbr.rel .LBB2_12-.Ltmp10, $1  }
0x175: {  	_ =	sdelay $0x3  }
.LBB2_3:
.Ltmp11:
0x176: {  	(pc) =	sbr.rel .LBB2_6-.Ltmp11, $2  }
0x177: {  	_ =	sdelay $0x2  }
0x178: {  	s19 =	simm.s32 $0x0;
	s20 =	simm.s32 $0x0  }
.LBB2_14:
0x179: {  	_ =	sfence.sel $0x180000  }
0x17a: {  	[bflag:$0x0] =	sbarrier.arrive $0xFFFF  }
0x17b: {  	_ =	strace $0x9000004A  }
0x17c: {  	s0 =	stileid.u32;
	[bflag:$0x2] =	sbarrier.arrive $0xFFFF  }
0x17d: {  	p0 =	sne.s32 s0, $0x0;
	s0 =	rddreg [dreg:$0x3]  }
0x17e: {  	s0 =	sadd.s32 @!p0 $0x100000, s0  }
0x17f: {  	[sflag:s0] =	ssyncadd.tile.s32 @!p0 $0x1;
	_ =	shalt  }
.Lfunc_end2:
_tile_overlayer_lowered:
.L_overlay_start_2:
0x180: {  	(tag) =	ssettag $0x2  }
0x181: {  	s0 =	rddreg [dreg:$0x0];
	s2 =	stileid.u32  }
0x182: {  	s1 =	rddreg [dreg:$0x1];
	p0 =	sne.s32 s2, $0x0  }
0x183: {  	s3 =	rddreg [dreg:$0x2];
	[bflag:$0x3] =	sbarrier.arrive $0xFFFF;
	s2 =	simm.s32 @!p0 $0x1C09  }
0x184: {  	[timem:s3], [sflag:s2] =	dma.local @!p0 [hbm:s0], s1  }
0x185: {  	s0 =	simm.s32 @!p0 $0x9  }
0x186: {  	_ =	swait.ge @!p0 [sflag:s0], s1  }
0x187: {  	s1 =	ssub.s32 @!p0 $0x0, s1;
	[sflag:s0] =	ssyncset.done @!p0 $0x0  }
0x188: {  	[sflag:s0] =	ssyncadd.s32 @!p0 s1  }
0x189: {  	[bflag:$0x3] =	sbarrier.arrive $0xFFFF  }
0x18a: {  	_ =	shalt  }

// kernel: kernel.17.cloned.1.call-start
scs
__scs_entry_jumppad:
0x0: {  	(pc) =	sbr.rel $0x88, $3  }
0x1: {  	(tag) =	ssettag $0x0;
	lr =	simm.s32 $0x1  }
0x2: {  	[smem:$0x3F8C] =	sst lr;
	_ =	strace $0xD0000000  }
0x3: {  	_ = 	snop  }
0x4: {  	_ = 	snop  }
0x5: {  	_ = 	snop  }
0x6: {  	_ = 	snop  }
0x7: {  	_ = 	snop  }
__scs_overlays_trampoline_lowered:
0x8: {  	[smem:$0x3F9B] =	sst s0  }
0x9: {  	[smem:$0x3F9C] =	sst s1  }
0xa: {  	[smem:$0x3F9D] =	sst s2  }
0xb: {  	[smem:$0x3F9E] =	sst s3  }
0xc: {  	[smem:$0x3F9F] =	sst s4  }
0xd: {  	[smem:$0x3FA0] =	sst s5  }
0xe: {  	[smem:$0x3FA1] =	sst s6  }
0xf: {  	[smem:$0x3FA2] =	sst s7  }
0x10: {  	[smem:$0x3FA3] =	sst s8  }
0x11: {  	[smem:$0x3FA4] =	sst s9;
	s0 =	simm.s32 @!p0 $0x0  }
0x12: {  	s1 =	sld [smem:$0x3F8A];
	s0 =	simm.s32 @p0 $0x1  }
0x13: {  	[smem:$0x3FA5] =	sst s0;
	s0 =	simm.s32 @!p1 $0x0  }
0x14: {  	s2 =	sld [smem:$0x3F89];
	s0 =	simm.s32 @p1 $0x1  }
0x15: {  	[smem:$0x3FA6] =	sst s0;
	s0 =	simm.s32 @!p2 $0x0  }
0x16: {  	s3 =	sld [smem:$0x3FDB];
	s0 =	simm.s32 @p2 $0x1  }
0x17: {  	s4 =	simm.s32 $0x1BF5;
	[smem:$0x3FA8] =	sst s0  }
0x18: {  	s0 =	sld [smem:$0x3F8B];
	_ =	swait.ge [sflag:s4], $0x0  }
0x19: {  	s7 =	sld [smem:$0x3F8C]  }
0x1a: {  	s8 =	sadd.s32 $0xFFFFE003, lr  }
0x1b: {  	s9 =	sadd.s32 $0xFFFFFEF7, lr;
	s5 =	simm.s32 $0xFFFFFFFF;
	p2 =	slt.u32 s8, $0xFFFFF086  }
0x1c: {  	p1 =	slt.u32 s9, $0xF7A;
	s5 =	simm.s32 @!p2 $0x0  }
0x1d: {  	s5 =	simm.s32 @p1 $0x1;
	p0 =	seq.s32 s7, s2  }
0x1e: {  	s7 =	smul.u32 @!p0 $0xF7A, s2;
	p2 =	seq.s32 @!p0 s5, $0x0  }
0x1f: {  	s9 =	smul.u32 $0xF7A, s1;
	s8 =	simm.s32 @!p0 $0x1BF5;
	p2 =	por !p2, p0  }
0x20: {  	[sflag:s8] =	ssyncset.s32 @!p0 $0xFFFFF086;
	s6 =	sadd.s32 @!p0 s3, s7;
	s7 =	simm.s32 @!p0 $0x108  }
0x21: {  	s3 =	sadd.s32 s3, s9;
	s6 =	sadd.s32 @!p0 $0x88, s6;
	s7 =	simm.s32 @p2 $0x1082  }
0x22: {  	[simem:s7], [sflag:s8] =	dma.local @!p0 [hbm:s6], $0xF7A  }
0x23: {  	s9 =	sor.u32 $0xD0000000, s2;
	s6 =	simm.s32 $0x108;
	_ =	swait.ge @!p0 [sflag:s8], $0x0  }
0x24: {  	s3 =	sadd.s32 $0x88, s3;
	s6 =	simm.s32 @!p1 $0x1082;
	[sflag:s4] =	ssyncset.s32 $0xFFFFF086  }
0x25: {  	[simem:s6], [sflag:s4] =	dma.local [hbm:s3], $0xF7A  }
0x26: {  	[smem:$0x3F8C] =	sst s1;
	(tag) =	ssettag s2;
	_ =	strace s9  }
0x27: {  	s1 =	sld [smem:$0x3F9C]  }
0x28: {  	s2 =	sld [smem:$0x3F9D]  }
0x29: {  	s4 =	sld [smem:$0x3F9F]  }
0x2a: {  	p0 =	seq.s32 s5, $0x0;
	s5 =	sld [smem:$0x3FA0]  }
0x2b: {  	s6 =	sld [smem:$0x3FA1]  }
0x2c: {  	s7 =	sld [smem:$0x3FA2]  }
0x2d: {  	s3 =	simm.s32 $0x108;
	s8 =	sld [smem:$0x3FA3]  }
0x2e: {  	s3 =	simm.s32 @!p0 $0x1082;
	s9 =	sld [smem:$0x3FA4]  }
0x2f: {  	lr =	sadd.s32 s0, s3;
	s0 =	sld [smem:$0x3F9B]  }
0x30: {  	s3 =	sld [smem:$0x3F9E]  }
0x31: {  	[smem:$0x3FA7] =	sst s10  }
0x32: {  	s10 =	sld [smem:$0x3FA5];
	_ =	sdelay $0x3  }
0x33: {  	p0 =	seq.s32 s10, $0x1;
	s10 =	sld [smem:$0x3FA7];
	_ =	sdelay $0x3  }
0x34: {  	[smem:$0x3FA7] =	sst s10  }
0x35: {  	s10 =	sld [smem:$0x3FA6];
	_ =	sdelay $0x3  }
0x36: {  	p1 =	seq.s32 s10, $0x1;
	s10 =	sld [smem:$0x3FA7];
	_ =	sdelay $0x3  }
0x37: {  	[smem:$0x3FA7] =	sst s10  }
0x38: {  	s10 =	sld [smem:$0x3FA8]  }
0x39: {  	_ = 	snop;
	(pc) =	sbr.ind lr, $3  }
0x3a: {  	_ = 	snop  }
0x3b: {  	_ = 	snop  }
0x3c: {  	p2 =	seq.s32 s10, $0x1;
	s10 =	sld [smem:$0x3FA7]  }
0x3d: {  	_ =	shalt  }
0x3e: {  	_ =	shalt  }
0x3f: {  	_ =	shalt  }
0x40: {  	_ =	shalt  }
0x41: {  	_ =	shalt  }
0x42: {  	_ =	shalt  }
0x43: {  	_ =	shalt  }
0x44: {  	_ =	shalt  }
0x45: {  	_ =	shalt  }
0x46: {  	_ =	shalt  }
0x47: {  	_ =	shalt  }
0x48: {  	_ =	shalt  }
0x49: {  	_ =	shalt  }
0x4a: {  	_ =	shalt  }
0x4b: {  	_ =	shalt  }
0x4c: {  	_ =	shalt  }
0x4d: {  	_ =	shalt  }
0x4e: {  	_ =	shalt  }
0x4f: {  	_ =	shalt  }
0x50: {  	_ =	shalt  }
0x51: {  	_ =	shalt  }
0x52: {  	_ =	shalt  }
0x53: {  	_ =	shalt  }
0x54: {  	_ =	shalt  }
0x55: {  	_ =	shalt  }
0x56: {  	_ =	shalt  }
0x57: {  	_ =	shalt  }
0x58: {  	_ =	shalt  }
0x59: {  	_ =	shalt  }
0x5a: {  	_ =	shalt  }
0x5b: {  	_ =	shalt  }
0x5c: {  	_ =	shalt  }
0x5d: {  	_ =	shalt  }
0x5e: {  	_ =	shalt  }
0x5f: {  	_ =	shalt  }
0x60: {  	_ =	shalt  }
0x61: {  	_ =	shalt  }
0x62: {  	_ =	shalt  }
0x63: {  	_ =	shalt  }
0x64: {  	_ =	shalt  }
0x65: {  	_ =	shalt  }
0x66: {  	_ =	shalt  }
0x67: {  	_ =	shalt  }
0x68: {  	_ =	shalt  }
0x69: {  	_ =	shalt  }
0x6a: {  	_ =	shalt  }
0x6b: {  	_ =	shalt  }
0x6c: {  	_ =	shalt  }
0x6d: {  	_ =	shalt  }
0x6e: {  	_ =	shalt  }
0x6f: {  	_ =	shalt  }
0x70: {  	_ =	shalt  }
0x71: {  	_ =	shalt  }
0x72: {  	_ =	shalt  }
0x73: {  	_ =	shalt  }
0x74: {  	_ =	shalt  }
0x75: {  	_ =	shalt  }
0x76: {  	_ =	shalt  }
0x77: {  	_ =	shalt  }
0x78: {  	_ =	shalt  }
0x79: {  	_ =	shalt  }
0x7a: {  	_ =	shalt  }
0x7b: {  	_ =	shalt  }
0x7c: {  	_ =	shalt  }
0x7d: {  	_ =	shalt  }
0x7e: {  	_ =	shalt  }
0x7f: {  	_ =	shalt  }
0x80: {  	_ =	shalt  }
0x81: {  	_ =	shalt  }
0x82: {  	_ =	shalt  }
0x83: {  	_ =	shalt  }
0x84: {  	_ =	shalt  }
0x85: {  	_ =	shalt  }
0x86: {  	_ =	shalt  }
0x87: {  	_ =	shalt  }
.Lfunc_end0:
.L_simem_size_0:
called_computation.2_lowered:
.L_overlay_start_0:
0x88: {  	s2 =	sld [smem:$0x3FD9]  }
0x89: {  	s3 =	sld [smem:$0x3FFE];
	_ =	sdelay $0x1  }
0x8a: {  	s1 =	srdreg.scid  }
0x8b: {  	s0 =	sand.u32 $0x1, s1  }
0x8c: {  	s17 =	sshll.u32 s0, $0xA;
	s2 =	sadd.s32 s3, s2  }
0x8d: {  	s2 =	sadd.s32 s2, s17  }
0x8e: {  	[smem:$0x3FB3] =	sst s2  }
0x8f: {  	_ = 	snop  }
0x90: {  	s2 =	sld [smem:$0x3FD0];
	(tm) =	ssettm $0x1  }
0x91: {  	s18 =	sld [smem:$0x3FFB];
	_ =	sdelay $0x3  }
0x92: {  	_ =	strace s18  }
0x93: {  	s3 =	sld [smem:$0x3FFC];
	_ =	sdelay $0x3  }
0x94: {  	_ =	strace s3  }
0x95: {  	s3 =	sld [smem:$0x3FFD];
	_ =	sdelay $0x3  }
0x96: {  	_ =	strace s3  }
0x97: {  	_ =	strace $0x8FFFFFFF  }
0x98: {  	s19 =	sld [smem:$0x3FDB];
	_ =	sdelay $0x1  }
0x99: {  	s4 =	simm.s32 $_scs_section_size  }
0x9a: {  	s5 =	simm.s32 $_size__tile_overlayer_lowered;
	s6 =	simm.s32 $_tile_overlayer_lowered  }
0x9b: {  	s22 =	simm.s32 $0x1BFF;
	s21 =	sshll.u32 s6, $0x1;
	s3 =	sadd.s32 s4, s19  }
0x9c: {  	s7 =	simm.s32 $0x0;
	s20 =	sshll.u32 s5, $0x1;
	s5 =	sadd.s32 s21, s3  }
0x9d: {  	[timem:s7], [sflag:s22] =	dma.local [hbm:s5], s20  }
0x9e: {  	_ =	swait.ge [sflag:s22], s20  }
0x9f: {  	s4 =	ssub.s32 $0x0, s20;
	[sflag:s22] =	ssyncset.done $0x0  }
0xa0: {  	[sflag:s22] =	ssyncadd.s32 s4;
	_ =	sdelay $0x1  }
0xa1: {  	s23 =	simm.s32 $0x1B8B  }
0xa2: {  	_ =	swait.ge [sflag:s23], $0x1  }
0xa3: {  	[sflag:s23] =	ssyncset.done $0x0  }
0xa4: {  	s25 =	simm.s32 $0x1B8E;
	s24 =	sld [smem:$0x3FFE];
	[sflag:s23] =	ssyncadd.s32 $0xFFFFFFFF  }
0xa5: {  	s26 =	simm.s32 $execute0_lowered;
	[smem:$0x3FD2] =	sst s25  }
0xa6: {  	s5 =	sshll.u32 s26, $0x1;
	_ =	strace $0x8000004C;
	[dreg:$0x1] =	wrdreg $0xFFFFFFFF  }
0xa7: {  	s28 =	simm.s32 $_size_execute0_lowered;
	s3 =	sadd.s32 s3, s5;
	[dreg:$0x0] =	wrdreg $0x0  }
0xa8: {  	s5 =	sshll.u32 s28, $0x1;
	[dreg:$0x2] =	wrdreg s3  }
0xa9: {  	[dreg:$0x3] =	wrdreg s5  }
0xaa: {  	[dreg:$0x4] =	wrdreg $0xC0  }
0xab: {  	_ =	task [dreg:s7], $0x5FFFF  }
0xac: {  	[dreg:$0x1] =	wrdreg $0xFFFFFFFF  }
0xad: {  	[dreg:$0x0] =	wrdreg $0x60  }
0xae: {  	[dreg:$0x2] =	wrdreg s24  }
0xaf: {  	[dreg:$0x3] =	wrdreg s2  }
0xb0: {  	[dreg:$0x4] =	wrdreg $0x86000  }
0xb1: {  	[dreg:$0x5] =	wrdreg $0x9  }
0xb2: {  	_ =	task.clear_ibuf [dreg:s7], $0x6FFFF;
	_ =	strace $0x9000004C  }
0xb3: {  	s29 =	simm.s32 $0x9;
	_ =	strace $0x8000004E  }
0xb4: {  	_ =	swait.ge [sflag:s29], $0x1  }
0xb5: {  	[sflag:s29] =	ssyncadd.s32 $0xFFFFFFFF  }
0xb6: {  	_ =	strace $0x9000004E  }
0xb7: {  	_ =	sfence  }
0xb8: {  	s30 =	sld [smem:$0x0];
	_ =	sdelay $0x2  }
0xb9: {  	s31 =	sshll.u32 s1, $0xD;
	s1 =	sshrl.u32 s1, $0x2  }
0xba: {  	s3 =	sand.u32 $0x4000, s31;
	s1 =	sadd.s32 s1, s30  }
0xbb: {  	s0 =	sor.u32 s3, s0;
	s1 =	sshll.u32 s1, $0x11  }
0xbc: {  	s0 =	sor.u32 s1, s0  }
0xbd: {  	s0 =	sadd.s32 $0x8F2B, s0  }
0xbe: {  	[sflag:s0] =	ssyncadd.remote.s32 $0x1  }
0xbf: {  	_ =	sfence.sel $0xFFFF  }
0xc0: {  	[dreg:$0x0] =	wrdreg $0xFFFFFFFF;
	(pc) =	sbr.abs _section_cstart, $3  }
0xc1: {  	[dreg:$0x1] =	wrdreg $0xFFFFFFFF  }
0xc2: {  	_ =	task.clear_ibuf [dreg:s7], $0x2FFFF;
	_ =	strace $0x9FFFFFFF  }
0xc3: {  	(tm) =	ssettm $0x7FFFFFFF  }
tec
execute0_lowered:
.L_overlay_start_1:
0x0: {  	(tag) =	ssettag $0x1  }
0x1: {  	s7 =	rddreg [dreg:$0x0]  }
0x2: {  	s2 =	rddreg [dreg:$0x1]  }
0x3: {  	s3 =	rddreg [dreg:$0x2];
	s0 =	stileid.u32  }
0x4: {  	s5 =	srdreg.scid;
	s4 =	simm.s32 $0x0;
	s6 =	smul.u32 $0x2900, s0  }
0x5: {  	s12 =	sand.u32 $0x1, s5;
	[smem:$0x7FF] =	sst s4;
	s10 =	smul.u32 $0x52000, s0  }
0x6: {  	s5 =	sadd.s32 $0x17C200, s7;
	s9 =	sadd.s32 $0xDC200, s7;
	s13 =	smul.u32 $0x28000, s0  }
0x7: {  	s14 =	sshllo.u32 s0, $0x1;
	s28 =	sshll.u32 s0, $0x6;
	s8 =	smul.u32 $0x29000, s12  }
0x8: {  	s30 =	sshll.u32 s0, $0x7;
	_ =	strace $0x8000004D;
	s25 =	smul.u32 $0x280000, s12  }
0x9: {  	s26 =	ssub.s32 $0x2, s12;
	s16 =	smul.u32 $0x14000, s14;
	s18 =	sshll.u32 s14, $0x6  }
0xa: {  	p0 =	seq.s32 s12, $0x0;
	s14 =	simm.s32 $0x8400;
	s15 =	sshrl.u32 s26, $0x1  }
0xb: {  	s10 =	sshrl.u32 s10, $0x2;
	s8 =	sadd.s32 s6, s8;
	s6 =	sadd.s32 $0x4000, s7  }
0xc: {  	s15 =	ssub.s32 s26, s15;
	s17 =	sadd.s32 s10, s3;
	s29 =	sadd.s32 s13, s25  }
.Ltmp0:
0xd: {  	s13 =	simm.s32 $0x9;
	s11 =	sadd.s32 s8, s7;
	(pc) =	sbr.rel .LBB2_1-.Ltmp0, $4  }
0xe: {  	s7 =	sor.u32 $0x1C09, s28;
	s8 =	sadd.s32 s25, s16;
	s10 =	sshrl.u32 s29, $0x3  }
0xf: {  	s12 =	sshrl.u32 s17, $0x3;
	s16 =	sshrl.u32 s18, $0x2;
	s17 =	simm.s32 $0x0  }
0x10: {  	s31 =	sshrl.u32 s8, $0x3;
	s8 =	sadd.s32 s9, s10;
	s10 =	sadd.s32 $0x1CA400, s11  }
0x11: {  	s11 =	smax.u32 s15, $0x1;
	s15 =	sshrl.u32 s30, $0x2;
	s9 =	sadd.s32 s9, s31  }
.LBB2_9:
0x12: {  	s20 =	simm.s32 $0x0  }
.LBB2_12:
0x13: {  	p3 =	por p2, !p3  }
0x14: {  	[sflag:s29] =	ssyncadd.s32 @!p3 $0xFFFFE000;
	s0 =	simm.s32 @!p3 $0x4  }
0x15: {  	[spmem:s3] =	stream.indirect.scatter.add.f32 @!p3 [tilespmem:s25], [sflag:$0x7], $0x100, s24, s22, $0xb8;
	[tilespmem:$0x1CE00] =	vst v63  }
0x16: {  	_ =	swait.ge @!p3 [sflag:s0], $0x2000  }
0x17: {  	p2 =	por p5, p1;
	[sflag:s0] =	ssyncset.done @!p3 $0x0  }
0x18: {  	s1 =	simm.s32 @!p2 $0x5;
	[sflag:s0] =	ssyncadd.s32 @!p3 $0xFFFFE000;
	s0 =	simm.s32 @!p3 $0x380  }
0x19: {  	[spmem:s3] =	stream.indirect.scatter.add.f32 @!p3 [tilespmem:s23], [sflag:$0x8], $0x100, s0, s22, $0xb8;
	[tilespmem:$0x1CE00] =	vst v63  }
0x1a: {  	_ =	swait.ge @!p2 [sflag:s1], $0x2000  }
0x1b: {  	[sflag:s1] =	ssyncset.done @!p2 $0x0  }
0x1c: {  	s0 =	simm.s32 @!p2 $0x6;
	[sflag:s1] =	ssyncadd.s32 @!p2 $0xFFFFE000  }
0x1d: {  	_ =	swait.ge @!p2 [sflag:s0], $0x2000  }
0x1e: {  	s21 =	simm.s32 @!p1 $0x9;
	s1 =	sand.u32 @!p1 $0x1FFFFF80, s19;
	[sflag:s0] =	ssyncset.done @!p2 $0x0  }
0x1f: {  	s22 =	simm.s32 @!p1 $0x0;
	s1 =	sadd.s32 @!p1 s1, s9;
	[sflag:s0] =	ssyncadd.s32 @!p2 $0xFFFFE000  }
0x20: {  	[tilespmem:s22], [sflag:$0x9] =	stream.linear.gather @!p1 [hbm4b:s1+s22], $0x200, $0x38;
	[tilespmem:$0x1CE00] =	vst v63  }
0x21: {  	s31 =	sadd.s32 $0x1, s20;
	_ =	swait.ge @!p1 [sflag:s21], $0x200  }
0x22: {  	p2 =	sge.s32 s31, s18;
	s0 =	simm.s32 @!p1 $0x20;
	[sflag:s21] =	ssyncset.done @!p1 $0x0  }
0x23: {  	s1 =	simm.s32 @!p1 $0x400;
	p3 =	seq.s32 @!p2 s20, $0x0;
	[sflag:s21] =	ssyncadd.s32 @!p1 $0xFFFFFE00  }
0x24: {  	[tilespmem:s1], [sflag:$0x1] =	stream.indirect.gather @!p1 [hbm4b:s5+s0], $0x100, s22, s0, $0xb8;
	[tilespmem:$0x1CE00] =	vst v63  }
0x25: {  	s20 =	simm.s32 @!p1 $0x2400;
	p3 =	por p3, p2;
	s21 =	simm.s32 @!p1 $0x100  }
0x26: {  	[tilespmem:s20], [sflag:$0x2] =	stream.indirect.gather @!p1 [hbm4b:s5+s0], $0x100, s21, s0, $0xb8;
	[tilespmem:$0x1CE00] =	vst v63  }
0x27: {  	s21 =	simm.s32 @!p3 $0x7  }
0x28: {  	_ =	swait.ge @!p3 [sflag:s21], $0x2000  }
0x29: {  	[sflag:s21] =	ssyncset.done @!p3 $0x0  }
0x2a: {  	s19 =	sadd.s32 @!p2 $0x40, s19;
	[sflag:s21] =	ssyncadd.s32 @!p3 $0xFFFFE000;
	s21 =	simm.s32 @!p3 $0x8  }
0x2b: {  	s19 =	sand.u32 @!p2 $0x1FFFFFC0, s19;
	_ =	swait.ge @!p3 [sflag:s21], $0x2000  }
0x2c: {  	s23 =	simm.s32 @!p2 $0x200;
	s19 =	sadd.s32 @!p2 s19, s9;
	[sflag:s21] =	ssyncset.done @!p3 $0x0  }
0x2d: {  	s22 =	simm.s32 @!p2 $0x9;
	[sflag:s21] =	ssyncadd.s32 @!p3 $0xFFFFE000;
	s21 =	simm.s32 @!p2 $0x0  }
0x2e: {  	[tilespmem:s23], [sflag:$0x9] =	stream.linear.gather @!p2 [hbm4b:s19+s21], $0x200, $0x38;
	[tilespmem:$0x1CE00] =	vst v63  }
0x2f: {  	_ =	swait.ge @!p2 [sflag:s22], $0x200  }
0x30: {  	[sflag:s22] =	ssyncset.done @!p2 $0x0  }
0x31: {  	s19 =	simm.s32 @!p2 $0x20;
	s21 =	simm.s32 @!p2 $0x4400;
	[sflag:s22] =	ssyncadd.s32 @!p2 $0xFFFFFE00  }
0x32: {  	[tilespmem:s21], [sflag:$0x3] =	stream.indirect.gather @!p2 [hbm4b:s5+s19], $0x100, s23, s19, $0xb8;
	[tilespmem:$0x1CE00] =	vst v63  }
0x33: {  	s24 =	simm.s32 @!p2 $0x300;
	s22 =	simm.s32 @!p1 $0x1;
	s23 =	simm.s32 @!p2 $0x6400  }
0x34: {  	[tilespmem:s23], [sflag:$0x4] =	stream.indirect.gather @!p2 [hbm4b:s5+s19], $0x100, s24, s19, $0xb8;
	[tilespmem:$0x1CE00] =	vst v63  }
0x35: {  	_ =	swait.ge @!p1 [sflag:s22], $0x2000  }
0x36: {  	[sflag:s22] =	ssyncset.done @!p1 $0x0  }
0x37: {  	s25 =	simm.s32 @!p1 $0x2;
	s24 =	simm.s32 @!p1 $0x80;
	[sflag:s22] =	ssyncadd.s32 @!p1 $0xFFFFE000  }
0x38: {  	[spmem:s3] =	stream.indirect.scatter.add.f32 @!p1 [tilespmem:s1], [sflag:$0x5], $0x100, s24, s0, $0xb8;
	[tilespmem:$0x1CE00] =	vst v63  }
0x39: {  	_ =	swait.ge @!p1 [sflag:s25], $0x2000  }
0x3a: {  	[sflag:s25] =	ssyncset.done @!p1 $0x0  }
0x3b: {  	s22 =	simm.s32 @!p2 $0x3;
	s1 =	simm.s32 @!p1 $0x180;
	[sflag:s25] =	ssyncadd.s32 @!p1 $0xFFFFE000  }
0x3c: {  	[spmem:s3] =	stream.indirect.scatter.add.f32 @!p1 [tilespmem:s20], [sflag:$0x6], $0x100, s1, s0, $0xb8;
	[tilespmem:$0x1CE00] =	vst v63  }
0x3d: {  	_ =	swait.ge @!p2 [sflag:s22], $0x2000  }
0x3e: {  	[sflag:s22] =	ssyncset.done @!p2 $0x0  }
0x3f: {  	s0 =	simm.s32 @!p2 $0x280;
	s1 =	simm.s32 @!p2 $0x4;
	[sflag:s22] =	ssyncadd.s32 @!p2 $0xFFFFE000  }
0x40: {  	[spmem:s3] =	stream.indirect.scatter.add.f32 @!p2 [tilespmem:s21], [sflag:$0x7], $0x100, s0, s19, $0xb8;
	[tilespmem:$0x1CE00] =	vst v63  }
0x41: {  	_ =	swait.ge @!p2 [sflag:s1], $0x2000  }
0x42: {  	[sflag:s1] =	ssyncset.done @!p2 $0x0  }
0x43: {  	s0 =	simm.s32 @!p2 $0x380;
	[sflag:s1] =	ssyncadd.s32 @!p2 $0xFFFFE000  }
0x44: {  	[spmem:s3] =	stream.indirect.scatter.add.f32 @!p2 [tilespmem:s23], [sflag:$0x8], $0x100, s0, s19, $0xb8;
	[tilespmem:$0x1CE00] =	vst v63  }
.LBB2_13:
0x45: {  	p1 =	slt.s32 s18, $0x1  }
0x46: {  	s0 =	simm.s32 @!p1 $0x5  }
0x47: {  	_ =	swait.ge @!p1 [sflag:s0], $0x2000  }
0x48: {  	[sflag:s0] =	ssyncset.done @!p1 $0x0  }
0x49: {  	[sflag:s0] =	ssyncadd.s32 @!p1 $0xFFFFE000;
	s0 =	simm.s32 @!p1 $0x6  }
0x4a: {  	p2 =	seq.s32 @!p1 s18, $0x1;
	_ =	swait.ge @!p1 [sflag:s0], $0x2000  }
0x4b: {  	p2 =	por p2, p1;
	[sflag:s0] =	ssyncset.done @!p1 $0x0  }
0x4c: {  	[sflag:s0] =	ssyncadd.s32 @!p1 $0xFFFFE000;
	s0 =	simm.s32 @!p2 $0x7  }
0x4d: {  	_ =	swait.ge @!p2 [sflag:s0], $0x2000  }
0x4e: {  	[sflag:s0] =	ssyncset.done @!p2 $0x0  }
0x4f: {  	[sflag:s0] =	ssyncadd.s32 @!p2 $0xFFFFE000;
	s0 =	simm.s32 @!p2 $0x8  }
0x50: {  	_ =	swait.ge @!p2 [sflag:s0], $0x2000  }
0x51: {  	s17 =	sadd.s32 $0x1, s17;
	[sflag:s0] =	ssyncset.done @!p2 $0x0  }
0x52: {  	p1 =	sne.s32 s17, s11;
	[sflag:s0] =	ssyncadd.s32 @!p2 $0xFFFFE000  }
.Ltmp1:
0x53: {  	[bflag:$0x0] =	sbarrier.arrive $0xFFFF;
	(pc) =	sbr.rel @!p1 .LBB2_14-.Ltmp1, $4  }
0x54: {  	[hbm:s10], [sflag:s7] =	dma.local [spmem:s12], $0x2900  }
0x55: {  	_ =	swait.ge [sflag:s13], $0x2900  }
0x56: {  	[sflag:s13] =	ssyncset.done $0x0  }
0x57: {  	[sflag:s13] =	ssyncadd.s32 $0xFFFFD700  }
.LBB2_1:
0x58: {  	[spmem:s12], [sflag:s7] =	dma.local [hbm:s6], $0x2900  }
0x59: {  	_ =	swait.ge [sflag:s13], $0x2900  }
0x5a: {  	[sflag:s13] =	ssyncset.done $0x0  }
0x5b: {  	[sflag:s13] =	ssyncadd.s32 $0xFFFFD700  }
0x5c: {  	[tilespmem:s14], [sflag:$0x9] =	stream.linear.gather [hbm4b:s2+s4], $0x200, $0x38;
	[tilespmem:$0x1CE00] =	vst v63  }
0x5d: {  	_ =	swait.ge [sflag:s13], $0x200  }
0x5e: {  	[sflag:s13] =	ssyncset.done $0x0  }
0x5f: {  	[sflag:s13] =	ssyncadd.s32 $0xFFFFFE00  }
0x60: {  	[bflag:$0x0] =	sbarrier.arrive $0xFFFF  }
0x61: {  	v0 =	vld [tilespmem:s15+$0x8400];
	_ =	sdelay $0x4  }
0x62: {  	(v2sf) =	vpush v0, $0x0  }
0x63: {  	(v2sf) =	vpush v0, $0x1;
	_ =	sdelay $0xd  }
0x64: {  	s19 =	spop (v2sf)  }
0x65: {  	s18 =	spop (v2sf)  }
0x66: {  	s18 =	smov.u32 @p0 s19  }
0x67: {  	s20 =	simm.s32 $0x1;
	s19 =	sadd.s32 $0x1, s18;
	p1 =	slt.u32 s18, $0x7FFFFFFF  }
0x68: {  	s20 =	simm.s32 @!p1 $0x0;
	s21 =	sshra.s32 s19, $0x1F  }
0x69: {  	s30 =	sand.u32 $0x1, s19;
	s20 =	sadd.s32 s20, s21  }
0x6a: {  	p2 =	seq.s32 s30, $0x1;
	p6 =	sne.s32 s20, $0x1  }
0x6b: {  	s31 =	sshrl.u32 s19, $0x1F;
	p1 =	por !p6, !p2  }
0x6c: {  	s19 =	sadd.s32 s31, s19;
	s20 =	simm.s32 $0x1;
	p1 =	por !p1, !p1  }
0x6d: {  	s19 =	sshra.s32 s19, $0x1;
	s20 =	simm.s32 @!p1 $0x0  }
0x6e: {  	s19 =	ssub.s32 s19, s20  }
0x6f: {  	p1 =	slt.s32 s19, $0x1  }
.Ltmp2:
0x70: {  	_ = 	snop;
	(pc) =	sbr.rel @p1 .LBB2_7-.Ltmp2, $1  }
0x71: {  	_ =	sdelay $0x3  }
0x72: {  	s19 =	sadd.s32 $0xFFFFFFFF, s19  }
0x73: {  	p2 =	sne.s32 s19, $0x0  }
.Ltmp3:
0x74: {  	_ = 	snop;
	(pc) =	sbr.rel @!p2 .LBB2_3-.Ltmp3, $3  }
0x75: {  	_ =	sdelay $0x1  }
0x76: {  	p1 =	sge.s32 s4, s18  }
0x77: {  	p3 =	por $0x0, $0x0;
	p5 =	seq.s32 @!p1 s4, $0x0  }
0x78: {  	p2 =	por p5, p1  }
0x79: {  	s20 =	simm.s32 @!p2 $0x5  }
0x7a: {  	_ =	swait.ge @!p2 [sflag:s20], $0x2000  }
0x7b: {  	[sflag:s20] =	ssyncset.done @!p2 $0x0  }
0x7c: {  	s21 =	simm.s32 @!p2 $0x6;
	[sflag:s20] =	ssyncadd.s32 @!p2 $0xFFFFE000  }
0x7d: {  	_ =	swait.ge @!p2 [sflag:s21], $0x2000  }
0x7e: {  	s22 =	simm.s32 @!p1 $0x9;
	s20 =	sand.u32 @!p1 $0x1FFFFF80, s4;
	[sflag:s21] =	ssyncset.done @!p2 $0x0  }
0x7f: {  	s23 =	simm.s32 @!p1 $0x0;
	s20 =	sadd.s32 @!p1 s20, s8;
	[sflag:s21] =	ssyncadd.s32 @!p2 $0xFFFFE000  }
0x80: {  	[tilespmem:s23], [sflag:$0x9] =	stream.linear.gather @!p1 [hbm4b:s20+s23], $0x200, $0x38;
	[tilespmem:$0x1CE00] =	vst v63  }
0x81: {  	s31 =	sadd.s32 $0x1, s4;
	_ =	swait.ge @!p1 [sflag:s22], $0x200  }
0x82: {  	s24 =	simm.s32 @!p1 $0x400;
	p2 =	sge.s32 s31, s18;
	[sflag:s22] =	ssyncset.done @!p1 $0x0  }
0x83: {  	s26 =	simm.s32 @!p1 $0x20;
	p3 =	seq.s32 @!p2 s4, $0x0;
	[sflag:s22] =	ssyncadd.s32 @!p1 $0xFFFFFE00  }
0x84: {  	[tilespmem:s24], [sflag:$0x1] =	stream.indirect.gather @!p1 [hbm4b:s5+s26], $0x100, s23, s26, $0xb8;
	[tilespmem:$0x1CE00] =	vst v63  }
0x85: {  	s28 =	simm.s32 @!p1 $0x2400;
	s20 =	simm.s32 @!p1 $0x100;
	p3 =	por p3, p2  }
0x86: {  	[tilespmem:s28], [sflag:$0x2] =	stream.indirect.gather @!p1 [hbm4b:s5+s26], $0x100, s20, s26, $0xb8;
	[tilespmem:$0x1CE00] =	vst v63  }
0x87: {  	s20 =	simm.s32 @!p3 $0x7  }
0x88: {  	_ =	swait.ge @!p3 [sflag:s20], $0x2000  }
0x89: {  	[sflag:s20] =	ssyncset.done @!p3 $0x0  }
0x8a: {  	s21 =	sadd.s32 @!p2 $0x40, s4;
	[sflag:s20] =	ssyncadd.s32 @!p3 $0xFFFFE000;
	s20 =	simm.s32 @!p3 $0x8  }
0x8b: {  	s21 =	sand.u32 @!p2 $0x1FFFFFC0, s21;
	_ =	swait.ge @!p3 [sflag:s20], $0x2000  }
0x8c: {  	s21 =	sadd.s32 @!p2 s21, s8;
	s22 =	simm.s32 @!p2 $0x9;
	[sflag:s20] =	ssyncset.done @!p3 $0x0  }
0x8d: {  	s23 =	simm.s32 @!p2 $0x200;
	[sflag:s20] =	ssyncadd.s32 @!p3 $0xFFFFE000;
	s20 =	simm.s32 @!p2 $0x0  }
0x8e: {  	[tilespmem:s23], [sflag:$0x9] =	stream.linear.gather @!p2 [hbm4b:s21+s20], $0x200, $0x38;
	[tilespmem:$0x1CE00] =	vst v63  }
0x8f: {  	_ =	swait.ge @!p2 [sflag:s22], $0x200  }
0x90: {  	[sflag:s22] =	ssyncset.done @!p2 $0x0  }
0x91: {  	s25 =	simm.s32 @!p2 $0x4400;
	[sflag:s22] =	ssyncadd.s32 @!p2 $0xFFFFFE00;
	s22 =	simm.s32 @!p2 $0x20  }
0x92: {  	[tilespmem:s25], [sflag:$0x3] =	stream.indirect.gather @!p2 [hbm4b:s5+s22], $0x100, s23, s22, $0xb8;
	[tilespmem:$0x1CE00] =	vst v63  }
0x93: {  	s20 =	simm.s32 @!p1 $0x1;
	s21 =	simm.s32 @!p2 $0x300;
	s23 =	simm.s32 @!p2 $0x6400  }
0x94: {  	[tilespmem:s23], [sflag:$0x4] =	stream.indirect.gather @!p2 [hbm4b:s5+s22], $0x100, s21, s22, $0xb8;
	[tilespmem:$0x1CE00] =	vst v63  }
0x95: {  	_ =	swait.ge @!p1 [sflag:s20], $0x2000  }
0x96: {  	s29 =	simm.s32 @!p1 $0x2;
	[sflag:s20] =	ssyncset.done @!p1 $0x0  }
0x97: {  	s21 =	sadd.s32 $0xFFFFFFFF, s19;
	s19 =	simm.s32 @!p1 $0x80;
	[sflag:s20] =	ssyncadd.s32 @!p1 $0xFFFFE000  }
0x98: {  	[spmem:s3] =	stream.indirect.scatter.add.f32 @!p1 [tilespmem:s24], [sflag:$0x5], $0x100, s19, s26, $0xb8;
	[tilespmem:$0x1CE00] =	vst v63  }
0x99: {  	p3 =	por $0x1, $0x1;
	p4 =	sne.s32 s21, $0x0;
	_ =	swait.ge @!p1 [sflag:s29], $0x2000  }
.Ltmp4:
0x9a: {  	s20 =	sadd.s32 $0x2, s4;
	[sflag:s29] =	ssyncset.done @!p1 $0x0;
	(pc) =	sbr.rel @!p4 .LBB2_6-.Ltmp4, $4  }
0x9b: {  	s19 =	simm.s32 @!p1 $0x180;
	[sflag:s29] =	ssyncadd.s32 @!p1 $0xFFFFE000;
	s29 =	simm.s32 @!p2 $0x3  }
0x9c: {  	[spmem:s3] =	stream.indirect.scatter.add.f32 @!p1 [tilespmem:s28], [sflag:$0x6], $0x100, s19, s26, $0xb8;
	[tilespmem:$0x1CE00] =	vst v63  }
0x9d: {  	s24 =	simm.s32 @!p2 $0x280;
	p1 =	sge.s32 s20, s18;
	_ =	swait.ge @!p2 [sflag:s29], $0x2000  }
0x9e: {  	s19 =	sadd.s32 $0x80, s4;
	p5 =	seq.s32 @!p1 s20, $0x0;
	[sflag:s29] =	ssyncset.done @!p2 $0x0  }
.LBB2_5:
0x9f: {  	s21 =	sadd.s32 $0xFFFFFFFF, s21;
	[sflag:s29] =	ssyncadd.s32 @!p2 $0xFFFFE000;
	s26 =	simm.s32 @!p2 $0x4  }
0xa0: {  	[spmem:s3] =	stream.indirect.scatter.add.f32 @!p2 [tilespmem:s25], [sflag:$0x7], $0x100, s24, s22, $0xb8;
	[tilespmem:$0x1CE00] =	vst v63  }
0xa1: {  	p5 =	por p5, p1;
	p4 =	sne.s32 s21, $0x0;
	_ =	swait.ge @!p2 [sflag:s26], $0x2000  }
0xa2: {  	s24 =	simm.s32 @!p5 $0x5;
	[sflag:s26] =	ssyncset.done @!p2 $0x0  }
0xa3: {  	s25 =	simm.s32 @!p2 $0x380;
	[sflag:s26] =	ssyncadd.s32 @!p2 $0xFFFFE000  }
0xa4: {  	[spmem:s3] =	stream.indirect.scatter.add.f32 @!p2 [tilespmem:s23], [sflag:$0x8], $0x100, s25, s22, $0xb8;
	[tilespmem:$0x1CE00] =	vst v63  }
0xa5: {  	s22 =	sand.u32 @!p1 $0x1FFFFF80, s19;
	_ =	swait.ge @!p5 [sflag:s24], $0x2000  }
0xa6: {  	s23 =	simm.s32 @!p5 $0x6;
	s25 =	simm.s32 @!p1 $0x9;
	[sflag:s24] =	ssyncset.done @!p5 $0x0  }
0xa7: {  	s22 =	sadd.s32 @!p1 s22, s8;
	[sflag:s24] =	ssyncadd.s32 @!p5 $0xFFFFE000;
	s24 =	simm.s32 @!p1 $0x0  }
0xa8: {  	_ =	swait.ge @!p5 [sflag:s23], $0x2000  }
0xa9: {  	[sflag:s23] =	ssyncset.done @!p5 $0x0  }
0xaa: {  	s26 =	simm.s32 @!p1 $0x2400;
	[sflag:s23] =	ssyncadd.s32 @!p5 $0xFFFFE000;
	s23 =	sadd.s32 $0x1, s20  }
0xab: {  	[tilespmem:s24], [sflag:$0x9] =	stream.linear.gather @!p1 [hbm4b:s22+s24], $0x200, $0x38;
	[tilespmem:$0x1CE00] =	vst v63  }
0xac: {  	s29 =	simm.s32 @!p1 $0x400;
	p2 =	sge.s32 s23, s18;
	_ =	swait.ge @!p1 [sflag:s25], $0x200  }
0xad: {  	p5 =	seq.s32 @!p2 s20, $0x0;
	s22 =	sadd.s32 @!p2 $0x40, s19;
	[sflag:s25] =	ssyncset.done @!p1 $0x0  }
0xae: {  	s28 =	simm.s32 @!p1 $0x20;
	s22 =	sand.u32 @!p2 $0x1FFFFFC0, s22;
	[sflag:s25] =	ssyncadd.s32 @!p1 $0xFFFFFE00  }
0xaf: {  	[tilespmem:s29], [sflag:$0x1] =	stream.indirect.gather @!p1 [hbm4b:s5+s28], $0x100, s24, s28, $0xb8;
	[tilespmem:$0x1CE00] =	vst v63  }
0xb0: {  	s23 =	simm.s32 @!p1 $0x100;
	p5 =	por p5, p2;
	s22 =	sadd.s32 @!p2 s22, s8  }
0xb1: {  	[tilespmem:s26], [sflag:$0x2] =	stream.indirect.gather @!p1 [hbm4b:s5+s28], $0x100, s23, s28, $0xb8;
	[tilespmem:$0x1CE00] =	vst v63  }
0xb2: {  	s24 =	simm.s32 @!p2 $0x280;
	s23 =	simm.s32 @!p5 $0x7  }
0xb3: {  	_ =	swait.ge @!p5 [sflag:s23], $0x2000  }
0xb4: {  	[sflag:s23] =	ssyncset.done @!p5 $0x0  }
0xb5: {  	[sflag:s23] =	ssyncadd.s32 @!p5 $0xFFFFE000;
	s23 =	simm.s32 @!p5 $0x8  }
0xb6: {  	_ =	swait.ge @!p5 [sflag:s23], $0x2000  }
0xb7: {  	s25 =	simm.s32 @!p2 $0x9;
	[sflag:s23] =	ssyncset.done @!p5 $0x0  }
0xb8: {  	s30 =	simm.s32 @!p2 $0x200;
	[sflag:s23] =	ssyncadd.s32 @!p5 $0xFFFFE000;
	s23 =	simm.s32 @!p2 $0x0  }
0xb9: {  	[tilespmem:s30], [sflag:$0x9] =	stream.linear.gather @!p2 [hbm4b:s22+s23], $0x200, $0x38;
	[tilespmem:$0x1CE00] =	vst v63  }
0xba: {  	s31 =	simm.s32 @!p1 $0x1;
	_ =	swait.ge @!p2 [sflag:s25], $0x200  }
0xbb: {  	s23 =	simm.s32 @!p2 $0x6400;
	[sflag:s25] =	ssyncset.done @!p2 $0x0  }
0xbc: {  	s22 =	simm.s32 @!p2 $0x20;
	[sflag:s25] =	ssyncadd.s32 @!p2 $0xFFFFFE00;
	s25 =	simm.s32 @!p2 $0x4400  }
0xbd: {  	[tilespmem:s25], [sflag:$0x3] =	stream.indirect.gather @!p2 [hbm4b:s5+s22], $0x100, s30, s22, $0xb8;
	[tilespmem:$0x1CE00] =	vst v63  }
0xbe: {  	s0 =	simm.s32 @!p1 $0x80;
	s1 =	simm.s32 @!p1 $0x2;
	s30 =	simm.s32 @!p2 $0x300  }
0xbf: {  	[tilespmem:s23], [sflag:$0x4] =	stream.indirect.gather @!p2 [hbm4b:s5+s22], $0x100, s30, s22, $0xb8;
	[tilespmem:$0x1CE00] =	vst v63  }
0xc0: {  	_ =	swait.ge @!p1 [sflag:s31], $0x2000  }
0xc1: {  	[sflag:s31] =	ssyncset.done @!p1 $0x0  }
0xc2: {  	s30 =	simm.s32 @!p1 $0x180;
	[sflag:s31] =	ssyncadd.s32 @!p1 $0xFFFFE000  }
0xc3: {  	[spmem:s3] =	stream.indirect.scatter.add.f32 @!p1 [tilespmem:s29], [sflag:$0x5], $0x100, s0, s28, $0xb8;
	[tilespmem:$0x1CE00] =	vst v63  }
0xc4: {  	_ =	swait.ge @!p1 [sflag:s1], $0x2000  }
.Ltmp5:
0xc5: {  	[sflag:s1] =	ssyncset.done @!p1 $0x0;
	(pc) =	sbr.rel @p4 .LBB2_5-.Ltmp5, $4  }
0xc6: {  	s20 =	sadd.s32 $0x2, s20;
	s29 =	simm.s32 @!p2 $0x3;
	[sflag:s1] =	ssyncadd.s32 @!p1 $0xFFFFE000  }
0xc7: {  	[spmem:s3] =	stream.indirect.scatter.add.f32 @!p1 [tilespmem:s26], [sflag:$0x6], $0x100, s30, s28, $0xb8;
	[tilespmem:$0x1CE00] =	vst v63  }
0xc8: {  	s19 =	sadd.s32 $0x80, s19;
	p1 =	sge.s32 s20, s18;
	_ =	swait.ge @!p2 [sflag:s29], $0x2000  }
0xc9: {  	p5 =	seq.s32 @!p1 s20, $0x0;
	[sflag:s29] =	ssyncset.done @!p2 $0x0  }
.LBB2_6:
0xca: {  	p3 =	por p2, !p3  }
0xcb: {  	[sflag:s29] =	ssyncadd.s32 @!p3 $0xFFFFE000;
	s0 =	simm.s32 @!p3 $0x4  }
0xcc: {  	[spmem:s3] =	stream.indirect.scatter.add.f32 @!p3 [tilespmem:s25], [sflag:$0x7], $0x100, s24, s22, $0xb8;
	[tilespmem:$0x1CE00] =	vst v63  }
0xcd: {  	_ =	swait.ge @!p3 [sflag:s0], $0x2000  }
0xce: {  	p2 =	por p5, p1;
	[sflag:s0] =	ssyncset.done @!p3 $0x0  }
0xcf: {  	s1 =	simm.s32 @!p2 $0x5;
	[sflag:s0] =	ssyncadd.s32 @!p3 $0xFFFFE000;
	s0 =	simm.s32 @!p3 $0x380  }
0xd0: {  	[spmem:s3] =	stream.indirect.scatter.add.f32 @!p3 [tilespmem:s23], [sflag:$0x8], $0x100, s0, s22, $0xb8;
	[tilespmem:$0x1CE00] =	vst v63  }
0xd1: {  	_ =	swait.ge @!p2 [sflag:s1], $0x2000  }
0xd2: {  	[sflag:s1] =	ssyncset.done @!p2 $0x0  }
0xd3: {  	s0 =	simm.s32 @!p2 $0x6;
	[sflag:s1] =	ssyncadd.s32 @!p2 $0xFFFFE000  }
0xd4: {  	_ =	swait.ge @!p2 [sflag:s0], $0x2000  }
0xd5: {  	s21 =	simm.s32 @!p1 $0x9;
	s1 =	sand.u32 @!p1 $0x1FFFFF80, s19;
	[sflag:s0] =	ssyncset.done @!p2 $0x0  }
0xd6: {  	s22 =	simm.s32 @!p1 $0x0;
	s1 =	sadd.s32 @!p1 s1, s8;
	[sflag:s0] =	ssyncadd.s32 @!p2 $0xFFFFE000  }
0xd7: {  	[tilespmem:s22], [sflag:$0x9] =	stream.linear.gather @!p1 [hbm4b:s1+s22], $0x200, $0x38;
	[tilespmem:$0x1CE00] =	vst v63  }
0xd8: {  	s31 =	sadd.s32 $0x1, s20;
	_ =	swait.ge @!p1 [sflag:s21], $0x200  }
0xd9: {  	p2 =	sge.s32 s31, s18;
	s0 =	simm.s32 @!p1 $0x20;
	[sflag:s21] =	ssyncset.done @!p1 $0x0  }
0xda: {  	s1 =	simm.s32 @!p1 $0x400;
	p3 =	seq.s32 @!p2 s20, $0x0;
	[sflag:s21] =	ssyncadd.s32 @!p1 $0xFFFFFE00  }
0xdb: {  	[tilespmem:s1], [sflag:$0x1] =	stream.indirect.gather @!p1 [hbm4b:s5+s0], $0x100, s22, s0, $0xb8;
	[tilespmem:$0x1CE00] =	vst v63  }
0xdc: {  	s20 =	simm.s32 @!p1 $0x2400;
	p3 =	por p3, p2;
	s21 =	simm.s32 @!p1 $0x100  }
0xdd: {  	[tilespmem:s20], [sflag:$0x2] =	stream.indirect.gather @!p1 [hbm4b:s5+s0], $0x100, s21, s0, $0xb8;
	[tilespmem:$0x1CE00] =	vst v63  }
0xde: {  	s21 =	simm.s32 @!p3 $0x7  }
0xdf: {  	_ =	swait.ge @!p3 [sflag:s21], $0x2000  }
0xe0: {  	[sflag:s21] =	ssyncset.done @!p3 $0x0  }
0xe1: {  	s19 =	sadd.s32 @!p2 $0x40, s19;
	[sflag:s21] =	ssyncadd.s32 @!p3 $0xFFFFE000;
	s21 =	simm.s32 @!p3 $0x8  }
0xe2: {  	s19 =	sand.u32 @!p2 $0x1FFFFFC0, s19;
	_ =	swait.ge @!p3 [sflag:s21], $0x2000  }
0xe3: {  	s23 =	simm.s32 @!p2 $0x200;
	s19 =	sadd.s32 @!p2 s19, s8;
	[sflag:s21] =	ssyncset.done @!p3 $0x0  }
0xe4: {  	s22 =	simm.s32 @!p2 $0x9;
	[sflag:s21] =	ssyncadd.s32 @!p3 $0xFFFFE000;
	s21 =	simm.s32 @!p2 $0x0  }
0xe5: {  	[tilespmem:s23], [sflag:$0x9] =	stream.linear.gather @!p2 [hbm4b:s19+s21], $0x200, $0x38;
	[tilespmem:$0x1CE00] =	vst v63  }
0xe6: {  	_ =	swait.ge @!p2 [sflag:s22], $0x200  }
0xe7: {  	[sflag:s22] =	ssyncset.done @!p2 $0x0  }
0xe8: {  	s19 =	simm.s32 @!p2 $0x20;
	s21 =	simm.s32 @!p2 $0x4400;
	[sflag:s22] =	ssyncadd.s32 @!p2 $0xFFFFFE00  }
0xe9: {  	[tilespmem:s21], [sflag:$0x3] =	stream.indirect.gather @!p2 [hbm4b:s5+s19], $0x100, s23, s19, $0xb8;
	[tilespmem:$0x1CE00] =	vst v63  }
0xea: {  	s24 =	simm.s32 @!p2 $0x300;
	s22 =	simm.s32 @!p1 $0x1;
	s23 =	simm.s32 @!p2 $0x6400  }
0xeb: {  	[tilespmem:s23], [sflag:$0x4] =	stream.indirect.gather @!p2 [hbm4b:s5+s19], $0x100, s24, s19, $0xb8;
	[tilespmem:$0x1CE00] =	vst v63  }
0xec: {  	_ =	swait.ge @!p1 [sflag:s22], $0x2000  }
0xed: {  	[sflag:s22] =	ssyncset.done @!p1 $0x0  }
0xee: {  	s25 =	simm.s32 @!p1 $0x2;
	s24 =	simm.s32 @!p1 $0x80;
	[sflag:s22] =	ssyncadd.s32 @!p1 $0xFFFFE000  }
0xef: {  	[spmem:s3] =	stream.indirect.scatter.add.f32 @!p1 [tilespmem:s1], [sflag:$0x5], $0x100, s24, s0, $0xb8;
	[tilespmem:$0x1CE00] =	vst v63  }
0xf0: {  	_ =	swait.ge @!p1 [sflag:s25], $0x2000  }
0xf1: {  	[sflag:s25] =	ssyncset.done @!p1 $0x0  }
0xf2: {  	s22 =	simm.s32 @!p2 $0x3;
	s1 =	simm.s32 @!p1 $0x180;
	[sflag:s25] =	ssyncadd.s32 @!p1 $0xFFFFE000  }
0xf3: {  	[spmem:s3] =	stream.indirect.scatter.add.f32 @!p1 [tilespmem:s20], [sflag:$0x6], $0x100, s1, s0, $0xb8;
	[tilespmem:$0x1CE00] =	vst v63  }
0xf4: {  	_ =	swait.ge @!p2 [sflag:s22], $0x2000  }
0xf5: {  	[sflag:s22] =	ssyncset.done @!p2 $0x0  }
0xf6: {  	s0 =	simm.s32 @!p2 $0x280;
	s1 =	simm.s32 @!p2 $0x4;
	[sflag:s22] =	ssyncadd.s32 @!p2 $0xFFFFE000  }
0xf7: {  	[spmem:s3] =	stream.indirect.scatter.add.f32 @!p2 [tilespmem:s21], [sflag:$0x7], $0x100, s0, s19, $0xb8;
	[tilespmem:$0x1CE00] =	vst v63  }
0xf8: {  	_ =	swait.ge @!p2 [sflag:s1], $0x2000  }
0xf9: {  	[sflag:s1] =	ssyncset.done @!p2 $0x0  }
0xfa: {  	s0 =	simm.s32 @!p2 $0x380;
	[sflag:s1] =	ssyncadd.s32 @!p2 $0xFFFFE000  }
0xfb: {  	[spmem:s3] =	stream.indirect.scatter.add.f32 @!p2 [tilespmem:s23], [sflag:$0x8], $0x100, s0, s19, $0xb8;
	[tilespmem:$0x1CE00] =	vst v63  }
.LBB2_7:
0xfc: {  	p1 =	slt.s32 s18, $0x1  }
0xfd: {  	s0 =	simm.s32 @!p1 $0x5  }
0xfe: {  	_ =	swait.ge @!p1 [sflag:s0], $0x2000  }
0xff: {  	[sflag:s0] =	ssyncset.done @!p1 $0x0  }
0x100: {  	[sflag:s0] =	ssyncadd.s32 @!p1 $0xFFFFE000;
	s0 =	simm.s32 @!p1 $0x6  }
0x101: {  	p2 =	seq.s32 @!p1 s18, $0x1;
	_ =	swait.ge @!p1 [sflag:s0], $0x2000  }
0x102: {  	p2 =	por p2, p1;
	[sflag:s0] =	ssyncset.done @!p1 $0x0  }
0x103: {  	[sflag:s0] =	ssyncadd.s32 @!p1 $0xFFFFE000;
	s0 =	simm.s32 @!p2 $0x7  }
0x104: {  	_ =	swait.ge @!p2 [sflag:s0], $0x2000  }
0x105: {  	[sflag:s0] =	ssyncset.done @!p2 $0x0  }
0x106: {  	[sflag:s0] =	ssyncadd.s32 @!p2 $0xFFFFE000;
	s0 =	simm.s32 @!p2 $0x8  }
0x107: {  	_ =	swait.ge @!p2 [sflag:s0], $0x2000  }
0x108: {  	[sflag:s0] =	ssyncset.done @!p2 $0x0  }
0x109: {  	[sflag:s0] =	ssyncadd.s32 @!p2 $0xFFFFE000  }
0x10a: {  	v0 =	vld [tilespmem:s16+$0x8400];
	_ =	sdelay $0x4  }
0x10b: {  	(v2sf) =	vpush v0, $0x0  }
0x10c: {  	(v2sf) =	vpush v0, $0x1;
	_ =	sdelay $0xd  }
0x10d: {  	s0 =	spop (v2sf)  }
0x10e: {  	s18 =	spop (v2sf)  }
0x10f: {  	s18 =	smov.u32 @p0 s0  }
0x110: {  	s1 =	simm.s32 $0x1;
	s0 =	sadd.s32 $0x1, s18;
	p1 =	slt.u32 s18, $0x7FFFFFFF  }
0x111: {  	s1 =	simm.s32 @!p1 $0x0;
	s19 =	sshra.s32 s0, $0x1F  }
0x112: {  	s30 =	sand.u32 $0x1, s0;
	s1 =	sadd.s32 s1, s19  }
0x113: {  	p6 =	seq.s32 s30, $0x1;
	p5 =	sne.s32 s1, $0x1  }
0x114: {  	s31 =	sshrl.u32 s0, $0x1F;
	p1 =	por !p5, !p6  }
0x115: {  	s0 =	sadd.s32 s31, s0;
	s1 =	simm.s32 $0x1;
	p1 =	por !p1, !p1  }
0x116: {  	s0 =	sshra.s32 s0, $0x1;
	s1 =	simm.s32 @!p1 $0x0  }
0x117: {  	s20 =	ssub.s32 s0, s1  }
0x118: {  	p1 =	slt.s32 s20, $0x1  }
.Ltmp6:
0x119: {  	_ = 	snop;
	(pc) =	sbr.rel @p1 .LBB2_13-.Ltmp6, $2  }
0x11a: {  	_ =	sdelay $0x2  }
0x11b: {  	s19 =	simm.s32 $0x0  }
0x11c: {  	s20 =	sadd.s32 $0xFFFFFFFF, s20  }
0x11d: {  	p2 =	sne.s32 s20, $0x0  }
.Ltmp7:
0x11e: {  	_ = 	snop;
	(pc) =	sbr.rel @!p2 .LBB2_9-.Ltmp7, $3  }
0x11f: {  	_ =	sdelay $0x1  }
0x120: {  	p1 =	sge.s32 s19, s18  }
0x121: {  	p3 =	por $0x0, $0x0;
	p5 =	seq.s32 @!p1 s19, $0x0  }
0x122: {  	p2 =	por p5, p1  }
0x123: {  	s0 =	simm.s32 @!p2 $0x5  }
0x124: {  	_ =	swait.ge @!p2 [sflag:s0], $0x2000  }
0x125: {  	[sflag:s0] =	ssyncset.done @!p2 $0x0  }
0x126: {  	s1 =	simm.s32 @!p2 $0x6;
	[sflag:s0] =	ssyncadd.s32 @!p2 $0xFFFFE000  }
0x127: {  	_ =	swait.ge @!p2 [sflag:s1], $0x2000  }
0x128: {  	s21 =	simm.s32 @!p1 $0x9;
	s0 =	sand.u32 @!p1 $0x1FFFFF80, s19;
	[sflag:s1] =	ssyncset.done @!p2 $0x0  }
0x129: {  	s22 =	simm.s32 @!p1 $0x0;
	s0 =	sadd.s32 @!p1 s0, s9;
	[sflag:s1] =	ssyncadd.s32 @!p2 $0xFFFFE000  }
0x12a: {  	[tilespmem:s22], [sflag:$0x9] =	stream.linear.gather @!p1 [hbm4b:s0+s22], $0x200, $0x38;
	[tilespmem:$0x1CE00] =	vst v63  }
0x12b: {  	s31 =	sadd.s32 $0x1, s19;
	_ =	swait.ge @!p1 [sflag:s21], $0x200  }
0x12c: {  	s1 =	simm.s32 @!p1 $0x400;
	p2 =	sge.s32 s31, s18;
	[sflag:s21] =	ssyncset.done @!p1 $0x0  }
0x12d: {  	p3 =	seq.s32 @!p2 s19, $0x0;
	s0 =	simm.s32 @!p1 $0x20;
	[sflag:s21] =	ssyncadd.s32 @!p1 $0xFFFFFE00  }
0x12e: {  	[tilespmem:s1], [sflag:$0x1] =	stream.indirect.gather @!p1 [hbm4b:s5+s0], $0x100, s22, s0, $0xb8;
	[tilespmem:$0x1CE00] =	vst v63  }
0x12f: {  	s26 =	simm.s32 @!p1 $0x2400;
	p3 =	por p3, p2;
	s21 =	simm.s32 @!p1 $0x100  }
0x130: {  	[tilespmem:s26], [sflag:$0x2] =	stream.indirect.gather @!p1 [hbm4b:s5+s0], $0x100, s21, s0, $0xb8;
	[tilespmem:$0x1CE00] =	vst v63  }
0x131: {  	s21 =	simm.s32 @!p3 $0x7  }
0x132: {  	_ =	swait.ge @!p3 [sflag:s21], $0x2000  }
0x133: {  	[sflag:s21] =	ssyncset.done @!p3 $0x0  }
0x134: {  	[sflag:s21] =	ssyncadd.s32 @!p3 $0xFFFFE000;
	s21 =	simm.s32 @!p3 $0x8  }
0x135: {  	s23 =	simm.s32 @!p2 $0x9;
	s22 =	sadd.s32 @!p2 $0x40, s19;
	_ =	swait.ge @!p3 [sflag:s21], $0x2000  }
0x136: {  	s24 =	simm.s32 @!p2 $0x200;
	s22 =	sand.u32 @!p2 $0x1FFFFFC0, s22;
	[sflag:s21] =	ssyncset.done @!p3 $0x0  }
0x137: {  	s22 =	sadd.s32 @!p2 s22, s9;
	[sflag:s21] =	ssyncadd.s32 @!p3 $0xFFFFE000;
	s21 =	simm.s32 @!p2 $0x0  }
0x138: {  	[tilespmem:s24], [sflag:$0x9] =	stream.linear.gather @!p2 [hbm4b:s22+s21], $0x200, $0x38;
	[tilespmem:$0x1CE00] =	vst v63  }
0x139: {  	_ =	swait.ge @!p2 [sflag:s23], $0x200  }
0x13a: {  	[sflag:s23] =	ssyncset.done @!p2 $0x0  }
0x13b: {  	s25 =	simm.s32 @!p2 $0x4400;
	s22 =	simm.s32 @!p2 $0x20;
	[sflag:s23] =	ssyncadd.s32 @!p2 $0xFFFFFE00  }
0x13c: {  	[tilespmem:s25], [sflag:$0x3] =	stream.indirect.gather @!p2 [hbm4b:s5+s22], $0x100, s24, s22, $0xb8;
	[tilespmem:$0x1CE00] =	vst v63  }
0x13d: {  	s21 =	simm.s32 @!p2 $0x300;
	s23 =	simm.s32 @!p2 $0x6400;
	s24 =	simm.s32 @!p1 $0x1  }
0x13e: {  	[tilespmem:s23], [sflag:$0x4] =	stream.indirect.gather @!p2 [hbm4b:s5+s22], $0x100, s21, s22, $0xb8;
	[tilespmem:$0x1CE00] =	vst v63  }
0x13f: {  	_ =	swait.ge @!p1 [sflag:s24], $0x2000  }
0x140: {  	s28 =	simm.s32 @!p1 $0x2;
	[sflag:s24] =	ssyncset.done @!p1 $0x0  }
0x141: {  	s21 =	sadd.s32 $0xFFFFFFFF, s20;
	s20 =	simm.s32 @!p1 $0x80;
	[sflag:s24] =	ssyncadd.s32 @!p1 $0xFFFFE000  }
0x142: {  	[spmem:s3] =	stream.indirect.scatter.add.f32 @!p1 [tilespmem:s1], [sflag:$0x5], $0x100, s20, s0, $0xb8;
	[tilespmem:$0x1CE00] =	vst v63  }
0x143: {  	s29 =	simm.s32 @!p2 $0x3;
	p4 =	sne.s32 s21, $0x0;
	_ =	swait.ge @!p1 [sflag:s28], $0x2000  }
.Ltmp8:
0x144: {  	p3 =	por $0x1, $0x1;
	[sflag:s28] =	ssyncset.done @!p1 $0x0;
	(pc) =	sbr.rel @!p4 .LBB2_12-.Ltmp8, $4  }
0x145: {  	s1 =	simm.s32 @!p1 $0x180;
	s20 =	sadd.s32 $0x2, s19;
	[sflag:s28] =	ssyncadd.s32 @!p1 $0xFFFFE000  }
0x146: {  	[spmem:s3] =	stream.indirect.scatter.add.f32 @!p1 [tilespmem:s26], [sflag:$0x6], $0x100, s1, s0, $0xb8;
	[tilespmem:$0x1CE00] =	vst v63  }
0x147: {  	s24 =	simm.s32 @!p2 $0x280;
	p1 =	sge.s32 s20, s18;
	_ =	swait.ge @!p2 [sflag:s29], $0x2000  }
0x148: {  	s19 =	sadd.s32 $0x80, s19;
	p5 =	seq.s32 @!p1 s20, $0x0;
	[sflag:s29] =	ssyncset.done @!p2 $0x0  }
.LBB2_11:
0x149: {  	s21 =	sadd.s32 $0xFFFFFFFF, s21;
	[sflag:s29] =	ssyncadd.s32 @!p2 $0xFFFFE000;
	s0 =	simm.s32 @!p2 $0x4  }
0x14a: {  	[spmem:s3] =	stream.indirect.scatter.add.f32 @!p2 [tilespmem:s25], [sflag:$0x7], $0x100, s24, s22, $0xb8;
	[tilespmem:$0x1CE00] =	vst v63  }
0x14b: {  	p5 =	por p5, p1;
	p4 =	sne.s32 s21, $0x0;
	_ =	swait.ge @!p2 [sflag:s0], $0x2000  }
0x14c: {  	s1 =	simm.s32 @!p5 $0x5;
	[sflag:s0] =	ssyncset.done @!p2 $0x0  }
0x14d: {  	[sflag:s0] =	ssyncadd.s32 @!p2 $0xFFFFE000;
	s0 =	simm.s32 @!p2 $0x380  }
0x14e: {  	[spmem:s3] =	stream.indirect.scatter.add.f32 @!p2 [tilespmem:s23], [sflag:$0x8], $0x100, s0, s22, $0xb8;
	[tilespmem:$0x1CE00] =	vst v63  }
0x14f: {  	s0 =	sand.u32 @!p1 $0x1FFFFF80, s19;
	_ =	swait.ge @!p5 [sflag:s1], $0x2000  }
0x150: {  	s22 =	simm.s32 @!p5 $0x6;
	s23 =	simm.s32 @!p1 $0x9;
	[sflag:s1] =	ssyncset.done @!p5 $0x0  }
0x151: {  	s0 =	sadd.s32 @!p1 s0, s9;
	[sflag:s1] =	ssyncadd.s32 @!p5 $0xFFFFE000;
	s1 =	simm.s32 @!p1 $0x0  }
0x152: {  	_ =	swait.ge @!p5 [sflag:s22], $0x2000  }
0x153: {  	[sflag:s22] =	ssyncset.done @!p5 $0x0  }
0x154: {  	s26 =	simm.s32 @!p1 $0x2400;
	[sflag:s22] =	ssyncadd.s32 @!p5 $0xFFFFE000;
	s22 =	sadd.s32 $0x1, s20  }
0x155: {  	[tilespmem:s1], [sflag:$0x9] =	stream.linear.gather @!p1 [hbm4b:s0+s1], $0x200, $0x38;
	[tilespmem:$0x1CE00] =	vst v63  }
0x156: {  	s29 =	simm.s32 @!p1 $0x400;
	p2 =	sge.s32 s22, s18;
	_ =	swait.ge @!p1 [sflag:s23], $0x200  }
0x157: {  	p5 =	seq.s32 @!p2 s20, $0x0;
	s0 =	sadd.s32 @!p2 $0x40, s19;
	[sflag:s23] =	ssyncset.done @!p1 $0x0  }
0x158: {  	s28 =	simm.s32 @!p1 $0x20;
	s0 =	sand.u32 @!p2 $0x1FFFFFC0, s0;
	[sflag:s23] =	ssyncadd.s32 @!p1 $0xFFFFFE00  }
0x159: {  	[tilespmem:s29], [sflag:$0x1] =	stream.indirect.gather @!p1 [hbm4b:s5+s28], $0x100, s1, s28, $0xb8;
	[tilespmem:$0x1CE00] =	vst v63  }
0x15a: {  	p5 =	por p5, p2;
	s0 =	sadd.s32 @!p2 s0, s9;
	s1 =	simm.s32 @!p1 $0x100  }
0x15b: {  	[tilespmem:s26], [sflag:$0x2] =	stream.indirect.gather @!p1 [hbm4b:s5+s28], $0x100, s1, s28, $0xb8;
	[tilespmem:$0x1CE00] =	vst v63  }
0x15c: {  	s24 =	simm.s32 @!p2 $0x280;
	s1 =	simm.s32 @!p5 $0x7  }
0x15d: {  	_ =	swait.ge @!p5 [sflag:s1], $0x2000  }
0x15e: {  	[sflag:s1] =	ssyncset.done @!p5 $0x0  }
0x15f: {  	[sflag:s1] =	ssyncadd.s32 @!p5 $0xFFFFE000;
	s1 =	simm.s32 @!p5 $0x8  }
0x160: {  	_ =	swait.ge @!p5 [sflag:s1], $0x2000  }
0x161: {  	s22 =	simm.s32 @!p2 $0x9;
	[sflag:s1] =	ssyncset.done @!p5 $0x0  }
0x162: {  	s30 =	simm.s32 @!p2 $0x200;
	[sflag:s1] =	ssyncadd.s32 @!p5 $0xFFFFE000;
	s1 =	simm.s32 @!p2 $0x0  }
0x163: {  	[tilespmem:s30], [sflag:$0x9] =	stream.linear.gather @!p2 [hbm4b:s0+s1], $0x200, $0x38;
	[tilespmem:$0x1CE00] =	vst v63  }
0x164: {  	s0 =	simm.s32 @!p1 $0x1;
	_ =	swait.ge @!p2 [sflag:s22], $0x200  }
0x165: {  	s23 =	simm.s32 @!p2 $0x6400;
	[sflag:s22] =	ssyncset.done @!p2 $0x0  }
0x166: {  	s25 =	simm.s32 @!p2 $0x4400;
	[sflag:s22] =	ssyncadd.s32 @!p2 $0xFFFFFE00;
	s22 =	simm.s32 @!p2 $0x20  }
0x167: {  	[tilespmem:s25], [sflag:$0x3] =	stream.indirect.gather @!p2 [hbm4b:s5+s22], $0x100, s30, s22, $0xb8;
	[tilespmem:$0x1CE00] =	vst v63  }
0x168: {  	s31 =	simm.s32 @!p1 $0x2;
	s1 =	simm.s32 @!p2 $0x300;
	s30 =	simm.s32 @!p1 $0x80  }
0x169: {  	[tilespmem:s23], [sflag:$0x4] =	stream.indirect.gather @!p2 [hbm4b:s5+s22], $0x100, s1, s22, $0xb8;
	[tilespmem:$0x1CE00] =	vst v63  }
0x16a: {  	_ =	swait.ge @!p1 [sflag:s0], $0x2000  }
0x16b: {  	[sflag:s0] =	ssyncset.done @!p1 $0x0  }
0x16c: {  	[sflag:s0] =	ssyncadd.s32 @!p1 $0xFFFFE000;
	s0 =	simm.s32 @!p1 $0x180  }
0x16d: {  	[spmem:s3] =	stream.indirect.scatter.add.f32 @!p1 [tilespmem:s29], [sflag:$0x5], $0x100, s30, s28, $0xb8;
	[tilespmem:$0x1CE00] =	vst v63  }
0x16e: {  	_ =	swait.ge @!p1 [sflag:s31], $0x2000  }
.Ltmp9:
0x16f: {  	[sflag:s31] =	ssyncset.done @!p1 $0x0;
	(pc) =	sbr.rel @p4 .LBB2_11-.Ltmp9, $4  }
0x170: {  	s20 =	sadd.s32 $0x2, s20;
	s29 =	simm.s32 @!p2 $0x3;
	[sflag:s31] =	ssyncadd.s32 @!p1 $0xFFFFE000  }
0x171: {  	[spmem:s3] =	stream.indirect.scatter.add.f32 @!p1 [tilespmem:s26], [sflag:$0x6], $0x100, s0, s28, $0xb8;
	[tilespmem:$0x1CE00] =	vst v63  }
0x172: {  	s19 =	sadd.s32 $0x80, s19;
	p1 =	sge.s32 s20, s18;
	_ =	swait.ge @!p2 [sflag:s29], $0x2000  }
0x173: {  	p5 =	seq.s32 @!p1 s20, $0x0;
	[sflag:s29] =	ssyncset.done @!p2 $0x0  }
.Ltmp10:
0x174: {  	_ = 	snop;
	(pc) =	sbr.rel .LBB2_12-.Ltmp10, $1  }
0x175: {  	_ =	sdelay $0x3  }
.LBB2_3:
.Ltmp11:
0x176: {  	(pc) =	sbr.rel .LBB2_6-.Ltmp11, $2  }
0x177: {  	_ =	sdelay $0x2  }
0x178: {  	s19 =	simm.s32 $0x0;
	s20 =	simm.s32 $0x0  }
.LBB2_14:
0x179: {  	_ =	sfence.sel $0x180000  }
0x17a: {  	[bflag:$0x0] =	sbarrier.arrive $0xFFFF  }
0x17b: {  	_ =	strace $0x9000004D  }
0x17c: {  	s0 =	stileid.u32;
	[bflag:$0x2] =	sbarrier.arrive $0xFFFF  }
0x17d: {  	p0 =	sne.s32 s0, $0x0;
	s0 =	rddreg [dreg:$0x3]  }
0x17e: {  	s0 =	sadd.s32 @!p0 $0x100000, s0  }
0x17f: {  	[sflag:s0] =	ssyncadd.tile.s32 @!p0 $0x1;
	_ =	shalt  }
.Lfunc_end2:
_tile_overlayer_lowered:
.L_overlay_start_2:
0x180: {  	(tag) =	ssettag $0x2  }
0x181: {  	s0 =	rddreg [dreg:$0x0];
	s2 =	stileid.u32  }
0x182: {  	s1 =	rddreg [dreg:$0x1];
	p0 =	sne.s32 s2, $0x0  }
0x183: {  	s3 =	rddreg [dreg:$0x2];
	[bflag:$0x3] =	sbarrier.arrive $0xFFFF;
	s2 =	simm.s32 @!p0 $0x1C09  }
0x184: {  	[timem:s3], [sflag:s2] =	dma.local @!p0 [hbm:s0], s1  }
0x185: {  	s0 =	simm.s32 @!p0 $0x9  }
0x186: {  	_ =	swait.ge @!p0 [sflag:s0], s1  }
0x187: {  	s1 =	ssub.s32 @!p0 $0x0, s1;
	[sflag:s0] =	ssyncset.done @!p0 $0x0  }
0x188: {  	[sflag:s0] =	ssyncadd.s32 @!p0 s1  }
0x189: {  	[bflag:$0x3] =	sbarrier.arrive $0xFFFF  }
0x18a: {  	_ =	shalt  }

</sc_bundles>
